<compile_context>
chip_gen: v7x
topology: tpu7x:2x2x1
jax: 0.10.2.dev20260603
libtpu: 0.0.44.dev20260713+nightly
codegen_flags: <defaults>
</compile_context>

<pallas_src>
import functools

import jax
import jax.numpy as jnp
from jax import lax
from jax.experimental import pallas as pl
from jax.experimental.pallas import tpu as pltpu
from jax.experimental.pallas import tpu_sc as plsc

_N = 10000
_E = 320000
_D = 128
_H = 256
_G = 64

_NC = 2
_NT = 16
_NPAD = 10240
_EPT = _E // _NT
_W = 125
_B = 40
_CPT = _EPT // _W
_NBLK = _CPT // _B
_NROW = _NPAD // _NT
_DROW = _E // _W

_mesh = plsc.VectorSubcoreMesh(core_axis_name="c", subcore_axis_name="s")
_sc_params = pltpu.CompilerParams(needs_layout_passes=False, use_tc_tiling_on_sc=False)


def _deg_body(ei_c2, ei_s2, out, degbuf, idxbuf):
    core = lax.axis_index("c")
    sub = lax.axis_index("s")

    @pl.loop(0, _NPAD // 16)
    def _zero(i):
        degbuf[pl.ds(i * 16, 16)] = jnp.zeros((16,), jnp.float32)

    ones = jnp.ones((16,), jnp.float32)
    tail_mask = lax.iota(jnp.int32, 16) >= 3

    def branch_pass(ei2):
        @pl.loop(0, 10)
        def _blkloop(b):
            pltpu.sync_copy(ei2.at[pl.ds(_DROW + sub * 160 + b * 16, 16)],
                            idxbuf)

            @pl.loop(0, 16)
            def _row(r):
                @pl.loop(0, 7)
                def _full(c):
                    idx = idxbuf[r, pl.ds(c * 16, 16)]
                    plsc.addupdate_scatter(degbuf, [idx], ones)

                idx = idxbuf[r, pl.ds(109, 16)]
                plsc.addupdate_scatter(degbuf, [idx], ones, mask=tail_mask)

    @pl.when(core == 0)
    def _c0():
        branch_pass(ei_c2)

    @pl.when(core == 1)
    def _c1():
        branch_pass(ei_s2)

    pltpu.sync_copy(degbuf, out.at[core, sub])


def _deg_call(ei_c2, ei_s2):
    return pl.kernel(
        _deg_body,
        out_type=jax.ShapeDtypeStruct((_NC, _NT, _NPAD), jnp.float32),
        mesh=_mesh,
        compiler_params=_sc_params,
        scratch_types=[
            pltpu.VMEM((_NPAD,), jnp.float32),
            pltpu.VMEM((16, _W), jnp.int32),
        ],
    )(ei_c2, ei_s2)


_MAXC = 160


def _zero_rows(rows):
    @pl.loop(0, _W)
    def _r(r):
        @pl.loop(0, _D // 32)
        def _c(j):
            rows[r, pl.ds(j * 32, 32)] = jnp.zeros((32,), jnp.bfloat16)


def _zero_acc(sub, rows, acc):
    @pl.loop(0, _NROW // 80)
    def _k(k):
        pltpu.sync_copy(rows.at[pl.ds(0, 80)],
                        acc.at[pl.ds(sub * _NROW + k * 80, 80)])


def _edge_pass(tbl, ei2, acc, idxs, idxd, rows, sg, ss,
               base_row, nchunks):
    n = nchunks
    pltpu.sync_copy(ei2.at[pl.ds(base_row, n)], idxs.at[pl.ds(0, n)])
    pltpu.sync_copy(ei2.at[pl.ds(_DROW + base_row, n)], idxd.at[pl.ds(0, n)])

    def g(k, b):
        pltpu.async_copy(tbl.at[idxs.at[k]], rows[b], sg[b])

    def wg(b):
        pltpu.make_async_copy(tbl.at[idxs.at[0]], rows[b], sg[b]).wait()

    def s(k, b):
        pltpu.async_copy(rows[b], acc.at[idxd.at[k]], ss[b], add=True)

    def ws(b):
        pltpu.make_async_copy(rows[b], acc.at[idxd.at[0]], ss[b]).wait()

    g(0, 0)
    g(1, 1)
    g(2, 2)
    nq = n // 4

    @pl.loop(0, nq)
    def _q(q):
        k0 = 4 * q
        wg(0)
        s(k0, 0)

        @pl.when(q > 0)
        def _w3():
            ws(3)

        g(k0 + 3, 3)

        wg(1)
        s(k0 + 1, 1)
        ws(0)

        @pl.when(q < nq - 1)
        def _g4():
            g(k0 + 4, 0)

        wg(2)
        s(k0 + 2, 2)
        ws(1)

        @pl.when(q < nq - 1)
        def _g5():
            g(k0 + 5, 1)

        wg(3)
        s(k0 + 3, 3)
        ws(2)

        @pl.when(q < nq - 1)
        def _g6():
            g(k0 + 6, 2)

    ws(3)


def _flush(sub, acc, out):
    sl = pl.ds(sub * _NROW, _NROW)
    pltpu.sync_copy(acc.at[sl], out.at[sl])


def _edge_scratch():
    return [
        pltpu.VMEM_SHARED((_NPAD, _D), jnp.bfloat16),
        pltpu.VMEM((_MAXC, _W), jnp.int32),
        pltpu.VMEM((_MAXC, _W), jnp.int32),
        pltpu.VMEM((_W, _D), jnp.bfloat16),
        pltpu.VMEM((_W, _D), jnp.bfloat16),
        pltpu.VMEM((_W, _D), jnp.bfloat16),
        pltpu.VMEM((_W, _D), jnp.bfloat16),
        pltpu.SemaphoreType.DMA,
        pltpu.SemaphoreType.DMA,
        pltpu.SemaphoreType.DMA,
        pltpu.SemaphoreType.DMA,
        pltpu.SemaphoreType.DMA,
        pltpu.SemaphoreType.DMA,
        pltpu.SemaphoreType.DMA,
        pltpu.SemaphoreType.DMA,
    ]


def _conv1b_body(ei2, tbl, p0, p1,
                 acc, idxs, idxd, r0, r1, r2, r3,
                 sg0, sg1, sg2, sg3, ss0, ss1, ss2, ss3):
    core = lax.axis_index("c")
    sub = lax.axis_index("s")
    rows = [r0, r1, r2, r3]
    sg = [sg0, sg1, sg2, sg3]
    ss = [ss0, ss1, ss2, ss3]
    _zero_rows(r0)
    _zero_acc(sub, r0, acc)
    plsc.subcore_barrier()

    base = core * (_E // _W // 2) + sub * (_CPT // 2)
    _edge_pass(tbl, ei2, acc, idxs, idxd, rows, sg, ss,
               base, _CPT // 2)

    plsc.subcore_barrier()

    @pl.when(core == 0)
    def _f0():
        _flush(sub, acc, p0)

    @pl.when(core == 1)
    def _f1():
        _flush(sub, acc, p1)


def _conv1b_call(ei2, tbl):
    shp = jax.ShapeDtypeStruct((_NPAD, _D), jnp.bfloat16)
    return pl.kernel(
        _conv1b_body,
        out_type=(shp, shp),
        mesh=_mesh,
        compiler_params=_sc_params,
        scratch_types=_edge_scratch(),
    )(ei2, tbl)


def _conv2b_body(ei2, t0, t1, o0, o1,
                 acc, idxs, idxd, r0, r1, r2, r3,
                 sg0, sg1, sg2, sg3, ss0, ss1, ss2, ss3):
    core = lax.axis_index("c")
    sub = lax.axis_index("s")
    rows = [r0, r1, r2, r3]
    sg = [sg0, sg1, sg2, sg3]
    ss = [ss0, ss1, ss2, ss3]
    _zero_rows(r0)
    _zero_acc(sub, r0, acc)
    plsc.subcore_barrier()

    @pl.when(core == 0)
    def _c0():
        _edge_pass(t0, ei2, acc, idxs, idxd, rows, sg, ss,
                   sub * _CPT, _CPT)

    @pl.when(core == 1)
    def _c1():
        _edge_pass(t1, ei2, acc, idxs, idxd, rows, sg, ss,
                   sub * _CPT, _CPT)

    plsc.subcore_barrier()

    @pl.when(core == 0)
    def _f0():
        _flush(sub, acc, o0)

    @pl.when(core == 1)
    def _f1():
        _flush(sub, acc, o1)


def _conv2b_call(ei2, t0, t1):
    shp = jax.ShapeDtypeStruct((_NPAD, _D), jnp.bfloat16)
    return pl.kernel(
        _conv2b_body,
        out_type=(shp, shp),
        mesh=_mesh,
        compiler_params=_sc_params,
        scratch_types=_edge_scratch(),
    )(ei2, t0, t1)


def _prep_body(degp_ref, xc_ref, xs_ref, dinv_ref, xsc_ref, xss_ref):
    deg = jnp.sum(degp_ref[...], axis=1) + 1.0
    dinv = lax.rsqrt(deg)
    dinv_ref[...] = dinv
    pad = jnp.zeros((_NPAD - _N, _D), jnp.bfloat16)
    xsc_ref[:_N] = (xc_ref[...] * dinv[0, :_N, None]).astype(jnp.bfloat16)
    xsc_ref[_N:] = pad
    xss_ref[:_N] = (xs_ref[...] * dinv[1, :_N, None]).astype(jnp.bfloat16)
    xss_ref[_N:] = pad


def _prep_call(deg_parts, x_c, x_s):
    return pl.pallas_call(
        _prep_body,
        out_shape=(
            jax.ShapeDtypeStruct((_NC, _NPAD), jnp.float32),
            jax.ShapeDtypeStruct((_NPAD, _D), jnp.bfloat16),
            jax.ShapeDtypeStruct((_NPAD, _D), jnp.bfloat16),
        ),
    )(deg_parts, x_c, x_s)


def _mid_body(br, p0_ref, p1_ref, xs_ref, dinv_ref, w_ref, b_ref, g_ref,
              be_ref, h0_ref, h1_ref):
    dinv = dinv_ref[br, :_N].reshape(_N, 1)
    t = (p0_ref[:_N].astype(jnp.float32) + p1_ref[:_N].astype(jnp.float32)
         + xs_ref[:_N].astype(jnp.float32)) * dinv
    z = (jnp.dot(t, w_ref[...], preferred_element_type=jnp.float32)
         + b_ref[...].reshape(1, _H))
    m = jnp.mean(z, axis=0, keepdims=True)
    v = jnp.mean((z - m) * (z - m), axis=0, keepdims=True)
    h = jnp.maximum((z - m) * lax.rsqrt(v + 1e-5) * g_ref[...].reshape(1, _H)
                    + be_ref[...].reshape(1, _H), 0.0)
    hs = (h * dinv).astype(jnp.bfloat16)
    pad = jnp.zeros((_NPAD - _N, _D), jnp.bfloat16)
    h0_ref[:_N] = hs[:, :_D]
    h0_ref[_N:] = pad
    h1_ref[:_N] = hs[:, _D:]
    h1_ref[_N:] = pad


def _mid_call(br, p0, p1, xs, dinv2, w, b, g, be):
    shp = jax.ShapeDtypeStruct((_NPAD, _D), jnp.bfloat16)
    return pl.pallas_call(
        functools.partial(_mid_body, br),
        out_shape=(shp, shp),
    )(p0, p1, xs, dinv2, w, b, g, be)


def _post_body(br, a0_ref, a1_ref, h0_ref, h1_ref, dinv_ref, w_ref,
               b_ref, g_ref, be_ref, batch_ref, pool_ref):
    dinv = dinv_ref[br, :_N].reshape(_N, 1)
    t0 = (a0_ref[:_N].astype(jnp.float32)
          + h0_ref[:_N].astype(jnp.float32)) * dinv
    t1 = (a1_ref[:_N].astype(jnp.float32)
          + h1_ref[:_N].astype(jnp.float32)) * dinv
    z = (jnp.dot(t0, w_ref[:_D], preferred_element_type=jnp.float32)
         + jnp.dot(t1, w_ref[_D:], preferred_element_type=jnp.float32)
         + b_ref[...].reshape(1, _H))
    m = jnp.mean(z, axis=0, keepdims=True)
    v = jnp.mean((z - m) * (z - m), axis=0, keepdims=True)
    h = jnp.maximum((z - m) * lax.rsqrt(v + 1e-5) * g_ref[...].reshape(1, _H)
                    + be_ref[...].reshape(1, _H), 0.0)
    seg = batch_ref[...].reshape(1, _N)
    onehot = (lax.broadcasted_iota(jnp.int32, (_G, _N), 0)
              == seg).astype(jnp.float32)
    s = jnp.dot(onehot, h, preferred_element_type=jnp.float32)
    cnt = jnp.sum(onehot, axis=1, keepdims=True)
    pool_ref[...] = s / jnp.maximum(cnt, 1.0)


def _post_call(br, a0, a1, h0, h1, dinv2, w, b, g, be, batch):
    return pl.pallas_call(
        functools.partial(_post_body, br),
        out_shape=jax.ShapeDtypeStruct((_G, _H), jnp.float32),
    )(a0, a1, h0, h1, dinv2, w, b, g, be, batch)


def _tail_body(a0_ref, a1_ref, h0_ref, h1_ref, dinv_ref, w_ref,
               b_ref, g_ref, be_ref, batch_ref, poolc_ref,
               wf1_ref, bf1_ref, wf2_ref, bf2_ref, out_ref):
    dinv = dinv_ref[1, :_N].reshape(_N, 1)
    t0 = (a0_ref[:_N].astype(jnp.float32)
          + h0_ref[:_N].astype(jnp.float32)) * dinv
    t1 = (a1_ref[:_N].astype(jnp.float32)
          + h1_ref[:_N].astype(jnp.float32)) * dinv
    z = (jnp.dot(t0, w_ref[:_D], preferred_element_type=jnp.float32)
         + jnp.dot(t1, w_ref[_D:], preferred_element_type=jnp.float32)
         + b_ref[...].reshape(1, _H))
    m = jnp.mean(z, axis=0, keepdims=True)
    v = jnp.mean((z - m) * (z - m), axis=0, keepdims=True)
    h = jnp.maximum((z - m) * lax.rsqrt(v + 1e-5) * g_ref[...].reshape(1, _H)
                    + be_ref[...].reshape(1, _H), 0.0)
    seg = batch_ref[...].reshape(1, _N)
    onehot = (lax.broadcasted_iota(jnp.int32, (_G, _N), 0)
              == seg).astype(jnp.float32)
    s = jnp.dot(onehot, h, preferred_element_type=jnp.float32)
    cnt = jnp.sum(onehot, axis=1, keepdims=True)
    pool_s = s / jnp.maximum(cnt, 1.0)
    x = jnp.concatenate([poolc_ref[...], pool_s], axis=1)
    x = jnp.maximum(
        jnp.dot(x, wf1_ref[...], preferred_element_type=jnp.float32)
        + bf1_ref[...].reshape(1, _H), 0.0)
    out_ref[...] = (jnp.dot(x, wf2_ref[...], preferred_element_type=jnp.float32)
                    + bf2_ref[...].reshape(1, 2))


def _tail_call(a0, a1, h0, h1, dinv2, w, b, g, be, batch, poolc,
               wf1, bf1, wf2, bf2):
    return pl.pallas_call(
        _tail_body,
        out_shape=jax.ShapeDtypeStruct((_G, 2), jnp.float32),
    )(a0, a1, h0, h1, dinv2, w, b, g, be, batch, poolc,
      wf1, bf1, wf2, bf2)


def _head_body(hc_ref, hs_ref, w1_ref, b1_ref, w2_ref, b2_ref, out_ref):
    x = jnp.concatenate([hc_ref[...], hs_ref[...]], axis=1)
    x = jnp.maximum(
        jnp.dot(x, w1_ref[...], preferred_element_type=jnp.float32)
        + b1_ref[...], 0.0)
    out_ref[...] = (jnp.dot(x, w2_ref[...], preferred_element_type=jnp.float32)
                    + b2_ref[...])


def _head_call(hc, hs, w1, b1, w2, b2):
    return pl.pallas_call(
        _head_body,
        out_shape=jax.ShapeDtypeStruct((_G, 2), jnp.float32),
    )(hc, hs, w1, b1, w2, b2)


def kernel(x_c, edge_index_c, batch_c, x_s, edge_index_s, batch_s,
           Wc1, bc1, gc1, betac1, Wc2, bc2, gc2, betac2,
           Ws1, bs1, gs1, betas1, Ws2, bs2, gs2, betas2,
           W_fc1, b_fc1, W_fc2, b_fc2):
    ei_c2 = edge_index_c.astype(jnp.int32).reshape(2 * _E // _W, _W)
    ei_s2 = edge_index_s.astype(jnp.int32).reshape(2 * _E // _W, _W)

    deg_parts = _deg_call(ei_c2, ei_s2)
    dinv2, xsc, xss = _prep_call(deg_parts, x_c, x_s)

    pc0, pc1 = _conv1b_call(ei_c2, xsc)
    ps0, ps1 = _conv1b_call(ei_s2, xss)

    hc0, hc1 = _mid_call(0, pc0, pc1, xsc, dinv2, Wc1, bc1, gc1, betac1)
    hs0, hs1 = _mid_call(1, ps0, ps1, xss, dinv2, Ws1, bs1, gs1, betas1)

    ac0, ac1 = _conv2b_call(ei_c2, hc0, hc1)
    as0, as1 = _conv2b_call(ei_s2, hs0, hs1)

    pool_c = _post_call(0, ac0, ac1, hc0, hc1, dinv2, Wc2, bc2, gc2, betac2,
                        batch_c.astype(jnp.int32))
    return _tail_call(as0, as1, hs0, hs1, dinv2, Ws2, bs2, gs2, betas2,
                      batch_s.astype(jnp.int32), pool_c,
                      W_fc1, b_fc1, W_fc2, b_fc2)

# --- scband reference (transcript-rebuilt; emitter-appended) ---
"""Pipeline reference for scband-dual-gnn-62672162783841 (READ-ONLY COPY).

The authoritative reference and input builder live on the scoring server;
editing this copy changes nothing except your own understanding.
"""

import jax, jax.numpy as jnp
import numpy as np

N = 10000
E = 320000
D = 128
H = 256
G = 64

def setup_inputs(seed: int = 0):
    key = jax.random.key(seed)
    ks = jax.random.split(key, 32)
    inp = {}
    inp['x_c'] = jax.random.normal(ks[0], (N, D), jnp.float32)
    inp['edge_index_c'] = jax.random.randint(ks[1], (2, E), 0, N)
    inp['batch_c'] = jnp.sort(jax.random.randint(ks[2], (N,), 0, G))
    inp['x_s'] = jax.random.normal(ks[3], (N, D), jnp.float32)
    inp['edge_index_s'] = jax.random.randint(ks[4], (2, E), 0, N)
    inp['batch_s'] = jnp.sort(jax.random.randint(ks[5], (N,), 0, G))
    # chromophore GCN params
    inp['Wc1'] = jax.random.normal(ks[6], (D, H), jnp.float32) * 0.05
    inp['bc1'] = jnp.zeros((H,), jnp.float32)
    inp['gc1'] = jnp.ones((H,), jnp.float32)
    inp['betac1'] = jnp.zeros((H,), jnp.float32)
    inp['Wc2'] = jax.random.normal(ks[7], (H, H), jnp.float32) * 0.05
    inp['bc2'] = jnp.zeros((H,), jnp.float32)
    inp['gc2'] = jnp.ones((H,), jnp.float32)
    inp['betac2'] = jnp.zeros((H,), jnp.float32)
    # solvent GCN params
    inp['Ws1'] = jax.random.normal(ks[8], (D, H), jnp.float32) * 0.05
    inp['bs1'] = jnp.zeros((H,), jnp.float32)
    inp['gs1'] = jnp.ones((H,), jnp.float32)
    inp['betas1'] = jnp.zeros((H,), jnp.float32)
    inp['Ws2'] = jax.random.normal(ks[9], (H, H), jnp.float32) * 0.05
    inp['bs2'] = jnp.zeros((H,), jnp.float32)
    inp['gs2'] = jnp.ones((H,), jnp.float32)
    inp['betas2'] = jnp.zeros((H,), jnp.float32)
    # head
    inp['W_fc1'] = jax.random.normal(ks[10], (2 * H, H), jnp.float32) * 0.05
    inp['b_fc1'] = jnp.zeros((H,), jnp.float32)
    inp['W_fc2'] = jax.random.normal(ks[11], (H, 2), jnp.float32) * 0.05
    inp['b_fc2'] = jnp.zeros((2,), jnp.float32)
    return inp


def gcn_conv(x, edge_index, W, b):
    src = edge_index[0]
    dst = edge_index[1]
    loop = jnp.arange(N, dtype=src.dtype)
    src = jnp.concatenate([src, loop])
    dst = jnp.concatenate([dst, loop])
    deg = jnp.zeros((N,), jnp.float32).at[dst].add(1.0)
    dinv = jnp.where(deg > 0, deg ** -0.5, 0.0)
    norm = dinv[src] * dinv[dst]
    h = x @ W
    msg = h[src] * norm[:, None]
    out = jnp.zeros((N, W.shape[1]), jnp.float32).at[dst].add(msg)
    return out + b


def batch_norm(x, g, beta, eps=1e-5):
    m = jnp.mean(x, axis=0)
    v = jnp.var(x, axis=0)
    return (x - m) / jnp.sqrt(v + eps) * g + beta


def mean_pool(x, seg):
    s = jax.ops.segment_sum(x, seg, num_segments=G)
    c = jax.ops.segment_sum(jnp.ones((x.shape[0],), jnp.float32), seg, num_segments=G)
    return s / jnp.clip(c, 1.0)[:, None]


def branch(x, ei, seg, W1, b1, g1, be1, W2, b2, g2, be2):
    h = gcn_conv(x, ei, W1, b1)
    h = batch_norm(h, g1, be1)
    h = jax.nn.relu(h)
    h = gcn_conv(h, ei, W2, b2)
    h = batch_norm(h, g2, be2)
    h = jax.nn.relu(h)
    return mean_pool(h, seg)


def reference(x_c, edge_index_c, batch_c, x_s, edge_index_s, batch_s,
              Wc1, bc1, gc1, betac1, Wc2, bc2, gc2, betac2,
              Ws1, bs1, gs1, betas1, Ws2, bs2, gs2, betas2,
              W_fc1, b_fc1, W_fc2, b_fc2):
    hc = branch(x_c, edge_index_c, batch_c, Wc1, bc1, gc1, betac1, Wc2, bc2, gc2, betac2)
    hs = branch(x_s, edge_index_s, batch_s, Ws1, bs1, gs1, betas1, Ws2, bs2, gs2, betas2)
    x = jnp.concatenate([hc, hs], axis=1)
    x = jax.nn.relu(x @ W_fc1 + b_fc1)
    x = x @ W_fc2 + b_fc2
    return x

if __name__ == "__main__":
    import jax
    _d = setup_inputs()
    print(jax.jit(kernel)(*tuple(_d.values())))

</pallas_src>

<mosaic_0001>
#map = affine_map<(d0, d1) -> (0, 0)>
#map1 = affine_map<(d0, d1) -> (0, 0, 0)>
module attributes {stable_mosaic.version = 14 : i64} {
  func.func @_deg_body(%arg0: i32, %arg1: i32, %arg2: memref<5120x125xi32, #tpu.memory_space<hbm>>, %arg3: memref<5120x125xi32, #tpu.memory_space<hbm>>, %arg4: memref<2x16x10240xf32, #tpu.memory_space<hbm>>, %arg5: memref<10240xf32, #tpu.memory_space<vmem>>, %arg6: memref<16x125xi32, #tpu.memory_space<vmem>>) attributes {dimension_semantics = [#tpu.dimension_semantics<core_parallel>, #tpu.dimension_semantics<subcore_parallel>], iteration_bounds = array<i64: 2, 16>, scalar_prefetch = 0 : i64, scratch_operands = 2 : i64, tpu.core_type = #tpu.core_type<sc_vector_subcore>, window_params = [{transform_indices = #map}, {transform_indices = #map}, {transform_indices = #map1}]} {
    %scan3A = arith.constant 0 : i32
    %scan3A_0 = arith.constant 640 : i32
    %scan3A_1 = arith.addi %scan3A, %scan3A_0 : i32
    %scan3A_2 = arith.constant 1 : i32
    scf.for %scan3A_14 = %scan3A to %scan3A_1 step %scan3A_2  : i32 {
      %mul3A = arith.constant 1 : i32
      %mul3A_15 = arith.muli %scan3A_14, %mul3A : i32
      %add3A = arith.constant 0 : i32
      %add3A_16 = arith.addi %add3A, %mul3A_15 : i32
      %broadcast_in_dim3A_17 = arith.constant 0.000000e+00 : f32
      %broadcast_in_dim3A_18 = vector.broadcast %broadcast_in_dim3A_17 : f32 to vector<16xf32>
      %mul3A_19 = arith.constant 16 : i32
      %mul3A_20 = arith.muli %add3A_16, %mul3A_19 : i32
      %swap3A = arith.index_cast %mul3A_20 : i32 to index
      %swap3A_21 = tpu.vector_load %arg5[%swap3A] {strides = array<i32>} : memref<10240xf32, #tpu.memory_space<vmem>>, vector<16xf32>,
      tpu.vector_store %arg5[%swap3A], %broadcast_in_dim3A_18 {strides = array<i32>} : memref<10240xf32, #tpu.memory_space<vmem>>, vector<16xf32>,
    }
    %scan3A_3 = arith.constant 640 : i32
    %broadcast_in_dim3A = arith.constant 1.000000e+00 : f32
    %broadcast_in_dim3A_4 = vector.broadcast %broadcast_in_dim3A : f32 to vector<16xf32>
    %iota3A = tpu.iota {dimensions = array<i32: 0>} : vector<16xi32>
    %ge3A = arith.constant 3 : i32
    %ge3A_5 = vector.broadcast %ge3A : i32 to vector<16xi32>
    %ge3A_6 = arith.cmpi sge, %iota3A, %ge3A_5 : vector<16xi32>
    %eq3A = arith.constant 0 : i32
    %eq3A_7 = arith.cmpi eq, %arg0, %eq3A : i32
    %convert_element_type3A = arith.extui %eq3A_7 : i1 to i32
    %cond3A = arith.constant 0 : i32
    %cond3A_8 = arith.cmpi ne, %convert_element_type3A, %cond3A : i32
    scf.if %cond3A_8 {
      %scan3A_14 = arith.constant 0 : i32
      %scan3A_15 = arith.constant 10 : i32
      %scan3A_16 = arith.addi %scan3A_14, %scan3A_15 : i32
      %scan3A_17 = arith.constant 1 : i32
      scf.for %scan3A_19 = %scan3A_14 to %scan3A_16 step %scan3A_17  : i32 {
        %mul3A = arith.constant 1 : i32
        %mul3A_20 = arith.muli %scan3A_19, %mul3A : i32
        %add3A = arith.constant 0 : i32
        %add3A_21 = arith.addi %add3A, %mul3A_20 : i32
        %mul3A_22 = arith.constant 160 : i32
        %mul3A_23 = arith.muli %arg1, %mul3A_22 : i32
        %add3A_24 = arith.constant 2560 : i32
        %add3A_25 = arith.addi %add3A_24, %mul3A_23 : i32
        %mul3A_26 = arith.constant 16 : i32
        %mul3A_27 = arith.muli %add3A_21, %mul3A_26 : i32
        %add3A_28 = arith.addi %add3A_25, %mul3A_27 : i32
        "tpu.region"() ({
          %run_scoped3A = tpu.sem_alloc : memref<!tpu.dma_semaphore, #tpu.memory_space<semaphore_mem>>
          %dma_start3A = arith.constant 0 : i32
          %dma_start3A_34 = tpu.memref_slice %arg2[%add3A_28, %dma_start3A] : memref<5120x125xi32, #tpu.memory_space<hbm>> -> memref<16x125xi32, #tpu.memory_space<hbm>>
          %dma_start3A_35 = arith.constant 0 : i32
          %dma_start3A_36 = tpu.memref_slice %arg2[%add3A_28, %dma_start3A_35] : memref<5120x125xi32, #tpu.memory_space<hbm>> -> memref<16x125xi32, #tpu.memory_space<hbm>>
          tpu.enqueue_dma source(%dma_start3A_36 : memref<16x125xi32, #tpu.memory_space<hbm>>) target(%arg6 : memref<16x125xi32, #tpu.memory_space<vmem>>) target_semaphore(%run_scoped3A : memref<!tpu.dma_semaphore, #tpu.memory_space<semaphore_mem>>)
          %dma_wait3A = arith.constant 0 : i32
          %dma_wait3A_37 = tpu.memref_slice %arg2[%add3A_28, %dma_wait3A] : memref<5120x125xi32, #tpu.memory_space<hbm>> -> memref<16x125xi32, #tpu.memory_space<hbm>>
          %dma_wait3A_38 = arith.constant 0 : i32
          %dma_wait3A_39 = tpu.memref_slice %arg2[%add3A_28, %dma_wait3A_38] : memref<5120x125xi32, #tpu.memory_space<hbm>> -> memref<16x125xi32, #tpu.memory_space<hbm>>
          tpu.wait_dma2 semaphore(%run_scoped3A : memref<!tpu.dma_semaphore, #tpu.memory_space<semaphore_mem>>) src(%dma_wait3A_39 : memref<16x125xi32, #tpu.memory_space<hbm>>) dst(%arg6 : memref<16x125xi32, #tpu.memory_space<vmem>>)
          tpu.yield
        }) : () -> ()
        %scan3A_29 = arith.constant 0 : i32
        %scan3A_30 = arith.constant 16 : i32
        %scan3A_31 = arith.addi %scan3A_29, %scan3A_30 : i32
        %scan3A_32 = arith.constant 1 : i32
        scf.for %scan3A_34 = %scan3A_29 to %scan3A_31 step %scan3A_32  : i32 {
          %mul3A_35 = arith.constant 1 : i32
          %mul3A_36 = arith.muli %scan3A_34, %mul3A_35 : i32
          %add3A_37 = arith.constant 0 : i32
          %add3A_38 = arith.addi %add3A_37, %mul3A_36 : i32
          %scan3A_39 = arith.constant 0 : i32
          %scan3A_40 = arith.constant 7 : i32
          %scan3A_41 = arith.addi %scan3A_39, %scan3A_40 : i32
          %scan3A_42 = arith.constant 1 : i32
          scf.for %scan3A_46 = %scan3A_39 to %scan3A_41 step %scan3A_42  : i32 {
            %mul3A_47 = arith.constant 1 : i32
            %mul3A_48 = arith.muli %scan3A_46, %mul3A_47 : i32
            %add3A_49 = arith.constant 0 : i32
            %add3A_50 = arith.addi %add3A_49, %mul3A_48 : i32
            %mul3A_51 = arith.constant 16 : i32
            %mul3A_52 = arith.muli %add3A_50, %mul3A_51 : i32
            %get3A_53 = arith.index_cast %add3A_38 : i32 to index
            %get3A_54 = arith.index_cast %mul3A_52 : i32 to index
            %get3A_55 = tpu.vector_load %arg6[%get3A_53, %get3A_54] {strides = array<i32>} : memref<16x125xi32, #tpu.memory_space<vmem>>, vector<16xi32>,
            tpu.vector_store_idx %arg5[%get3A_55], %broadcast_in_dim3A_4 {add = true} : memref<10240xf32, #tpu.memory_space<vmem>>[vector<16xi32>], vector<16xf32>,
          }
          %scan3A_43 = arith.constant 7 : i32
          %get3A = arith.index_cast %add3A_38 : i32 to index
          %get3A_44 = arith.constant 109 : index
          %get3A_45 = tpu.vector_load %arg6[%get3A, %get3A_44] {strides = array<i32>} : memref<16x125xi32, #tpu.memory_space<vmem>>, vector<16xi32>,
          tpu.vector_store_idx %arg5[%get3A_45], %broadcast_in_dim3A_4 masked %ge3A_6 {add = true} : memref<10240xf32, #tpu.memory_space<vmem>>[vector<16xi32>], vector<16xf32>, vector<16xi1>
        }
        %scan3A_33 = arith.constant 16 : i32
      }
      %scan3A_18 = arith.constant 10 : i32
    } else {
    }
    %eq3A_9 = arith.constant 1 : i32
    %eq3A_10 = arith.cmpi eq, %arg0, %eq3A_9 : i32
    %convert_element_type3A_11 = arith.extui %eq3A_10 : i1 to i32
    %cond3A_12 = arith.constant 0 : i32
    %cond3A_13 = arith.cmpi ne, %convert_element_type3A_11, %cond3A_12 : i32
    scf.if %cond3A_13 {
      %scan3A_14 = arith.constant 0 : i32
      %scan3A_15 = arith.constant 10 : i32
      %scan3A_16 = arith.addi %scan3A_14, %scan3A_15 : i32
      %scan3A_17 = arith.constant 1 : i32
      scf.for %scan3A_19 = %scan3A_14 to %scan3A_16 step %scan3A_17  : i32 {
        %mul3A = arith.constant 1 : i32
        %mul3A_20 = arith.muli %scan3A_19, %mul3A : i32
        %add3A = arith.constant 0 : i32
        %add3A_21 = arith.addi %add3A, %mul3A_20 : i32
        %mul3A_22 = arith.constant 160 : i32
        %mul3A_23 = arith.muli %arg1, %mul3A_22 : i32
        %add3A_24 = arith.constant 2560 : i32
        %add3A_25 = arith.addi %add3A_24, %mul3A_23 : i32
        %mul3A_26 = arith.constant 16 : i32
        %mul3A_27 = arith.muli %add3A_21, %mul3A_26 : i32
        %add3A_28 = arith.addi %add3A_25, %mul3A_27 : i32
        "tpu.region"() ({
          %run_scoped3A = tpu.sem_alloc : memref<!tpu.dma_semaphore, #tpu.memory_space<semaphore_mem>>
          %dma_start3A = arith.constant 0 : i32
          %dma_start3A_34 = tpu.memref_slice %arg3[%add3A_28, %dma_start3A] : memref<5120x125xi32, #tpu.memory_space<hbm>> -> memref<16x125xi32, #tpu.memory_space<hbm>>
          %dma_start3A_35 = arith.constant 0 : i32
          %dma_start3A_36 = tpu.memref_slice %arg3[%add3A_28, %dma_start3A_35] : memref<5120x125xi32, #tpu.memory_space<hbm>> -> memref<16x125xi32, #tpu.memory_space<hbm>>
          tpu.enqueue_dma source(%dma_start3A_36 : memref<16x125xi32, #tpu.memory_space<hbm>>) target(%arg6 : memref<16x125xi32, #tpu.memory_space<vmem>>) target_semaphore(%run_scoped3A : memref<!tpu.dma_semaphore, #tpu.memory_space<semaphore_mem>>)
          %dma_wait3A = arith.constant 0 : i32
          %dma_wait3A_37 = tpu.memref_slice %arg3[%add3A_28, %dma_wait3A] : memref<5120x125xi32, #tpu.memory_space<hbm>> -> memref<16x125xi32, #tpu.memory_space<hbm>>
          %dma_wait3A_38 = arith.constant 0 : i32
          %dma_wait3A_39 = tpu.memref_slice %arg3[%add3A_28, %dma_wait3A_38] : memref<5120x125xi32, #tpu.memory_space<hbm>> -> memref<16x125xi32, #tpu.memory_space<hbm>>
          tpu.wait_dma2 semaphore(%run_scoped3A : memref<!tpu.dma_semaphore, #tpu.memory_space<semaphore_mem>>) src(%dma_wait3A_39 : memref<16x125xi32, #tpu.memory_space<hbm>>) dst(%arg6 : memref<16x125xi32, #tpu.memory_space<vmem>>)
          tpu.yield
        }) : () -> ()
        %scan3A_29 = arith.constant 0 : i32
        %scan3A_30 = arith.constant 16 : i32
        %scan3A_31 = arith.addi %scan3A_29, %scan3A_30 : i32
        %scan3A_32 = arith.constant 1 : i32
        scf.for %scan3A_34 = %scan3A_29 to %scan3A_31 step %scan3A_32  : i32 {
          %mul3A_35 = arith.constant 1 : i32
          %mul3A_36 = arith.muli %scan3A_34, %mul3A_35 : i32
          %add3A_37 = arith.constant 0 : i32
          %add3A_38 = arith.addi %add3A_37, %mul3A_36 : i32
          %scan3A_39 = arith.constant 0 : i32
          %scan3A_40 = arith.constant 7 : i32
          %scan3A_41 = arith.addi %scan3A_39, %scan3A_40 : i32
          %scan3A_42 = arith.constant 1 : i32
          scf.for %scan3A_46 = %scan3A_39 to %scan3A_41 step %scan3A_42  : i32 {
            %mul3A_47 = arith.constant 1 : i32
            %mul3A_48 = arith.muli %scan3A_46, %mul3A_47 : i32
            %add3A_49 = arith.constant 0 : i32
            %add3A_50 = arith.addi %add3A_49, %mul3A_48 : i32
            %mul3A_51 = arith.constant 16 : i32
            %mul3A_52 = arith.muli %add3A_50, %mul3A_51 : i32
            %get3A_53 = arith.index_cast %add3A_38 : i32 to index
            %get3A_54 = arith.index_cast %mul3A_52 : i32 to index
            %get3A_55 = tpu.vector_load %arg6[%get3A_53, %get3A_54] {strides = array<i32>} : memref<16x125xi32, #tpu.memory_space<vmem>>, vector<16xi32>,
            tpu.vector_store_idx %arg5[%get3A_55], %broadcast_in_dim3A_4 {add = true} : memref<10240xf32, #tpu.memory_space<vmem>>[vector<16xi32>], vector<16xf32>,
          }
          %scan3A_43 = arith.constant 7 : i32
          %get3A = arith.index_cast %add3A_38 : i32 to index
          %get3A_44 = arith.constant 109 : index
          %get3A_45 = tpu.vector_load %arg6[%get3A, %get3A_44] {strides = array<i32>} : memref<16x125xi32, #tpu.memory_space<vmem>>, vector<16xi32>,
          tpu.vector_store_idx %arg5[%get3A_45], %broadcast_in_dim3A_4 masked %ge3A_6 {add = true} : memref<10240xf32, #tpu.memory_space<vmem>>[vector<16xi32>], vector<16xf32>, vector<16xi1>
        }
        %scan3A_33 = arith.constant 16 : i32
      }
      %scan3A_18 = arith.constant 10 : i32
    } else {
    }
    "tpu.region"() ({
      %run_scoped3A = tpu.sem_alloc : memref<!tpu.dma_semaphore, #tpu.memory_space<semaphore_mem>>
      %dma_start3A = arith.constant 0 : i32
      %dma_start3A_14 = tpu.memref_slice %arg4[%arg0, %arg1, %dma_start3A] : memref<2x16x10240xf32, #tpu.memory_space<hbm>> -> memref<1x1x10240xf32, #tpu.memory_space<hbm>>
      %dma_start3A_15 = tpu.memref_squeeze %dma_start3A_14 : memref<1x1x10240xf32, #tpu.memory_space<hbm>> -> memref<10240xf32, #tpu.memory_space<hbm>>
      %dma_start3A_16 = arith.constant 0 : i32
      %dma_start3A_17 = tpu.memref_slice %arg4[%arg0, %arg1, %dma_start3A_16] : memref<2x16x10240xf32, #tpu.memory_space<hbm>> -> memref<1x1x10240xf32, #tpu.memory_space<hbm>>
      %dma_start3A_18 = tpu.memref_squeeze %dma_start3A_17 : memref<1x1x10240xf32, #tpu.memory_space<hbm>> -> memref<10240xf32, #tpu.memory_space<hbm>>
      tpu.enqueue_dma source(%arg5 : memref<10240xf32, #tpu.memory_space<vmem>>) target(%dma_start3A_18 : memref<10240xf32, #tpu.memory_space<hbm>>) target_semaphore(%run_scoped3A : memref<!tpu.dma_semaphore, #tpu.memory_space<semaphore_mem>>)
      %dma_wait3A = arith.constant 0 : i32
      %dma_wait3A_19 = tpu.memref_slice %arg4[%arg0, %arg1, %dma_wait3A] : memref<2x16x10240xf32, #tpu.memory_space<hbm>> -> memref<1x1x10240xf32, #tpu.memory_space<hbm>>
      %dma_wait3A_20 = tpu.memref_squeeze %dma_wait3A_19 : memref<1x1x10240xf32, #tpu.memory_space<hbm>> -> memref<10240xf32, #tpu.memory_space<hbm>>
      %dma_wait3A_21 = arith.constant 0 : i32
      %dma_wait3A_22 = tpu.memref_slice %arg4[%arg0, %arg1, %dma_wait3A_21] : memref<2x16x10240xf32, #tpu.memory_space<hbm>> -> memref<1x1x10240xf32, #tpu.memory_space<hbm>>
      %dma_wait3A_23 = tpu.memref_squeeze %dma_wait3A_22 : memref<1x1x10240xf32, #tpu.memory_space<hbm>> -> memref<10240xf32, #tpu.memory_space<hbm>>
      tpu.wait_dma2 semaphore(%run_scoped3A : memref<!tpu.dma_semaphore, #tpu.memory_space<semaphore_mem>>) src(%arg5 : memref<10240xf32, #tpu.memory_space<vmem>>) dst(%dma_wait3A_23 : memref<10240xf32, #tpu.memory_space<hbm>>)
      tpu.yield
    }) : () -> ()
    return
  }
}

#map = affine_map<(d0, d1) -> (0, 0)>
module attributes {stable_mosaic.version = 14 : i64} {
  func.func @_conv2b_body(%arg0: i32, %arg1: i32, %arg2: memref<5120x125xi32, #tpu.memory_space<hbm>>, %arg3: memref<10240x128xbf16, #tpu.memory_space<hbm>>, %arg4: memref<10240x128xbf16, #tpu.memory_space<hbm>>, %arg5: memref<10240x128xbf16, #tpu.memory_space<hbm>>, %arg6: memref<10240x128xbf16, #tpu.memory_space<hbm>>, %arg7: memref<10240x128xbf16, #tpu.memory_space<vmem_shared>>, %arg8: memref<160x125xi32, #tpu.memory_space<vmem>>, %arg9: memref<160x125xi32, #tpu.memory_space<vmem>>, %arg10: memref<125x128xbf16, #tpu.memory_space<vmem>>, %arg11: memref<125x128xbf16, #tpu.memory_space<vmem>>, %arg12: memref<125x128xbf16, #tpu.memory_space<vmem>>, %arg13: memref<125x128xbf16, #tpu.memory_space<vmem>>, %arg14: memref<!tpu.dma_semaphore, #tpu.memory_space<semaphore_mem>>, %arg15: memref<!tpu.dma_semaphore, #tpu.memory_space<semaphore_mem>>, %arg16: memref<!tpu.dma_semaphore, #tpu.memory_space<semaphore_mem>>, %arg17: memref<!tpu.dma_semaphore, #tpu.memory_space<semaphore_mem>>, %arg18: memref<!tpu.dma_semaphore, #tpu.memory_space<semaphore_mem>>, %arg19: memref<!tpu.dma_semaphore, #tpu.memory_space<semaphore_mem>>, %arg20: memref<!tpu.dma_semaphore, #tpu.memory_space<semaphore_mem>>, %arg21: memref<!tpu.dma_semaphore, #tpu.memory_space<semaphore_mem>>) attributes {dimension_semantics = [#tpu.dimension_semantics<core_parallel>, #tpu.dimension_semantics<subcore_parallel>], iteration_bounds = array<i64: 2, 16>, scalar_prefetch = 0 : i64, scratch_operands = 15 : i64, tpu.core_type = #tpu.core_type<sc_vector_subcore>, window_params = [{transform_indices = #map}, {transform_indices = #map}, {transform_indices = #map}, {transform_indices = #map}, {transform_indices = #map}]} {
    %scan3A = arith.constant 0 : i32
    %scan3A_0 = arith.constant 125 : i32
    %scan3A_1 = arith.addi %scan3A, %scan3A_0 : i32
    %scan3A_2 = arith.constant 1 : i32
    scf.for %scan3A_27 = %scan3A to %scan3A_1 step %scan3A_2  : i32 {
      %mul3A = arith.constant 1 : i32
      %mul3A_28 = arith.muli %scan3A_27, %mul3A : i32
      %add3A = arith.constant 0 : i32
      %add3A_29 = arith.addi %add3A, %mul3A_28 : i32
      %scan3A_30 = arith.constant 0 : i32
      %scan3A_31 = arith.constant 4 : i32
      %scan3A_32 = arith.addi %scan3A_30, %scan3A_31 : i32
      %scan3A_33 = arith.constant 1 : i32
      scf.for %scan3A_35 = %scan3A_30 to %scan3A_32 step %scan3A_33  : i32 {
        %mul3A_36 = arith.constant 1 : i32
        %mul3A_37 = arith.muli %scan3A_35, %mul3A_36 : i32
        %add3A_38 = arith.constant 0 : i32
        %add3A_39 = arith.addi %add3A_38, %mul3A_37 : i32
        %broadcast_in_dim3A = arith.constant 0.000000e+00 : bf16
        %broadcast_in_dim3A_40 = vector.broadcast %broadcast_in_dim3A : bf16 to vector<32xbf16>
        %mul3A_41 = arith.constant 32 : i32
        %mul3A_42 = arith.muli %add3A_39, %mul3A_41 : i32
        %swap3A = arith.index_cast %add3A_29 : i32 to index
        %swap3A_43 = arith.index_cast %mul3A_42 : i32 to index
        %swap3A_44 = tpu.vector_load %arg10[%swap3A, %swap3A_43] {strides = array<i32>} : memref<125x128xbf16, #tpu.memory_space<vmem>>, vector<32xbf16>,
        tpu.vector_store %arg10[%swap3A, %swap3A_43], %broadcast_in_dim3A_40 {strides = array<i32>} : memref<125x128xbf16, #tpu.memory_space<vmem>>, vector<32xbf16>,
      }
      %scan3A_34 = arith.constant 4 : i32
    }
    %scan3A_3 = arith.constant 125 : i32
    %scan3A_4 = arith.constant 0 : i32
    %scan3A_5 = arith.constant 8 : i32
    %scan3A_6 = arith.addi %scan3A_4, %scan3A_5 : i32
    %scan3A_7 = arith.constant 1 : i32
    scf.for %scan3A_27 = %scan3A_4 to %scan3A_6 step %scan3A_7  : i32 {
      %mul3A = arith.constant 1 : i32
      %mul3A_28 = arith.muli %scan3A_27, %mul3A : i32
      %add3A = arith.constant 0 : i32
      %add3A_29 = arith.addi %add3A, %mul3A_28 : i32
      %mul3A_30 = arith.constant 640 : i32
      %mul3A_31 = arith.muli %arg1, %mul3A_30 : i32
      %mul3A_32 = arith.constant 80 : i32
      %mul3A_33 = arith.muli %add3A_29, %mul3A_32 : i32
      %add3A_34 = arith.addi %mul3A_31, %mul3A_33 : i32
      "tpu.region"() ({
        %run_scoped3A = tpu.sem_alloc : memref<!tpu.dma_semaphore, #tpu.memory_space<semaphore_mem>>
        %dma_start3A = arith.constant 0 : i32
        %dma_start3A_35 = arith.constant 0 : i32
        %dma_start3A_36 = tpu.memref_slice %arg10[%dma_start3A, %dma_start3A_35] : memref<125x128xbf16, #tpu.memory_space<vmem>> -> memref<80x128xbf16, #tpu.memory_space<vmem>>
        %dma_start3A_37 = arith.constant 0 : i32
        %dma_start3A_38 = tpu.memref_slice %arg7[%add3A_34, %dma_start3A_37] : memref<10240x128xbf16, #tpu.memory_space<vmem_shared>> -> memref<80x128xbf16, #tpu.memory_space<vmem_shared>>
        %dma_start3A_39 = arith.constant 0 : i32
        %dma_start3A_40 = tpu.memref_slice %arg7[%add3A_34, %dma_start3A_39] : memref<10240x128xbf16, #tpu.memory_space<vmem_shared>> -> memref<80x128xbf16, #tpu.memory_space<vmem_shared>>
        %dma_start3A_41 = arith.constant 0 : i32
        %dma_start3A_42 = arith.constant 0 : i32
        %dma_start3A_43 = tpu.memref_slice %arg10[%dma_start3A_41, %dma_start3A_42] : memref<125x128xbf16, #tpu.memory_space<vmem>> -> memref<80x128xbf16, #tpu.memory_space<vmem>>
        tpu.enqueue_dma source(%dma_start3A_43 : memref<80x128xbf16, #tpu.memory_space<vmem>>) target(%dma_start3A_40 : memref<80x128xbf16, #tpu.memory_space<vmem_shared>>) target_semaphore(%run_scoped3A : memref<!tpu.dma_semaphore, #tpu.memory_space<semaphore_mem>>)
        %dma_wait3A = arith.constant 0 : i32
        %dma_wait3A_44 = arith.constant 0 : i32
        %dma_wait3A_45 = tpu.memref_slice %arg10[%dma_wait3A, %dma_wait3A_44] : memref<125x128xbf16, #tpu.memory_space<vmem>> -> memref<80x128xbf16, #tpu.memory_space<vmem>>
        %dma_wait3A_46 = arith.constant 0 : i32
        %dma_wait3A_47 = tpu.memref_slice %arg7[%add3A_34, %dma_wait3A_46] : memref<10240x128xbf16, #tpu.memory_space<vmem_shared>> -> memref<80x128xbf16, #tpu.memory_space<vmem_shared>>
        %dma_wait3A_48 = arith.constant 0 : i32
        %dma_wait3A_49 = tpu.memref_slice %arg7[%add3A_34, %dma_wait3A_48] : memref<10240x128xbf16, #tpu.memory_space<vmem_shared>> -> memref<80x128xbf16, #tpu.memory_space<vmem_shared>>
        %dma_wait3A_50 = arith.constant 0 : i32
        %dma_wait3A_51 = arith.constant 0 : i32
        %dma_wait3A_52 = tpu.memref_slice %arg10[%dma_wait3A_50, %dma_wait3A_51] : memref<125x128xbf16, #tpu.memory_space<vmem>> -> memref<80x128xbf16, #tpu.memory_space<vmem>>
        tpu.wait_dma2 semaphore(%run_scoped3A : memref<!tpu.dma_semaphore, #tpu.memory_space<semaphore_mem>>) src(%dma_wait3A_52 : memref<80x128xbf16, #tpu.memory_space<vmem>>) dst(%dma_wait3A_49 : memref<80x128xbf16, #tpu.memory_space<vmem_shared>>)
        tpu.yield
      }) : () -> ()
    }
    %scan3A_8 = arith.constant 8 : i32
    %barrier3A = arith.constant 0 : index
    tpu.barrier barrier_id(%barrier3A)
    %eq3A = arith.constant 0 : i32
    %eq3A_9 = arith.cmpi eq, %arg0, %eq3A : i32
    %convert_element_type3A = arith.extui %eq3A_9 : i1 to i32
    %cond3A = arith.constant 0 : i32
    %cond3A_10 = arith.cmpi ne, %convert_element_type3A, %cond3A : i32
    scf.if %cond3A_10 {
      %mul3A = arith.constant 160 : i32
      %mul3A_27 = arith.muli %arg1, %mul3A : i32
      "tpu.region"() ({
        %run_scoped3A = tpu.sem_alloc : memref<!tpu.dma_semaphore, #tpu.memory_space<semaphore_mem>>
        %dma_start3A_60 = arith.constant 0 : i32
        %dma_start3A_61 = arith.constant 0 : i32
        %dma_start3A_62 = tpu.memref_slice %arg8[%dma_start3A_60, %dma_start3A_61] : memref<160x125xi32, #tpu.memory_space<vmem>> -> memref<160x125xi32, #tpu.memory_space<vmem>>
        %dma_start3A_63 = arith.constant 0 : i32
        %dma_start3A_64 = tpu.memref_slice %arg2[%mul3A_27, %dma_start3A_63] : memref<5120x125xi32, #tpu.memory_space<hbm>> -> memref<160x125xi32, #tpu.memory_space<hbm>>
        %dma_start3A_65 = arith.constant 0 : i32
        %dma_start3A_66 = arith.constant 0 : i32
        %dma_start3A_67 = tpu.memref_slice %arg8[%dma_start3A_65, %dma_start3A_66] : memref<160x125xi32, #tpu.memory_space<vmem>> -> memref<160x125xi32, #tpu.memory_space<vmem>>
        %dma_start3A_68 = arith.constant 0 : i32
        %dma_start3A_69 = tpu.memref_slice %arg2[%mul3A_27, %dma_start3A_68] : memref<5120x125xi32, #tpu.memory_space<hbm>> -> memref<160x125xi32, #tpu.memory_space<hbm>>
        tpu.enqueue_dma source(%dma_start3A_69 : memref<160x125xi32, #tpu.memory_space<hbm>>) target(%dma_start3A_67 : memref<160x125xi32, #tpu.memory_space<vmem>>) target_semaphore(%run_scoped3A : memref<!tpu.dma_semaphore, #tpu.memory_space<semaphore_mem>>)
        %dma_wait3A_70 = arith.constant 0 : i32
        %dma_wait3A_71 = arith.constant 0 : i32
        %dma_wait3A_72 = tpu.memref_slice %arg8[%dma_wait3A_70, %dma_wait3A_71] : memref<160x125xi32, #tpu.memory_space<vmem>> -> memref<160x125xi32, #tpu.memory_space<vmem>>
        %dma_wait3A_73 = arith.constant 0 : i32
        %dma_wait3A_74 = tpu.memref_slice %arg2[%mul3A_27, %dma_wait3A_73] : memref<5120x125xi32, #tpu.memory_space<hbm>> -> memref<160x125xi32, #tpu.memory_space<hbm>>
        %dma_wait3A_75 = arith.constant 0 : i32
        %dma_wait3A_76 = arith.constant 0 : i32
        %dma_wait3A_77 = tpu.memref_slice %arg8[%dma_wait3A_75, %dma_wait3A_76] : memref<160x125xi32, #tpu.memory_space<vmem>> -> memref<160x125xi32, #tpu.memory_space<vmem>>
        %dma_wait3A_78 = arith.constant 0 : i32
        %dma_wait3A_79 = tpu.memref_slice %arg2[%mul3A_27, %dma_wait3A_78] : memref<5120x125xi32, #tpu.memory_space<hbm>> -> memref<160x125xi32, #tpu.memory_space<hbm>>
        tpu.wait_dma2 semaphore(%run_scoped3A : memref<!tpu.dma_semaphore, #tpu.memory_space<semaphore_mem>>) src(%dma_wait3A_79 : memref<160x125xi32, #tpu.memory_space<hbm>>) dst(%dma_wait3A_77 : memref<160x125xi32, #tpu.memory_space<vmem>>)
        tpu.yield
      }) : () -> ()
      %add3A = arith.constant 2560 : i32
      %add3A_28 = arith.addi %add3A, %mul3A_27 : i32
      "tpu.region"() ({
        %run_scoped3A = tpu.sem_alloc : memref<!tpu.dma_semaphore, #tpu.memory_space<semaphore_mem>>
        %dma_start3A_60 = arith.constant 0 : i32
        %dma_start3A_61 = arith.constant 0 : i32
        %dma_start3A_62 = tpu.memref_slice %arg9[%dma_start3A_60, %dma_start3A_61] : memref<160x125xi32, #tpu.memory_space<vmem>> -> memref<160x125xi32, #tpu.memory_space<vmem>>
        %dma_start3A_63 = arith.constant 0 : i32
        %dma_start3A_64 = tpu.memref_slice %arg2[%add3A_28, %dma_start3A_63] : memref<5120x125xi32, #tpu.memory_space<hbm>> -> memref<160x125xi32, #tpu.memory_space<hbm>>
        %dma_start3A_65 = arith.constant 0 : i32
        %dma_start3A_66 = arith.constant 0 : i32
        %dma_start3A_67 = tpu.memref_slice %arg9[%dma_start3A_65, %dma_start3A_66] : memref<160x125xi32, #tpu.memory_space<vmem>> -> memref<160x125xi32, #tpu.memory_space<vmem>>
        %dma_start3A_68 = arith.constant 0 : i32
        %dma_start3A_69 = tpu.memref_slice %arg2[%add3A_28, %dma_start3A_68] : memref<5120x125xi32, #tpu.memory_space<hbm>> -> memref<160x125xi32, #tpu.memory_space<hbm>>
        tpu.enqueue_dma source(%dma_start3A_69 : memref<160x125xi32, #tpu.memory_space<hbm>>) target(%dma_start3A_67 : memref<160x125xi32, #tpu.memory_space<vmem>>) target_semaphore(%run_scoped3A : memref<!tpu.dma_semaphore, #tpu.memory_space<semaphore_mem>>)
        %dma_wait3A_70 = arith.constant 0 : i32
        %dma_wait3A_71 = arith.constant 0 : i32
        %dma_wait3A_72 = tpu.memref_slice %arg9[%dma_wait3A_70, %dma_wait3A_71] : memref<160x125xi32, #tpu.memory_space<vmem>> -> memref<160x125xi32, #tpu.memory_space<vmem>>
        %dma_wait3A_73 = arith.constant 0 : i32
        %dma_wait3A_74 = tpu.memref_slice %arg2[%add3A_28, %dma_wait3A_73] : memref<5120x125xi32, #tpu.memory_space<hbm>> -> memref<160x125xi32, #tpu.memory_space<hbm>>
        %dma_wait3A_75 = arith.constant 0 : i32
        %dma_wait3A_76 = arith.constant 0 : i32
        %dma_wait3A_77 = tpu.memref_slice %arg9[%dma_wait3A_75, %dma_wait3A_76] : memref<160x125xi32, #tpu.memory_space<vmem>> -> memref<160x125xi32, #tpu.memory_space<vmem>>
        %dma_wait3A_78 = arith.constant 0 : i32
        %dma_wait3A_79 = tpu.memref_slice %arg2[%add3A_28, %dma_wait3A_78] : memref<5120x125xi32, #tpu.memory_space<hbm>> -> memref<160x125xi32, #tpu.memory_space<hbm>>
        tpu.wait_dma2 semaphore(%run_scoped3A : memref<!tpu.dma_semaphore, #tpu.memory_space<semaphore_mem>>) src(%dma_wait3A_79 : memref<160x125xi32, #tpu.memory_space<hbm>>) dst(%dma_wait3A_77 : memref<160x125xi32, #tpu.memory_space<vmem>>)
        tpu.yield
      }) : () -> ()
      %dma_start3A = arith.constant 0 : i32
      %dma_start3A_29 = arith.constant 0 : i32
      %dma_start3A_30 = tpu.memref_slice %arg8[%dma_start3A, %dma_start3A_29] : memref<160x125xi32, #tpu.memory_space<vmem>> -> memref<1x125xi32, #tpu.memory_space<vmem>>
      %dma_start3A_31 = tpu.memref_squeeze %dma_start3A_30 : memref<1x125xi32, #tpu.memory_space<vmem>> -> memref<125xi32, #tpu.memory_space<vmem>>
      %dma_start3A_32 = arith.constant 0 : i32
      %dma_start3A_33 = arith.constant 0 : i32
      %dma_start3A_34 = tpu.memref_slice %arg3[%dma_start3A_32, %dma_start3A_33] : memref<10240x128xbf16, #tpu.memory_space<hbm>> -> memref<10240x128xbf16, #tpu.memory_space<hbm>>
      tpu.enqueue_indirect_dma source(%dma_start3A_34 : memref<10240x128xbf16, #tpu.memory_space<hbm>>) target(%arg10 : memref<125x128xbf16, #tpu.memory_space<vmem>>) offsets(%dma_start3A_31 : memref<125xi32, #tpu.memory_space<vmem>>) semaphore(%arg14 : memref<!tpu.dma_semaphore, #tpu.memory_space<semaphore_mem>>)
      %dma_start3A_35 = arith.constant 1 : i32
      %dma_start3A_36 = arith.constant 0 : i32
      %dma_start3A_37 = tpu.memref_slice %arg8[%dma_start3A_35, %dma_start3A_36] : memref<160x125xi32, #tpu.memory_space<vmem>> -> memref<1x125xi32, #tpu.memory_space<vmem>>
      %dma_start3A_38 = tpu.memref_squeeze %dma_start3A_37 : memref<1x125xi32, #tpu.memory_space<vmem>> -> memref<125xi32, #tpu.memory_space<vmem>>
      %dma_start3A_39 = arith.constant 0 : i32
      %dma_start3A_40 = arith.constant 0 : i32
      %dma_start3A_41 = tpu.memref_slice %arg3[%dma_start3A_39, %dma_start3A_40] : memref<10240x128xbf16, #tpu.memory_space<hbm>> -> memref<10240x128xbf16, #tpu.memory_space<hbm>>
      tpu.enqueue_indirect_dma source(%dma_start3A_41 : memref<10240x128xbf16, #tpu.memory_space<hbm>>) target(%arg11 : memref<125x128xbf16, #tpu.memory_space<vmem>>) offsets(%dma_start3A_38 : memref<125xi32, #tpu.memory_space<vmem>>) semaphore(%arg15 : memref<!tpu.dma_semaphore, #tpu.memory_space<semaphore_mem>>)
      %dma_start3A_42 = arith.constant 2 : i32
      %dma_start3A_43 = arith.constant 0 : i32
      %dma_start3A_44 = tpu.memref_slice %arg8[%dma_start3A_42, %dma_start3A_43] : memref<160x125xi32, #tpu.memory_space<vmem>> -> memref<1x125xi32, #tpu.memory_space<vmem>>
      %dma_start3A_45 = tpu.memref_squeeze %dma_start3A_44 : memref<1x125xi32, #tpu.memory_space<vmem>> -> memref<125xi32, #tpu.memory_space<vmem>>
      %dma_start3A_46 = arith.constant 0 : i32
      %dma_start3A_47 = arith.constant 0 : i32
      %dma_start3A_48 = tpu.memref_slice %arg3[%dma_start3A_46, %dma_start3A_47] : memref<10240x128xbf16, #tpu.memory_space<hbm>> -> memref<10240x128xbf16, #tpu.memory_space<hbm>>
      tpu.enqueue_indirect_dma source(%dma_start3A_48 : memref<10240x128xbf16, #tpu.memory_space<hbm>>) target(%arg12 : memref<125x128xbf16, #tpu.memory_space<vmem>>) offsets(%dma_start3A_45 : memref<125xi32, #tpu.memory_space<vmem>>) semaphore(%arg16 : memref<!tpu.dma_semaphore, #tpu.memory_space<semaphore_mem>>)
      %scan3A_49 = arith.constant 0 : i32
      %scan3A_50 = arith.constant 40 : i32
      %scan3A_51 = arith.addi %scan3A_49, %scan3A_50 : i32
      %scan3A_52 = arith.constant 1 : i32
      scf.for %scan3A_60 = %scan3A_49 to %scan3A_51 step %scan3A_52  : i32 {
        %mul3A_61 = arith.constant 1 : i32
        %mul3A_62 = arith.muli %scan3A_60, %mul3A_61 : i32
        %add3A_63 = arith.constant 0 : i32
        %add3A_64 = arith.addi %add3A_63, %mul3A_62 : i32
        %mul3A_65 = arith.constant 4 : i32
        %mul3A_66 = arith.muli %mul3A_65, %add3A_64 : i32
        %dma_wait3A_67 = arith.constant 0 : i32
        %dma_wait3A_68 = arith.constant 0 : i32
        %dma_wait3A_69 = tpu.memref_slice %arg8[%dma_wait3A_67, %dma_wait3A_68] : memref<160x125xi32, #tpu.memory_space<vmem>> -> memref<1x125xi32, #tpu.memory_space<vmem>>
        %dma_wait3A_70 = tpu.memref_squeeze %dma_wait3A_69 : memref<1x125xi32, #tpu.memory_space<vmem>> -> memref<125xi32, #tpu.memory_space<vmem>>
        %dma_wait3A_71 = arith.constant 0 : i32
        %dma_wait3A_72 = arith.constant 0 : i32
        %dma_wait3A_73 = tpu.memref_slice %arg3[%dma_wait3A_71, %dma_wait3A_72] : memref<10240x128xbf16, #tpu.memory_space<hbm>> -> memref<10240x128xbf16, #tpu.memory_space<hbm>>
        tpu.wait_indirect_dma semaphore(%arg14 : memref<!tpu.dma_semaphore, #tpu.memory_space<semaphore_mem>>) src(%dma_wait3A_73 : memref<10240x128xbf16, #tpu.memory_space<hbm>>) dst(%arg10 : memref<125x128xbf16, #tpu.memory_space<vmem>>)
        %dma_start3A_74 = arith.constant 0 : i32
        %dma_start3A_75 = tpu.memref_slice %arg9[%mul3A_66, %dma_start3A_74] : memref<160x125xi32, #tpu.memory_space<vmem>> -> memref<1x125xi32, #tpu.memory_space<vmem>>
        %dma_start3A_76 = tpu.memref_squeeze %dma_start3A_75 : memref<1x125xi32, #tpu.memory_space<vmem>> -> memref<125xi32, #tpu.memory_space<vmem>>
        %dma_start3A_77 = arith.constant 0 : i32
        %dma_start3A_78 = arith.constant 0 : i32
        %dma_start3A_79 = tpu.memref_slice %arg7[%dma_start3A_77, %dma_start3A_78] : memref<10240x128xbf16, #tpu.memory_space<vmem_shared>> -> memref<10240x128xbf16, #tpu.memory_space<vmem_shared>>
        tpu.enqueue_indirect_dma source(%arg10 : memref<125x128xbf16, #tpu.memory_space<vmem>>) target(%dma_start3A_79 : memref<10240x128xbf16, #tpu.memory_space<vmem_shared>>) offsets(%dma_start3A_76 : memref<125xi32, #tpu.memory_space<vmem>>) semaphore(%arg18 : memref<!tpu.dma_semaphore, #tpu.memory_space<semaphore_mem>>) {add = true}
        %gt3A = arith.constant 0 : i32
        %gt3A_80 = arith.cmpi sgt, %add3A_64, %gt3A : i32
        %convert_element_type3A_81 = arith.extui %gt3A_80 : i1 to i32
        %cond3A_82 = arith.constant 0 : i32
        %cond3A_83 = arith.cmpi ne, %convert_element_type3A_81, %cond3A_82 : i32
        scf.if %cond3A_83 {
          %dma_wait3A_172 = arith.constant 0 : i32
          %dma_wait3A_173 = arith.constant 0 : i32
          %dma_wait3A_174 = tpu.memref_slice %arg9[%dma_wait3A_172, %dma_wait3A_173] : memref<160x125xi32, #tpu.memory_space<vmem>> -> memref<1x125xi32, #tpu.memory_space<vmem>>
          %dma_wait3A_175 = tpu.memref_squeeze %dma_wait3A_174 : memref<1x125xi32, #tpu.memory_space<vmem>> -> memref<125xi32, #tpu.memory_space<vmem>>
          %dma_wait3A_176 = arith.constant 0 : i32
          %dma_wait3A_177 = arith.constant 0 : i32
          %dma_wait3A_178 = tpu.memref_slice %arg7[%dma_wait3A_176, %dma_wait3A_177] : memref<10240x128xbf16, #tpu.memory_space<vmem_shared>> -> memref<10240x128xbf16, #tpu.memory_space<vmem_shared>>
          tpu.wait_indirect_dma semaphore(%arg21 : memref<!tpu.dma_semaphore, #tpu.memory_space<semaphore_mem>>) src(%arg13 : memref<125x128xbf16, #tpu.memory_space<vmem>>) dst(%dma_wait3A_178 : memref<10240x128xbf16, #tpu.memory_space<vmem_shared>>)
        } else {
        }
        %add3A_84 = arith.constant 3 : i32
        %add3A_85 = arith.addi %mul3A_66, %add3A_84 : i32
        %dma_start3A_86 = arith.constant 0 : i32
        %dma_start3A_87 = tpu.memref_slice %arg8[%add3A_85, %dma_start3A_86] : memref<160x125xi32, #tpu.memory_space<vmem>> -> memref<1x125xi32, #tpu.memory_space<vmem>>
        %dma_start3A_88 = tpu.memref_squeeze %dma_start3A_87 : memref<1x125xi32, #tpu.memory_space<vmem>> -> memref<125xi32, #tpu.memory_space<vmem>>
        %dma_start3A_89 = arith.constant 0 : i32
        %dma_start3A_90 = arith.constant 0 : i32
        %dma_start3A_91 = tpu.memref_slice %arg3[%dma_start3A_89, %dma_start3A_90] : memref<10240x128xbf16, #tpu.memory_space<hbm>> -> memref<10240x128xbf16, #tpu.memory_space<hbm>>
        tpu.enqueue_indirect_dma source(%dma_start3A_91 : memref<10240x128xbf16, #tpu.memory_space<hbm>>) target(%arg13 : memref<125x128xbf16, #tpu.memory_space<vmem>>) offsets(%dma_start3A_88 : memref<125xi32, #tpu.memory_space<vmem>>) semaphore(%arg17 : memref<!tpu.dma_semaphore, #tpu.memory_space<semaphore_mem>>)
        %dma_wait3A_92 = arith.constant 0 : i32
        %dma_wait3A_93 = arith.constant 0 : i32
        %dma_wait3A_94 = tpu.memref_slice %arg8[%dma_wait3A_92, %dma_wait3A_93] : memref<160x125xi32, #tpu.memory_space<vmem>> -> memref<1x125xi32, #tpu.memory_space<vmem>>
        %dma_wait3A_95 = tpu.memref_squeeze %dma_wait3A_94 : memref<1x125xi32, #tpu.memory_space<vmem>> -> memref<125xi32, #tpu.memory_space<vmem>>
        %dma_wait3A_96 = arith.constant 0 : i32
        %dma_wait3A_97 = arith.constant 0 : i32
        %dma_wait3A_98 = tpu.memref_slice %arg3[%dma_wait3A_96, %dma_wait3A_97] : memref<10240x128xbf16, #tpu.memory_space<hbm>> -> memref<10240x128xbf16, #tpu.memory_space<hbm>>
        tpu.wait_indirect_dma semaphore(%arg15 : memref<!tpu.dma_semaphore, #tpu.memory_space<semaphore_mem>>) src(%dma_wait3A_98 : memref<10240x128xbf16, #tpu.memory_space<hbm>>) dst(%arg11 : memref<125x128xbf16, #tpu.memory_space<vmem>>)
        %add3A_99 = arith.constant 1 : i32
        %add3A_100 = arith.addi %mul3A_66, %add3A_99 : i32
        %dma_start3A_101 = arith.constant 0 : i32
        %dma_start3A_102 = tpu.memref_slice %arg9[%add3A_100, %dma_start3A_101] : memref<160x125xi32, #tpu.memory_space<vmem>> -> memref<1x125xi32, #tpu.memory_space<vmem>>
        %dma_start3A_103 = tpu.memref_squeeze %dma_start3A_102 : memref<1x125xi32, #tpu.memory_space<vmem>> -> memref<125xi32, #tpu.memory_space<vmem>>
        %dma_start3A_104 = arith.constant 0 : i32
        %dma_start3A_105 = arith.constant 0 : i32
        %dma_start3A_106 = tpu.memref_slice %arg7[%dma_start3A_104, %dma_start3A_105] : memref<10240x128xbf16, #tpu.memory_space<vmem_shared>> -> memref<10240x128xbf16, #tpu.memory_space<vmem_shared>>
        tpu.enqueue_indirect_dma source(%arg11 : memref<125x128xbf16, #tpu.memory_space<vmem>>) target(%dma_start3A_106 : memref<10240x128xbf16, #tpu.memory_space<vmem_shared>>) offsets(%dma_start3A_103 : memref<125xi32, #tpu.memory_space<vmem>>) semaphore(%arg19 : memref<!tpu.dma_semaphore, #tpu.memory_space<semaphore_mem>>) {add = true}
        %dma_wait3A_107 = arith.constant 0 : i32
        %dma_wait3A_108 = arith.constant 0 : i32
        %dma_wait3A_109 = tpu.memref_slice %arg9[%dma_wait3A_107, %dma_wait3A_108] : memref<160x125xi32, #tpu.memory_space<vmem>> -> memref<1x125xi32, #tpu.memory_space<vmem>>
        %dma_wait3A_110 = tpu.memref_squeeze %dma_wait3A_109 : memref<1x125xi32, #tpu.memory_space<vmem>> -> memref<125xi32, #tpu.memory_space<vmem>>
        %dma_wait3A_111 = arith.constant 0 : i32
        %dma_wait3A_112 = arith.constant 0 : i32
        %dma_wait3A_113 = tpu.memref_slice %arg7[%dma_wait3A_111, %dma_wait3A_112] : memref<10240x128xbf16, #tpu.memory_space<vmem_shared>> -> memref<10240x128xbf16, #tpu.memory_space<vmem_shared>>
        tpu.wait_indirect_dma semaphore(%arg18 : memref<!tpu.dma_semaphore, #tpu.memory_space<semaphore_mem>>) src(%arg10 : memref<125x128xbf16, #tpu.memory_space<vmem>>) dst(%dma_wait3A_113 : memref<10240x128xbf16, #tpu.memory_space<vmem_shared>>)
        %lt3A = arith.constant 39 : i32
        %lt3A_114 = arith.cmpi slt, %add3A_64, %lt3A : i32
        %convert_element_type3A_115 = arith.extui %lt3A_114 : i1 to i32
        %cond3A_116 = arith.constant 0 : i32
        %cond3A_117 = arith.cmpi ne, %convert_element_type3A_115, %cond3A_116 : i32
        scf.if %cond3A_117 {
          %add3A_172 = arith.constant 4 : i32
          %add3A_173 = arith.addi %mul3A_66, %add3A_172 : i32
          %dma_start3A_174 = arith.constant 0 : i32
          %dma_start3A_175 = tpu.memref_slice %arg8[%add3A_173, %dma_start3A_174] : memref<160x125xi32, #tpu.memory_space<vmem>> -> memref<1x125xi32, #tpu.memory_space<vmem>>
          %dma_start3A_176 = tpu.memref_squeeze %dma_start3A_175 : memref<1x125xi32, #tpu.memory_space<vmem>> -> memref<125xi32, #tpu.memory_space<vmem>>
          %dma_start3A_177 = arith.constant 0 : i32
          %dma_start3A_178 = arith.constant 0 : i32
          %dma_start3A_179 = tpu.memref_slice %arg3[%dma_start3A_177, %dma_start3A_178] : memref<10240x128xbf16, #tpu.memory_space<hbm>> -> memref<10240x128xbf16, #tpu.memory_space<hbm>>
          tpu.enqueue_indirect_dma source(%dma_start3A_179 : memref<10240x128xbf16, #tpu.memory_space<hbm>>) target(%arg10 : memref<125x128xbf16, #tpu.memory_space<vmem>>) offsets(%dma_start3A_176 : memref<125xi32, #tpu.memory_space<vmem>>) semaphore(%arg14 : memref<!tpu.dma_semaphore, #tpu.memory_space<semaphore_mem>>)
        } else {
        }
        %dma_wait3A_118 = arith.constant 0 : i32
        %dma_wait3A_119 = arith.constant 0 : i32
        %dma_wait3A_120 = tpu.memref_slice %arg8[%dma_wait3A_118, %dma_wait3A_119] : memref<160x125xi32, #tpu.memory_space<vmem>> -> memref<1x125xi32, #tpu.memory_space<vmem>>
        %dma_wait3A_121 = tpu.memref_squeeze %dma_wait3A_120 : memref<1x125xi32, #tpu.memory_space<vmem>> -> memref<125xi32, #tpu.memory_space<vmem>>
        %dma_wait3A_122 = arith.constant 0 : i32
        %dma_wait3A_123 = arith.constant 0 : i32
        %dma_wait3A_124 = tpu.memref_slice %arg3[%dma_wait3A_122, %dma_wait3A_123] : memref<10240x128xbf16, #tpu.memory_space<hbm>> -> memref<10240x128xbf16, #tpu.memory_space<hbm>>
        tpu.wait_indirect_dma semaphore(%arg16 : memref<!tpu.dma_semaphore, #tpu.memory_space<semaphore_mem>>) src(%dma_wait3A_124 : memref<10240x128xbf16, #tpu.memory_space<hbm>>) dst(%arg12 : memref<125x128xbf16, #tpu.memory_space<vmem>>)
        %add3A_125 = arith.constant 2 : i32
        %add3A_126 = arith.addi %mul3A_66, %add3A_125 : i32
        %dma_start3A_127 = arith.constant 0 : i32
        %dma_start3A_128 = tpu.memref_slice %arg9[%add3A_126, %dma_start3A_127] : memref<160x125xi32, #tpu.memory_space<vmem>> -> memref<1x125xi32, #tpu.memory_space<vmem>>
        %dma_start3A_129 = tpu.memref_squeeze %dma_start3A_128 : memref<1x125xi32, #tpu.memory_space<vmem>> -> memref<125xi32, #tpu.memory_space<vmem>>
        %dma_start3A_130 = arith.constant 0 : i32
        %dma_start3A_131 = arith.constant 0 : i32
        %dma_start3A_132 = tpu.memref_slice %arg7[%dma_start3A_130, %dma_start3A_131] : memref<10240x128xbf16, #tpu.memory_space<vmem_shared>> -> memref<10240x128xbf16, #tpu.memory_space<vmem_shared>>
        tpu.enqueue_indirect_dma source(%arg12 : memref<125x128xbf16, #tpu.memory_space<vmem>>) target(%dma_start3A_132 : memref<10240x128xbf16, #tpu.memory_space<vmem_shared>>) offsets(%dma_start3A_129 : memref<125xi32, #tpu.memory_space<vmem>>) semaphore(%arg20 : memref<!tpu.dma_semaphore, #tpu.memory_space<semaphore_mem>>) {add = true}
        %dma_wait3A_133 = arith.constant 0 : i32
        %dma_wait3A_134 = arith.constant 0 : i32
        %dma_wait3A_135 = tpu.memref_slice %arg9[%dma_wait3A_133, %dma_wait3A_134] : memref<160x125xi32, #tpu.memory_space<vmem>> -> memref<1x125xi32, #tpu.memory_space<vmem>>
        %dma_wait3A_136 = tpu.memref_squeeze %dma_wait3A_135 : memref<1x125xi32, #tpu.memory_space<vmem>> -> memref<125xi32, #tpu.memory_space<vmem>>
        %dma_wait3A_137 = arith.constant 0 : i32
        %dma_wait3A_138 = arith.constant 0 : i32
        %dma_wait3A_139 = tpu.memref_slice %arg7[%dma_wait3A_137, %dma_wait3A_138] : memref<10240x128xbf16, #tpu.memory_space<vmem_shared>> -> memref<10240x128xbf16, #tpu.memory_space<vmem_shared>>
        tpu.wait_indirect_dma semaphore(%arg19 : memref<!tpu.dma_semaphore, #tpu.memory_space<semaphore_mem>>) src(%arg11 : memref<125x128xbf16, #tpu.memory_space<vmem>>) dst(%dma_wait3A_139 : memref<10240x128xbf16, #tpu.memory_space<vmem_shared>>)
        %lt3A_140 = arith.constant 39 : i32
        %lt3A_141 = arith.cmpi slt, %add3A_64, %lt3A_140 : i32
        %convert_element_type3A_142 = arith.extui %lt3A_141 : i1 to i32
        %cond3A_143 = arith.constant 0 : i32
        %cond3A_144 = arith.cmpi ne, %convert_element_type3A_142, %cond3A_143 : i32
        scf.if %cond3A_144 {
          %add3A_172 = arith.constant 5 : i32
          %add3A_173 = arith.addi %mul3A_66, %add3A_172 : i32
          %dma_start3A_174 = arith.constant 0 : i32
          %dma_start3A_175 = tpu.memref_slice %arg8[%add3A_173, %dma_start3A_174] : memref<160x125xi32, #tpu.memory_space<vmem>> -> memref<1x125xi32, #tpu.memory_space<vmem>>
          %dma_start3A_176 = tpu.memref_squeeze %dma_start3A_175 : memref<1x125xi32, #tpu.memory_space<vmem>> -> memref<125xi32, #tpu.memory_space<vmem>>
          %dma_start3A_177 = arith.constant 0 : i32
          %dma_start3A_178 = arith.constant 0 : i32
          %dma_start3A_179 = tpu.memref_slice %arg3[%dma_start3A_177, %dma_start3A_178] : memref<10240x128xbf16, #tpu.memory_space<hbm>> -> memref<10240x128xbf16, #tpu.memory_space<hbm>>
          tpu.enqueue_indirect_dma source(%dma_start3A_179 : memref<10240x128xbf16, #tpu.memory_space<hbm>>) target(%arg11 : memref<125x128xbf16, #tpu.memory_space<vmem>>) offsets(%dma_start3A_176 : memref<125xi32, #tpu.memory_space<vmem>>) semaphore(%arg15 : memref<!tpu.dma_semaphore, #tpu.memory_space<semaphore_mem>>)
        } else {
        }
        %dma_wait3A_145 = arith.constant 0 : i32
        %dma_wait3A_146 = arith.constant 0 : i32
        %dma_wait3A_147 = tpu.memref_slice %arg8[%dma_wait3A_145, %dma_wait3A_146] : memref<160x125xi32, #tpu.memory_space<vmem>> -> memref<1x125xi32, #tpu.memory_space<vmem>>
        %dma_wait3A_148 = tpu.memref_squeeze %dma_wait3A_147 : memref<1x125xi32, #tpu.memory_space<vmem>> -> memref<125xi32, #tpu.memory_space<vmem>>
        %dma_wait3A_149 = arith.constant 0 : i32
        %dma_wait3A_150 = arith.constant 0 : i32
        %dma_wait3A_151 = tpu.memref_slice %arg3[%dma_wait3A_149, %dma_wait3A_150] : memref<10240x128xbf16, #tpu.memory_space<hbm>> -> memref<10240x128xbf16, #tpu.memory_space<hbm>>
        tpu.wait_indirect_dma semaphore(%arg17 : memref<!tpu.dma_semaphore, #tpu.memory_space<semaphore_mem>>) src(%dma_wait3A_151 : memref<10240x128xbf16, #tpu.memory_space<hbm>>) dst(%arg13 : memref<125x128xbf16, #tpu.memory_space<vmem>>)
        %add3A_152 = arith.constant 3 : i32
        %add3A_153 = arith.addi %mul3A_66, %add3A_152 : i32
        %dma_start3A_154 = arith.constant 0 : i32
        %dma_start3A_155 = tpu.memref_slice %arg9[%add3A_153, %dma_start3A_154] : memref<160x125xi32, #tpu.memory_space<vmem>> -> memref<1x125xi32, #tpu.memory_space<vmem>>
        %dma_start3A_156 = tpu.memref_squeeze %dma_start3A_155 : memref<1x125xi32, #tpu.memory_space<vmem>> -> memref<125xi32, #tpu.memory_space<vmem>>
        %dma_start3A_157 = arith.constant 0 : i32
        %dma_start3A_158 = arith.constant 0 : i32
        %dma_start3A_159 = tpu.memref_slice %arg7[%dma_start3A_157, %dma_start3A_158] : memref<10240x128xbf16, #tpu.memory_space<vmem_shared>> -> memref<10240x128xbf16, #tpu.memory_space<vmem_shared>>
        tpu.enqueue_indirect_dma source(%arg13 : memref<125x128xbf16, #tpu.memory_space<vmem>>) target(%dma_start3A_159 : memref<10240x128xbf16, #tpu.memory_space<vmem_shared>>) offsets(%dma_start3A_156 : memref<125xi32, #tpu.memory_space<vmem>>) semaphore(%arg21 : memref<!tpu.dma_semaphore, #tpu.memory_space<semaphore_mem>>) {add = true}
        %dma_wait3A_160 = arith.constant 0 : i32
        %dma_wait3A_161 = arith.constant 0 : i32
        %dma_wait3A_162 = tpu.memref_slice %arg9[%dma_wait3A_160, %dma_wait3A_161] : memref<160x125xi32, #tpu.memory_space<vmem>> -> memref<1x125xi32, #tpu.memory_space<vmem>>
        %dma_wait3A_163 = tpu.memref_squeeze %dma_wait3A_162 : memref<1x125xi32, #tpu.memory_space<vmem>> -> memref<125xi32, #tpu.memory_space<vmem>>
        %dma_wait3A_164 = arith.constant 0 : i32
        %dma_wait3A_165 = arith.constant 0 : i32
        %dma_wait3A_166 = tpu.memref_slice %arg7[%dma_wait3A_164, %dma_wait3A_165] : memref<10240x128xbf16, #tpu.memory_space<vmem_shared>> -> memref<10240x128xbf16, #tpu.memory_space<vmem_shared>>
        tpu.wait_indirect_dma semaphore(%arg20 : memref<!tpu.dma_semaphore, #tpu.memory_space<semaphore_mem>>) src(%arg12 : memref<125x128xbf16, #tpu.memory_space<vmem>>) dst(%dma_wait3A_166 : memref<10240x128xbf16, #tpu.memory_space<vmem_shared>>)
        %lt3A_167 = arith.constant 39 : i32
        %lt3A_168 = arith.cmpi slt, %add3A_64, %lt3A_167 : i32
        %convert_element_type3A_169 = arith.extui %lt3A_168 : i1 to i32
        %cond3A_170 = arith.constant 0 : i32
        %cond3A_171 = arith.cmpi ne, %convert_element_type3A_169, %cond3A_170 : i32
        scf.if %cond3A_171 {
          %add3A_172 = arith.constant 6 : i32
          %add3A_173 = arith.addi %mul3A_66, %add3A_172 : i32
          %dma_start3A_174 = arith.constant 0 : i32
          %dma_start3A_175 = tpu.memref_slice %arg8[%add3A_173, %dma_start3A_174] : memref<160x125xi32, #tpu.memory_space<vmem>> -> memref<1x125xi32, #tpu.memory_space<vmem>>
          %dma_start3A_176 = tpu.memref_squeeze %dma_start3A_175 : memref<1x125xi32, #tpu.memory_space<vmem>> -> memref<125xi32, #tpu.memory_space<vmem>>
          %dma_start3A_177 = arith.constant 0 : i32
          %dma_start3A_178 = arith.constant 0 : i32
          %dma_start3A_179 = tpu.memref_slice %arg3[%dma_start3A_177, %dma_start3A_178] : memref<10240x128xbf16, #tpu.memory_space<hbm>> -> memref<10240x128xbf16, #tpu.memory_space<hbm>>
          tpu.enqueue_indirect_dma source(%dma_start3A_179 : memref<10240x128xbf16, #tpu.memory_space<hbm>>) target(%arg12 : memref<125x128xbf16, #tpu.memory_space<vmem>>) offsets(%dma_start3A_176 : memref<125xi32, #tpu.memory_space<vmem>>) semaphore(%arg16 : memref<!tpu.dma_semaphore, #tpu.memory_space<semaphore_mem>>)
        } else {
        }
      }
      %scan3A_53 = arith.constant 40 : i32
      %dma_wait3A = arith.constant 0 : i32
      %dma_wait3A_54 = arith.constant 0 : i32
      %dma_wait3A_55 = tpu.memref_slice %arg9[%dma_wait3A, %dma_wait3A_54] : memref<160x125xi32, #tpu.memory_space<vmem>> -> memref<1x125xi32, #tpu.memory_space<vmem>>
      %dma_wait3A_56 = tpu.memref_squeeze %dma_wait3A_55 : memref<1x125xi32, #tpu.memory_space<vmem>> -> memref<125xi32, #tpu.memory_space<vmem>>
      %dma_wait3A_57 = arith.constant 0 : i32
      %dma_wait3A_58 = arith.constant 0 : i32
      %dma_wait3A_59 = tpu.memref_slice %arg7[%dma_wait3A_57, %dma_wait3A_58] : memref<10240x128xbf16, #tpu.memory_space<vmem_shared>> -> memref<10240x128xbf16, #tpu.memory_space<vmem_shared>>
      tpu.wait_indirect_dma semaphore(%arg21 : memref<!tpu.dma_semaphore, #tpu.memory_space<semaphore_mem>>) src(%arg13 : memref<125x128xbf16, #tpu.memory_space<vmem>>) dst(%dma_wait3A_59 : memref<10240x128xbf16, #tpu.memory_space<vmem_shared>>)
    } else {
    }
    %eq3A_11 = arith.constant 1 : i32
    %eq3A_12 = arith.cmpi eq, %arg0, %eq3A_11 : i32
    %convert_element_type3A_13 = arith.extui %eq3A_12 : i1 to i32
    %cond3A_14 = arith.constant 0 : i32
    %cond3A_15 = arith.cmpi ne, %convert_element_type3A_13, %cond3A_14 : i32
    scf.if %cond3A_15 {
      %mul3A = arith.constant 160 : i32
      %mul3A_27 = arith.muli %arg1, %mul3A : i32
      "tpu.region"() ({
        %run_scoped3A = tpu.sem_alloc : memref<!tpu.dma_semaphore, #tpu.memory_space<semaphore_mem>>
        %dma_start3A_60 = arith.constant 0 : i32
        %dma_start3A_61 = arith.constant 0 : i32
        %dma_start3A_62 = tpu.memref_slice %arg8[%dma_start3A_60, %dma_start3A_61] : memref<160x125xi32, #tpu.memory_space<vmem>> -> memref<160x125xi32, #tpu.memory_space<vmem>>
        %dma_start3A_63 = arith.constant 0 : i32
        %dma_start3A_64 = tpu.memref_slice %arg2[%mul3A_27, %dma_start3A_63] : memref<5120x125xi32, #tpu.memory_space<hbm>> -> memref<160x125xi32, #tpu.memory_space<hbm>>
        %dma_start3A_65 = arith.constant 0 : i32
        %dma_start3A_66 = arith.constant 0 : i32
        %dma_start3A_67 = tpu.memref_slice %arg8[%dma_start3A_65, %dma_start3A_66] : memref<160x125xi32, #tpu.memory_space<vmem>> -> memref<160x125xi32, #tpu.memory_space<vmem>>
        %dma_start3A_68 = arith.constant 0 : i32
        %dma_start3A_69 = tpu.memref_slice %arg2[%mul3A_27, %dma_start3A_68] : memref<5120x125xi32, #tpu.memory_space<hbm>> -> memref<160x125xi32, #tpu.memory_space<hbm>>
        tpu.enqueue_dma source(%dma_start3A_69 : memref<160x125xi32, #tpu.memory_space<hbm>>) target(%dma_start3A_67 : memref<160x125xi32, #tpu.memory_space<vmem>>) target_semaphore(%run_scoped3A : memref<!tpu.dma_semaphore, #tpu.memory_space<semaphore_mem>>)
        %dma_wait3A_70 = arith.constant 0 : i32
        %dma_wait3A_71 = arith.constant 0 : i32
        %dma_wait3A_72 = tpu.memref_slice %arg8[%dma_wait3A_70, %dma_wait3A_71] : memref<160x125xi32, #tpu.memory_space<vmem>> -> memref<160x125xi32, #tpu.memory_space<vmem>>
        %dma_wait3A_73 = arith.constant 0 : i32
        %dma_wait3A_74 = tpu.memref_slice %arg2[%mul3A_27, %dma_wait3A_73] : memref<5120x125xi32, #tpu.memory_space<hbm>> -> memref<160x125xi32, #tpu.memory_space<hbm>>
        %dma_wait3A_75 = arith.constant 0 : i32
        %dma_wait3A_76 = arith.constant 0 : i32
        %dma_wait3A_77 = tpu.memref_slice %arg8[%dma_wait3A_75, %dma_wait3A_76] : memref<160x125xi32, #tpu.memory_space<vmem>> -> memref<160x125xi32, #tpu.memory_space<vmem>>
        %dma_wait3A_78 = arith.constant 0 : i32
        %dma_wait3A_79 = tpu.memref_slice %arg2[%mul3A_27, %dma_wait3A_78] : memref<5120x125xi32, #tpu.memory_space<hbm>> -> memref<160x125xi32, #tpu.memory_space<hbm>>
        tpu.wait_dma2 semaphore(%run_scoped3A : memref<!tpu.dma_semaphore, #tpu.memory_space<semaphore_mem>>) src(%dma_wait3A_79 : memref<160x125xi32, #tpu.memory_space<hbm>>) dst(%dma_wait3A_77 : memref<160x125xi32, #tpu.memory_space<vmem>>)
        tpu.yield
      }) : () -> ()
      %add3A = arith.constant 2560 : i32
      %add3A_28 = arith.addi %add3A, %mul3A_27 : i32
      "tpu.region"() ({
        %run_scoped3A = tpu.sem_alloc : memref<!tpu.dma_semaphore, #tpu.memory_space<semaphore_mem>>
        %dma_start3A_60 = arith.constant 0 : i32
        %dma_start3A_61 = arith.constant 0 : i32
        %dma_start3A_62 = tpu.memref_slice %arg9[%dma_start3A_60, %dma_start3A_61] : memref<160x125xi32, #tpu.memory_space<vmem>> -> memref<160x125xi32, #tpu.memory_space<vmem>>
        %dma_start3A_63 = arith.constant 0 : i32
        %dma_start3A_64 = tpu.memref_slice %arg2[%add3A_28, %dma_start3A_63] : memref<5120x125xi32, #tpu.memory_space<hbm>> -> memref<160x125xi32, #tpu.memory_space<hbm>>
        %dma_start3A_65 = arith.constant 0 : i32
        %dma_start3A_66 = arith.constant 0 : i32
        %dma_start3A_67 = tpu.memref_slice %arg9[%dma_start3A_65, %dma_start3A_66] : memref<160x125xi32, #tpu.memory_space<vmem>> -> memref<160x125xi32, #tpu.memory_space<vmem>>
        %dma_start3A_68 = arith.constant 0 : i32
        %dma_start3A_69 = tpu.memref_slice %arg2[%add3A_28, %dma_start3A_68] : memref<5120x125xi32, #tpu.memory_space<hbm>> -> memref<160x125xi32, #tpu.memory_space<hbm>>
        tpu.enqueue_dma source(%dma_start3A_69 : memref<160x125xi32, #tpu.memory_space<hbm>>) target(%dma_start3A_67 : memref<160x125xi32, #tpu.memory_space<vmem>>) target_semaphore(%run_scoped3A : memref<!tpu.dma_semaphore, #tpu.memory_space<semaphore_mem>>)
        %dma_wait3A_70 = arith.constant 0 : i32
        %dma_wait3A_71 = arith.constant 0 : i32
        %dma_wait3A_72 = tpu.memref_slice %arg9[%dma_wait3A_70, %dma_wait3A_71] : memref<160x125xi32, #tpu.memory_space<vmem>> -> memref<160x125xi32, #tpu.memory_space<vmem>>
        %dma_wait3A_73 = arith.constant 0 : i32
        %dma_wait3A_74 = tpu.memref_slice %arg2[%add3A_28, %dma_wait3A_73] : memref<5120x125xi32, #tpu.memory_space<hbm>> -> memref<160x125xi32, #tpu.memory_space<hbm>>
        %dma_wait3A_75 = arith.constant 0 : i32
        %dma_wait3A_76 = arith.constant 0 : i32
        %dma_wait3A_77 = tpu.memref_slice %arg9[%dma_wait3A_75, %dma_wait3A_76] : memref<160x125xi32, #tpu.memory_space<vmem>> -> memref<160x125xi32, #tpu.memory_space<vmem>>
        %dma_wait3A_78 = arith.constant 0 : i32
        %dma_wait3A_79 = tpu.memref_slice %arg2[%add3A_28, %dma_wait3A_78] : memref<5120x125xi32, #tpu.memory_space<hbm>> -> memref<160x125xi32, #tpu.memory_space<hbm>>
        tpu.wait_dma2 semaphore(%run_scoped3A : memref<!tpu.dma_semaphore, #tpu.memory_space<semaphore_mem>>) src(%dma_wait3A_79 : memref<160x125xi32, #tpu.memory_space<hbm>>) dst(%dma_wait3A_77 : memref<160x125xi32, #tpu.memory_space<vmem>>)
        tpu.yield
      }) : () -> ()
      %dma_start3A = arith.constant 0 : i32
      %dma_start3A_29 = arith.constant 0 : i32
      %dma_start3A_30 = tpu.memref_slice %arg8[%dma_start3A, %dma_start3A_29] : memref<160x125xi32, #tpu.memory_space<vmem>> -> memref<1x125xi32, #tpu.memory_space<vmem>>
      %dma_start3A_31 = tpu.memref_squeeze %dma_start3A_30 : memref<1x125xi32, #tpu.memory_space<vmem>> -> memref<125xi32, #tpu.memory_space<vmem>>
      %dma_start3A_32 = arith.constant 0 : i32
      %dma_start3A_33 = arith.constant 0 : i32
      %dma_start3A_34 = tpu.memref_slice %arg4[%dma_start3A_32, %dma_start3A_33] : memref<10240x128xbf16, #tpu.memory_space<hbm>> -> memref<10240x128xbf16, #tpu.memory_space<hbm>>
      tpu.enqueue_indirect_dma source(%dma_start3A_34 : memref<10240x128xbf16, #tpu.memory_space<hbm>>) target(%arg10 : memref<125x128xbf16, #tpu.memory_space<vmem>>) offsets(%dma_start3A_31 : memref<125xi32, #tpu.memory_space<vmem>>) semaphore(%arg14 : memref<!tpu.dma_semaphore, #tpu.memory_space<semaphore_mem>>)
      %dma_start3A_35 = arith.constant 1 : i32
      %dma_start3A_36 = arith.constant 0 : i32
      %dma_start3A_37 = tpu.memref_slice %arg8[%dma_start3A_35, %dma_start3A_36] : memref<160x125xi32, #tpu.memory_space<vmem>> -> memref<1x125xi32, #tpu.memory_space<vmem>>
      %dma_start3A_38 = tpu.memref_squeeze %dma_start3A_37 : memref<1x125xi32, #tpu.memory_space<vmem>> -> memref<125xi32, #tpu.memory_space<vmem>>
      %dma_start3A_39 = arith.constant 0 : i32
      %dma_start3A_40 = arith.constant 0 : i32
      %dma_start3A_41 = tpu.memref_slice %arg4[%dma_start3A_39, %dma_start3A_40] : memref<10240x128xbf16, #tpu.memory_space<hbm>> -> memref<10240x128xbf16, #tpu.memory_space<hbm>>
      tpu.enqueue_indirect_dma source(%dma_start3A_41 : memref<10240x128xbf16, #tpu.memory_space<hbm>>) target(%arg11 : memref<125x128xbf16, #tpu.memory_space<vmem>>) offsets(%dma_start3A_38 : memref<125xi32, #tpu.memory_space<vmem>>) semaphore(%arg15 : memref<!tpu.dma_semaphore, #tpu.memory_space<semaphore_mem>>)
      %dma_start3A_42 = arith.constant 2 : i32
      %dma_start3A_43 = arith.constant 0 : i32
      %dma_start3A_44 = tpu.memref_slice %arg8[%dma_start3A_42, %dma_start3A_43] : memref<160x125xi32, #tpu.memory_space<vmem>> -> memref<1x125xi32, #tpu.memory_space<vmem>>
      %dma_start3A_45 = tpu.memref_squeeze %dma_start3A_44 : memref<1x125xi32, #tpu.memory_space<vmem>> -> memref<125xi32, #tpu.memory_space<vmem>>
      %dma_start3A_46 = arith.constant 0 : i32
      %dma_start3A_47 = arith.constant 0 : i32
      %dma_start3A_48 = tpu.memref_slice %arg4[%dma_start3A_46, %dma_start3A_47] : memref<10240x128xbf16, #tpu.memory_space<hbm>> -> memref<10240x128xbf16, #tpu.memory_space<hbm>>
      tpu.enqueue_indirect_dma source(%dma_start3A_48 : memref<10240x128xbf16, #tpu.memory_space<hbm>>) target(%arg12 : memref<125x128xbf16, #tpu.memory_space<vmem>>) offsets(%dma_start3A_45 : memref<125xi32, #tpu.memory_space<vmem>>) semaphore(%arg16 : memref<!tpu.dma_semaphore, #tpu.memory_space<semaphore_mem>>)
      %scan3A_49 = arith.constant 0 : i32
      %scan3A_50 = arith.constant 40 : i32
      %scan3A_51 = arith.addi %scan3A_49, %scan3A_50 : i32
      %scan3A_52 = arith.constant 1 : i32
      scf.for %scan3A_60 = %scan3A_49 to %scan3A_51 step %scan3A_52  : i32 {
        %mul3A_61 = arith.constant 1 : i32
        %mul3A_62 = arith.muli %scan3A_60, %mul3A_61 : i32
        %add3A_63 = arith.constant 0 : i32
        %add3A_64 = arith.addi %add3A_63, %mul3A_62 : i32
        %mul3A_65 = arith.constant 4 : i32
        %mul3A_66 = arith.muli %mul3A_65, %add3A_64 : i32
        %dma_wait3A_67 = arith.constant 0 : i32
        %dma_wait3A_68 = arith.constant 0 : i32
        %dma_wait3A_69 = tpu.memref_slice %arg8[%dma_wait3A_67, %dma_wait3A_68] : memref<160x125xi32, #tpu.memory_space<vmem>> -> memref<1x125xi32, #tpu.memory_space<vmem>>
        %dma_wait3A_70 = tpu.memref_squeeze %dma_wait3A_69 : memref<1x125xi32, #tpu.memory_space<vmem>> -> memref<125xi32, #tpu.memory_space<vmem>>
        %dma_wait3A_71 = arith.constant 0 : i32
        %dma_wait3A_72 = arith.constant 0 : i32
        %dma_wait3A_73 = tpu.memref_slice %arg4[%dma_wait3A_71, %dma_wait3A_72] : memref<10240x128xbf16, #tpu.memory_space<hbm>> -> memref<10240x128xbf16, #tpu.memory_space<hbm>>
        tpu.wait_indirect_dma semaphore(%arg14 : memref<!tpu.dma_semaphore, #tpu.memory_space<semaphore_mem>>) src(%dma_wait3A_73 : memref<10240x128xbf16, #tpu.memory_space<hbm>>) dst(%arg10 : memref<125x128xbf16, #tpu.memory_space<vmem>>)
        %dma_start3A_74 = arith.constant 0 : i32
        %dma_start3A_75 = tpu.memref_slice %arg9[%mul3A_66, %dma_start3A_74] : memref<160x125xi32, #tpu.memory_space<vmem>> -> memref<1x125xi32, #tpu.memory_space<vmem>>
        %dma_start3A_76 = tpu.memref_squeeze %dma_start3A_75 : memref<1x125xi32, #tpu.memory_space<vmem>> -> memref<125xi32, #tpu.memory_space<vmem>>
        %dma_start3A_77 = arith.constant 0 : i32
        %dma_start3A_78 = arith.constant 0 : i32
        %dma_start3A_79 = tpu.memref_slice %arg7[%dma_start3A_77, %dma_start3A_78] : memref<10240x128xbf16, #tpu.memory_space<vmem_shared>> -> memref<10240x128xbf16, #tpu.memory_space<vmem_shared>>
        tpu.enqueue_indirect_dma source(%arg10 : memref<125x128xbf16, #tpu.memory_space<vmem>>) target(%dma_start3A_79 : memref<10240x128xbf16, #tpu.memory_space<vmem_shared>>) offsets(%dma_start3A_76 : memref<125xi32, #tpu.memory_space<vmem>>) semaphore(%arg18 : memref<!tpu.dma_semaphore, #tpu.memory_space<semaphore_mem>>) {add = true}
        %gt3A = arith.constant 0 : i32
        %gt3A_80 = arith.cmpi sgt, %add3A_64, %gt3A : i32
        %convert_element_type3A_81 = arith.extui %gt3A_80 : i1 to i32
        %cond3A_82 = arith.constant 0 : i32
        %cond3A_83 = arith.cmpi ne, %convert_element_type3A_81, %cond3A_82 : i32
        scf.if %cond3A_83 {
          %dma_wait3A_172 = arith.constant 0 : i32
          %dma_wait3A_173 = arith.constant 0 : i32
          %dma_wait3A_174 = tpu.memref_slice %arg9[%dma_wait3A_172, %dma_wait3A_173] : memref<160x125xi32, #tpu.memory_space<vmem>> -> memref<1x125xi32, #tpu.memory_space<vmem>>
          %dma_wait3A_175 = tpu.memref_squeeze %dma_wait3A_174 : memref<1x125xi32, #tpu.memory_space<vmem>> -> memref<125xi32, #tpu.memory_space<vmem>>
          %dma_wait3A_176 = arith.constant 0 : i32
          %dma_wait3A_177 = arith.constant 0 : i32
          %dma_wait3A_178 = tpu.memref_slice %arg7[%dma_wait3A_176, %dma_wait3A_177] : memref<10240x128xbf16, #tpu.memory_space<vmem_shared>> -> memref<10240x128xbf16, #tpu.memory_space<vmem_shared>>
          tpu.wait_indirect_dma semaphore(%arg21 : memref<!tpu.dma_semaphore, #tpu.memory_space<semaphore_mem>>) src(%arg13 : memref<125x128xbf16, #tpu.memory_space<vmem>>) dst(%dma_wait3A_178 : memref<10240x128xbf16, #tpu.memory_space<vmem_shared>>)
        } else {
        }
        %add3A_84 = arith.constant 3 : i32
        %add3A_85 = arith.addi %mul3A_66, %add3A_84 : i32
        %dma_start3A_86 = arith.constant 0 : i32
        %dma_start3A_87 = tpu.memref_slice %arg8[%add3A_85, %dma_start3A_86] : memref<160x125xi32, #tpu.memory_space<vmem>> -> memref<1x125xi32, #tpu.memory_space<vmem>>
        %dma_start3A_88 = tpu.memref_squeeze %dma_start3A_87 : memref<1x125xi32, #tpu.memory_space<vmem>> -> memref<125xi32, #tpu.memory_space<vmem>>
        %dma_start3A_89 = arith.constant 0 : i32
        %dma_start3A_90 = arith.constant 0 : i32
        %dma_start3A_91 = tpu.memref_slice %arg4[%dma_start3A_89, %dma_start3A_90] : memref<10240x128xbf16, #tpu.memory_space<hbm>> -> memref<10240x128xbf16, #tpu.memory_space<hbm>>
        tpu.enqueue_indirect_dma source(%dma_start3A_91 : memref<10240x128xbf16, #tpu.memory_space<hbm>>) target(%arg13 : memref<125x128xbf16, #tpu.memory_space<vmem>>) offsets(%dma_start3A_88 : memref<125xi32, #tpu.memory_space<vmem>>) semaphore(%arg17 : memref<!tpu.dma_semaphore, #tpu.memory_space<semaphore_mem>>)
        %dma_wait3A_92 = arith.constant 0 : i32
        %dma_wait3A_93 = arith.constant 0 : i32
        %dma_wait3A_94 = tpu.memref_slice %arg8[%dma_wait3A_92, %dma_wait3A_93] : memref<160x125xi32, #tpu.memory_space<vmem>> -> memref<1x125xi32, #tpu.memory_space<vmem>>
        %dma_wait3A_95 = tpu.memref_squeeze %dma_wait3A_94 : memref<1x125xi32, #tpu.memory_space<vmem>> -> memref<125xi32, #tpu.memory_space<vmem>>
        %dma_wait3A_96 = arith.constant 0 : i32
        %dma_wait3A_97 = arith.constant 0 : i32
        %dma_wait3A_98 = tpu.memref_slice %arg4[%dma_wait3A_96, %dma_wait3A_97] : memref<10240x128xbf16, #tpu.memory_space<hbm>> -> memref<10240x128xbf16, #tpu.memory_space<hbm>>
        tpu.wait_indirect_dma semaphore(%arg15 : memref<!tpu.dma_semaphore, #tpu.memory_space<semaphore_mem>>) src(%dma_wait3A_98 : memref<10240x128xbf16, #tpu.memory_space<hbm>>) dst(%arg11 : memref<125x128xbf16, #tpu.memory_space<vmem>>)
        %add3A_99 = arith.constant 1 : i32
        %add3A_100 = arith.addi %mul3A_66, %add3A_99 : i32
        %dma_start3A_101 = arith.constant 0 : i32
        %dma_start3A_102 = tpu.memref_slice %arg9[%add3A_100, %dma_start3A_101] : memref<160x125xi32, #tpu.memory_space<vmem>> -> memref<1x125xi32, #tpu.memory_space<vmem>>
        %dma_start3A_103 = tpu.memref_squeeze %dma_start3A_102 : memref<1x125xi32, #tpu.memory_space<vmem>> -> memref<125xi32, #tpu.memory_space<vmem>>
        %dma_start3A_104 = arith.constant 0 : i32
        %dma_start3A_105 = arith.constant 0 : i32
        %dma_start3A_106 = tpu.memref_slice %arg7[%dma_start3A_104, %dma_start3A_105] : memref<10240x128xbf16, #tpu.memory_space<vmem_shared>> -> memref<10240x128xbf16, #tpu.memory_space<vmem_shared>>
        tpu.enqueue_indirect_dma source(%arg11 : memref<125x128xbf16, #tpu.memory_space<vmem>>) target(%dma_start3A_106 : memref<10240x128xbf16, #tpu.memory_space<vmem_shared>>) offsets(%dma_start3A_103 : memref<125xi32, #tpu.memory_space<vmem>>) semaphore(%arg19 : memref<!tpu.dma_semaphore, #tpu.memory_space<semaphore_mem>>) {add = true}
        %dma_wait3A_107 = arith.constant 0 : i32
        %dma_wait3A_108 = arith.constant 0 : i32
        %dma_wait3A_109 = tpu.memref_slice %arg9[%dma_wait3A_107, %dma_wait3A_108] : memref<160x125xi32, #tpu.memory_space<vmem>> -> memref<1x125xi32, #tpu.memory_space<vmem>>
        %dma_wait3A_110 = tpu.memref_squeeze %dma_wait3A_109 : memref<1x125xi32, #tpu.memory_space<vmem>> -> memref<125xi32, #tpu.memory_space<vmem>>
        %dma_wait3A_111 = arith.constant 0 : i32
        %dma_wait3A_112 = arith.constant 0 : i32
        %dma_wait3A_113 = tpu.memref_slice %arg7[%dma_wait3A_111, %dma_wait3A_112] : memref<10240x128xbf16, #tpu.memory_space<vmem_shared>> -> memref<10240x128xbf16, #tpu.memory_space<vmem_shared>>
        tpu.wait_indirect_dma semaphore(%arg18 : memref<!tpu.dma_semaphore, #tpu.memory_space<semaphore_mem>>) src(%arg10 : memref<125x128xbf16, #tpu.memory_space<vmem>>) dst(%dma_wait3A_113 : memref<10240x128xbf16, #tpu.memory_space<vmem_shared>>)
        %lt3A = arith.constant 39 : i32
        %lt3A_114 = arith.cmpi slt, %add3A_64, %lt3A : i32
        %convert_element_type3A_115 = arith.extui %lt3A_114 : i1 to i32
        %cond3A_116 = arith.constant 0 : i32
        %cond3A_117 = arith.cmpi ne, %convert_element_type3A_115, %cond3A_116 : i32
        scf.if %cond3A_117 {
          %add3A_172 = arith.constant 4 : i32
          %add3A_173 = arith.addi %mul3A_66, %add3A_172 : i32
          %dma_start3A_174 = arith.constant 0 : i32
          %dma_start3A_175 = tpu.memref_slice %arg8[%add3A_173, %dma_start3A_174] : memref<160x125xi32, #tpu.memory_space<vmem>> -> memref<1x125xi32, #tpu.memory_space<vmem>>
          %dma_start3A_176 = tpu.memref_squeeze %dma_start3A_175 : memref<1x125xi32, #tpu.memory_space<vmem>> -> memref<125xi32, #tpu.memory_space<vmem>>
          %dma_start3A_177 = arith.constant 0 : i32
          %dma_start3A_178 = arith.constant 0 : i32
          %dma_start3A_179 = tpu.memref_slice %arg4[%dma_start3A_177, %dma_start3A_178] : memref<10240x128xbf16, #tpu.memory_space<hbm>> -> memref<10240x128xbf16, #tpu.memory_space<hbm>>
          tpu.enqueue_indirect_dma source(%dma_start3A_179 : memref<10240x128xbf16, #tpu.memory_space<hbm>>) target(%arg10 : memref<125x128xbf16, #tpu.memory_space<vmem>>) offsets(%dma_start3A_176 : memref<125xi32, #tpu.memory_space<vmem>>) semaphore(%arg14 : memref<!tpu.dma_semaphore, #tpu.memory_space<semaphore_mem>>)
        } else {
        }
        %dma_wait3A_118 = arith.constant 0 : i32
        %dma_wait3A_119 = arith.constant 0 : i32
        %dma_wait3A_120 = tpu.memref_slice %arg8[%dma_wait3A_118, %dma_wait3A_119] : memref<160x125xi32, #tpu.memory_space<vmem>> -> memref<1x125xi32, #tpu.memory_space<vmem>>
        %dma_wait3A_121 = tpu.memref_squeeze %dma_wait3A_120 : memref<1x125xi32, #tpu.memory_space<vmem>> -> memref<125xi32, #tpu.memory_space<vmem>>
        %dma_wait3A_122 = arith.constant 0 : i32
        %dma_wait3A_123 = arith.constant 0 : i32
        %dma_wait3A_124 = tpu.memref_slice %arg4[%dma_wait3A_122, %dma_wait3A_123] : memref<10240x128xbf16, #tpu.memory_space<hbm>> -> memref<10240x128xbf16, #tpu.memory_space<hbm>>
        tpu.wait_indirect_dma semaphore(%arg16 : memref<!tpu.dma_semaphore, #tpu.memory_space<semaphore_mem>>) src(%dma_wait3A_124 : memref<10240x128xbf16, #tpu.memory_space<hbm>>) dst(%arg12 : memref<125x128xbf16, #tpu.memory_space<vmem>>)
        %add3A_125 = arith.constant 2 : i32
        %add3A_126 = arith.addi %mul3A_66, %add3A_125 : i32
        %dma_start3A_127 = arith.constant 0 : i32
        %dma_start3A_128 = tpu.memref_slice %arg9[%add3A_126, %dma_start3A_127] : memref<160x125xi32, #tpu.memory_space<vmem>> -> memref<1x125xi32, #tpu.memory_space<vmem>>
        %dma_start3A_129 = tpu.memref_squeeze %dma_start3A_128 : memref<1x125xi32, #tpu.memory_space<vmem>> -> memref<125xi32, #tpu.memory_space<vmem>>
        %dma_start3A_130 = arith.constant 0 : i32
        %dma_start3A_131 = arith.constant 0 : i32
        %dma_start3A_132 = tpu.memref_slice %arg7[%dma_start3A_130, %dma_start3A_131] : memref<10240x128xbf16, #tpu.memory_space<vmem_shared>> -> memref<10240x128xbf16, #tpu.memory_space<vmem_shared>>
        tpu.enqueue_indirect_dma source(%arg12 : memref<125x128xbf16, #tpu.memory_space<vmem>>) target(%dma_start3A_132 : memref<10240x128xbf16, #tpu.memory_space<vmem_shared>>) offsets(%dma_start3A_129 : memref<125xi32, #tpu.memory_space<vmem>>) semaphore(%arg20 : memref<!tpu.dma_semaphore, #tpu.memory_space<semaphore_mem>>) {add = true}
        %dma_wait3A_133 = arith.constant 0 : i32
        %dma_wait3A_134 = arith.constant 0 : i32
        %dma_wait3A_135 = tpu.memref_slice %arg9[%dma_wait3A_133, %dma_wait3A_134] : memref<160x125xi32, #tpu.memory_space<vmem>> -> memref<1x125xi32, #tpu.memory_space<vmem>>
        %dma_wait3A_136 = tpu.memref_squeeze %dma_wait3A_135 : memref<1x125xi32, #tpu.memory_space<vmem>> -> memref<125xi32, #tpu.memory_space<vmem>>
        %dma_wait3A_137 = arith.constant 0 : i32
        %dma_wait3A_138 = arith.constant 0 : i32
        %dma_wait3A_139 = tpu.memref_slice %arg7[%dma_wait3A_137, %dma_wait3A_138] : memref<10240x128xbf16, #tpu.memory_space<vmem_shared>> -> memref<10240x128xbf16, #tpu.memory_space<vmem_shared>>
        tpu.wait_indirect_dma semaphore(%arg19 : memref<!tpu.dma_semaphore, #tpu.memory_space<semaphore_mem>>) src(%arg11 : memref<125x128xbf16, #tpu.memory_space<vmem>>) dst(%dma_wait3A_139 : memref<10240x128xbf16, #tpu.memory_space<vmem_shared>>)
        %lt3A_140 = arith.constant 39 : i32
        %lt3A_141 = arith.cmpi slt, %add3A_64, %lt3A_140 : i32
        %convert_element_type3A_142 = arith.extui %lt3A_141 : i1 to i32
        %cond3A_143 = arith.constant 0 : i32
        %cond3A_144 = arith.cmpi ne, %convert_element_type3A_142, %cond3A_143 : i32
        scf.if %cond3A_144 {
          %add3A_172 = arith.constant 5 : i32
          %add3A_173 = arith.addi %mul3A_66, %add3A_172 : i32
          %dma_start3A_174 = arith.constant 0 : i32
          %dma_start3A_175 = tpu.memref_slice %arg8[%add3A_173, %dma_start3A_174] : memref<160x125xi32, #tpu.memory_space<vmem>> -> memref<1x125xi32, #tpu.memory_space<vmem>>
          %dma_start3A_176 = tpu.memref_squeeze %dma_start3A_175 : memref<1x125xi32, #tpu.memory_space<vmem>> -> memref<125xi32, #tpu.memory_space<vmem>>
          %dma_start3A_177 = arith.constant 0 : i32
          %dma_start3A_178 = arith.constant 0 : i32
          %dma_start3A_179 = tpu.memref_slice %arg4[%dma_start3A_177, %dma_start3A_178] : memref<10240x128xbf16, #tpu.memory_space<hbm>> -> memref<10240x128xbf16, #tpu.memory_space<hbm>>
          tpu.enqueue_indirect_dma source(%dma_start3A_179 : memref<10240x128xbf16, #tpu.memory_space<hbm>>) target(%arg11 : memref<125x128xbf16, #tpu.memory_space<vmem>>) offsets(%dma_start3A_176 : memref<125xi32, #tpu.memory_space<vmem>>) semaphore(%arg15 : memref<!tpu.dma_semaphore, #tpu.memory_space<semaphore_mem>>)
        } else {
        }
        %dma_wait3A_145 = arith.constant 0 : i32
        %dma_wait3A_146 = arith.constant 0 : i32
        %dma_wait3A_147 = tpu.memref_slice %arg8[%dma_wait3A_145, %dma_wait3A_146] : memref<160x125xi32, #tpu.memory_space<vmem>> -> memref<1x125xi32, #tpu.memory_space<vmem>>
        %dma_wait3A_148 = tpu.memref_squeeze %dma_wait3A_147 : memref<1x125xi32, #tpu.memory_space<vmem>> -> memref<125xi32, #tpu.memory_space<vmem>>
        %dma_wait3A_149 = arith.constant 0 : i32
        %dma_wait3A_150 = arith.constant 0 : i32
        %dma_wait3A_151 = tpu.memref_slice %arg4[%dma_wait3A_149, %dma_wait3A_150] : memref<10240x128xbf16, #tpu.memory_space<hbm>> -> memref<10240x128xbf16, #tpu.memory_space<hbm>>
        tpu.wait_indirect_dma semaphore(%arg17 : memref<!tpu.dma_semaphore, #tpu.memory_space<semaphore_mem>>) src(%dma_wait3A_151 : memref<10240x128xbf16, #tpu.memory_space<hbm>>) dst(%arg13 : memref<125x128xbf16, #tpu.memory_space<vmem>>)
        %add3A_152 = arith.constant 3 : i32
        %add3A_153 = arith.addi %mul3A_66, %add3A_152 : i32
        %dma_start3A_154 = arith.constant 0 : i32
        %dma_start3A_155 = tpu.memref_slice %arg9[%add3A_153, %dma_start3A_154] : memref<160x125xi32, #tpu.memory_space<vmem>> -> memref<1x125xi32, #tpu.memory_space<vmem>>
        %dma_start3A_156 = tpu.memref_squeeze %dma_start3A_155 : memref<1x125xi32, #tpu.memory_space<vmem>> -> memref<125xi32, #tpu.memory_space<vmem>>
        %dma_start3A_157 = arith.constant 0 : i32
        %dma_start3A_158 = arith.constant 0 : i32
        %dma_start3A_159 = tpu.memref_slice %arg7[%dma_start3A_157, %dma_start3A_158] : memref<10240x128xbf16, #tpu.memory_space<vmem_shared>> -> memref<10240x128xbf16, #tpu.memory_space<vmem_shared>>
        tpu.enqueue_indirect_dma source(%arg13 : memref<125x128xbf16, #tpu.memory_space<vmem>>) target(%dma_start3A_159 : memref<10240x128xbf16, #tpu.memory_space<vmem_shared>>) offsets(%dma_start3A_156 : memref<125xi32, #tpu.memory_space<vmem>>) semaphore(%arg21 : memref<!tpu.dma_semaphore, #tpu.memory_space<semaphore_mem>>) {add = true}
        %dma_wait3A_160 = arith.constant 0 : i32
        %dma_wait3A_161 = arith.constant 0 : i32
        %dma_wait3A_162 = tpu.memref_slice %arg9[%dma_wait3A_160, %dma_wait3A_161] : memref<160x125xi32, #tpu.memory_space<vmem>> -> memref<1x125xi32, #tpu.memory_space<vmem>>
        %dma_wait3A_163 = tpu.memref_squeeze %dma_wait3A_162 : memref<1x125xi32, #tpu.memory_space<vmem>> -> memref<125xi32, #tpu.memory_space<vmem>>
        %dma_wait3A_164 = arith.constant 0 : i32
        %dma_wait3A_165 = arith.constant 0 : i32
        %dma_wait3A_166 = tpu.memref_slice %arg7[%dma_wait3A_164, %dma_wait3A_165] : memref<10240x128xbf16, #tpu.memory_space<vmem_shared>> -> memref<10240x128xbf16, #tpu.memory_space<vmem_shared>>
        tpu.wait_indirect_dma semaphore(%arg20 : memref<!tpu.dma_semaphore, #tpu.memory_space<semaphore_mem>>) src(%arg12 : memref<125x128xbf16, #tpu.memory_space<vmem>>) dst(%dma_wait3A_166 : memref<10240x128xbf16, #tpu.memory_space<vmem_shared>>)
        %lt3A_167 = arith.constant 39 : i32
        %lt3A_168 = arith.cmpi slt, %add3A_64, %lt3A_167 : i32
        %convert_element_type3A_169 = arith.extui %lt3A_168 : i1 to i32
        %cond3A_170 = arith.constant 0 : i32
        %cond3A_171 = arith.cmpi ne, %convert_element_type3A_169, %cond3A_170 : i32
        scf.if %cond3A_171 {
          %add3A_172 = arith.constant 6 : i32
          %add3A_173 = arith.addi %mul3A_66, %add3A_172 : i32
          %dma_start3A_174 = arith.constant 0 : i32
          %dma_start3A_175 = tpu.memref_slice %arg8[%add3A_173, %dma_start3A_174] : memref<160x125xi32, #tpu.memory_space<vmem>> -> memref<1x125xi32, #tpu.memory_space<vmem>>
          %dma_start3A_176 = tpu.memref_squeeze %dma_start3A_175 : memref<1x125xi32, #tpu.memory_space<vmem>> -> memref<125xi32, #tpu.memory_space<vmem>>
          %dma_start3A_177 = arith.constant 0 : i32
          %dma_start3A_178 = arith.constant 0 : i32
          %dma_start3A_179 = tpu.memref_slice %arg4[%dma_start3A_177, %dma_start3A_178] : memref<10240x128xbf16, #tpu.memory_space<hbm>> -> memref<10240x128xbf16, #tpu.memory_space<hbm>>
          tpu.enqueue_indirect_dma source(%dma_start3A_179 : memref<10240x128xbf16, #tpu.memory_space<hbm>>) target(%arg12 : memref<125x128xbf16, #tpu.memory_space<vmem>>) offsets(%dma_start3A_176 : memref<125xi32, #tpu.memory_space<vmem>>) semaphore(%arg16 : memref<!tpu.dma_semaphore, #tpu.memory_space<semaphore_mem>>)
        } else {
        }
      }
      %scan3A_53 = arith.constant 40 : i32
      %dma_wait3A = arith.constant 0 : i32
      %dma_wait3A_54 = arith.constant 0 : i32
      %dma_wait3A_55 = tpu.memref_slice %arg9[%dma_wait3A, %dma_wait3A_54] : memref<160x125xi32, #tpu.memory_space<vmem>> -> memref<1x125xi32, #tpu.memory_space<vmem>>
      %dma_wait3A_56 = tpu.memref_squeeze %dma_wait3A_55 : memref<1x125xi32, #tpu.memory_space<vmem>> -> memref<125xi32, #tpu.memory_space<vmem>>
      %dma_wait3A_57 = arith.constant 0 : i32
      %dma_wait3A_58 = arith.constant 0 : i32
      %dma_wait3A_59 = tpu.memref_slice %arg7[%dma_wait3A_57, %dma_wait3A_58] : memref<10240x128xbf16, #tpu.memory_space<vmem_shared>> -> memref<10240x128xbf16, #tpu.memory_space<vmem_shared>>
      tpu.wait_indirect_dma semaphore(%arg21 : memref<!tpu.dma_semaphore, #tpu.memory_space<semaphore_mem>>) src(%arg13 : memref<125x128xbf16, #tpu.memory_space<vmem>>) dst(%dma_wait3A_59 : memref<10240x128xbf16, #tpu.memory_space<vmem_shared>>)
    } else {
    }
    %barrier3A_16 = arith.constant 0 : index
    tpu.barrier barrier_id(%barrier3A_16)
    %eq3A_17 = arith.constant 0 : i32
    %eq3A_18 = arith.cmpi eq, %arg0, %eq3A_17 : i32
    %convert_element_type3A_19 = arith.extui %eq3A_18 : i1 to i32
    %cond3A_20 = arith.constant 0 : i32
    %cond3A_21 = arith.cmpi ne, %convert_element_type3A_19, %cond3A_20 : i32
    scf.if %cond3A_21 {
      %mul3A = arith.constant 640 : i32
      %mul3A_27 = arith.muli %arg1, %mul3A : i32
      "tpu.region"() ({
        %run_scoped3A = tpu.sem_alloc : memref<!tpu.dma_semaphore, #tpu.memory_space<semaphore_mem>>
        %dma_start3A = arith.constant 0 : i32
        %dma_start3A_28 = tpu.memref_slice %arg5[%mul3A_27, %dma_start3A] : memref<10240x128xbf16, #tpu.memory_space<hbm>> -> memref<640x128xbf16, #tpu.memory_space<hbm>>
        %dma_start3A_29 = arith.constant 0 : i32
        %dma_start3A_30 = tpu.memref_slice %arg7[%mul3A_27, %dma_start3A_29] : memref<10240x128xbf16, #tpu.memory_space<vmem_shared>> -> memref<640x128xbf16, #tpu.memory_space<vmem_shared>>
        tpu.enqueue_dma source(%dma_start3A_30 : memref<640x128xbf16, #tpu.memory_space<vmem_shared>>) target(%dma_start3A_28 : memref<640x128xbf16, #tpu.memory_space<hbm>>) target_semaphore(%run_scoped3A : memref<!tpu.dma_semaphore, #tpu.memory_space<semaphore_mem>>)
        %dma_wait3A = arith.constant 0 : i32
        %dma_wait3A_31 = tpu.memref_slice %arg5[%mul3A_27, %dma_wait3A] : memref<10240x128xbf16, #tpu.memory_space<hbm>> -> memref<640x128xbf16, #tpu.memory_space<hbm>>
        %dma_wait3A_32 = arith.constant 0 : i32
        %dma_wait3A_33 = tpu.memref_slice %arg7[%mul3A_27, %dma_wait3A_32] : memref<10240x128xbf16, #tpu.memory_space<vmem_shared>> -> memref<640x128xbf16, #tpu.memory_space<vmem_shared>>
        tpu.wait_dma2 semaphore(%run_scoped3A : memref<!tpu.dma_semaphore, #tpu.memory_space<semaphore_mem>>) src(%dma_wait3A_33 : memref<640x128xbf16, #tpu.memory_space<vmem_shared>>) dst(%dma_wait3A_31 : memref<640x128xbf16, #tpu.memory_space<hbm>>)
        tpu.yield
      }) : () -> ()
    } else {
    }
    %eq3A_22 = arith.constant 1 : i32
    %eq3A_23 = arith.cmpi eq, %arg0, %eq3A_22 : i32
    %convert_element_type3A_24 = arith.extui %eq3A_23 : i1 to i32
    %cond3A_25 = arith.constant 0 : i32
    %cond3A_26 = arith.cmpi ne, %convert_element_type3A_24, %cond3A_25 : i32
    scf.if %cond3A_26 {
      %mul3A = arith.constant 640 : i32
      %mul3A_27 = arith.muli %arg1, %mul3A : i32
      "tpu.region"() ({
        %run_scoped3A = tpu.sem_alloc : memref<!tpu.dma_semaphore, #tpu.memory_space<semaphore_mem>>
        %dma_start3A = arith.constant 0 : i32
        %dma_start3A_28 = tpu.memref_slice %arg6[%mul3A_27, %dma_start3A] : memref<10240x128xbf16, #tpu.memory_space<hbm>> -> memref<640x128xbf16, #tpu.memory_space<hbm>>
        %dma_start3A_29 = arith.constant 0 : i32
        %dma_start3A_30 = tpu.memref_slice %arg7[%mul3A_27, %dma_start3A_29] : memref<10240x128xbf16, #tpu.memory_space<vmem_shared>> -> memref<640x128xbf16, #tpu.memory_space<vmem_shared>>
        tpu.enqueue_dma source(%dma_start3A_30 : memref<640x128xbf16, #tpu.memory_space<vmem_shared>>) target(%dma_start3A_28 : memref<640x128xbf16, #tpu.memory_space<hbm>>) target_semaphore(%run_scoped3A : memref<!tpu.dma_semaphore, #tpu.memory_space<semaphore_mem>>)
        %dma_wait3A = arith.constant 0 : i32
        %dma_wait3A_31 = tpu.memref_slice %arg6[%mul3A_27, %dma_wait3A] : memref<10240x128xbf16, #tpu.memory_space<hbm>> -> memref<640x128xbf16, #tpu.memory_space<hbm>>
        %dma_wait3A_32 = arith.constant 0 : i32
        %dma_wait3A_33 = tpu.memref_slice %arg7[%mul3A_27, %dma_wait3A_32] : memref<10240x128xbf16, #tpu.memory_space<vmem_shared>> -> memref<640x128xbf16, #tpu.memory_space<vmem_shared>>
        tpu.wait_dma2 semaphore(%run_scoped3A : memref<!tpu.dma_semaphore, #tpu.memory_space<semaphore_mem>>) src(%dma_wait3A_33 : memref<640x128xbf16, #tpu.memory_space<vmem_shared>>) dst(%dma_wait3A_31 : memref<640x128xbf16, #tpu.memory_space<hbm>>)
        tpu.yield
      }) : () -> ()
    } else {
    }
    return
  }
}

#map = affine_map<(d0, d1) -> (0, 0)>
module attributes {stable_mosaic.version = 14 : i64} {
  func.func @_conv1b_body(%arg0: i32, %arg1: i32, %arg2: memref<5120x125xi32, #tpu.memory_space<hbm>>, %arg3: memref<10240x128xbf16, #tpu.memory_space<hbm>>, %arg4: memref<10240x128xbf16, #tpu.memory_space<hbm>>, %arg5: memref<10240x128xbf16, #tpu.memory_space<hbm>>, %arg6: memref<10240x128xbf16, #tpu.memory_space<vmem_shared>>, %arg7: memref<160x125xi32, #tpu.memory_space<vmem>>, %arg8: memref<160x125xi32, #tpu.memory_space<vmem>>, %arg9: memref<125x128xbf16, #tpu.memory_space<vmem>>, %arg10: memref<125x128xbf16, #tpu.memory_space<vmem>>, %arg11: memref<125x128xbf16, #tpu.memory_space<vmem>>, %arg12: memref<125x128xbf16, #tpu.memory_space<vmem>>, %arg13: memref<!tpu.dma_semaphore, #tpu.memory_space<semaphore_mem>>, %arg14: memref<!tpu.dma_semaphore, #tpu.memory_space<semaphore_mem>>, %arg15: memref<!tpu.dma_semaphore, #tpu.memory_space<semaphore_mem>>, %arg16: memref<!tpu.dma_semaphore, #tpu.memory_space<semaphore_mem>>, %arg17: memref<!tpu.dma_semaphore, #tpu.memory_space<semaphore_mem>>, %arg18: memref<!tpu.dma_semaphore, #tpu.memory_space<semaphore_mem>>, %arg19: memref<!tpu.dma_semaphore, #tpu.memory_space<semaphore_mem>>, %arg20: memref<!tpu.dma_semaphore, #tpu.memory_space<semaphore_mem>>) attributes {dimension_semantics = [#tpu.dimension_semantics<core_parallel>, #tpu.dimension_semantics<subcore_parallel>], iteration_bounds = array<i64: 2, 16>, scalar_prefetch = 0 : i64, scratch_operands = 15 : i64, tpu.core_type = #tpu.core_type<sc_vector_subcore>, window_params = [{transform_indices = #map}, {transform_indices = #map}, {transform_indices = #map}, {transform_indices = #map}]} {
    %scan3A = arith.constant 0 : i32
    %scan3A_0 = arith.constant 125 : i32
    %scan3A_1 = arith.addi %scan3A, %scan3A_0 : i32
    %scan3A_2 = arith.constant 1 : i32
    scf.for %scan3A_53 = %scan3A to %scan3A_1 step %scan3A_2  : i32 {
      %mul3A_54 = arith.constant 1 : i32
      %mul3A_55 = arith.muli %scan3A_53, %mul3A_54 : i32
      %add3A_56 = arith.constant 0 : i32
      %add3A_57 = arith.addi %add3A_56, %mul3A_55 : i32
      %scan3A_58 = arith.constant 0 : i32
      %scan3A_59 = arith.constant 4 : i32
      %scan3A_60 = arith.addi %scan3A_58, %scan3A_59 : i32
      %scan3A_61 = arith.constant 1 : i32
      scf.for %scan3A_63 = %scan3A_58 to %scan3A_60 step %scan3A_61  : i32 {
        %mul3A_64 = arith.constant 1 : i32
        %mul3A_65 = arith.muli %scan3A_63, %mul3A_64 : i32
        %add3A_66 = arith.constant 0 : i32
        %add3A_67 = arith.addi %add3A_66, %mul3A_65 : i32
        %broadcast_in_dim3A = arith.constant 0.000000e+00 : bf16
        %broadcast_in_dim3A_68 = vector.broadcast %broadcast_in_dim3A : bf16 to vector<32xbf16>
        %mul3A_69 = arith.constant 32 : i32
        %mul3A_70 = arith.muli %add3A_67, %mul3A_69 : i32
        %swap3A = arith.index_cast %add3A_57 : i32 to index
        %swap3A_71 = arith.index_cast %mul3A_70 : i32 to index
        %swap3A_72 = tpu.vector_load %arg9[%swap3A, %swap3A_71] {strides = array<i32>} : memref<125x128xbf16, #tpu.memory_space<vmem>>, vector<32xbf16>,
        tpu.vector_store %arg9[%swap3A, %swap3A_71], %broadcast_in_dim3A_68 {strides = array<i32>} : memref<125x128xbf16, #tpu.memory_space<vmem>>, vector<32xbf16>,
      }
      %scan3A_62 = arith.constant 4 : i32
    }
    %scan3A_3 = arith.constant 125 : i32
    %scan3A_4 = arith.constant 0 : i32
    %scan3A_5 = arith.constant 8 : i32
    %scan3A_6 = arith.addi %scan3A_4, %scan3A_5 : i32
    %scan3A_7 = arith.constant 1 : i32
    scf.for %scan3A_53 = %scan3A_4 to %scan3A_6 step %scan3A_7  : i32 {
      %mul3A_54 = arith.constant 1 : i32
      %mul3A_55 = arith.muli %scan3A_53, %mul3A_54 : i32
      %add3A_56 = arith.constant 0 : i32
      %add3A_57 = arith.addi %add3A_56, %mul3A_55 : i32
      %mul3A_58 = arith.constant 640 : i32
      %mul3A_59 = arith.muli %arg1, %mul3A_58 : i32
      %mul3A_60 = arith.constant 80 : i32
      %mul3A_61 = arith.muli %add3A_57, %mul3A_60 : i32
      %add3A_62 = arith.addi %mul3A_59, %mul3A_61 : i32
      "tpu.region"() ({
        %run_scoped3A = tpu.sem_alloc : memref<!tpu.dma_semaphore, #tpu.memory_space<semaphore_mem>>
        %dma_start3A_63 = arith.constant 0 : i32
        %dma_start3A_64 = arith.constant 0 : i32
        %dma_start3A_65 = tpu.memref_slice %arg9[%dma_start3A_63, %dma_start3A_64] : memref<125x128xbf16, #tpu.memory_space<vmem>> -> memref<80x128xbf16, #tpu.memory_space<vmem>>
        %dma_start3A_66 = arith.constant 0 : i32
        %dma_start3A_67 = tpu.memref_slice %arg6[%add3A_62, %dma_start3A_66] : memref<10240x128xbf16, #tpu.memory_space<vmem_shared>> -> memref<80x128xbf16, #tpu.memory_space<vmem_shared>>
        %dma_start3A_68 = arith.constant 0 : i32
        %dma_start3A_69 = tpu.memref_slice %arg6[%add3A_62, %dma_start3A_68] : memref<10240x128xbf16, #tpu.memory_space<vmem_shared>> -> memref<80x128xbf16, #tpu.memory_space<vmem_shared>>
        %dma_start3A_70 = arith.constant 0 : i32
        %dma_start3A_71 = arith.constant 0 : i32
        %dma_start3A_72 = tpu.memref_slice %arg9[%dma_start3A_70, %dma_start3A_71] : memref<125x128xbf16, #tpu.memory_space<vmem>> -> memref<80x128xbf16, #tpu.memory_space<vmem>>
        tpu.enqueue_dma source(%dma_start3A_72 : memref<80x128xbf16, #tpu.memory_space<vmem>>) target(%dma_start3A_69 : memref<80x128xbf16, #tpu.memory_space<vmem_shared>>) target_semaphore(%run_scoped3A : memref<!tpu.dma_semaphore, #tpu.memory_space<semaphore_mem>>)
        %dma_wait3A_73 = arith.constant 0 : i32
        %dma_wait3A_74 = arith.constant 0 : i32
        %dma_wait3A_75 = tpu.memref_slice %arg9[%dma_wait3A_73, %dma_wait3A_74] : memref<125x128xbf16, #tpu.memory_space<vmem>> -> memref<80x128xbf16, #tpu.memory_space<vmem>>
        %dma_wait3A_76 = arith.constant 0 : i32
        %dma_wait3A_77 = tpu.memref_slice %arg6[%add3A_62, %dma_wait3A_76] : memref<10240x128xbf16, #tpu.memory_space<vmem_shared>> -> memref<80x128xbf16, #tpu.memory_space<vmem_shared>>
        %dma_wait3A_78 = arith.constant 0 : i32
        %dma_wait3A_79 = tpu.memref_slice %arg6[%add3A_62, %dma_wait3A_78] : memref<10240x128xbf16, #tpu.memory_space<vmem_shared>> -> memref<80x128xbf16, #tpu.memory_space<vmem_shared>>
        %dma_wait3A_80 = arith.constant 0 : i32
        %dma_wait3A_81 = arith.constant 0 : i32
        %dma_wait3A_82 = tpu.memref_slice %arg9[%dma_wait3A_80, %dma_wait3A_81] : memref<125x128xbf16, #tpu.memory_space<vmem>> -> memref<80x128xbf16, #tpu.memory_space<vmem>>
        tpu.wait_dma2 semaphore(%run_scoped3A : memref<!tpu.dma_semaphore, #tpu.memory_space<semaphore_mem>>) src(%dma_wait3A_82 : memref<80x128xbf16, #tpu.memory_space<vmem>>) dst(%dma_wait3A_79 : memref<80x128xbf16, #tpu.memory_space<vmem_shared>>)
        tpu.yield
      }) : () -> ()
    }
    %scan3A_8 = arith.constant 8 : i32
    %barrier3A = arith.constant 0 : index
    tpu.barrier barrier_id(%barrier3A)
    %mul3A = arith.constant 1280 : i32
    %mul3A_9 = arith.muli %arg0, %mul3A : i32
    %mul3A_10 = arith.constant 80 : i32
    %mul3A_11 = arith.muli %arg1, %mul3A_10 : i32
    %add3A = arith.addi %mul3A_9, %mul3A_11 : i32
    "tpu.region"() ({
      %run_scoped3A = tpu.sem_alloc : memref<!tpu.dma_semaphore, #tpu.memory_space<semaphore_mem>>
      %dma_start3A_53 = arith.constant 0 : i32
      %dma_start3A_54 = arith.constant 0 : i32
      %dma_start3A_55 = tpu.memref_slice %arg7[%dma_start3A_53, %dma_start3A_54] : memref<160x125xi32, #tpu.memory_space<vmem>> -> memref<80x125xi32, #tpu.memory_space<vmem>>
      %dma_start3A_56 = arith.constant 0 : i32
      %dma_start3A_57 = tpu.memref_slice %arg2[%add3A, %dma_start3A_56] : memref<5120x125xi32, #tpu.memory_space<hbm>> -> memref<80x125xi32, #tpu.memory_space<hbm>>
      %dma_start3A_58 = arith.constant 0 : i32
      %dma_start3A_59 = arith.constant 0 : i32
      %dma_start3A_60 = tpu.memref_slice %arg7[%dma_start3A_58, %dma_start3A_59] : memref<160x125xi32, #tpu.memory_space<vmem>> -> memref<80x125xi32, #tpu.memory_space<vmem>>
      %dma_start3A_61 = arith.constant 0 : i32
      %dma_start3A_62 = tpu.memref_slice %arg2[%add3A, %dma_start3A_61] : memref<5120x125xi32, #tpu.memory_space<hbm>> -> memref<80x125xi32, #tpu.memory_space<hbm>>
      tpu.enqueue_dma source(%dma_start3A_62 : memref<80x125xi32, #tpu.memory_space<hbm>>) target(%dma_start3A_60 : memref<80x125xi32, #tpu.memory_space<vmem>>) target_semaphore(%run_scoped3A : memref<!tpu.dma_semaphore, #tpu.memory_space<semaphore_mem>>)
      %dma_wait3A_63 = arith.constant 0 : i32
      %dma_wait3A_64 = arith.constant 0 : i32
      %dma_wait3A_65 = tpu.memref_slice %arg7[%dma_wait3A_63, %dma_wait3A_64] : memref<160x125xi32, #tpu.memory_space<vmem>> -> memref<80x125xi32, #tpu.memory_space<vmem>>
      %dma_wait3A_66 = arith.constant 0 : i32
      %dma_wait3A_67 = tpu.memref_slice %arg2[%add3A, %dma_wait3A_66] : memref<5120x125xi32, #tpu.memory_space<hbm>> -> memref<80x125xi32, #tpu.memory_space<hbm>>
      %dma_wait3A_68 = arith.constant 0 : i32
      %dma_wait3A_69 = arith.constant 0 : i32
      %dma_wait3A_70 = tpu.memref_slice %arg7[%dma_wait3A_68, %dma_wait3A_69] : memref<160x125xi32, #tpu.memory_space<vmem>> -> memref<80x125xi32, #tpu.memory_space<vmem>>
      %dma_wait3A_71 = arith.constant 0 : i32
      %dma_wait3A_72 = tpu.memref_slice %arg2[%add3A, %dma_wait3A_71] : memref<5120x125xi32, #tpu.memory_space<hbm>> -> memref<80x125xi32, #tpu.memory_space<hbm>>
      tpu.wait_dma2 semaphore(%run_scoped3A : memref<!tpu.dma_semaphore, #tpu.memory_space<semaphore_mem>>) src(%dma_wait3A_72 : memref<80x125xi32, #tpu.memory_space<hbm>>) dst(%dma_wait3A_70 : memref<80x125xi32, #tpu.memory_space<vmem>>)
      tpu.yield
    }) : () -> ()
    %add3A_12 = arith.constant 2560 : i32
    %add3A_13 = arith.addi %add3A_12, %add3A : i32
    "tpu.region"() ({
      %run_scoped3A = tpu.sem_alloc : memref<!tpu.dma_semaphore, #tpu.memory_space<semaphore_mem>>
      %dma_start3A_53 = arith.constant 0 : i32
      %dma_start3A_54 = arith.constant 0 : i32
      %dma_start3A_55 = tpu.memref_slice %arg8[%dma_start3A_53, %dma_start3A_54] : memref<160x125xi32, #tpu.memory_space<vmem>> -> memref<80x125xi32, #tpu.memory_space<vmem>>
      %dma_start3A_56 = arith.constant 0 : i32
      %dma_start3A_57 = tpu.memref_slice %arg2[%add3A_13, %dma_start3A_56] : memref<5120x125xi32, #tpu.memory_space<hbm>> -> memref<80x125xi32, #tpu.memory_space<hbm>>
      %dma_start3A_58 = arith.constant 0 : i32
      %dma_start3A_59 = arith.constant 0 : i32
      %dma_start3A_60 = tpu.memref_slice %arg8[%dma_start3A_58, %dma_start3A_59] : memref<160x125xi32, #tpu.memory_space<vmem>> -> memref<80x125xi32, #tpu.memory_space<vmem>>
      %dma_start3A_61 = arith.constant 0 : i32
      %dma_start3A_62 = tpu.memref_slice %arg2[%add3A_13, %dma_start3A_61] : memref<5120x125xi32, #tpu.memory_space<hbm>> -> memref<80x125xi32, #tpu.memory_space<hbm>>
      tpu.enqueue_dma source(%dma_start3A_62 : memref<80x125xi32, #tpu.memory_space<hbm>>) target(%dma_start3A_60 : memref<80x125xi32, #tpu.memory_space<vmem>>) target_semaphore(%run_scoped3A : memref<!tpu.dma_semaphore, #tpu.memory_space<semaphore_mem>>)
      %dma_wait3A_63 = arith.constant 0 : i32
      %dma_wait3A_64 = arith.constant 0 : i32
      %dma_wait3A_65 = tpu.memref_slice %arg8[%dma_wait3A_63, %dma_wait3A_64] : memref<160x125xi32, #tpu.memory_space<vmem>> -> memref<80x125xi32, #tpu.memory_space<vmem>>
      %dma_wait3A_66 = arith.constant 0 : i32
      %dma_wait3A_67 = tpu.memref_slice %arg2[%add3A_13, %dma_wait3A_66] : memref<5120x125xi32, #tpu.memory_space<hbm>> -> memref<80x125xi32, #tpu.memory_space<hbm>>
      %dma_wait3A_68 = arith.constant 0 : i32
      %dma_wait3A_69 = arith.constant 0 : i32
      %dma_wait3A_70 = tpu.memref_slice %arg8[%dma_wait3A_68, %dma_wait3A_69] : memref<160x125xi32, #tpu.memory_space<vmem>> -> memref<80x125xi32, #tpu.memory_space<vmem>>
      %dma_wait3A_71 = arith.constant 0 : i32
      %dma_wait3A_72 = tpu.memref_slice %arg2[%add3A_13, %dma_wait3A_71] : memref<5120x125xi32, #tpu.memory_space<hbm>> -> memref<80x125xi32, #tpu.memory_space<hbm>>
      tpu.wait_dma2 semaphore(%run_scoped3A : memref<!tpu.dma_semaphore, #tpu.memory_space<semaphore_mem>>) src(%dma_wait3A_72 : memref<80x125xi32, #tpu.memory_space<hbm>>) dst(%dma_wait3A_70 : memref<80x125xi32, #tpu.memory_space<vmem>>)
      tpu.yield
    }) : () -> ()
    %dma_start3A = arith.constant 0 : i32
    %dma_start3A_14 = arith.constant 0 : i32
    %dma_start3A_15 = tpu.memref_slice %arg7[%dma_start3A, %dma_start3A_14] : memref<160x125xi32, #tpu.memory_space<vmem>> -> memref<1x125xi32, #tpu.memory_space<vmem>>
    %dma_start3A_16 = tpu.memref_squeeze %dma_start3A_15 : memref<1x125xi32, #tpu.memory_space<vmem>> -> memref<125xi32, #tpu.memory_space<vmem>>
    %dma_start3A_17 = arith.constant 0 : i32
    %dma_start3A_18 = arith.constant 0 : i32
    %dma_start3A_19 = tpu.memref_slice %arg3[%dma_start3A_17, %dma_start3A_18] : memref<10240x128xbf16, #tpu.memory_space<hbm>> -> memref<10240x128xbf16, #tpu.memory_space<hbm>>
    tpu.enqueue_indirect_dma source(%dma_start3A_19 : memref<10240x128xbf16, #tpu.memory_space<hbm>>) target(%arg9 : memref<125x128xbf16, #tpu.memory_space<vmem>>) offsets(%dma_start3A_16 : memref<125xi32, #tpu.memory_space<vmem>>) semaphore(%arg13 : memref<!tpu.dma_semaphore, #tpu.memory_space<semaphore_mem>>)
    %dma_start3A_20 = arith.constant 1 : i32
    %dma_start3A_21 = arith.constant 0 : i32
    %dma_start3A_22 = tpu.memref_slice %arg7[%dma_start3A_20, %dma_start3A_21] : memref<160x125xi32, #tpu.memory_space<vmem>> -> memref<1x125xi32, #tpu.memory_space<vmem>>
    %dma_start3A_23 = tpu.memref_squeeze %dma_start3A_22 : memref<1x125xi32, #tpu.memory_space<vmem>> -> memref<125xi32, #tpu.memory_space<vmem>>
    %dma_start3A_24 = arith.constant 0 : i32
    %dma_start3A_25 = arith.constant 0 : i32
    %dma_start3A_26 = tpu.memref_slice %arg3[%dma_start3A_24, %dma_start3A_25] : memref<10240x128xbf16, #tpu.memory_space<hbm>> -> memref<10240x128xbf16, #tpu.memory_space<hbm>>
    tpu.enqueue_indirect_dma source(%dma_start3A_26 : memref<10240x128xbf16, #tpu.memory_space<hbm>>) target(%arg10 : memref<125x128xbf16, #tpu.memory_space<vmem>>) offsets(%dma_start3A_23 : memref<125xi32, #tpu.memory_space<vmem>>) semaphore(%arg14 : memref<!tpu.dma_semaphore, #tpu.memory_space<semaphore_mem>>)
    %dma_start3A_27 = arith.constant 2 : i32
    %dma_start3A_28 = arith.constant 0 : i32
    %dma_start3A_29 = tpu.memref_slice %arg7[%dma_start3A_27, %dma_start3A_28] : memref<160x125xi32, #tpu.memory_space<vmem>> -> memref<1x125xi32, #tpu.memory_space<vmem>>
    %dma_start3A_30 = tpu.memref_squeeze %dma_start3A_29 : memref<1x125xi32, #tpu.memory_space<vmem>> -> memref<125xi32, #tpu.memory_space<vmem>>
    %dma_start3A_31 = arith.constant 0 : i32
    %dma_start3A_32 = arith.constant 0 : i32
    %dma_start3A_33 = tpu.memref_slice %arg3[%dma_start3A_31, %dma_start3A_32] : memref<10240x128xbf16, #tpu.memory_space<hbm>> -> memref<10240x128xbf16, #tpu.memory_space<hbm>>
    tpu.enqueue_indirect_dma source(%dma_start3A_33 : memref<10240x128xbf16, #tpu.memory_space<hbm>>) target(%arg11 : memref<125x128xbf16, #tpu.memory_space<vmem>>) offsets(%dma_start3A_30 : memref<125xi32, #tpu.memory_space<vmem>>) semaphore(%arg15 : memref<!tpu.dma_semaphore, #tpu.memory_space<semaphore_mem>>)
    %scan3A_34 = arith.constant 0 : i32
    %scan3A_35 = arith.constant 20 : i32
    %scan3A_36 = arith.addi %scan3A_34, %scan3A_35 : i32
    %scan3A_37 = arith.constant 1 : i32
    scf.for %scan3A_53 = %scan3A_34 to %scan3A_36 step %scan3A_37  : i32 {
      %mul3A_54 = arith.constant 1 : i32
      %mul3A_55 = arith.muli %scan3A_53, %mul3A_54 : i32
      %add3A_56 = arith.constant 0 : i32
      %add3A_57 = arith.addi %add3A_56, %mul3A_55 : i32
      %mul3A_58 = arith.constant 4 : i32
      %mul3A_59 = arith.muli %mul3A_58, %add3A_57 : i32
      %dma_wait3A_60 = arith.constant 0 : i32
      %dma_wait3A_61 = arith.constant 0 : i32
      %dma_wait3A_62 = tpu.memref_slice %arg7[%dma_wait3A_60, %dma_wait3A_61] : memref<160x125xi32, #tpu.memory_space<vmem>> -> memref<1x125xi32, #tpu.memory_space<vmem>>
      %dma_wait3A_63 = tpu.memref_squeeze %dma_wait3A_62 : memref<1x125xi32, #tpu.memory_space<vmem>> -> memref<125xi32, #tpu.memory_space<vmem>>
      %dma_wait3A_64 = arith.constant 0 : i32
      %dma_wait3A_65 = arith.constant 0 : i32
      %dma_wait3A_66 = tpu.memref_slice %arg3[%dma_wait3A_64, %dma_wait3A_65] : memref<10240x128xbf16, #tpu.memory_space<hbm>> -> memref<10240x128xbf16, #tpu.memory_space<hbm>>
      tpu.wait_indirect_dma semaphore(%arg13 : memref<!tpu.dma_semaphore, #tpu.memory_space<semaphore_mem>>) src(%dma_wait3A_66 : memref<10240x128xbf16, #tpu.memory_space<hbm>>) dst(%arg9 : memref<125x128xbf16, #tpu.memory_space<vmem>>)
      %dma_start3A_67 = arith.constant 0 : i32
      %dma_start3A_68 = tpu.memref_slice %arg8[%mul3A_59, %dma_start3A_67] : memref<160x125xi32, #tpu.memory_space<vmem>> -> memref<1x125xi32, #tpu.memory_space<vmem>>
      %dma_start3A_69 = tpu.memref_squeeze %dma_start3A_68 : memref<1x125xi32, #tpu.memory_space<vmem>> -> memref<125xi32, #tpu.memory_space<vmem>>
      %dma_start3A_70 = arith.constant 0 : i32
      %dma_start3A_71 = arith.constant 0 : i32
      %dma_start3A_72 = tpu.memref_slice %arg6[%dma_start3A_70, %dma_start3A_71] : memref<10240x128xbf16, #tpu.memory_space<vmem_shared>> -> memref<10240x128xbf16, #tpu.memory_space<vmem_shared>>
      tpu.enqueue_indirect_dma source(%arg9 : memref<125x128xbf16, #tpu.memory_space<vmem>>) target(%dma_start3A_72 : memref<10240x128xbf16, #tpu.memory_space<vmem_shared>>) offsets(%dma_start3A_69 : memref<125xi32, #tpu.memory_space<vmem>>) semaphore(%arg17 : memref<!tpu.dma_semaphore, #tpu.memory_space<semaphore_mem>>) {add = true}
      %gt3A = arith.constant 0 : i32
      %gt3A_73 = arith.cmpi sgt, %add3A_57, %gt3A : i32
      %convert_element_type3A_74 = arith.extui %gt3A_73 : i1 to i32
      %cond3A_75 = arith.constant 0 : i32
      %cond3A_76 = arith.cmpi ne, %convert_element_type3A_74, %cond3A_75 : i32
      scf.if %cond3A_76 {
        %dma_wait3A_165 = arith.constant 0 : i32
        %dma_wait3A_166 = arith.constant 0 : i32
        %dma_wait3A_167 = tpu.memref_slice %arg8[%dma_wait3A_165, %dma_wait3A_166] : memref<160x125xi32, #tpu.memory_space<vmem>> -> memref<1x125xi32, #tpu.memory_space<vmem>>
        %dma_wait3A_168 = tpu.memref_squeeze %dma_wait3A_167 : memref<1x125xi32, #tpu.memory_space<vmem>> -> memref<125xi32, #tpu.memory_space<vmem>>
        %dma_wait3A_169 = arith.constant 0 : i32
        %dma_wait3A_170 = arith.constant 0 : i32
        %dma_wait3A_171 = tpu.memref_slice %arg6[%dma_wait3A_169, %dma_wait3A_170] : memref<10240x128xbf16, #tpu.memory_space<vmem_shared>> -> memref<10240x128xbf16, #tpu.memory_space<vmem_shared>>
        tpu.wait_indirect_dma semaphore(%arg20 : memref<!tpu.dma_semaphore, #tpu.memory_space<semaphore_mem>>) src(%arg12 : memref<125x128xbf16, #tpu.memory_space<vmem>>) dst(%dma_wait3A_171 : memref<10240x128xbf16, #tpu.memory_space<vmem_shared>>)
      } else {
      }
      %add3A_77 = arith.constant 3 : i32
      %add3A_78 = arith.addi %mul3A_59, %add3A_77 : i32
      %dma_start3A_79 = arith.constant 0 : i32
      %dma_start3A_80 = tpu.memref_slice %arg7[%add3A_78, %dma_start3A_79] : memref<160x125xi32, #tpu.memory_space<vmem>> -> memref<1x125xi32, #tpu.memory_space<vmem>>
      %dma_start3A_81 = tpu.memref_squeeze %dma_start3A_80 : memref<1x125xi32, #tpu.memory_space<vmem>> -> memref<125xi32, #tpu.memory_space<vmem>>
      %dma_start3A_82 = arith.constant 0 : i32
      %dma_start3A_83 = arith.constant 0 : i32
      %dma_start3A_84 = tpu.memref_slice %arg3[%dma_start3A_82, %dma_start3A_83] : memref<10240x128xbf16, #tpu.memory_space<hbm>> -> memref<10240x128xbf16, #tpu.memory_space<hbm>>
      tpu.enqueue_indirect_dma source(%dma_start3A_84 : memref<10240x128xbf16, #tpu.memory_space<hbm>>) target(%arg12 : memref<125x128xbf16, #tpu.memory_space<vmem>>) offsets(%dma_start3A_81 : memref<125xi32, #tpu.memory_space<vmem>>) semaphore(%arg16 : memref<!tpu.dma_semaphore, #tpu.memory_space<semaphore_mem>>)
      %dma_wait3A_85 = arith.constant 0 : i32
      %dma_wait3A_86 = arith.constant 0 : i32
      %dma_wait3A_87 = tpu.memref_slice %arg7[%dma_wait3A_85, %dma_wait3A_86] : memref<160x125xi32, #tpu.memory_space<vmem>> -> memref<1x125xi32, #tpu.memory_space<vmem>>
      %dma_wait3A_88 = tpu.memref_squeeze %dma_wait3A_87 : memref<1x125xi32, #tpu.memory_space<vmem>> -> memref<125xi32, #tpu.memory_space<vmem>>
      %dma_wait3A_89 = arith.constant 0 : i32
      %dma_wait3A_90 = arith.constant 0 : i32
      %dma_wait3A_91 = tpu.memref_slice %arg3[%dma_wait3A_89, %dma_wait3A_90] : memref<10240x128xbf16, #tpu.memory_space<hbm>> -> memref<10240x128xbf16, #tpu.memory_space<hbm>>
      tpu.wait_indirect_dma semaphore(%arg14 : memref<!tpu.dma_semaphore, #tpu.memory_space<semaphore_mem>>) src(%dma_wait3A_91 : memref<10240x128xbf16, #tpu.memory_space<hbm>>) dst(%arg10 : memref<125x128xbf16, #tpu.memory_space<vmem>>)
      %add3A_92 = arith.constant 1 : i32
      %add3A_93 = arith.addi %mul3A_59, %add3A_92 : i32
      %dma_start3A_94 = arith.constant 0 : i32
      %dma_start3A_95 = tpu.memref_slice %arg8[%add3A_93, %dma_start3A_94] : memref<160x125xi32, #tpu.memory_space<vmem>> -> memref<1x125xi32, #tpu.memory_space<vmem>>
      %dma_start3A_96 = tpu.memref_squeeze %dma_start3A_95 : memref<1x125xi32, #tpu.memory_space<vmem>> -> memref<125xi32, #tpu.memory_space<vmem>>
      %dma_start3A_97 = arith.constant 0 : i32
      %dma_start3A_98 = arith.constant 0 : i32
      %dma_start3A_99 = tpu.memref_slice %arg6[%dma_start3A_97, %dma_start3A_98] : memref<10240x128xbf16, #tpu.memory_space<vmem_shared>> -> memref<10240x128xbf16, #tpu.memory_space<vmem_shared>>
      tpu.enqueue_indirect_dma source(%arg10 : memref<125x128xbf16, #tpu.memory_space<vmem>>) target(%dma_start3A_99 : memref<10240x128xbf16, #tpu.memory_space<vmem_shared>>) offsets(%dma_start3A_96 : memref<125xi32, #tpu.memory_space<vmem>>) semaphore(%arg18 : memref<!tpu.dma_semaphore, #tpu.memory_space<semaphore_mem>>) {add = true}
      %dma_wait3A_100 = arith.constant 0 : i32
      %dma_wait3A_101 = arith.constant 0 : i32
      %dma_wait3A_102 = tpu.memref_slice %arg8[%dma_wait3A_100, %dma_wait3A_101] : memref<160x125xi32, #tpu.memory_space<vmem>> -> memref<1x125xi32, #tpu.memory_space<vmem>>
      %dma_wait3A_103 = tpu.memref_squeeze %dma_wait3A_102 : memref<1x125xi32, #tpu.memory_space<vmem>> -> memref<125xi32, #tpu.memory_space<vmem>>
      %dma_wait3A_104 = arith.constant 0 : i32
      %dma_wait3A_105 = arith.constant 0 : i32
      %dma_wait3A_106 = tpu.memref_slice %arg6[%dma_wait3A_104, %dma_wait3A_105] : memref<10240x128xbf16, #tpu.memory_space<vmem_shared>> -> memref<10240x128xbf16, #tpu.memory_space<vmem_shared>>
      tpu.wait_indirect_dma semaphore(%arg17 : memref<!tpu.dma_semaphore, #tpu.memory_space<semaphore_mem>>) src(%arg9 : memref<125x128xbf16, #tpu.memory_space<vmem>>) dst(%dma_wait3A_106 : memref<10240x128xbf16, #tpu.memory_space<vmem_shared>>)
      %lt3A = arith.constant 19 : i32
      %lt3A_107 = arith.cmpi slt, %add3A_57, %lt3A : i32
      %convert_element_type3A_108 = arith.extui %lt3A_107 : i1 to i32
      %cond3A_109 = arith.constant 0 : i32
      %cond3A_110 = arith.cmpi ne, %convert_element_type3A_108, %cond3A_109 : i32
      scf.if %cond3A_110 {
        %add3A_165 = arith.constant 4 : i32
        %add3A_166 = arith.addi %mul3A_59, %add3A_165 : i32
        %dma_start3A_167 = arith.constant 0 : i32
        %dma_start3A_168 = tpu.memref_slice %arg7[%add3A_166, %dma_start3A_167] : memref<160x125xi32, #tpu.memory_space<vmem>> -> memref<1x125xi32, #tpu.memory_space<vmem>>
        %dma_start3A_169 = tpu.memref_squeeze %dma_start3A_168 : memref<1x125xi32, #tpu.memory_space<vmem>> -> memref<125xi32, #tpu.memory_space<vmem>>
        %dma_start3A_170 = arith.constant 0 : i32
        %dma_start3A_171 = arith.constant 0 : i32
        %dma_start3A_172 = tpu.memref_slice %arg3[%dma_start3A_170, %dma_start3A_171] : memref<10240x128xbf16, #tpu.memory_space<hbm>> -> memref<10240x128xbf16, #tpu.memory_space<hbm>>
        tpu.enqueue_indirect_dma source(%dma_start3A_172 : memref<10240x128xbf16, #tpu.memory_space<hbm>>) target(%arg9 : memref<125x128xbf16, #tpu.memory_space<vmem>>) offsets(%dma_start3A_169 : memref<125xi32, #tpu.memory_space<vmem>>) semaphore(%arg13 : memref<!tpu.dma_semaphore, #tpu.memory_space<semaphore_mem>>)
      } else {
      }
      %dma_wait3A_111 = arith.constant 0 : i32
      %dma_wait3A_112 = arith.constant 0 : i32
      %dma_wait3A_113 = tpu.memref_slice %arg7[%dma_wait3A_111, %dma_wait3A_112] : memref<160x125xi32, #tpu.memory_space<vmem>> -> memref<1x125xi32, #tpu.memory_space<vmem>>
      %dma_wait3A_114 = tpu.memref_squeeze %dma_wait3A_113 : memref<1x125xi32, #tpu.memory_space<vmem>> -> memref<125xi32, #tpu.memory_space<vmem>>
      %dma_wait3A_115 = arith.constant 0 : i32
      %dma_wait3A_116 = arith.constant 0 : i32
      %dma_wait3A_117 = tpu.memref_slice %arg3[%dma_wait3A_115, %dma_wait3A_116] : memref<10240x128xbf16, #tpu.memory_space<hbm>> -> memref<10240x128xbf16, #tpu.memory_space<hbm>>
      tpu.wait_indirect_dma semaphore(%arg15 : memref<!tpu.dma_semaphore, #tpu.memory_space<semaphore_mem>>) src(%dma_wait3A_117 : memref<10240x128xbf16, #tpu.memory_space<hbm>>) dst(%arg11 : memref<125x128xbf16, #tpu.memory_space<vmem>>)
      %add3A_118 = arith.constant 2 : i32
      %add3A_119 = arith.addi %mul3A_59, %add3A_118 : i32
      %dma_start3A_120 = arith.constant 0 : i32
      %dma_start3A_121 = tpu.memref_slice %arg8[%add3A_119, %dma_start3A_120] : memref<160x125xi32, #tpu.memory_space<vmem>> -> memref<1x125xi32, #tpu.memory_space<vmem>>
      %dma_start3A_122 = tpu.memref_squeeze %dma_start3A_121 : memref<1x125xi32, #tpu.memory_space<vmem>> -> memref<125xi32, #tpu.memory_space<vmem>>
      %dma_start3A_123 = arith.constant 0 : i32
      %dma_start3A_124 = arith.constant 0 : i32
      %dma_start3A_125 = tpu.memref_slice %arg6[%dma_start3A_123, %dma_start3A_124] : memref<10240x128xbf16, #tpu.memory_space<vmem_shared>> -> memref<10240x128xbf16, #tpu.memory_space<vmem_shared>>
      tpu.enqueue_indirect_dma source(%arg11 : memref<125x128xbf16, #tpu.memory_space<vmem>>) target(%dma_start3A_125 : memref<10240x128xbf16, #tpu.memory_space<vmem_shared>>) offsets(%dma_start3A_122 : memref<125xi32, #tpu.memory_space<vmem>>) semaphore(%arg19 : memref<!tpu.dma_semaphore, #tpu.memory_space<semaphore_mem>>) {add = true}
      %dma_wait3A_126 = arith.constant 0 : i32
      %dma_wait3A_127 = arith.constant 0 : i32
      %dma_wait3A_128 = tpu.memref_slice %arg8[%dma_wait3A_126, %dma_wait3A_127] : memref<160x125xi32, #tpu.memory_space<vmem>> -> memref<1x125xi32, #tpu.memory_space<vmem>>
      %dma_wait3A_129 = tpu.memref_squeeze %dma_wait3A_128 : memref<1x125xi32, #tpu.memory_space<vmem>> -> memref<125xi32, #tpu.memory_space<vmem>>
      %dma_wait3A_130 = arith.constant 0 : i32
      %dma_wait3A_131 = arith.constant 0 : i32
      %dma_wait3A_132 = tpu.memref_slice %arg6[%dma_wait3A_130, %dma_wait3A_131] : memref<10240x128xbf16, #tpu.memory_space<vmem_shared>> -> memref<10240x128xbf16, #tpu.memory_space<vmem_shared>>
      tpu.wait_indirect_dma semaphore(%arg18 : memref<!tpu.dma_semaphore, #tpu.memory_space<semaphore_mem>>) src(%arg10 : memref<125x128xbf16, #tpu.memory_space<vmem>>) dst(%dma_wait3A_132 : memref<10240x128xbf16, #tpu.memory_space<vmem_shared>>)
      %lt3A_133 = arith.constant 19 : i32
      %lt3A_134 = arith.cmpi slt, %add3A_57, %lt3A_133 : i32
      %convert_element_type3A_135 = arith.extui %lt3A_134 : i1 to i32
      %cond3A_136 = arith.constant 0 : i32
      %cond3A_137 = arith.cmpi ne, %convert_element_type3A_135, %cond3A_136 : i32
      scf.if %cond3A_137 {
        %add3A_165 = arith.constant 5 : i32
        %add3A_166 = arith.addi %mul3A_59, %add3A_165 : i32
        %dma_start3A_167 = arith.constant 0 : i32
        %dma_start3A_168 = tpu.memref_slice %arg7[%add3A_166, %dma_start3A_167] : memref<160x125xi32, #tpu.memory_space<vmem>> -> memref<1x125xi32, #tpu.memory_space<vmem>>
        %dma_start3A_169 = tpu.memref_squeeze %dma_start3A_168 : memref<1x125xi32, #tpu.memory_space<vmem>> -> memref<125xi32, #tpu.memory_space<vmem>>
        %dma_start3A_170 = arith.constant 0 : i32
        %dma_start3A_171 = arith.constant 0 : i32
        %dma_start3A_172 = tpu.memref_slice %arg3[%dma_start3A_170, %dma_start3A_171] : memref<10240x128xbf16, #tpu.memory_space<hbm>> -> memref<10240x128xbf16, #tpu.memory_space<hbm>>
        tpu.enqueue_indirect_dma source(%dma_start3A_172 : memref<10240x128xbf16, #tpu.memory_space<hbm>>) target(%arg10 : memref<125x128xbf16, #tpu.memory_space<vmem>>) offsets(%dma_start3A_169 : memref<125xi32, #tpu.memory_space<vmem>>) semaphore(%arg14 : memref<!tpu.dma_semaphore, #tpu.memory_space<semaphore_mem>>)
      } else {
      }
      %dma_wait3A_138 = arith.constant 0 : i32
      %dma_wait3A_139 = arith.constant 0 : i32
      %dma_wait3A_140 = tpu.memref_slice %arg7[%dma_wait3A_138, %dma_wait3A_139] : memref<160x125xi32, #tpu.memory_space<vmem>> -> memref<1x125xi32, #tpu.memory_space<vmem>>
      %dma_wait3A_141 = tpu.memref_squeeze %dma_wait3A_140 : memref<1x125xi32, #tpu.memory_space<vmem>> -> memref<125xi32, #tpu.memory_space<vmem>>
      %dma_wait3A_142 = arith.constant 0 : i32
      %dma_wait3A_143 = arith.constant 0 : i32
      %dma_wait3A_144 = tpu.memref_slice %arg3[%dma_wait3A_142, %dma_wait3A_143] : memref<10240x128xbf16, #tpu.memory_space<hbm>> -> memref<10240x128xbf16, #tpu.memory_space<hbm>>
      tpu.wait_indirect_dma semaphore(%arg16 : memref<!tpu.dma_semaphore, #tpu.memory_space<semaphore_mem>>) src(%dma_wait3A_144 : memref<10240x128xbf16, #tpu.memory_space<hbm>>) dst(%arg12 : memref<125x128xbf16, #tpu.memory_space<vmem>>)
      %add3A_145 = arith.constant 3 : i32
      %add3A_146 = arith.addi %mul3A_59, %add3A_145 : i32
      %dma_start3A_147 = arith.constant 0 : i32
      %dma_start3A_148 = tpu.memref_slice %arg8[%add3A_146, %dma_start3A_147] : memref<160x125xi32, #tpu.memory_space<vmem>> -> memref<1x125xi32, #tpu.memory_space<vmem>>
      %dma_start3A_149 = tpu.memref_squeeze %dma_start3A_148 : memref<1x125xi32, #tpu.memory_space<vmem>> -> memref<125xi32, #tpu.memory_space<vmem>>
      %dma_start3A_150 = arith.constant 0 : i32
      %dma_start3A_151 = arith.constant 0 : i32
      %dma_start3A_152 = tpu.memref_slice %arg6[%dma_start3A_150, %dma_start3A_151] : memref<10240x128xbf16, #tpu.memory_space<vmem_shared>> -> memref<10240x128xbf16, #tpu.memory_space<vmem_shared>>
      tpu.enqueue_indirect_dma source(%arg12 : memref<125x128xbf16, #tpu.memory_space<vmem>>) target(%dma_start3A_152 : memref<10240x128xbf16, #tpu.memory_space<vmem_shared>>) offsets(%dma_start3A_149 : memref<125xi32, #tpu.memory_space<vmem>>) semaphore(%arg20 : memref<!tpu.dma_semaphore, #tpu.memory_space<semaphore_mem>>) {add = true}
      %dma_wait3A_153 = arith.constant 0 : i32
      %dma_wait3A_154 = arith.constant 0 : i32
      %dma_wait3A_155 = tpu.memref_slice %arg8[%dma_wait3A_153, %dma_wait3A_154] : memref<160x125xi32, #tpu.memory_space<vmem>> -> memref<1x125xi32, #tpu.memory_space<vmem>>
      %dma_wait3A_156 = tpu.memref_squeeze %dma_wait3A_155 : memref<1x125xi32, #tpu.memory_space<vmem>> -> memref<125xi32, #tpu.memory_space<vmem>>
      %dma_wait3A_157 = arith.constant 0 : i32
      %dma_wait3A_158 = arith.constant 0 : i32
      %dma_wait3A_159 = tpu.memref_slice %arg6[%dma_wait3A_157, %dma_wait3A_158] : memref<10240x128xbf16, #tpu.memory_space<vmem_shared>> -> memref<10240x128xbf16, #tpu.memory_space<vmem_shared>>
      tpu.wait_indirect_dma semaphore(%arg19 : memref<!tpu.dma_semaphore, #tpu.memory_space<semaphore_mem>>) src(%arg11 : memref<125x128xbf16, #tpu.memory_space<vmem>>) dst(%dma_wait3A_159 : memref<10240x128xbf16, #tpu.memory_space<vmem_shared>>)
      %lt3A_160 = arith.constant 19 : i32
      %lt3A_161 = arith.cmpi slt, %add3A_57, %lt3A_160 : i32
      %convert_element_type3A_162 = arith.extui %lt3A_161 : i1 to i32
      %cond3A_163 = arith.constant 0 : i32
      %cond3A_164 = arith.cmpi ne, %convert_element_type3A_162, %cond3A_163 : i32
      scf.if %cond3A_164 {
        %add3A_165 = arith.constant 6 : i32
        %add3A_166 = arith.addi %mul3A_59, %add3A_165 : i32
        %dma_start3A_167 = arith.constant 0 : i32
        %dma_start3A_168 = tpu.memref_slice %arg7[%add3A_166, %dma_start3A_167] : memref<160x125xi32, #tpu.memory_space<vmem>> -> memref<1x125xi32, #tpu.memory_space<vmem>>
        %dma_start3A_169 = tpu.memref_squeeze %dma_start3A_168 : memref<1x125xi32, #tpu.memory_space<vmem>> -> memref<125xi32, #tpu.memory_space<vmem>>
        %dma_start3A_170 = arith.constant 0 : i32
        %dma_start3A_171 = arith.constant 0 : i32
        %dma_start3A_172 = tpu.memref_slice %arg3[%dma_start3A_170, %dma_start3A_171] : memref<10240x128xbf16, #tpu.memory_space<hbm>> -> memref<10240x128xbf16, #tpu.memory_space<hbm>>
        tpu.enqueue_indirect_dma source(%dma_start3A_172 : memref<10240x128xbf16, #tpu.memory_space<hbm>>) target(%arg11 : memref<125x128xbf16, #tpu.memory_space<vmem>>) offsets(%dma_start3A_169 : memref<125xi32, #tpu.memory_space<vmem>>) semaphore(%arg15 : memref<!tpu.dma_semaphore, #tpu.memory_space<semaphore_mem>>)
      } else {
      }
    }
    %scan3A_38 = arith.constant 20 : i32
    %dma_wait3A = arith.constant 0 : i32
    %dma_wait3A_39 = arith.constant 0 : i32
    %dma_wait3A_40 = tpu.memref_slice %arg8[%dma_wait3A, %dma_wait3A_39] : memref<160x125xi32, #tpu.memory_space<vmem>> -> memref<1x125xi32, #tpu.memory_space<vmem>>
    %dma_wait3A_41 = tpu.memref_squeeze %dma_wait3A_40 : memref<1x125xi32, #tpu.memory_space<vmem>> -> memref<125xi32, #tpu.memory_space<vmem>>
    %dma_wait3A_42 = arith.constant 0 : i32
    %dma_wait3A_43 = arith.constant 0 : i32
    %dma_wait3A_44 = tpu.memref_slice %arg6[%dma_wait3A_42, %dma_wait3A_43] : memref<10240x128xbf16, #tpu.memory_space<vmem_shared>> -> memref<10240x128xbf16, #tpu.memory_space<vmem_shared>>
    tpu.wait_indirect_dma semaphore(%arg20 : memref<!tpu.dma_semaphore, #tpu.memory_space<semaphore_mem>>) src(%arg12 : memref<125x128xbf16, #tpu.memory_space<vmem>>) dst(%dma_wait3A_44 : memref<10240x128xbf16, #tpu.memory_space<vmem_shared>>)
    %barrier3A_45 = arith.constant 0 : index
    tpu.barrier barrier_id(%barrier3A_45)
    %eq3A = arith.constant 0 : i32
    %eq3A_46 = arith.cmpi eq, %arg0, %eq3A : i32
    %convert_element_type3A = arith.extui %eq3A_46 : i1 to i32
    %cond3A = arith.constant 0 : i32
    %cond3A_47 = arith.cmpi ne, %convert_element_type3A, %cond3A : i32
    scf.if %cond3A_47 {
      %mul3A_53 = arith.constant 640 : i32
      %mul3A_54 = arith.muli %arg1, %mul3A_53 : i32
      "tpu.region"() ({
        %run_scoped3A = tpu.sem_alloc : memref<!tpu.dma_semaphore, #tpu.memory_space<semaphore_mem>>
        %dma_start3A_55 = arith.constant 0 : i32
        %dma_start3A_56 = tpu.memref_slice %arg4[%mul3A_54, %dma_start3A_55] : memref<10240x128xbf16, #tpu.memory_space<hbm>> -> memref<640x128xbf16, #tpu.memory_space<hbm>>
        %dma_start3A_57 = arith.constant 0 : i32
        %dma_start3A_58 = tpu.memref_slice %arg6[%mul3A_54, %dma_start3A_57] : memref<10240x128xbf16, #tpu.memory_space<vmem_shared>> -> memref<640x128xbf16, #tpu.memory_space<vmem_shared>>
        tpu.enqueue_dma source(%dma_start3A_58 : memref<640x128xbf16, #tpu.memory_space<vmem_shared>>) target(%dma_start3A_56 : memref<640x128xbf16, #tpu.memory_space<hbm>>) target_semaphore(%run_scoped3A : memref<!tpu.dma_semaphore, #tpu.memory_space<semaphore_mem>>)
        %dma_wait3A_59 = arith.constant 0 : i32
        %dma_wait3A_60 = tpu.memref_slice %arg4[%mul3A_54, %dma_wait3A_59] : memref<10240x128xbf16, #tpu.memory_space<hbm>> -> memref<640x128xbf16, #tpu.memory_space<hbm>>
        %dma_wait3A_61 = arith.constant 0 : i32
        %dma_wait3A_62 = tpu.memref_slice %arg6[%mul3A_54, %dma_wait3A_61] : memref<10240x128xbf16, #tpu.memory_space<vmem_shared>> -> memref<640x128xbf16, #tpu.memory_space<vmem_shared>>
        tpu.wait_dma2 semaphore(%run_scoped3A : memref<!tpu.dma_semaphore, #tpu.memory_space<semaphore_mem>>) src(%dma_wait3A_62 : memref<640x128xbf16, #tpu.memory_space<vmem_shared>>) dst(%dma_wait3A_60 : memref<640x128xbf16, #tpu.memory_space<hbm>>)
        tpu.yield
      }) : () -> ()
    } else {
    }
    %eq3A_48 = arith.constant 1 : i32
    %eq3A_49 = arith.cmpi eq, %arg0, %eq3A_48 : i32
    %convert_element_type3A_50 = arith.extui %eq3A_49 : i1 to i32
    %cond3A_51 = arith.constant 0 : i32
    %cond3A_52 = arith.cmpi ne, %convert_element_type3A_50, %cond3A_51 : i32
    scf.if %cond3A_52 {
      %mul3A_53 = arith.constant 640 : i32
      %mul3A_54 = arith.muli %arg1, %mul3A_53 : i32
      "tpu.region"() ({
        %run_scoped3A = tpu.sem_alloc : memref<!tpu.dma_semaphore, #tpu.memory_space<semaphore_mem>>
        %dma_start3A_55 = arith.constant 0 : i32
        %dma_start3A_56 = tpu.memref_slice %arg5[%mul3A_54, %dma_start3A_55] : memref<10240x128xbf16, #tpu.memory_space<hbm>> -> memref<640x128xbf16, #tpu.memory_space<hbm>>
        %dma_start3A_57 = arith.constant 0 : i32
        %dma_start3A_58 = tpu.memref_slice %arg6[%mul3A_54, %dma_start3A_57] : memref<10240x128xbf16, #tpu.memory_space<vmem_shared>> -> memref<640x128xbf16, #tpu.memory_space<vmem_shared>>
        tpu.enqueue_dma source(%dma_start3A_58 : memref<640x128xbf16, #tpu.memory_space<vmem_shared>>) target(%dma_start3A_56 : memref<640x128xbf16, #tpu.memory_space<hbm>>) target_semaphore(%run_scoped3A : memref<!tpu.dma_semaphore, #tpu.memory_space<semaphore_mem>>)
        %dma_wait3A_59 = arith.constant 0 : i32
        %dma_wait3A_60 = tpu.memref_slice %arg5[%mul3A_54, %dma_wait3A_59] : memref<10240x128xbf16, #tpu.memory_space<hbm>> -> memref<640x128xbf16, #tpu.memory_space<hbm>>
        %dma_wait3A_61 = arith.constant 0 : i32
        %dma_wait3A_62 = tpu.memref_slice %arg6[%mul3A_54, %dma_wait3A_61] : memref<10240x128xbf16, #tpu.memory_space<vmem_shared>> -> memref<640x128xbf16, #tpu.memory_space<vmem_shared>>
        tpu.wait_dma2 semaphore(%run_scoped3A : memref<!tpu.dma_semaphore, #tpu.memory_space<semaphore_mem>>) src(%dma_wait3A_62 : memref<640x128xbf16, #tpu.memory_space<vmem_shared>>) dst(%dma_wait3A_60 : memref<640x128xbf16, #tpu.memory_space<hbm>>)
        tpu.yield
      }) : () -> ()
    } else {
    }
    return
  }
}

#map = affine_map<(d0, d1) -> (0, 0)>
module attributes {stable_mosaic.version = 14 : i64} {
  func.func @_conv1b_body(%arg0: i32, %arg1: i32, %arg2: memref<5120x125xi32, #tpu.memory_space<hbm>>, %arg3: memref<10240x128xbf16, #tpu.memory_space<hbm>>, %arg4: memref<10240x128xbf16, #tpu.memory_space<hbm>>, %arg5: memref<10240x128xbf16, #tpu.memory_space<hbm>>, %arg6: memref<10240x128xbf16, #tpu.memory_space<vmem_shared>>, %arg7: memref<160x125xi32, #tpu.memory_space<vmem>>, %arg8: memref<160x125xi32, #tpu.memory_space<vmem>>, %arg9: memref<125x128xbf16, #tpu.memory_space<vmem>>, %arg10: memref<125x128xbf16, #tpu.memory_space<vmem>>, %arg11: memref<125x128xbf16, #tpu.memory_space<vmem>>, %arg12: memref<125x128xbf16, #tpu.memory_space<vmem>>, %arg13: memref<!tpu.dma_semaphore, #tpu.memory_space<semaphore_mem>>, %arg14: memref<!tpu.dma_semaphore, #tpu.memory_space<semaphore_mem>>, %arg15: memref<!tpu.dma_semaphore, #tpu.memory_space<semaphore_mem>>, %arg16: memref<!tpu.dma_semaphore, #tpu.memory_space<semaphore_mem>>, %arg17: memref<!tpu.dma_semaphore, #tpu.memory_space<semaphore_mem>>, %arg18: memref<!tpu.dma_semaphore, #tpu.memory_space<semaphore_mem>>, %arg19: memref<!tpu.dma_semaphore, #tpu.memory_space<semaphore_mem>>, %arg20: memref<!tpu.dma_semaphore, #tpu.memory_space<semaphore_mem>>) attributes {dimension_semantics = [#tpu.dimension_semantics<core_parallel>, #tpu.dimension_semantics<subcore_parallel>], iteration_bounds = array<i64: 2, 16>, scalar_prefetch = 0 : i64, scratch_operands = 15 : i64, tpu.core_type = #tpu.core_type<sc_vector_subcore>, window_params = [{transform_indices = #map}, {transform_indices = #map}, {transform_indices = #map}, {transform_indices = #map}]} {
    %scan3A = arith.constant 0 : i32
    %scan3A_0 = arith.constant 125 : i32
    %scan3A_1 = arith.addi %scan3A, %scan3A_0 : i32
    %scan3A_2 = arith.constant 1 : i32
    scf.for %scan3A_53 = %scan3A to %scan3A_1 step %scan3A_2  : i32 {
      %mul3A_54 = arith.constant 1 : i32
      %mul3A_55 = arith.muli %scan3A_53, %mul3A_54 : i32
      %add3A_56 = arith.constant 0 : i32
      %add3A_57 = arith.addi %add3A_56, %mul3A_55 : i32
      %scan3A_58 = arith.constant 0 : i32
      %scan3A_59 = arith.constant 4 : i32
      %scan3A_60 = arith.addi %scan3A_58, %scan3A_59 : i32
      %scan3A_61 = arith.constant 1 : i32
      scf.for %scan3A_63 = %scan3A_58 to %scan3A_60 step %scan3A_61  : i32 {
        %mul3A_64 = arith.constant 1 : i32
        %mul3A_65 = arith.muli %scan3A_63, %mul3A_64 : i32
        %add3A_66 = arith.constant 0 : i32
        %add3A_67 = arith.addi %add3A_66, %mul3A_65 : i32
        %broadcast_in_dim3A = arith.constant 0.000000e+00 : bf16
        %broadcast_in_dim3A_68 = vector.broadcast %broadcast_in_dim3A : bf16 to vector<32xbf16>
        %mul3A_69 = arith.constant 32 : i32
        %mul3A_70 = arith.muli %add3A_67, %mul3A_69 : i32
        %swap3A = arith.index_cast %add3A_57 : i32 to index
        %swap3A_71 = arith.index_cast %mul3A_70 : i32 to index
        %swap3A_72 = tpu.vector_load %arg9[%swap3A, %swap3A_71] {strides = array<i32>} : memref<125x128xbf16, #tpu.memory_space<vmem>>, vector<32xbf16>,
        tpu.vector_store %arg9[%swap3A, %swap3A_71], %broadcast_in_dim3A_68 {strides = array<i32>} : memref<125x128xbf16, #tpu.memory_space<vmem>>, vector<32xbf16>,
      }
      %scan3A_62 = arith.constant 4 : i32
    }
    %scan3A_3 = arith.constant 125 : i32
    %scan3A_4 = arith.constant 0 : i32
    %scan3A_5 = arith.constant 8 : i32
    %scan3A_6 = arith.addi %scan3A_4, %scan3A_5 : i32
    %scan3A_7 = arith.constant 1 : i32
    scf.for %scan3A_53 = %scan3A_4 to %scan3A_6 step %scan3A_7  : i32 {
      %mul3A_54 = arith.constant 1 : i32
      %mul3A_55 = arith.muli %scan3A_53, %mul3A_54 : i32
      %add3A_56 = arith.constant 0 : i32
      %add3A_57 = arith.addi %add3A_56, %mul3A_55 : i32
      %mul3A_58 = arith.constant 640 : i32
      %mul3A_59 = arith.muli %arg1, %mul3A_58 : i32
      %mul3A_60 = arith.constant 80 : i32
      %mul3A_61 = arith.muli %add3A_57, %mul3A_60 : i32
      %add3A_62 = arith.addi %mul3A_59, %mul3A_61 : i32
      "tpu.region"() ({
        %run_scoped3A = tpu.sem_alloc : memref<!tpu.dma_semaphore, #tpu.memory_space<semaphore_mem>>
        %dma_start3A_63 = arith.constant 0 : i32
        %dma_start3A_64 = arith.constant 0 : i32
        %dma_start3A_65 = tpu.memref_slice %arg9[%dma_start3A_63, %dma_start3A_64] : memref<125x128xbf16, #tpu.memory_space<vmem>> -> memref<80x128xbf16, #tpu.memory_space<vmem>>
        %dma_start3A_66 = arith.constant 0 : i32
        %dma_start3A_67 = tpu.memref_slice %arg6[%add3A_62, %dma_start3A_66] : memref<10240x128xbf16, #tpu.memory_space<vmem_shared>> -> memref<80x128xbf16, #tpu.memory_space<vmem_shared>>
        %dma_start3A_68 = arith.constant 0 : i32
        %dma_start3A_69 = tpu.memref_slice %arg6[%add3A_62, %dma_start3A_68] : memref<10240x128xbf16, #tpu.memory_space<vmem_shared>> -> memref<80x128xbf16, #tpu.memory_space<vmem_shared>>
        %dma_start3A_70 = arith.constant 0 : i32
        %dma_start3A_71 = arith.constant 0 : i32
        %dma_start3A_72 = tpu.memref_slice %arg9[%dma_start3A_70, %dma_start3A_71] : memref<125x128xbf16, #tpu.memory_space<vmem>> -> memref<80x128xbf16, #tpu.memory_space<vmem>>
        tpu.enqueue_dma source(%dma_start3A_72 : memref<80x128xbf16, #tpu.memory_space<vmem>>) target(%dma_start3A_69 : memref<80x128xbf16, #tpu.memory_space<vmem_shared>>) target_semaphore(%run_scoped3A : memref<!tpu.dma_semaphore, #tpu.memory_space<semaphore_mem>>)
        %dma_wait3A_73 = arith.constant 0 : i32
        %dma_wait3A_74 = arith.constant 0 : i32
        %dma_wait3A_75 = tpu.memref_slice %arg9[%dma_wait3A_73, %dma_wait3A_74] : memref<125x128xbf16, #tpu.memory_space<vmem>> -> memref<80x128xbf16, #tpu.memory_space<vmem>>
        %dma_wait3A_76 = arith.constant 0 : i32
        %dma_wait3A_77 = tpu.memref_slice %arg6[%add3A_62, %dma_wait3A_76] : memref<10240x128xbf16, #tpu.memory_space<vmem_shared>> -> memref<80x128xbf16, #tpu.memory_space<vmem_shared>>
        %dma_wait3A_78 = arith.constant 0 : i32
        %dma_wait3A_79 = tpu.memref_slice %arg6[%add3A_62, %dma_wait3A_78] : memref<10240x128xbf16, #tpu.memory_space<vmem_shared>> -> memref<80x128xbf16, #tpu.memory_space<vmem_shared>>
        %dma_wait3A_80 = arith.constant 0 : i32
        %dma_wait3A_81 = arith.constant 0 : i32
        %dma_wait3A_82 = tpu.memref_slice %arg9[%dma_wait3A_80, %dma_wait3A_81] : memref<125x128xbf16, #tpu.memory_space<vmem>> -> memref<80x128xbf16, #tpu.memory_space<vmem>>
        tpu.wait_dma2 semaphore(%run_scoped3A : memref<!tpu.dma_semaphore, #tpu.memory_space<semaphore_mem>>) src(%dma_wait3A_82 : memref<80x128xbf16, #tpu.memory_space<vmem>>) dst(%dma_wait3A_79 : memref<80x128xbf16, #tpu.memory_space<vmem_shared>>)
        tpu.yield
      }) : () -> ()
    }
    %scan3A_8 = arith.constant 8 : i32
    %barrier3A = arith.constant 0 : index
    tpu.barrier barrier_id(%barrier3A)
    %mul3A = arith.constant 1280 : i32
    %mul3A_9 = arith.muli %arg0, %mul3A : i32
    %mul3A_10 = arith.constant 80 : i32
    %mul3A_11 = arith.muli %arg1, %mul3A_10 : i32
    %add3A = arith.addi %mul3A_9, %mul3A_11 : i32
    "tpu.region"() ({
      %run_scoped3A = tpu.sem_alloc : memref<!tpu.dma_semaphore, #tpu.memory_space<semaphore_mem>>
      %dma_start3A_53 = arith.constant 0 : i32
      %dma_start3A_54 = arith.constant 0 : i32
      %dma_start3A_55 = tpu.memref_slice %arg7[%dma_start3A_53, %dma_start3A_54] : memref<160x125xi32, #tpu.memory_space<vmem>> -> memref<80x125xi32, #tpu.memory_space<vmem>>
      %dma_start3A_56 = arith.constant 0 : i32
      %dma_start3A_57 = tpu.memref_slice %arg2[%add3A, %dma_start3A_56] : memref<5120x125xi32, #tpu.memory_space<hbm>> -> memref<80x125xi32, #tpu.memory_space<hbm>>
      %dma_start3A_58 = arith.constant 0 : i32
      %dma_start3A_59 = arith.constant 0 : i32
      %dma_start3A_60 = tpu.memref_slice %arg7[%dma_start3A_58, %dma_start3A_59] : memref<160x125xi32, #tpu.memory_space<vmem>> -> memref<80x125xi32, #tpu.memory_space<vmem>>
      %dma_start3A_61 = arith.constant 0 : i32
      %dma_start3A_62 = tpu.memref_slice %arg2[%add3A, %dma_start3A_61] : memref<5120x125xi32, #tpu.memory_space<hbm>> -> memref<80x125xi32, #tpu.memory_space<hbm>>
      tpu.enqueue_dma source(%dma_start3A_62 : memref<80x125xi32, #tpu.memory_space<hbm>>) target(%dma_start3A_60 : memref<80x125xi32, #tpu.memory_space<vmem>>) target_semaphore(%run_scoped3A : memref<!tpu.dma_semaphore, #tpu.memory_space<semaphore_mem>>)
      %dma_wait3A_63 = arith.constant 0 : i32
      %dma_wait3A_64 = arith.constant 0 : i32
      %dma_wait3A_65 = tpu.memref_slice %arg7[%dma_wait3A_63, %dma_wait3A_64] : memref<160x125xi32, #tpu.memory_space<vmem>> -> memref<80x125xi32, #tpu.memory_space<vmem>>
      %dma_wait3A_66 = arith.constant 0 : i32
      %dma_wait3A_67 = tpu.memref_slice %arg2[%add3A, %dma_wait3A_66] : memref<5120x125xi32, #tpu.memory_space<hbm>> -> memref<80x125xi32, #tpu.memory_space<hbm>>
      %dma_wait3A_68 = arith.constant 0 : i32
      %dma_wait3A_69 = arith.constant 0 : i32
      %dma_wait3A_70 = tpu.memref_slice %arg7[%dma_wait3A_68, %dma_wait3A_69] : memref<160x125xi32, #tpu.memory_space<vmem>> -> memref<80x125xi32, #tpu.memory_space<vmem>>
      %dma_wait3A_71 = arith.constant 0 : i32
      %dma_wait3A_72 = tpu.memref_slice %arg2[%add3A, %dma_wait3A_71] : memref<5120x125xi32, #tpu.memory_space<hbm>> -> memref<80x125xi32, #tpu.memory_space<hbm>>
      tpu.wait_dma2 semaphore(%run_scoped3A : memref<!tpu.dma_semaphore, #tpu.memory_space<semaphore_mem>>) src(%dma_wait3A_72 : memref<80x125xi32, #tpu.memory_space<hbm>>) dst(%dma_wait3A_70 : memref<80x125xi32, #tpu.memory_space<vmem>>)
      tpu.yield
    }) : () -> ()
    %add3A_12 = arith.constant 2560 : i32
    %add3A_13 = arith.addi %add3A_12, %add3A : i32
    "tpu.region"() ({
      %run_scoped3A = tpu.sem_alloc : memref<!tpu.dma_semaphore, #tpu.memory_space<semaphore_mem>>
      %dma_start3A_53 = arith.constant 0 : i32
      %dma_start3A_54 = arith.constant 0 : i32
      %dma_start3A_55 = tpu.memref_slice %arg8[%dma_start3A_53, %dma_start3A_54] : memref<160x125xi32, #tpu.memory_space<vmem>> -> memref<80x125xi32, #tpu.memory_space<vmem>>
      %dma_start3A_56 = arith.constant 0 : i32
      %dma_start3A_57 = tpu.memref_slice %arg2[%add3A_13, %dma_start3A_56] : memref<5120x125xi32, #tpu.memory_space<hbm>> -> memref<80x125xi32, #tpu.memory_space<hbm>>
      %dma_start3A_58 = arith.constant 0 : i32
      %dma_start3A_59 = arith.constant 0 : i32
      %dma_start3A_60 = tpu.memref_slice %arg8[%dma_start3A_58, %dma_start3A_59] : memref<160x125xi32, #tpu.memory_space<vmem>> -> memref<80x125xi32, #tpu.memory_space<vmem>>
      %dma_start3A_61 = arith.constant 0 : i32
      %dma_start3A_62 = tpu.memref_slice %arg2[%add3A_13, %dma_start3A_61] : memref<5120x125xi32, #tpu.memory_space<hbm>> -> memref<80x125xi32, #tpu.memory_space<hbm>>
      tpu.enqueue_dma source(%dma_start3A_62 : memref<80x125xi32, #tpu.memory_space<hbm>>) target(%dma_start3A_60 : memref<80x125xi32, #tpu.memory_space<vmem>>) target_semaphore(%run_scoped3A : memref<!tpu.dma_semaphore, #tpu.memory_space<semaphore_mem>>)
      %dma_wait3A_63 = arith.constant 0 : i32
      %dma_wait3A_64 = arith.constant 0 : i32
      %dma_wait3A_65 = tpu.memref_slice %arg8[%dma_wait3A_63, %dma_wait3A_64] : memref<160x125xi32, #tpu.memory_space<vmem>> -> memref<80x125xi32, #tpu.memory_space<vmem>>
      %dma_wait3A_66 = arith.constant 0 : i32
      %dma_wait3A_67 = tpu.memref_slice %arg2[%add3A_13, %dma_wait3A_66] : memref<5120x125xi32, #tpu.memory_space<hbm>> -> memref<80x125xi32, #tpu.memory_space<hbm>>
      %dma_wait3A_68 = arith.constant 0 : i32
      %dma_wait3A_69 = arith.constant 0 : i32
      %dma_wait3A_70 = tpu.memref_slice %arg8[%dma_wait3A_68, %dma_wait3A_69] : memref<160x125xi32, #tpu.memory_space<vmem>> -> memref<80x125xi32, #tpu.memory_space<vmem>>
      %dma_wait3A_71 = arith.constant 0 : i32
      %dma_wait3A_72 = tpu.memref_slice %arg2[%add3A_13, %dma_wait3A_71] : memref<5120x125xi32, #tpu.memory_space<hbm>> -> memref<80x125xi32, #tpu.memory_space<hbm>>
      tpu.wait_dma2 semaphore(%run_scoped3A : memref<!tpu.dma_semaphore, #tpu.memory_space<semaphore_mem>>) src(%dma_wait3A_72 : memref<80x125xi32, #tpu.memory_space<hbm>>) dst(%dma_wait3A_70 : memref<80x125xi32, #tpu.memory_space<vmem>>)
      tpu.yield
    }) : () -> ()
    %dma_start3A = arith.constant 0 : i32
    %dma_start3A_14 = arith.constant 0 : i32
    %dma_start3A_15 = tpu.memref_slice %arg7[%dma_start3A, %dma_start3A_14] : memref<160x125xi32, #tpu.memory_space<vmem>> -> memref<1x125xi32, #tpu.memory_space<vmem>>
    %dma_start3A_16 = tpu.memref_squeeze %dma_start3A_15 : memref<1x125xi32, #tpu.memory_space<vmem>> -> memref<125xi32, #tpu.memory_space<vmem>>
    %dma_start3A_17 = arith.constant 0 : i32
    %dma_start3A_18 = arith.constant 0 : i32
    %dma_start3A_19 = tpu.memref_slice %arg3[%dma_start3A_17, %dma_start3A_18] : memref<10240x128xbf16, #tpu.memory_space<hbm>> -> memref<10240x128xbf16, #tpu.memory_space<hbm>>
    tpu.enqueue_indirect_dma source(%dma_start3A_19 : memref<10240x128xbf16, #tpu.memory_space<hbm>>) target(%arg9 : memref<125x128xbf16, #tpu.memory_space<vmem>>) offsets(%dma_start3A_16 : memref<125xi32, #tpu.memory_space<vmem>>) semaphore(%arg13 : memref<!tpu.dma_semaphore, #tpu.memory_space<semaphore_mem>>)
    %dma_start3A_20 = arith.constant 1 : i32
    %dma_start3A_21 = arith.constant 0 : i32
    %dma_start3A_22 = tpu.memref_slice %arg7[%dma_start3A_20, %dma_start3A_21] : memref<160x125xi32, #tpu.memory_space<vmem>> -> memref<1x125xi32, #tpu.memory_space<vmem>>
    %dma_start3A_23 = tpu.memref_squeeze %dma_start3A_22 : memref<1x125xi32, #tpu.memory_space<vmem>> -> memref<125xi32, #tpu.memory_space<vmem>>
    %dma_start3A_24 = arith.constant 0 : i32
    %dma_start3A_25 = arith.constant 0 : i32
    %dma_start3A_26 = tpu.memref_slice %arg3[%dma_start3A_24, %dma_start3A_25] : memref<10240x128xbf16, #tpu.memory_space<hbm>> -> memref<10240x128xbf16, #tpu.memory_space<hbm>>
    tpu.enqueue_indirect_dma source(%dma_start3A_26 : memref<10240x128xbf16, #tpu.memory_space<hbm>>) target(%arg10 : memref<125x128xbf16, #tpu.memory_space<vmem>>) offsets(%dma_start3A_23 : memref<125xi32, #tpu.memory_space<vmem>>) semaphore(%arg14 : memref<!tpu.dma_semaphore, #tpu.memory_space<semaphore_mem>>)
    %dma_start3A_27 = arith.constant 2 : i32
    %dma_start3A_28 = arith.constant 0 : i32
    %dma_start3A_29 = tpu.memref_slice %arg7[%dma_start3A_27, %dma_start3A_28] : memref<160x125xi32, #tpu.memory_space<vmem>> -> memref<1x125xi32, #tpu.memory_space<vmem>>
    %dma_start3A_30 = tpu.memref_squeeze %dma_start3A_29 : memref<1x125xi32, #tpu.memory_space<vmem>> -> memref<125xi32, #tpu.memory_space<vmem>>
    %dma_start3A_31 = arith.constant 0 : i32
    %dma_start3A_32 = arith.constant 0 : i32
    %dma_start3A_33 = tpu.memref_slice %arg3[%dma_start3A_31, %dma_start3A_32] : memref<10240x128xbf16, #tpu.memory_space<hbm>> -> memref<10240x128xbf16, #tpu.memory_space<hbm>>
    tpu.enqueue_indirect_dma source(%dma_start3A_33 : memref<10240x128xbf16, #tpu.memory_space<hbm>>) target(%arg11 : memref<125x128xbf16, #tpu.memory_space<vmem>>) offsets(%dma_start3A_30 : memref<125xi32, #tpu.memory_space<vmem>>) semaphore(%arg15 : memref<!tpu.dma_semaphore, #tpu.memory_space<semaphore_mem>>)
    %scan3A_34 = arith.constant 0 : i32
    %scan3A_35 = arith.constant 20 : i32
    %scan3A_36 = arith.addi %scan3A_34, %scan3A_35 : i32
    %scan3A_37 = arith.constant 1 : i32
    scf.for %scan3A_53 = %scan3A_34 to %scan3A_36 step %scan3A_37  : i32 {
      %mul3A_54 = arith.constant 1 : i32
      %mul3A_55 = arith.muli %scan3A_53, %mul3A_54 : i32
      %add3A_56 = arith.constant 0 : i32
      %add3A_57 = arith.addi %add3A_56, %mul3A_55 : i32
      %mul3A_58 = arith.constant 4 : i32
      %mul3A_59 = arith.muli %mul3A_58, %add3A_57 : i32
      %dma_wait3A_60 = arith.constant 0 : i32
      %dma_wait3A_61 = arith.constant 0 : i32
      %dma_wait3A_62 = tpu.memref_slice %arg7[%dma_wait3A_60, %dma_wait3A_61] : memref<160x125xi32, #tpu.memory_space<vmem>> -> memref<1x125xi32, #tpu.memory_space<vmem>>
      %dma_wait3A_63 = tpu.memref_squeeze %dma_wait3A_62 : memref<1x125xi32, #tpu.memory_space<vmem>> -> memref<125xi32, #tpu.memory_space<vmem>>
      %dma_wait3A_64 = arith.constant 0 : i32
      %dma_wait3A_65 = arith.constant 0 : i32
      %dma_wait3A_66 = tpu.memref_slice %arg3[%dma_wait3A_64, %dma_wait3A_65] : memref<10240x128xbf16, #tpu.memory_space<hbm>> -> memref<10240x128xbf16, #tpu.memory_space<hbm>>
      tpu.wait_indirect_dma semaphore(%arg13 : memref<!tpu.dma_semaphore, #tpu.memory_space<semaphore_mem>>) src(%dma_wait3A_66 : memref<10240x128xbf16, #tpu.memory_space<hbm>>) dst(%arg9 : memref<125x128xbf16, #tpu.memory_space<vmem>>)
      %dma_start3A_67 = arith.constant 0 : i32
      %dma_start3A_68 = tpu.memref_slice %arg8[%mul3A_59, %dma_start3A_67] : memref<160x125xi32, #tpu.memory_space<vmem>> -> memref<1x125xi32, #tpu.memory_space<vmem>>
      %dma_start3A_69 = tpu.memref_squeeze %dma_start3A_68 : memref<1x125xi32, #tpu.memory_space<vmem>> -> memref<125xi32, #tpu.memory_space<vmem>>
      %dma_start3A_70 = arith.constant 0 : i32
      %dma_start3A_71 = arith.constant 0 : i32
      %dma_start3A_72 = tpu.memref_slice %arg6[%dma_start3A_70, %dma_start3A_71] : memref<10240x128xbf16, #tpu.memory_space<vmem_shared>> -> memref<10240x128xbf16, #tpu.memory_space<vmem_shared>>
      tpu.enqueue_indirect_dma source(%arg9 : memref<125x128xbf16, #tpu.memory_space<vmem>>) target(%dma_start3A_72 : memref<10240x128xbf16, #tpu.memory_space<vmem_shared>>) offsets(%dma_start3A_69 : memref<125xi32, #tpu.memory_space<vmem>>) semaphore(%arg17 : memref<!tpu.dma_semaphore, #tpu.memory_space<semaphore_mem>>) {add = true}
      %gt3A = arith.constant 0 : i32
      %gt3A_73 = arith.cmpi sgt, %add3A_57, %gt3A : i32
      %convert_element_type3A_74 = arith.extui %gt3A_73 : i1 to i32
      %cond3A_75 = arith.constant 0 : i32
      %cond3A_76 = arith.cmpi ne, %convert_element_type3A_74, %cond3A_75 : i32
      scf.if %cond3A_76 {
        %dma_wait3A_165 = arith.constant 0 : i32
        %dma_wait3A_166 = arith.constant 0 : i32
        %dma_wait3A_167 = tpu.memref_slice %arg8[%dma_wait3A_165, %dma_wait3A_166] : memref<160x125xi32, #tpu.memory_space<vmem>> -> memref<1x125xi32, #tpu.memory_space<vmem>>
        %dma_wait3A_168 = tpu.memref_squeeze %dma_wait3A_167 : memref<1x125xi32, #tpu.memory_space<vmem>> -> memref<125xi32, #tpu.memory_space<vmem>>
        %dma_wait3A_169 = arith.constant 0 : i32
        %dma_wait3A_170 = arith.constant 0 : i32
        %dma_wait3A_171 = tpu.memref_slice %arg6[%dma_wait3A_169, %dma_wait3A_170] : memref<10240x128xbf16, #tpu.memory_space<vmem_shared>> -> memref<10240x128xbf16, #tpu.memory_space<vmem_shared>>
        tpu.wait_indirect_dma semaphore(%arg20 : memref<!tpu.dma_semaphore, #tpu.memory_space<semaphore_mem>>) src(%arg12 : memref<125x128xbf16, #tpu.memory_space<vmem>>) dst(%dma_wait3A_171 : memref<10240x128xbf16, #tpu.memory_space<vmem_shared>>)
      } else {
      }
      %add3A_77 = arith.constant 3 : i32
      %add3A_78 = arith.addi %mul3A_59, %add3A_77 : i32
      %dma_start3A_79 = arith.constant 0 : i32
      %dma_start3A_80 = tpu.memref_slice %arg7[%add3A_78, %dma_start3A_79] : memref<160x125xi32, #tpu.memory_space<vmem>> -> memref<1x125xi32, #tpu.memory_space<vmem>>
      %dma_start3A_81 = tpu.memref_squeeze %dma_start3A_80 : memref<1x125xi32, #tpu.memory_space<vmem>> -> memref<125xi32, #tpu.memory_space<vmem>>
      %dma_start3A_82 = arith.constant 0 : i32
      %dma_start3A_83 = arith.constant 0 : i32
      %dma_start3A_84 = tpu.memref_slice %arg3[%dma_start3A_82, %dma_start3A_83] : memref<10240x128xbf16, #tpu.memory_space<hbm>> -> memref<10240x128xbf16, #tpu.memory_space<hbm>>
      tpu.enqueue_indirect_dma source(%dma_start3A_84 : memref<10240x128xbf16, #tpu.memory_space<hbm>>) target(%arg12 : memref<125x128xbf16, #tpu.memory_space<vmem>>) offsets(%dma_start3A_81 : memref<125xi32, #tpu.memory_space<vmem>>) semaphore(%arg16 : memref<!tpu.dma_semaphore, #tpu.memory_space<semaphore_mem>>)
      %dma_wait3A_85 = arith.constant 0 : i32
      %dma_wait3A_86 = arith.constant 0 : i32
      %dma_wait3A_87 = tpu.memref_slice %arg7[%dma_wait3A_85, %dma_wait3A_86] : memref<160x125xi32, #tpu.memory_space<vmem>> -> memref<1x125xi32, #tpu.memory_space<vmem>>
      %dma_wait3A_88 = tpu.memref_squeeze %dma_wait3A_87 : memref<1x125xi32, #tpu.memory_space<vmem>> -> memref<125xi32, #tpu.memory_space<vmem>>
      %dma_wait3A_89 = arith.constant 0 : i32
      %dma_wait3A_90 = arith.constant 0 : i32
      %dma_wait3A_91 = tpu.memref_slice %arg3[%dma_wait3A_89, %dma_wait3A_90] : memref<10240x128xbf16, #tpu.memory_space<hbm>> -> memref<10240x128xbf16, #tpu.memory_space<hbm>>
      tpu.wait_indirect_dma semaphore(%arg14 : memref<!tpu.dma_semaphore, #tpu.memory_space<semaphore_mem>>) src(%dma_wait3A_91 : memref<10240x128xbf16, #tpu.memory_space<hbm>>) dst(%arg10 : memref<125x128xbf16, #tpu.memory_space<vmem>>)
      %add3A_92 = arith.constant 1 : i32
      %add3A_93 = arith.addi %mul3A_59, %add3A_92 : i32
      %dma_start3A_94 = arith.constant 0 : i32
      %dma_start3A_95 = tpu.memref_slice %arg8[%add3A_93, %dma_start3A_94] : memref<160x125xi32, #tpu.memory_space<vmem>> -> memref<1x125xi32, #tpu.memory_space<vmem>>
      %dma_start3A_96 = tpu.memref_squeeze %dma_start3A_95 : memref<1x125xi32, #tpu.memory_space<vmem>> -> memref<125xi32, #tpu.memory_space<vmem>>
      %dma_start3A_97 = arith.constant 0 : i32
      %dma_start3A_98 = arith.constant 0 : i32
      %dma_start3A_99 = tpu.memref_slice %arg6[%dma_start3A_97, %dma_start3A_98] : memref<10240x128xbf16, #tpu.memory_space<vmem_shared>> -> memref<10240x128xbf16, #tpu.memory_space<vmem_shared>>
      tpu.enqueue_indirect_dma source(%arg10 : memref<125x128xbf16, #tpu.memory_space<vmem>>) target(%dma_start3A_99 : memref<10240x128xbf16, #tpu.memory_space<vmem_shared>>) offsets(%dma_start3A_96 : memref<125xi32, #tpu.memory_space<vmem>>) semaphore(%arg18 : memref<!tpu.dma_semaphore, #tpu.memory_space<semaphore_mem>>) {add = true}
      %dma_wait3A_100 = arith.constant 0 : i32
      %dma_wait3A_101 = arith.constant 0 : i32
      %dma_wait3A_102 = tpu.memref_slice %arg8[%dma_wait3A_100, %dma_wait3A_101] : memref<160x125xi32, #tpu.memory_space<vmem>> -> memref<1x125xi32, #tpu.memory_space<vmem>>
      %dma_wait3A_103 = tpu.memref_squeeze %dma_wait3A_102 : memref<1x125xi32, #tpu.memory_space<vmem>> -> memref<125xi32, #tpu.memory_space<vmem>>
      %dma_wait3A_104 = arith.constant 0 : i32
      %dma_wait3A_105 = arith.constant 0 : i32
      %dma_wait3A_106 = tpu.memref_slice %arg6[%dma_wait3A_104, %dma_wait3A_105] : memref<10240x128xbf16, #tpu.memory_space<vmem_shared>> -> memref<10240x128xbf16, #tpu.memory_space<vmem_shared>>
      tpu.wait_indirect_dma semaphore(%arg17 : memref<!tpu.dma_semaphore, #tpu.memory_space<semaphore_mem>>) src(%arg9 : memref<125x128xbf16, #tpu.memory_space<vmem>>) dst(%dma_wait3A_106 : memref<10240x128xbf16, #tpu.memory_space<vmem_shared>>)
      %lt3A = arith.constant 19 : i32
      %lt3A_107 = arith.cmpi slt, %add3A_57, %lt3A : i32
      %convert_element_type3A_108 = arith.extui %lt3A_107 : i1 to i32
      %cond3A_109 = arith.constant 0 : i32
      %cond3A_110 = arith.cmpi ne, %convert_element_type3A_108, %cond3A_109 : i32
      scf.if %cond3A_110 {
        %add3A_165 = arith.constant 4 : i32
        %add3A_166 = arith.addi %mul3A_59, %add3A_165 : i32
        %dma_start3A_167 = arith.constant 0 : i32
        %dma_start3A_168 = tpu.memref_slice %arg7[%add3A_166, %dma_start3A_167] : memref<160x125xi32, #tpu.memory_space<vmem>> -> memref<1x125xi32, #tpu.memory_space<vmem>>
        %dma_start3A_169 = tpu.memref_squeeze %dma_start3A_168 : memref<1x125xi32, #tpu.memory_space<vmem>> -> memref<125xi32, #tpu.memory_space<vmem>>
        %dma_start3A_170 = arith.constant 0 : i32
        %dma_start3A_171 = arith.constant 0 : i32
        %dma_start3A_172 = tpu.memref_slice %arg3[%dma_start3A_170, %dma_start3A_171] : memref<10240x128xbf16, #tpu.memory_space<hbm>> -> memref<10240x128xbf16, #tpu.memory_space<hbm>>
        tpu.enqueue_indirect_dma source(%dma_start3A_172 : memref<10240x128xbf16, #tpu.memory_space<hbm>>) target(%arg9 : memref<125x128xbf16, #tpu.memory_space<vmem>>) offsets(%dma_start3A_169 : memref<125xi32, #tpu.memory_space<vmem>>) semaphore(%arg13 : memref<!tpu.dma_semaphore, #tpu.memory_space<semaphore_mem>>)
      } else {
      }
      %dma_wait3A_111 = arith.constant 0 : i32
      %dma_wait3A_112 = arith.constant 0 : i32
      %dma_wait3A_113 = tpu.memref_slice %arg7[%dma_wait3A_111, %dma_wait3A_112] : memref<160x125xi32, #tpu.memory_space<vmem>> -> memref<1x125xi32, #tpu.memory_space<vmem>>
      %dma_wait3A_114 = tpu.memref_squeeze %dma_wait3A_113 : memref<1x125xi32, #tpu.memory_space<vmem>> -> memref<125xi32, #tpu.memory_space<vmem>>
      %dma_wait3A_115 = arith.constant 0 : i32
      %dma_wait3A_116 = arith.constant 0 : i32
      %dma_wait3A_117 = tpu.memref_slice %arg3[%dma_wait3A_115, %dma_wait3A_116] : memref<10240x128xbf16, #tpu.memory_space<hbm>> -> memref<10240x128xbf16, #tpu.memory_space<hbm>>
      tpu.wait_indirect_dma semaphore(%arg15 : memref<!tpu.dma_semaphore, #tpu.memory_space<semaphore_mem>>) src(%dma_wait3A_117 : memref<10240x128xbf16, #tpu.memory_space<hbm>>) dst(%arg11 : memref<125x128xbf16, #tpu.memory_space<vmem>>)
      %add3A_118 = arith.constant 2 : i32
      %add3A_119 = arith.addi %mul3A_59, %add3A_118 : i32
      %dma_start3A_120 = arith.constant 0 : i32
      %dma_start3A_121 = tpu.memref_slice %arg8[%add3A_119, %dma_start3A_120] : memref<160x125xi32, #tpu.memory_space<vmem>> -> memref<1x125xi32, #tpu.memory_space<vmem>>
      %dma_start3A_122 = tpu.memref_squeeze %dma_start3A_121 : memref<1x125xi32, #tpu.memory_space<vmem>> -> memref<125xi32, #tpu.memory_space<vmem>>
      %dma_start3A_123 = arith.constant 0 : i32
      %dma_start3A_124 = arith.constant 0 : i32
      %dma_start3A_125 = tpu.memref_slice %arg6[%dma_start3A_123, %dma_start3A_124] : memref<10240x128xbf16, #tpu.memory_space<vmem_shared>> -> memref<10240x128xbf16, #tpu.memory_space<vmem_shared>>
      tpu.enqueue_indirect_dma source(%arg11 : memref<125x128xbf16, #tpu.memory_space<vmem>>) target(%dma_start3A_125 : memref<10240x128xbf16, #tpu.memory_space<vmem_shared>>) offsets(%dma_start3A_122 : memref<125xi32, #tpu.memory_space<vmem>>) semaphore(%arg19 : memref<!tpu.dma_semaphore, #tpu.memory_space<semaphore_mem>>) {add = true}
      %dma_wait3A_126 = arith.constant 0 : i32
      %dma_wait3A_127 = arith.constant 0 : i32
      %dma_wait3A_128 = tpu.memref_slice %arg8[%dma_wait3A_126, %dma_wait3A_127] : memref<160x125xi32, #tpu.memory_space<vmem>> -> memref<1x125xi32, #tpu.memory_space<vmem>>
      %dma_wait3A_129 = tpu.memref_squeeze %dma_wait3A_128 : memref<1x125xi32, #tpu.memory_space<vmem>> -> memref<125xi32, #tpu.memory_space<vmem>>
      %dma_wait3A_130 = arith.constant 0 : i32
      %dma_wait3A_131 = arith.constant 0 : i32
      %dma_wait3A_132 = tpu.memref_slice %arg6[%dma_wait3A_130, %dma_wait3A_131] : memref<10240x128xbf16, #tpu.memory_space<vmem_shared>> -> memref<10240x128xbf16, #tpu.memory_space<vmem_shared>>
      tpu.wait_indirect_dma semaphore(%arg18 : memref<!tpu.dma_semaphore, #tpu.memory_space<semaphore_mem>>) src(%arg10 : memref<125x128xbf16, #tpu.memory_space<vmem>>) dst(%dma_wait3A_132 : memref<10240x128xbf16, #tpu.memory_space<vmem_shared>>)
      %lt3A_133 = arith.constant 19 : i32
      %lt3A_134 = arith.cmpi slt, %add3A_57, %lt3A_133 : i32
      %convert_element_type3A_135 = arith.extui %lt3A_134 : i1 to i32
      %cond3A_136 = arith.constant 0 : i32
      %cond3A_137 = arith.cmpi ne, %convert_element_type3A_135, %cond3A_136 : i32
      scf.if %cond3A_137 {
        %add3A_165 = arith.constant 5 : i32
        %add3A_166 = arith.addi %mul3A_59, %add3A_165 : i32
        %dma_start3A_167 = arith.constant 0 : i32
        %dma_start3A_168 = tpu.memref_slice %arg7[%add3A_166, %dma_start3A_167] : memref<160x125xi32, #tpu.memory_space<vmem>> -> memref<1x125xi32, #tpu.memory_space<vmem>>
        %dma_start3A_169 = tpu.memref_squeeze %dma_start3A_168 : memref<1x125xi32, #tpu.memory_space<vmem>> -> memref<125xi32, #tpu.memory_space<vmem>>
        %dma_start3A_170 = arith.constant 0 : i32
        %dma_start3A_171 = arith.constant 0 : i32
        %dma_start3A_172 = tpu.memref_slice %arg3[%dma_start3A_170, %dma_start3A_171] : memref<10240x128xbf16, #tpu.memory_space<hbm>> -> memref<10240x128xbf16, #tpu.memory_space<hbm>>
        tpu.enqueue_indirect_dma source(%dma_start3A_172 : memref<10240x128xbf16, #tpu.memory_space<hbm>>) target(%arg10 : memref<125x128xbf16, #tpu.memory_space<vmem>>) offsets(%dma_start3A_169 : memref<125xi32, #tpu.memory_space<vmem>>) semaphore(%arg14 : memref<!tpu.dma_semaphore, #tpu.memory_space<semaphore_mem>>)
      } else {
      }
      %dma_wait3A_138 = arith.constant 0 : i32
      %dma_wait3A_139 = arith.constant 0 : i32
      %dma_wait3A_140 = tpu.memref_slice %arg7[%dma_wait3A_138, %dma_wait3A_139] : memref<160x125xi32, #tpu.memory_space<vmem>> -> memref<1x125xi32, #tpu.memory_space<vmem>>
      %dma_wait3A_141 = tpu.memref_squeeze %dma_wait3A_140 : memref<1x125xi32, #tpu.memory_space<vmem>> -> memref<125xi32, #tpu.memory_space<vmem>>
      %dma_wait3A_142 = arith.constant 0 : i32
      %dma_wait3A_143 = arith.constant 0 : i32
      %dma_wait3A_144 = tpu.memref_slice %arg3[%dma_wait3A_142, %dma_wait3A_143] : memref<10240x128xbf16, #tpu.memory_space<hbm>> -> memref<10240x128xbf16, #tpu.memory_space<hbm>>
      tpu.wait_indirect_dma semaphore(%arg16 : memref<!tpu.dma_semaphore, #tpu.memory_space<semaphore_mem>>) src(%dma_wait3A_144 : memref<10240x128xbf16, #tpu.memory_space<hbm>>) dst(%arg12 : memref<125x128xbf16, #tpu.memory_space<vmem>>)
      %add3A_145 = arith.constant 3 : i32
      %add3A_146 = arith.addi %mul3A_59, %add3A_145 : i32
      %dma_start3A_147 = arith.constant 0 : i32
      %dma_start3A_148 = tpu.memref_slice %arg8[%add3A_146, %dma_start3A_147] : memref<160x125xi32, #tpu.memory_space<vmem>> -> memref<1x125xi32, #tpu.memory_space<vmem>>
      %dma_start3A_149 = tpu.memref_squeeze %dma_start3A_148 : memref<1x125xi32, #tpu.memory_space<vmem>> -> memref<125xi32, #tpu.memory_space<vmem>>
      %dma_start3A_150 = arith.constant 0 : i32
      %dma_start3A_151 = arith.constant 0 : i32
      %dma_start3A_152 = tpu.memref_slice %arg6[%dma_start3A_150, %dma_start3A_151] : memref<10240x128xbf16, #tpu.memory_space<vmem_shared>> -> memref<10240x128xbf16, #tpu.memory_space<vmem_shared>>
      tpu.enqueue_indirect_dma source(%arg12 : memref<125x128xbf16, #tpu.memory_space<vmem>>) target(%dma_start3A_152 : memref<10240x128xbf16, #tpu.memory_space<vmem_shared>>) offsets(%dma_start3A_149 : memref<125xi32, #tpu.memory_space<vmem>>) semaphore(%arg20 : memref<!tpu.dma_semaphore, #tpu.memory_space<semaphore_mem>>) {add = true}
      %dma_wait3A_153 = arith.constant 0 : i32
      %dma_wait3A_154 = arith.constant 0 : i32
      %dma_wait3A_155 = tpu.memref_slice %arg8[%dma_wait3A_153, %dma_wait3A_154] : memref<160x125xi32, #tpu.memory_space<vmem>> -> memref<1x125xi32, #tpu.memory_space<vmem>>
      %dma_wait3A_156 = tpu.memref_squeeze %dma_wait3A_155 : memref<1x125xi32, #tpu.memory_space<vmem>> -> memref<125xi32, #tpu.memory_space<vmem>>
      %dma_wait3A_157 = arith.constant 0 : i32
      %dma_wait3A_158 = arith.constant 0 : i32
      %dma_wait3A_159 = tpu.memref_slice %arg6[%dma_wait3A_157, %dma_wait3A_158] : memref<10240x128xbf16, #tpu.memory_space<vmem_shared>> -> memref<10240x128xbf16, #tpu.memory_space<vmem_shared>>
      tpu.wait_indirect_dma semaphore(%arg19 : memref<!tpu.dma_semaphore, #tpu.memory_space<semaphore_mem>>) src(%arg11 : memref<125x128xbf16, #tpu.memory_space<vmem>>) dst(%dma_wait3A_159 : memref<10240x128xbf16, #tpu.memory_space<vmem_shared>>)
      %lt3A_160 = arith.constant 19 : i32
      %lt3A_161 = arith.cmpi slt, %add3A_57, %lt3A_160 : i32
      %convert_element_type3A_162 = arith.extui %lt3A_161 : i1 to i32
      %cond3A_163 = arith.constant 0 : i32
      %cond3A_164 = arith.cmpi ne, %convert_element_type3A_162, %cond3A_163 : i32
      scf.if %cond3A_164 {
        %add3A_165 = arith.constant 6 : i32
        %add3A_166 = arith.addi %mul3A_59, %add3A_165 : i32
        %dma_start3A_167 = arith.constant 0 : i32
        %dma_start3A_168 = tpu.memref_slice %arg7[%add3A_166, %dma_start3A_167] : memref<160x125xi32, #tpu.memory_space<vmem>> -> memref<1x125xi32, #tpu.memory_space<vmem>>
        %dma_start3A_169 = tpu.memref_squeeze %dma_start3A_168 : memref<1x125xi32, #tpu.memory_space<vmem>> -> memref<125xi32, #tpu.memory_space<vmem>>
        %dma_start3A_170 = arith.constant 0 : i32
        %dma_start3A_171 = arith.constant 0 : i32
        %dma_start3A_172 = tpu.memref_slice %arg3[%dma_start3A_170, %dma_start3A_171] : memref<10240x128xbf16, #tpu.memory_space<hbm>> -> memref<10240x128xbf16, #tpu.memory_space<hbm>>
        tpu.enqueue_indirect_dma source(%dma_start3A_172 : memref<10240x128xbf16, #tpu.memory_space<hbm>>) target(%arg11 : memref<125x128xbf16, #tpu.memory_space<vmem>>) offsets(%dma_start3A_169 : memref<125xi32, #tpu.memory_space<vmem>>) semaphore(%arg15 : memref<!tpu.dma_semaphore, #tpu.memory_space<semaphore_mem>>)
      } else {
      }
    }
    %scan3A_38 = arith.constant 20 : i32
    %dma_wait3A = arith.constant 0 : i32
    %dma_wait3A_39 = arith.constant 0 : i32
    %dma_wait3A_40 = tpu.memref_slice %arg8[%dma_wait3A, %dma_wait3A_39] : memref<160x125xi32, #tpu.memory_space<vmem>> -> memref<1x125xi32, #tpu.memory_space<vmem>>
    %dma_wait3A_41 = tpu.memref_squeeze %dma_wait3A_40 : memref<1x125xi32, #tpu.memory_space<vmem>> -> memref<125xi32, #tpu.memory_space<vmem>>
    %dma_wait3A_42 = arith.constant 0 : i32
    %dma_wait3A_43 = arith.constant 0 : i32
    %dma_wait3A_44 = tpu.memref_slice %arg6[%dma_wait3A_42, %dma_wait3A_43] : memref<10240x128xbf16, #tpu.memory_space<vmem_shared>> -> memref<10240x128xbf16, #tpu.memory_space<vmem_shared>>
    tpu.wait_indirect_dma semaphore(%arg20 : memref<!tpu.dma_semaphore, #tpu.memory_space<semaphore_mem>>) src(%arg12 : memref<125x128xbf16, #tpu.memory_space<vmem>>) dst(%dma_wait3A_44 : memref<10240x128xbf16, #tpu.memory_space<vmem_shared>>)
    %barrier3A_45 = arith.constant 0 : index
    tpu.barrier barrier_id(%barrier3A_45)
    %eq3A = arith.constant 0 : i32
    %eq3A_46 = arith.cmpi eq, %arg0, %eq3A : i32
    %convert_element_type3A = arith.extui %eq3A_46 : i1 to i32
    %cond3A = arith.constant 0 : i32
    %cond3A_47 = arith.cmpi ne, %convert_element_type3A, %cond3A : i32
    scf.if %cond3A_47 {
      %mul3A_53 = arith.constant 640 : i32
      %mul3A_54 = arith.muli %arg1, %mul3A_53 : i32
      "tpu.region"() ({
        %run_scoped3A = tpu.sem_alloc : memref<!tpu.dma_semaphore, #tpu.memory_space<semaphore_mem>>
        %dma_start3A_55 = arith.constant 0 : i32
        %dma_start3A_56 = tpu.memref_slice %arg4[%mul3A_54, %dma_start3A_55] : memref<10240x128xbf16, #tpu.memory_space<hbm>> -> memref<640x128xbf16, #tpu.memory_space<hbm>>
        %dma_start3A_57 = arith.constant 0 : i32
        %dma_start3A_58 = tpu.memref_slice %arg6[%mul3A_54, %dma_start3A_57] : memref<10240x128xbf16, #tpu.memory_space<vmem_shared>> -> memref<640x128xbf16, #tpu.memory_space<vmem_shared>>
        tpu.enqueue_dma source(%dma_start3A_58 : memref<640x128xbf16, #tpu.memory_space<vmem_shared>>) target(%dma_start3A_56 : memref<640x128xbf16, #tpu.memory_space<hbm>>) target_semaphore(%run_scoped3A : memref<!tpu.dma_semaphore, #tpu.memory_space<semaphore_mem>>)
        %dma_wait3A_59 = arith.constant 0 : i32
        %dma_wait3A_60 = tpu.memref_slice %arg4[%mul3A_54, %dma_wait3A_59] : memref<10240x128xbf16, #tpu.memory_space<hbm>> -> memref<640x128xbf16, #tpu.memory_space<hbm>>
        %dma_wait3A_61 = arith.constant 0 : i32
        %dma_wait3A_62 = tpu.memref_slice %arg6[%mul3A_54, %dma_wait3A_61] : memref<10240x128xbf16, #tpu.memory_space<vmem_shared>> -> memref<640x128xbf16, #tpu.memory_space<vmem_shared>>
        tpu.wait_dma2 semaphore(%run_scoped3A : memref<!tpu.dma_semaphore, #tpu.memory_space<semaphore_mem>>) src(%dma_wait3A_62 : memref<640x128xbf16, #tpu.memory_space<vmem_shared>>) dst(%dma_wait3A_60 : memref<640x128xbf16, #tpu.memory_space<hbm>>)
        tpu.yield
      }) : () -> ()
    } else {
    }
    %eq3A_48 = arith.constant 1 : i32
    %eq3A_49 = arith.cmpi eq, %arg0, %eq3A_48 : i32
    %convert_element_type3A_50 = arith.extui %eq3A_49 : i1 to i32
    %cond3A_51 = arith.constant 0 : i32
    %cond3A_52 = arith.cmpi ne, %convert_element_type3A_50, %cond3A_51 : i32
    scf.if %cond3A_52 {
      %mul3A_53 = arith.constant 640 : i32
      %mul3A_54 = arith.muli %arg1, %mul3A_53 : i32
      "tpu.region"() ({
        %run_scoped3A = tpu.sem_alloc : memref<!tpu.dma_semaphore, #tpu.memory_space<semaphore_mem>>
        %dma_start3A_55 = arith.constant 0 : i32
        %dma_start3A_56 = tpu.memref_slice %arg5[%mul3A_54, %dma_start3A_55] : memref<10240x128xbf16, #tpu.memory_space<hbm>> -> memref<640x128xbf16, #tpu.memory_space<hbm>>
        %dma_start3A_57 = arith.constant 0 : i32
        %dma_start3A_58 = tpu.memref_slice %arg6[%mul3A_54, %dma_start3A_57] : memref<10240x128xbf16, #tpu.memory_space<vmem_shared>> -> memref<640x128xbf16, #tpu.memory_space<vmem_shared>>
        tpu.enqueue_dma source(%dma_start3A_58 : memref<640x128xbf16, #tpu.memory_space<vmem_shared>>) target(%dma_start3A_56 : memref<640x128xbf16, #tpu.memory_space<hbm>>) target_semaphore(%run_scoped3A : memref<!tpu.dma_semaphore, #tpu.memory_space<semaphore_mem>>)
        %dma_wait3A_59 = arith.constant 0 : i32
        %dma_wait3A_60 = tpu.memref_slice %arg5[%mul3A_54, %dma_wait3A_59] : memref<10240x128xbf16, #tpu.memory_space<hbm>> -> memref<640x128xbf16, #tpu.memory_space<hbm>>
        %dma_wait3A_61 = arith.constant 0 : i32
        %dma_wait3A_62 = tpu.memref_slice %arg6[%mul3A_54, %dma_wait3A_61] : memref<10240x128xbf16, #tpu.memory_space<vmem_shared>> -> memref<640x128xbf16, #tpu.memory_space<vmem_shared>>
        tpu.wait_dma2 semaphore(%run_scoped3A : memref<!tpu.dma_semaphore, #tpu.memory_space<semaphore_mem>>) src(%dma_wait3A_62 : memref<640x128xbf16, #tpu.memory_space<vmem_shared>>) dst(%dma_wait3A_60 : memref<640x128xbf16, #tpu.memory_space<hbm>>)
        tpu.yield
      }) : () -> ()
    } else {
    }
    return
  }
}

#map = affine_map<(d0, d1) -> (0, 0)>
module attributes {stable_mosaic.version = 14 : i64} {
  func.func @_conv2b_body(%arg0: i32, %arg1: i32, %arg2: memref<5120x125xi32, #tpu.memory_space<hbm>>, %arg3: memref<10240x128xbf16, #tpu.memory_space<hbm>>, %arg4: memref<10240x128xbf16, #tpu.memory_space<hbm>>, %arg5: memref<10240x128xbf16, #tpu.memory_space<hbm>>, %arg6: memref<10240x128xbf16, #tpu.memory_space<hbm>>, %arg7: memref<10240x128xbf16, #tpu.memory_space<vmem_shared>>, %arg8: memref<160x125xi32, #tpu.memory_space<vmem>>, %arg9: memref<160x125xi32, #tpu.memory_space<vmem>>, %arg10: memref<125x128xbf16, #tpu.memory_space<vmem>>, %arg11: memref<125x128xbf16, #tpu.memory_space<vmem>>, %arg12: memref<125x128xbf16, #tpu.memory_space<vmem>>, %arg13: memref<125x128xbf16, #tpu.memory_space<vmem>>, %arg14: memref<!tpu.dma_semaphore, #tpu.memory_space<semaphore_mem>>, %arg15: memref<!tpu.dma_semaphore, #tpu.memory_space<semaphore_mem>>, %arg16: memref<!tpu.dma_semaphore, #tpu.memory_space<semaphore_mem>>, %arg17: memref<!tpu.dma_semaphore, #tpu.memory_space<semaphore_mem>>, %arg18: memref<!tpu.dma_semaphore, #tpu.memory_space<semaphore_mem>>, %arg19: memref<!tpu.dma_semaphore, #tpu.memory_space<semaphore_mem>>, %arg20: memref<!tpu.dma_semaphore, #tpu.memory_space<semaphore_mem>>, %arg21: memref<!tpu.dma_semaphore, #tpu.memory_space<semaphore_mem>>) attributes {dimension_semantics = [#tpu.dimension_semantics<core_parallel>, #tpu.dimension_semantics<subcore_parallel>], iteration_bounds = array<i64: 2, 16>, scalar_prefetch = 0 : i64, scratch_operands = 15 : i64, tpu.core_type = #tpu.core_type<sc_vector_subcore>, window_params = [{transform_indices = #map}, {transform_indices = #map}, {transform_indices = #map}, {transform_indices = #map}, {transform_indices = #map}]} {
    %scan3A = arith.constant 0 : i32
    %scan3A_0 = arith.constant 125 : i32
    %scan3A_1 = arith.addi %scan3A, %scan3A_0 : i32
    %scan3A_2 = arith.constant 1 : i32
    scf.for %scan3A_27 = %scan3A to %scan3A_1 step %scan3A_2  : i32 {
      %mul3A = arith.constant 1 : i32
      %mul3A_28 = arith.muli %scan3A_27, %mul3A : i32
      %add3A = arith.constant 0 : i32
      %add3A_29 = arith.addi %add3A, %mul3A_28 : i32
      %scan3A_30 = arith.constant 0 : i32
      %scan3A_31 = arith.constant 4 : i32
      %scan3A_32 = arith.addi %scan3A_30, %scan3A_31 : i32
      %scan3A_33 = arith.constant 1 : i32
      scf.for %scan3A_35 = %scan3A_30 to %scan3A_32 step %scan3A_33  : i32 {
        %mul3A_36 = arith.constant 1 : i32
        %mul3A_37 = arith.muli %scan3A_35, %mul3A_36 : i32
        %add3A_38 = arith.constant 0 : i32
        %add3A_39 = arith.addi %add3A_38, %mul3A_37 : i32
        %broadcast_in_dim3A = arith.constant 0.000000e+00 : bf16
        %broadcast_in_dim3A_40 = vector.broadcast %broadcast_in_dim3A : bf16 to vector<32xbf16>
        %mul3A_41 = arith.constant 32 : i32
        %mul3A_42 = arith.muli %add3A_39, %mul3A_41 : i32
        %swap3A = arith.index_cast %add3A_29 : i32 to index
        %swap3A_43 = arith.index_cast %mul3A_42 : i32 to index
        %swap3A_44 = tpu.vector_load %arg10[%swap3A, %swap3A_43] {strides = array<i32>} : memref<125x128xbf16, #tpu.memory_space<vmem>>, vector<32xbf16>,
        tpu.vector_store %arg10[%swap3A, %swap3A_43], %broadcast_in_dim3A_40 {strides = array<i32>} : memref<125x128xbf16, #tpu.memory_space<vmem>>, vector<32xbf16>,
      }
      %scan3A_34 = arith.constant 4 : i32
    }
    %scan3A_3 = arith.constant 125 : i32
    %scan3A_4 = arith.constant 0 : i32
    %scan3A_5 = arith.constant 8 : i32
    %scan3A_6 = arith.addi %scan3A_4, %scan3A_5 : i32
    %scan3A_7 = arith.constant 1 : i32
    scf.for %scan3A_27 = %scan3A_4 to %scan3A_6 step %scan3A_7  : i32 {
      %mul3A = arith.constant 1 : i32
      %mul3A_28 = arith.muli %scan3A_27, %mul3A : i32
      %add3A = arith.constant 0 : i32
      %add3A_29 = arith.addi %add3A, %mul3A_28 : i32
      %mul3A_30 = arith.constant 640 : i32
      %mul3A_31 = arith.muli %arg1, %mul3A_30 : i32
      %mul3A_32 = arith.constant 80 : i32
      %mul3A_33 = arith.muli %add3A_29, %mul3A_32 : i32
      %add3A_34 = arith.addi %mul3A_31, %mul3A_33 : i32
      "tpu.region"() ({
        %run_scoped3A = tpu.sem_alloc : memref<!tpu.dma_semaphore, #tpu.memory_space<semaphore_mem>>
        %dma_start3A = arith.constant 0 : i32
        %dma_start3A_35 = arith.constant 0 : i32
        %dma_start3A_36 = tpu.memref_slice %arg10[%dma_start3A, %dma_start3A_35] : memref<125x128xbf16, #tpu.memory_space<vmem>> -> memref<80x128xbf16, #tpu.memory_space<vmem>>
        %dma_start3A_37 = arith.constant 0 : i32
        %dma_start3A_38 = tpu.memref_slice %arg7[%add3A_34, %dma_start3A_37] : memref<10240x128xbf16, #tpu.memory_space<vmem_shared>> -> memref<80x128xbf16, #tpu.memory_space<vmem_shared>>
        %dma_start3A_39 = arith.constant 0 : i32
        %dma_start3A_40 = tpu.memref_slice %arg7[%add3A_34, %dma_start3A_39] : memref<10240x128xbf16, #tpu.memory_space<vmem_shared>> -> memref<80x128xbf16, #tpu.memory_space<vmem_shared>>
        %dma_start3A_41 = arith.constant 0 : i32
        %dma_start3A_42 = arith.constant 0 : i32
        %dma_start3A_43 = tpu.memref_slice %arg10[%dma_start3A_41, %dma_start3A_42] : memref<125x128xbf16, #tpu.memory_space<vmem>> -> memref<80x128xbf16, #tpu.memory_space<vmem>>
        tpu.enqueue_dma source(%dma_start3A_43 : memref<80x128xbf16, #tpu.memory_space<vmem>>) target(%dma_start3A_40 : memref<80x128xbf16, #tpu.memory_space<vmem_shared>>) target_semaphore(%run_scoped3A : memref<!tpu.dma_semaphore, #tpu.memory_space<semaphore_mem>>)
        %dma_wait3A = arith.constant 0 : i32
        %dma_wait3A_44 = arith.constant 0 : i32
        %dma_wait3A_45 = tpu.memref_slice %arg10[%dma_wait3A, %dma_wait3A_44] : memref<125x128xbf16, #tpu.memory_space<vmem>> -> memref<80x128xbf16, #tpu.memory_space<vmem>>
        %dma_wait3A_46 = arith.constant 0 : i32
        %dma_wait3A_47 = tpu.memref_slice %arg7[%add3A_34, %dma_wait3A_46] : memref<10240x128xbf16, #tpu.memory_space<vmem_shared>> -> memref<80x128xbf16, #tpu.memory_space<vmem_shared>>
        %dma_wait3A_48 = arith.constant 0 : i32
        %dma_wait3A_49 = tpu.memref_slice %arg7[%add3A_34, %dma_wait3A_48] : memref<10240x128xbf16, #tpu.memory_space<vmem_shared>> -> memref<80x128xbf16, #tpu.memory_space<vmem_shared>>
        %dma_wait3A_50 = arith.constant 0 : i32
        %dma_wait3A_51 = arith.constant 0 : i32
        %dma_wait3A_52 = tpu.memref_slice %arg10[%dma_wait3A_50, %dma_wait3A_51] : memref<125x128xbf16, #tpu.memory_space<vmem>> -> memref<80x128xbf16, #tpu.memory_space<vmem>>
        tpu.wait_dma2 semaphore(%run_scoped3A : memref<!tpu.dma_semaphore, #tpu.memory_space<semaphore_mem>>) src(%dma_wait3A_52 : memref<80x128xbf16, #tpu.memory_space<vmem>>) dst(%dma_wait3A_49 : memref<80x128xbf16, #tpu.memory_space<vmem_shared>>)
        tpu.yield
      }) : () -> ()
    }
    %scan3A_8 = arith.constant 8 : i32
    %barrier3A = arith.constant 0 : index
    tpu.barrier barrier_id(%barrier3A)
    %eq3A = arith.constant 0 : i32
    %eq3A_9 = arith.cmpi eq, %arg0, %eq3A : i32
    %convert_element_type3A = arith.extui %eq3A_9 : i1 to i32
    %cond3A = arith.constant 0 : i32
    %cond3A_10 = arith.cmpi ne, %convert_element_type3A, %cond3A : i32
    scf.if %cond3A_10 {
      %mul3A = arith.constant 160 : i32
      %mul3A_27 = arith.muli %arg1, %mul3A : i32
      "tpu.region"() ({
        %run_scoped3A = tpu.sem_alloc : memref<!tpu.dma_semaphore, #tpu.memory_space<semaphore_mem>>
        %dma_start3A_60 = arith.constant 0 : i32
        %dma_start3A_61 = arith.constant 0 : i32
        %dma_start3A_62 = tpu.memref_slice %arg8[%dma_start3A_60, %dma_start3A_61] : memref<160x125xi32, #tpu.memory_space<vmem>> -> memref<160x125xi32, #tpu.memory_space<vmem>>
        %dma_start3A_63 = arith.constant 0 : i32
        %dma_start3A_64 = tpu.memref_slice %arg2[%mul3A_27, %dma_start3A_63] : memref<5120x125xi32, #tpu.memory_space<hbm>> -> memref<160x125xi32, #tpu.memory_space<hbm>>
        %dma_start3A_65 = arith.constant 0 : i32
        %dma_start3A_66 = arith.constant 0 : i32
        %dma_start3A_67 = tpu.memref_slice %arg8[%dma_start3A_65, %dma_start3A_66] : memref<160x125xi32, #tpu.memory_space<vmem>> -> memref<160x125xi32, #tpu.memory_space<vmem>>
        %dma_start3A_68 = arith.constant 0 : i32
        %dma_start3A_69 = tpu.memref_slice %arg2[%mul3A_27, %dma_start3A_68] : memref<5120x125xi32, #tpu.memory_space<hbm>> -> memref<160x125xi32, #tpu.memory_space<hbm>>
        tpu.enqueue_dma source(%dma_start3A_69 : memref<160x125xi32, #tpu.memory_space<hbm>>) target(%dma_start3A_67 : memref<160x125xi32, #tpu.memory_space<vmem>>) target_semaphore(%run_scoped3A : memref<!tpu.dma_semaphore, #tpu.memory_space<semaphore_mem>>)
        %dma_wait3A_70 = arith.constant 0 : i32
        %dma_wait3A_71 = arith.constant 0 : i32
        %dma_wait3A_72 = tpu.memref_slice %arg8[%dma_wait3A_70, %dma_wait3A_71] : memref<160x125xi32, #tpu.memory_space<vmem>> -> memref<160x125xi32, #tpu.memory_space<vmem>>
        %dma_wait3A_73 = arith.constant 0 : i32
        %dma_wait3A_74 = tpu.memref_slice %arg2[%mul3A_27, %dma_wait3A_73] : memref<5120x125xi32, #tpu.memory_space<hbm>> -> memref<160x125xi32, #tpu.memory_space<hbm>>
        %dma_wait3A_75 = arith.constant 0 : i32
        %dma_wait3A_76 = arith.constant 0 : i32
        %dma_wait3A_77 = tpu.memref_slice %arg8[%dma_wait3A_75, %dma_wait3A_76] : memref<160x125xi32, #tpu.memory_space<vmem>> -> memref<160x125xi32, #tpu.memory_space<vmem>>
        %dma_wait3A_78 = arith.constant 0 : i32
        %dma_wait3A_79 = tpu.memref_slice %arg2[%mul3A_27, %dma_wait3A_78] : memref<5120x125xi32, #tpu.memory_space<hbm>> -> memref<160x125xi32, #tpu.memory_space<hbm>>
        tpu.wait_dma2 semaphore(%run_scoped3A : memref<!tpu.dma_semaphore, #tpu.memory_space<semaphore_mem>>) src(%dma_wait3A_79 : memref<160x125xi32, #tpu.memory_space<hbm>>) dst(%dma_wait3A_77 : memref<160x125xi32, #tpu.memory_space<vmem>>)
        tpu.yield
      }) : () -> ()
      %add3A = arith.constant 2560 : i32
      %add3A_28 = arith.addi %add3A, %mul3A_27 : i32
      "tpu.region"() ({
        %run_scoped3A = tpu.sem_alloc : memref<!tpu.dma_semaphore, #tpu.memory_space<semaphore_mem>>
        %dma_start3A_60 = arith.constant 0 : i32
        %dma_start3A_61 = arith.constant 0 : i32
        %dma_start3A_62 = tpu.memref_slice %arg9[%dma_start3A_60, %dma_start3A_61] : memref<160x125xi32, #tpu.memory_space<vmem>> -> memref<160x125xi32, #tpu.memory_space<vmem>>
        %dma_start3A_63 = arith.constant 0 : i32
        %dma_start3A_64 = tpu.memref_slice %arg2[%add3A_28, %dma_start3A_63] : memref<5120x125xi32, #tpu.memory_space<hbm>> -> memref<160x125xi32, #tpu.memory_space<hbm>>
        %dma_start3A_65 = arith.constant 0 : i32
        %dma_start3A_66 = arith.constant 0 : i32
        %dma_start3A_67 = tpu.memref_slice %arg9[%dma_start3A_65, %dma_start3A_66] : memref<160x125xi32, #tpu.memory_space<vmem>> -> memref<160x125xi32, #tpu.memory_space<vmem>>
        %dma_start3A_68 = arith.constant 0 : i32
        %dma_start3A_69 = tpu.memref_slice %arg2[%add3A_28, %dma_start3A_68] : memref<5120x125xi32, #tpu.memory_space<hbm>> -> memref<160x125xi32, #tpu.memory_space<hbm>>
        tpu.enqueue_dma source(%dma_start3A_69 : memref<160x125xi32, #tpu.memory_space<hbm>>) target(%dma_start3A_67 : memref<160x125xi32, #tpu.memory_space<vmem>>) target_semaphore(%run_scoped3A : memref<!tpu.dma_semaphore, #tpu.memory_space<semaphore_mem>>)
        %dma_wait3A_70 = arith.constant 0 : i32
        %dma_wait3A_71 = arith.constant 0 : i32
        %dma_wait3A_72 = tpu.memref_slice %arg9[%dma_wait3A_70, %dma_wait3A_71] : memref<160x125xi32, #tpu.memory_space<vmem>> -> memref<160x125xi32, #tpu.memory_space<vmem>>
        %dma_wait3A_73 = arith.constant 0 : i32
        %dma_wait3A_74 = tpu.memref_slice %arg2[%add3A_28, %dma_wait3A_73] : memref<5120x125xi32, #tpu.memory_space<hbm>> -> memref<160x125xi32, #tpu.memory_space<hbm>>
        %dma_wait3A_75 = arith.constant 0 : i32
        %dma_wait3A_76 = arith.constant 0 : i32
        %dma_wait3A_77 = tpu.memref_slice %arg9[%dma_wait3A_75, %dma_wait3A_76] : memref<160x125xi32, #tpu.memory_space<vmem>> -> memref<160x125xi32, #tpu.memory_space<vmem>>
        %dma_wait3A_78 = arith.constant 0 : i32
        %dma_wait3A_79 = tpu.memref_slice %arg2[%add3A_28, %dma_wait3A_78] : memref<5120x125xi32, #tpu.memory_space<hbm>> -> memref<160x125xi32, #tpu.memory_space<hbm>>
        tpu.wait_dma2 semaphore(%run_scoped3A : memref<!tpu.dma_semaphore, #tpu.memory_space<semaphore_mem>>) src(%dma_wait3A_79 : memref<160x125xi32, #tpu.memory_space<hbm>>) dst(%dma_wait3A_77 : memref<160x125xi32, #tpu.memory_space<vmem>>)
        tpu.yield
      }) : () -> ()
      %dma_start3A = arith.constant 0 : i32
      %dma_start3A_29 = arith.constant 0 : i32
      %dma_start3A_30 = tpu.memref_slice %arg8[%dma_start3A, %dma_start3A_29] : memref<160x125xi32, #tpu.memory_space<vmem>> -> memref<1x125xi32, #tpu.memory_space<vmem>>
      %dma_start3A_31 = tpu.memref_squeeze %dma_start3A_30 : memref<1x125xi32, #tpu.memory_space<vmem>> -> memref<125xi32, #tpu.memory_space<vmem>>
      %dma_start3A_32 = arith.constant 0 : i32
      %dma_start3A_33 = arith.constant 0 : i32
      %dma_start3A_34 = tpu.memref_slice %arg3[%dma_start3A_32, %dma_start3A_33] : memref<10240x128xbf16, #tpu.memory_space<hbm>> -> memref<10240x128xbf16, #tpu.memory_space<hbm>>
      tpu.enqueue_indirect_dma source(%dma_start3A_34 : memref<10240x128xbf16, #tpu.memory_space<hbm>>) target(%arg10 : memref<125x128xbf16, #tpu.memory_space<vmem>>) offsets(%dma_start3A_31 : memref<125xi32, #tpu.memory_space<vmem>>) semaphore(%arg14 : memref<!tpu.dma_semaphore, #tpu.memory_space<semaphore_mem>>)
      %dma_start3A_35 = arith.constant 1 : i32
      %dma_start3A_36 = arith.constant 0 : i32
      %dma_start3A_37 = tpu.memref_slice %arg8[%dma_start3A_35, %dma_start3A_36] : memref<160x125xi32, #tpu.memory_space<vmem>> -> memref<1x125xi32, #tpu.memory_space<vmem>>
      %dma_start3A_38 = tpu.memref_squeeze %dma_start3A_37 : memref<1x125xi32, #tpu.memory_space<vmem>> -> memref<125xi32, #tpu.memory_space<vmem>>
      %dma_start3A_39 = arith.constant 0 : i32
      %dma_start3A_40 = arith.constant 0 : i32
      %dma_start3A_41 = tpu.memref_slice %arg3[%dma_start3A_39, %dma_start3A_40] : memref<10240x128xbf16, #tpu.memory_space<hbm>> -> memref<10240x128xbf16, #tpu.memory_space<hbm>>
      tpu.enqueue_indirect_dma source(%dma_start3A_41 : memref<10240x128xbf16, #tpu.memory_space<hbm>>) target(%arg11 : memref<125x128xbf16, #tpu.memory_space<vmem>>) offsets(%dma_start3A_38 : memref<125xi32, #tpu.memory_space<vmem>>) semaphore(%arg15 : memref<!tpu.dma_semaphore, #tpu.memory_space<semaphore_mem>>)
      %dma_start3A_42 = arith.constant 2 : i32
      %dma_start3A_43 = arith.constant 0 : i32
      %dma_start3A_44 = tpu.memref_slice %arg8[%dma_start3A_42, %dma_start3A_43] : memref<160x125xi32, #tpu.memory_space<vmem>> -> memref<1x125xi32, #tpu.memory_space<vmem>>
      %dma_start3A_45 = tpu.memref_squeeze %dma_start3A_44 : memref<1x125xi32, #tpu.memory_space<vmem>> -> memref<125xi32, #tpu.memory_space<vmem>>
      %dma_start3A_46 = arith.constant 0 : i32
      %dma_start3A_47 = arith.constant 0 : i32
      %dma_start3A_48 = tpu.memref_slice %arg3[%dma_start3A_46, %dma_start3A_47] : memref<10240x128xbf16, #tpu.memory_space<hbm>> -> memref<10240x128xbf16, #tpu.memory_space<hbm>>
      tpu.enqueue_indirect_dma source(%dma_start3A_48 : memref<10240x128xbf16, #tpu.memory_space<hbm>>) target(%arg12 : memref<125x128xbf16, #tpu.memory_space<vmem>>) offsets(%dma_start3A_45 : memref<125xi32, #tpu.memory_space<vmem>>) semaphore(%arg16 : memref<!tpu.dma_semaphore, #tpu.memory_space<semaphore_mem>>)
      %scan3A_49 = arith.constant 0 : i32
      %scan3A_50 = arith.constant 40 : i32
      %scan3A_51 = arith.addi %scan3A_49, %scan3A_50 : i32
      %scan3A_52 = arith.constant 1 : i32
      scf.for %scan3A_60 = %scan3A_49 to %scan3A_51 step %scan3A_52  : i32 {
        %mul3A_61 = arith.constant 1 : i32
        %mul3A_62 = arith.muli %scan3A_60, %mul3A_61 : i32
        %add3A_63 = arith.constant 0 : i32
        %add3A_64 = arith.addi %add3A_63, %mul3A_62 : i32
        %mul3A_65 = arith.constant 4 : i32
        %mul3A_66 = arith.muli %mul3A_65, %add3A_64 : i32
        %dma_wait3A_67 = arith.constant 0 : i32
        %dma_wait3A_68 = arith.constant 0 : i32
        %dma_wait3A_69 = tpu.memref_slice %arg8[%dma_wait3A_67, %dma_wait3A_68] : memref<160x125xi32, #tpu.memory_space<vmem>> -> memref<1x125xi32, #tpu.memory_space<vmem>>
        %dma_wait3A_70 = tpu.memref_squeeze %dma_wait3A_69 : memref<1x125xi32, #tpu.memory_space<vmem>> -> memref<125xi32, #tpu.memory_space<vmem>>
        %dma_wait3A_71 = arith.constant 0 : i32
        %dma_wait3A_72 = arith.constant 0 : i32
        %dma_wait3A_73 = tpu.memref_slice %arg3[%dma_wait3A_71, %dma_wait3A_72] : memref<10240x128xbf16, #tpu.memory_space<hbm>> -> memref<10240x128xbf16, #tpu.memory_space<hbm>>
        tpu.wait_indirect_dma semaphore(%arg14 : memref<!tpu.dma_semaphore, #tpu.memory_space<semaphore_mem>>) src(%dma_wait3A_73 : memref<10240x128xbf16, #tpu.memory_space<hbm>>) dst(%arg10 : memref<125x128xbf16, #tpu.memory_space<vmem>>)
        %dma_start3A_74 = arith.constant 0 : i32
        %dma_start3A_75 = tpu.memref_slice %arg9[%mul3A_66, %dma_start3A_74] : memref<160x125xi32, #tpu.memory_space<vmem>> -> memref<1x125xi32, #tpu.memory_space<vmem>>
        %dma_start3A_76 = tpu.memref_squeeze %dma_start3A_75 : memref<1x125xi32, #tpu.memory_space<vmem>> -> memref<125xi32, #tpu.memory_space<vmem>>
        %dma_start3A_77 = arith.constant 0 : i32
        %dma_start3A_78 = arith.constant 0 : i32
        %dma_start3A_79 = tpu.memref_slice %arg7[%dma_start3A_77, %dma_start3A_78] : memref<10240x128xbf16, #tpu.memory_space<vmem_shared>> -> memref<10240x128xbf16, #tpu.memory_space<vmem_shared>>
        tpu.enqueue_indirect_dma source(%arg10 : memref<125x128xbf16, #tpu.memory_space<vmem>>) target(%dma_start3A_79 : memref<10240x128xbf16, #tpu.memory_space<vmem_shared>>) offsets(%dma_start3A_76 : memref<125xi32, #tpu.memory_space<vmem>>) semaphore(%arg18 : memref<!tpu.dma_semaphore, #tpu.memory_space<semaphore_mem>>) {add = true}
        %gt3A = arith.constant 0 : i32
        %gt3A_80 = arith.cmpi sgt, %add3A_64, %gt3A : i32
        %convert_element_type3A_81 = arith.extui %gt3A_80 : i1 to i32
        %cond3A_82 = arith.constant 0 : i32
        %cond3A_83 = arith.cmpi ne, %convert_element_type3A_81, %cond3A_82 : i32
        scf.if %cond3A_83 {
          %dma_wait3A_172 = arith.constant 0 : i32
          %dma_wait3A_173 = arith.constant 0 : i32
          %dma_wait3A_174 = tpu.memref_slice %arg9[%dma_wait3A_172, %dma_wait3A_173] : memref<160x125xi32, #tpu.memory_space<vmem>> -> memref<1x125xi32, #tpu.memory_space<vmem>>
          %dma_wait3A_175 = tpu.memref_squeeze %dma_wait3A_174 : memref<1x125xi32, #tpu.memory_space<vmem>> -> memref<125xi32, #tpu.memory_space<vmem>>
          %dma_wait3A_176 = arith.constant 0 : i32
          %dma_wait3A_177 = arith.constant 0 : i32
          %dma_wait3A_178 = tpu.memref_slice %arg7[%dma_wait3A_176, %dma_wait3A_177] : memref<10240x128xbf16, #tpu.memory_space<vmem_shared>> -> memref<10240x128xbf16, #tpu.memory_space<vmem_shared>>
          tpu.wait_indirect_dma semaphore(%arg21 : memref<!tpu.dma_semaphore, #tpu.memory_space<semaphore_mem>>) src(%arg13 : memref<125x128xbf16, #tpu.memory_space<vmem>>) dst(%dma_wait3A_178 : memref<10240x128xbf16, #tpu.memory_space<vmem_shared>>)
        } else {
        }
        %add3A_84 = arith.constant 3 : i32
        %add3A_85 = arith.addi %mul3A_66, %add3A_84 : i32
        %dma_start3A_86 = arith.constant 0 : i32
        %dma_start3A_87 = tpu.memref_slice %arg8[%add3A_85, %dma_start3A_86] : memref<160x125xi32, #tpu.memory_space<vmem>> -> memref<1x125xi32, #tpu.memory_space<vmem>>
        %dma_start3A_88 = tpu.memref_squeeze %dma_start3A_87 : memref<1x125xi32, #tpu.memory_space<vmem>> -> memref<125xi32, #tpu.memory_space<vmem>>
        %dma_start3A_89 = arith.constant 0 : i32
        %dma_start3A_90 = arith.constant 0 : i32
        %dma_start3A_91 = tpu.memref_slice %arg3[%dma_start3A_89, %dma_start3A_90] : memref<10240x128xbf16, #tpu.memory_space<hbm>> -> memref<10240x128xbf16, #tpu.memory_space<hbm>>
        tpu.enqueue_indirect_dma source(%dma_start3A_91 : memref<10240x128xbf16, #tpu.memory_space<hbm>>) target(%arg13 : memref<125x128xbf16, #tpu.memory_space<vmem>>) offsets(%dma_start3A_88 : memref<125xi32, #tpu.memory_space<vmem>>) semaphore(%arg17 : memref<!tpu.dma_semaphore, #tpu.memory_space<semaphore_mem>>)
        %dma_wait3A_92 = arith.constant 0 : i32
        %dma_wait3A_93 = arith.constant 0 : i32
        %dma_wait3A_94 = tpu.memref_slice %arg8[%dma_wait3A_92, %dma_wait3A_93] : memref<160x125xi32, #tpu.memory_space<vmem>> -> memref<1x125xi32, #tpu.memory_space<vmem>>
        %dma_wait3A_95 = tpu.memref_squeeze %dma_wait3A_94 : memref<1x125xi32, #tpu.memory_space<vmem>> -> memref<125xi32, #tpu.memory_space<vmem>>
        %dma_wait3A_96 = arith.constant 0 : i32
        %dma_wait3A_97 = arith.constant 0 : i32
        %dma_wait3A_98 = tpu.memref_slice %arg3[%dma_wait3A_96, %dma_wait3A_97] : memref<10240x128xbf16, #tpu.memory_space<hbm>> -> memref<10240x128xbf16, #tpu.memory_space<hbm>>
        tpu.wait_indirect_dma semaphore(%arg15 : memref<!tpu.dma_semaphore, #tpu.memory_space<semaphore_mem>>) src(%dma_wait3A_98 : memref<10240x128xbf16, #tpu.memory_space<hbm>>) dst(%arg11 : memref<125x128xbf16, #tpu.memory_space<vmem>>)
        %add3A_99 = arith.constant 1 : i32
        %add3A_100 = arith.addi %mul3A_66, %add3A_99 : i32
        %dma_start3A_101 = arith.constant 0 : i32
        %dma_start3A_102 = tpu.memref_slice %arg9[%add3A_100, %dma_start3A_101] : memref<160x125xi32, #tpu.memory_space<vmem>> -> memref<1x125xi32, #tpu.memory_space<vmem>>
        %dma_start3A_103 = tpu.memref_squeeze %dma_start3A_102 : memref<1x125xi32, #tpu.memory_space<vmem>> -> memref<125xi32, #tpu.memory_space<vmem>>
        %dma_start3A_104 = arith.constant 0 : i32
        %dma_start3A_105 = arith.constant 0 : i32
        %dma_start3A_106 = tpu.memref_slice %arg7[%dma_start3A_104, %dma_start3A_105] : memref<10240x128xbf16, #tpu.memory_space<vmem_shared>> -> memref<10240x128xbf16, #tpu.memory_space<vmem_shared>>
        tpu.enqueue_indirect_dma source(%arg11 : memref<125x128xbf16, #tpu.memory_space<vmem>>) target(%dma_start3A_106 : memref<10240x128xbf16, #tpu.memory_space<vmem_shared>>) offsets(%dma_start3A_103 : memref<125xi32, #tpu.memory_space<vmem>>) semaphore(%arg19 : memref<!tpu.dma_semaphore, #tpu.memory_space<semaphore_mem>>) {add = true}
        %dma_wait3A_107 = arith.constant 0 : i32
        %dma_wait3A_108 = arith.constant 0 : i32
        %dma_wait3A_109 = tpu.memref_slice %arg9[%dma_wait3A_107, %dma_wait3A_108] : memref<160x125xi32, #tpu.memory_space<vmem>> -> memref<1x125xi32, #tpu.memory_space<vmem>>
        %dma_wait3A_110 = tpu.memref_squeeze %dma_wait3A_109 : memref<1x125xi32, #tpu.memory_space<vmem>> -> memref<125xi32, #tpu.memory_space<vmem>>
        %dma_wait3A_111 = arith.constant 0 : i32
        %dma_wait3A_112 = arith.constant 0 : i32
        %dma_wait3A_113 = tpu.memref_slice %arg7[%dma_wait3A_111, %dma_wait3A_112] : memref<10240x128xbf16, #tpu.memory_space<vmem_shared>> -> memref<10240x128xbf16, #tpu.memory_space<vmem_shared>>
        tpu.wait_indirect_dma semaphore(%arg18 : memref<!tpu.dma_semaphore, #tpu.memory_space<semaphore_mem>>) src(%arg10 : memref<125x128xbf16, #tpu.memory_space<vmem>>) dst(%dma_wait3A_113 : memref<10240x128xbf16, #tpu.memory_space<vmem_shared>>)
        %lt3A = arith.constant 39 : i32
        %lt3A_114 = arith.cmpi slt, %add3A_64, %lt3A : i32
        %convert_element_type3A_115 = arith.extui %lt3A_114 : i1 to i32
        %cond3A_116 = arith.constant 0 : i32
        %cond3A_117 = arith.cmpi ne, %convert_element_type3A_115, %cond3A_116 : i32
        scf.if %cond3A_117 {
          %add3A_172 = arith.constant 4 : i32
          %add3A_173 = arith.addi %mul3A_66, %add3A_172 : i32
          %dma_start3A_174 = arith.constant 0 : i32
          %dma_start3A_175 = tpu.memref_slice %arg8[%add3A_173, %dma_start3A_174] : memref<160x125xi32, #tpu.memory_space<vmem>> -> memref<1x125xi32, #tpu.memory_space<vmem>>
          %dma_start3A_176 = tpu.memref_squeeze %dma_start3A_175 : memref<1x125xi32, #tpu.memory_space<vmem>> -> memref<125xi32, #tpu.memory_space<vmem>>
          %dma_start3A_177 = arith.constant 0 : i32
          %dma_start3A_178 = arith.constant 0 : i32
          %dma_start3A_179 = tpu.memref_slice %arg3[%dma_start3A_177, %dma_start3A_178] : memref<10240x128xbf16, #tpu.memory_space<hbm>> -> memref<10240x128xbf16, #tpu.memory_space<hbm>>
          tpu.enqueue_indirect_dma source(%dma_start3A_179 : memref<10240x128xbf16, #tpu.memory_space<hbm>>) target(%arg10 : memref<125x128xbf16, #tpu.memory_space<vmem>>) offsets(%dma_start3A_176 : memref<125xi32, #tpu.memory_space<vmem>>) semaphore(%arg14 : memref<!tpu.dma_semaphore, #tpu.memory_space<semaphore_mem>>)
        } else {
        }
        %dma_wait3A_118 = arith.constant 0 : i32
        %dma_wait3A_119 = arith.constant 0 : i32
        %dma_wait3A_120 = tpu.memref_slice %arg8[%dma_wait3A_118, %dma_wait3A_119] : memref<160x125xi32, #tpu.memory_space<vmem>> -> memref<1x125xi32, #tpu.memory_space<vmem>>
        %dma_wait3A_121 = tpu.memref_squeeze %dma_wait3A_120 : memref<1x125xi32, #tpu.memory_space<vmem>> -> memref<125xi32, #tpu.memory_space<vmem>>
        %dma_wait3A_122 = arith.constant 0 : i32
        %dma_wait3A_123 = arith.constant 0 : i32
        %dma_wait3A_124 = tpu.memref_slice %arg3[%dma_wait3A_122, %dma_wait3A_123] : memref<10240x128xbf16, #tpu.memory_space<hbm>> -> memref<10240x128xbf16, #tpu.memory_space<hbm>>
        tpu.wait_indirect_dma semaphore(%arg16 : memref<!tpu.dma_semaphore, #tpu.memory_space<semaphore_mem>>) src(%dma_wait3A_124 : memref<10240x128xbf16, #tpu.memory_space<hbm>>) dst(%arg12 : memref<125x128xbf16, #tpu.memory_space<vmem>>)
        %add3A_125 = arith.constant 2 : i32
        %add3A_126 = arith.addi %mul3A_66, %add3A_125 : i32
        %dma_start3A_127 = arith.constant 0 : i32
        %dma_start3A_128 = tpu.memref_slice %arg9[%add3A_126, %dma_start3A_127] : memref<160x125xi32, #tpu.memory_space<vmem>> -> memref<1x125xi32, #tpu.memory_space<vmem>>
        %dma_start3A_129 = tpu.memref_squeeze %dma_start3A_128 : memref<1x125xi32, #tpu.memory_space<vmem>> -> memref<125xi32, #tpu.memory_space<vmem>>
        %dma_start3A_130 = arith.constant 0 : i32
        %dma_start3A_131 = arith.constant 0 : i32
        %dma_start3A_132 = tpu.memref_slice %arg7[%dma_start3A_130, %dma_start3A_131] : memref<10240x128xbf16, #tpu.memory_space<vmem_shared>> -> memref<10240x128xbf16, #tpu.memory_space<vmem_shared>>
        tpu.enqueue_indirect_dma source(%arg12 : memref<125x128xbf16, #tpu.memory_space<vmem>>) target(%dma_start3A_132 : memref<10240x128xbf16, #tpu.memory_space<vmem_shared>>) offsets(%dma_start3A_129 : memref<125xi32, #tpu.memory_space<vmem>>) semaphore(%arg20 : memref<!tpu.dma_semaphore, #tpu.memory_space<semaphore_mem>>) {add = true}
        %dma_wait3A_133 = arith.constant 0 : i32
        %dma_wait3A_134 = arith.constant 0 : i32
        %dma_wait3A_135 = tpu.memref_slice %arg9[%dma_wait3A_133, %dma_wait3A_134] : memref<160x125xi32, #tpu.memory_space<vmem>> -> memref<1x125xi32, #tpu.memory_space<vmem>>
        %dma_wait3A_136 = tpu.memref_squeeze %dma_wait3A_135 : memref<1x125xi32, #tpu.memory_space<vmem>> -> memref<125xi32, #tpu.memory_space<vmem>>
        %dma_wait3A_137 = arith.constant 0 : i32
        %dma_wait3A_138 = arith.constant 0 : i32
        %dma_wait3A_139 = tpu.memref_slice %arg7[%dma_wait3A_137, %dma_wait3A_138] : memref<10240x128xbf16, #tpu.memory_space<vmem_shared>> -> memref<10240x128xbf16, #tpu.memory_space<vmem_shared>>
        tpu.wait_indirect_dma semaphore(%arg19 : memref<!tpu.dma_semaphore, #tpu.memory_space<semaphore_mem>>) src(%arg11 : memref<125x128xbf16, #tpu.memory_space<vmem>>) dst(%dma_wait3A_139 : memref<10240x128xbf16, #tpu.memory_space<vmem_shared>>)
        %lt3A_140 = arith.constant 39 : i32
        %lt3A_141 = arith.cmpi slt, %add3A_64, %lt3A_140 : i32
        %convert_element_type3A_142 = arith.extui %lt3A_141 : i1 to i32
        %cond3A_143 = arith.constant 0 : i32
        %cond3A_144 = arith.cmpi ne, %convert_element_type3A_142, %cond3A_143 : i32
        scf.if %cond3A_144 {
          %add3A_172 = arith.constant 5 : i32
          %add3A_173 = arith.addi %mul3A_66, %add3A_172 : i32
          %dma_start3A_174 = arith.constant 0 : i32
          %dma_start3A_175 = tpu.memref_slice %arg8[%add3A_173, %dma_start3A_174] : memref<160x125xi32, #tpu.memory_space<vmem>> -> memref<1x125xi32, #tpu.memory_space<vmem>>
          %dma_start3A_176 = tpu.memref_squeeze %dma_start3A_175 : memref<1x125xi32, #tpu.memory_space<vmem>> -> memref<125xi32, #tpu.memory_space<vmem>>
          %dma_start3A_177 = arith.constant 0 : i32
          %dma_start3A_178 = arith.constant 0 : i32
          %dma_start3A_179 = tpu.memref_slice %arg3[%dma_start3A_177, %dma_start3A_178] : memref<10240x128xbf16, #tpu.memory_space<hbm>> -> memref<10240x128xbf16, #tpu.memory_space<hbm>>
          tpu.enqueue_indirect_dma source(%dma_start3A_179 : memref<10240x128xbf16, #tpu.memory_space<hbm>>) target(%arg11 : memref<125x128xbf16, #tpu.memory_space<vmem>>) offsets(%dma_start3A_176 : memref<125xi32, #tpu.memory_space<vmem>>) semaphore(%arg15 : memref<!tpu.dma_semaphore, #tpu.memory_space<semaphore_mem>>)
        } else {
        }
        %dma_wait3A_145 = arith.constant 0 : i32
        %dma_wait3A_146 = arith.constant 0 : i32
        %dma_wait3A_147 = tpu.memref_slice %arg8[%dma_wait3A_145, %dma_wait3A_146] : memref<160x125xi32, #tpu.memory_space<vmem>> -> memref<1x125xi32, #tpu.memory_space<vmem>>
        %dma_wait3A_148 = tpu.memref_squeeze %dma_wait3A_147 : memref<1x125xi32, #tpu.memory_space<vmem>> -> memref<125xi32, #tpu.memory_space<vmem>>
        %dma_wait3A_149 = arith.constant 0 : i32
        %dma_wait3A_150 = arith.constant 0 : i32
        %dma_wait3A_151 = tpu.memref_slice %arg3[%dma_wait3A_149, %dma_wait3A_150] : memref<10240x128xbf16, #tpu.memory_space<hbm>> -> memref<10240x128xbf16, #tpu.memory_space<hbm>>
        tpu.wait_indirect_dma semaphore(%arg17 : memref<!tpu.dma_semaphore, #tpu.memory_space<semaphore_mem>>) src(%dma_wait3A_151 : memref<10240x128xbf16, #tpu.memory_space<hbm>>) dst(%arg13 : memref<125x128xbf16, #tpu.memory_space<vmem>>)
        %add3A_152 = arith.constant 3 : i32
        %add3A_153 = arith.addi %mul3A_66, %add3A_152 : i32
        %dma_start3A_154 = arith.constant 0 : i32
        %dma_start3A_155 = tpu.memref_slice %arg9[%add3A_153, %dma_start3A_154] : memref<160x125xi32, #tpu.memory_space<vmem>> -> memref<1x125xi32, #tpu.memory_space<vmem>>
        %dma_start3A_156 = tpu.memref_squeeze %dma_start3A_155 : memref<1x125xi32, #tpu.memory_space<vmem>> -> memref<125xi32, #tpu.memory_space<vmem>>
        %dma_start3A_157 = arith.constant 0 : i32
        %dma_start3A_158 = arith.constant 0 : i32
        %dma_start3A_159 = tpu.memref_slice %arg7[%dma_start3A_157, %dma_start3A_158] : memref<10240x128xbf16, #tpu.memory_space<vmem_shared>> -> memref<10240x128xbf16, #tpu.memory_space<vmem_shared>>
        tpu.enqueue_indirect_dma source(%arg13 : memref<125x128xbf16, #tpu.memory_space<vmem>>) target(%dma_start3A_159 : memref<10240x128xbf16, #tpu.memory_space<vmem_shared>>) offsets(%dma_start3A_156 : memref<125xi32, #tpu.memory_space<vmem>>) semaphore(%arg21 : memref<!tpu.dma_semaphore, #tpu.memory_space<semaphore_mem>>) {add = true}
        %dma_wait3A_160 = arith.constant 0 : i32
        %dma_wait3A_161 = arith.constant 0 : i32
        %dma_wait3A_162 = tpu.memref_slice %arg9[%dma_wait3A_160, %dma_wait3A_161] : memref<160x125xi32, #tpu.memory_space<vmem>> -> memref<1x125xi32, #tpu.memory_space<vmem>>
        %dma_wait3A_163 = tpu.memref_squeeze %dma_wait3A_162 : memref<1x125xi32, #tpu.memory_space<vmem>> -> memref<125xi32, #tpu.memory_space<vmem>>
        %dma_wait3A_164 = arith.constant 0 : i32
        %dma_wait3A_165 = arith.constant 0 : i32
        %dma_wait3A_166 = tpu.memref_slice %arg7[%dma_wait3A_164, %dma_wait3A_165] : memref<10240x128xbf16, #tpu.memory_space<vmem_shared>> -> memref<10240x128xbf16, #tpu.memory_space<vmem_shared>>
        tpu.wait_indirect_dma semaphore(%arg20 : memref<!tpu.dma_semaphore, #tpu.memory_space<semaphore_mem>>) src(%arg12 : memref<125x128xbf16, #tpu.memory_space<vmem>>) dst(%dma_wait3A_166 : memref<10240x128xbf16, #tpu.memory_space<vmem_shared>>)
        %lt3A_167 = arith.constant 39 : i32
        %lt3A_168 = arith.cmpi slt, %add3A_64, %lt3A_167 : i32
        %convert_element_type3A_169 = arith.extui %lt3A_168 : i1 to i32
        %cond3A_170 = arith.constant 0 : i32
        %cond3A_171 = arith.cmpi ne, %convert_element_type3A_169, %cond3A_170 : i32
        scf.if %cond3A_171 {
          %add3A_172 = arith.constant 6 : i32
          %add3A_173 = arith.addi %mul3A_66, %add3A_172 : i32
          %dma_start3A_174 = arith.constant 0 : i32
          %dma_start3A_175 = tpu.memref_slice %arg8[%add3A_173, %dma_start3A_174] : memref<160x125xi32, #tpu.memory_space<vmem>> -> memref<1x125xi32, #tpu.memory_space<vmem>>
          %dma_start3A_176 = tpu.memref_squeeze %dma_start3A_175 : memref<1x125xi32, #tpu.memory_space<vmem>> -> memref<125xi32, #tpu.memory_space<vmem>>
          %dma_start3A_177 = arith.constant 0 : i32
          %dma_start3A_178 = arith.constant 0 : i32
          %dma_start3A_179 = tpu.memref_slice %arg3[%dma_start3A_177, %dma_start3A_178] : memref<10240x128xbf16, #tpu.memory_space<hbm>> -> memref<10240x128xbf16, #tpu.memory_space<hbm>>
          tpu.enqueue_indirect_dma source(%dma_start3A_179 : memref<10240x128xbf16, #tpu.memory_space<hbm>>) target(%arg12 : memref<125x128xbf16, #tpu.memory_space<vmem>>) offsets(%dma_start3A_176 : memref<125xi32, #tpu.memory_space<vmem>>) semaphore(%arg16 : memref<!tpu.dma_semaphore, #tpu.memory_space<semaphore_mem>>)
        } else {
        }
      }
      %scan3A_53 = arith.constant 40 : i32
      %dma_wait3A = arith.constant 0 : i32
      %dma_wait3A_54 = arith.constant 0 : i32
      %dma_wait3A_55 = tpu.memref_slice %arg9[%dma_wait3A, %dma_wait3A_54] : memref<160x125xi32, #tpu.memory_space<vmem>> -> memref<1x125xi32, #tpu.memory_space<vmem>>
      %dma_wait3A_56 = tpu.memref_squeeze %dma_wait3A_55 : memref<1x125xi32, #tpu.memory_space<vmem>> -> memref<125xi32, #tpu.memory_space<vmem>>
      %dma_wait3A_57 = arith.constant 0 : i32
      %dma_wait3A_58 = arith.constant 0 : i32
      %dma_wait3A_59 = tpu.memref_slice %arg7[%dma_wait3A_57, %dma_wait3A_58] : memref<10240x128xbf16, #tpu.memory_space<vmem_shared>> -> memref<10240x128xbf16, #tpu.memory_space<vmem_shared>>
      tpu.wait_indirect_dma semaphore(%arg21 : memref<!tpu.dma_semaphore, #tpu.memory_space<semaphore_mem>>) src(%arg13 : memref<125x128xbf16, #tpu.memory_space<vmem>>) dst(%dma_wait3A_59 : memref<10240x128xbf16, #tpu.memory_space<vmem_shared>>)
    } else {
    }
    %eq3A_11 = arith.constant 1 : i32
    %eq3A_12 = arith.cmpi eq, %arg0, %eq3A_11 : i32
    %convert_element_type3A_13 = arith.extui %eq3A_12 : i1 to i32
    %cond3A_14 = arith.constant 0 : i32
    %cond3A_15 = arith.cmpi ne, %convert_element_type3A_13, %cond3A_14 : i32
    scf.if %cond3A_15 {
      %mul3A = arith.constant 160 : i32
      %mul3A_27 = arith.muli %arg1, %mul3A : i32
      "tpu.region"() ({
        %run_scoped3A = tpu.sem_alloc : memref<!tpu.dma_semaphore, #tpu.memory_space<semaphore_mem>>
        %dma_start3A_60 = arith.constant 0 : i32
        %dma_start3A_61 = arith.constant 0 : i32
        %dma_start3A_62 = tpu.memref_slice %arg8[%dma_start3A_60, %dma_start3A_61] : memref<160x125xi32, #tpu.memory_space<vmem>> -> memref<160x125xi32, #tpu.memory_space<vmem>>
        %dma_start3A_63 = arith.constant 0 : i32
        %dma_start3A_64 = tpu.memref_slice %arg2[%mul3A_27, %dma_start3A_63] : memref<5120x125xi32, #tpu.memory_space<hbm>> -> memref<160x125xi32, #tpu.memory_space<hbm>>
        %dma_start3A_65 = arith.constant 0 : i32
        %dma_start3A_66 = arith.constant 0 : i32
        %dma_start3A_67 = tpu.memref_slice %arg8[%dma_start3A_65, %dma_start3A_66] : memref<160x125xi32, #tpu.memory_space<vmem>> -> memref<160x125xi32, #tpu.memory_space<vmem>>
        %dma_start3A_68 = arith.constant 0 : i32
        %dma_start3A_69 = tpu.memref_slice %arg2[%mul3A_27, %dma_start3A_68] : memref<5120x125xi32, #tpu.memory_space<hbm>> -> memref<160x125xi32, #tpu.memory_space<hbm>>
        tpu.enqueue_dma source(%dma_start3A_69 : memref<160x125xi32, #tpu.memory_space<hbm>>) target(%dma_start3A_67 : memref<160x125xi32, #tpu.memory_space<vmem>>) target_semaphore(%run_scoped3A : memref<!tpu.dma_semaphore, #tpu.memory_space<semaphore_mem>>)
        %dma_wait3A_70 = arith.constant 0 : i32
        %dma_wait3A_71 = arith.constant 0 : i32
        %dma_wait3A_72 = tpu.memref_slice %arg8[%dma_wait3A_70, %dma_wait3A_71] : memref<160x125xi32, #tpu.memory_space<vmem>> -> memref<160x125xi32, #tpu.memory_space<vmem>>
        %dma_wait3A_73 = arith.constant 0 : i32
        %dma_wait3A_74 = tpu.memref_slice %arg2[%mul3A_27, %dma_wait3A_73] : memref<5120x125xi32, #tpu.memory_space<hbm>> -> memref<160x125xi32, #tpu.memory_space<hbm>>
        %dma_wait3A_75 = arith.constant 0 : i32
        %dma_wait3A_76 = arith.constant 0 : i32
        %dma_wait3A_77 = tpu.memref_slice %arg8[%dma_wait3A_75, %dma_wait3A_76] : memref<160x125xi32, #tpu.memory_space<vmem>> -> memref<160x125xi32, #tpu.memory_space<vmem>>
        %dma_wait3A_78 = arith.constant 0 : i32
        %dma_wait3A_79 = tpu.memref_slice %arg2[%mul3A_27, %dma_wait3A_78] : memref<5120x125xi32, #tpu.memory_space<hbm>> -> memref<160x125xi32, #tpu.memory_space<hbm>>
        tpu.wait_dma2 semaphore(%run_scoped3A : memref<!tpu.dma_semaphore, #tpu.memory_space<semaphore_mem>>) src(%dma_wait3A_79 : memref<160x125xi32, #tpu.memory_space<hbm>>) dst(%dma_wait3A_77 : memref<160x125xi32, #tpu.memory_space<vmem>>)
        tpu.yield
      }) : () -> ()
      %add3A = arith.constant 2560 : i32
      %add3A_28 = arith.addi %add3A, %mul3A_27 : i32
      "tpu.region"() ({
        %run_scoped3A = tpu.sem_alloc : memref<!tpu.dma_semaphore, #tpu.memory_space<semaphore_mem>>
        %dma_start3A_60 = arith.constant 0 : i32
        %dma_start3A_61 = arith.constant 0 : i32
        %dma_start3A_62 = tpu.memref_slice %arg9[%dma_start3A_60, %dma_start3A_61] : memref<160x125xi32, #tpu.memory_space<vmem>> -> memref<160x125xi32, #tpu.memory_space<vmem>>
        %dma_start3A_63 = arith.constant 0 : i32
        %dma_start3A_64 = tpu.memref_slice %arg2[%add3A_28, %dma_start3A_63] : memref<5120x125xi32, #tpu.memory_space<hbm>> -> memref<160x125xi32, #tpu.memory_space<hbm>>
        %dma_start3A_65 = arith.constant 0 : i32
        %dma_start3A_66 = arith.constant 0 : i32
        %dma_start3A_67 = tpu.memref_slice %arg9[%dma_start3A_65, %dma_start3A_66] : memref<160x125xi32, #tpu.memory_space<vmem>> -> memref<160x125xi32, #tpu.memory_space<vmem>>
        %dma_start3A_68 = arith.constant 0 : i32
        %dma_start3A_69 = tpu.memref_slice %arg2[%add3A_28, %dma_start3A_68] : memref<5120x125xi32, #tpu.memory_space<hbm>> -> memref<160x125xi32, #tpu.memory_space<hbm>>
        tpu.enqueue_dma source(%dma_start3A_69 : memref<160x125xi32, #tpu.memory_space<hbm>>) target(%dma_start3A_67 : memref<160x125xi32, #tpu.memory_space<vmem>>) target_semaphore(%run_scoped3A : memref<!tpu.dma_semaphore, #tpu.memory_space<semaphore_mem>>)
        %dma_wait3A_70 = arith.constant 0 : i32
        %dma_wait3A_71 = arith.constant 0 : i32
        %dma_wait3A_72 = tpu.memref_slice %arg9[%dma_wait3A_70, %dma_wait3A_71] : memref<160x125xi32, #tpu.memory_space<vmem>> -> memref<160x125xi32, #tpu.memory_space<vmem>>
        %dma_wait3A_73 = arith.constant 0 : i32
        %dma_wait3A_74 = tpu.memref_slice %arg2[%add3A_28, %dma_wait3A_73] : memref<5120x125xi32, #tpu.memory_space<hbm>> -> memref<160x125xi32, #tpu.memory_space<hbm>>
        %dma_wait3A_75 = arith.constant 0 : i32
        %dma_wait3A_76 = arith.constant 0 : i32
        %dma_wait3A_77 = tpu.memref_slice %arg9[%dma_wait3A_75, %dma_wait3A_76] : memref<160x125xi32, #tpu.memory_space<vmem>> -> memref<160x125xi32, #tpu.memory_space<vmem>>
        %dma_wait3A_78 = arith.constant 0 : i32
        %dma_wait3A_79 = tpu.memref_slice %arg2[%add3A_28, %dma_wait3A_78] : memref<5120x125xi32, #tpu.memory_space<hbm>> -> memref<160x125xi32, #tpu.memory_space<hbm>>
        tpu.wait_dma2 semaphore(%run_scoped3A : memref<!tpu.dma_semaphore, #tpu.memory_space<semaphore_mem>>) src(%dma_wait3A_79 : memref<160x125xi32, #tpu.memory_space<hbm>>) dst(%dma_wait3A_77 : memref<160x125xi32, #tpu.memory_space<vmem>>)
        tpu.yield
      }) : () -> ()
      %dma_start3A = arith.constant 0 : i32
      %dma_start3A_29 = arith.constant 0 : i32
      %dma_start3A_30 = tpu.memref_slice %arg8[%dma_start3A, %dma_start3A_29] : memref<160x125xi32, #tpu.memory_space<vmem>> -> memref<1x125xi32, #tpu.memory_space<vmem>>
      %dma_start3A_31 = tpu.memref_squeeze %dma_start3A_30 : memref<1x125xi32, #tpu.memory_space<vmem>> -> memref<125xi32, #tpu.memory_space<vmem>>
      %dma_start3A_32 = arith.constant 0 : i32
      %dma_start3A_33 = arith.constant 0 : i32
      %dma_start3A_34 = tpu.memref_slice %arg4[%dma_start3A_32, %dma_start3A_33] : memref<10240x128xbf16, #tpu.memory_space<hbm>> -> memref<10240x128xbf16, #tpu.memory_space<hbm>>
      tpu.enqueue_indirect_dma source(%dma_start3A_34 : memref<10240x128xbf16, #tpu.memory_space<hbm>>) target(%arg10 : memref<125x128xbf16, #tpu.memory_space<vmem>>) offsets(%dma_start3A_31 : memref<125xi32, #tpu.memory_space<vmem>>) semaphore(%arg14 : memref<!tpu.dma_semaphore, #tpu.memory_space<semaphore_mem>>)
      %dma_start3A_35 = arith.constant 1 : i32
      %dma_start3A_36 = arith.constant 0 : i32
      %dma_start3A_37 = tpu.memref_slice %arg8[%dma_start3A_35, %dma_start3A_36] : memref<160x125xi32, #tpu.memory_space<vmem>> -> memref<1x125xi32, #tpu.memory_space<vmem>>
      %dma_start3A_38 = tpu.memref_squeeze %dma_start3A_37 : memref<1x125xi32, #tpu.memory_space<vmem>> -> memref<125xi32, #tpu.memory_space<vmem>>
      %dma_start3A_39 = arith.constant 0 : i32
      %dma_start3A_40 = arith.constant 0 : i32
      %dma_start3A_41 = tpu.memref_slice %arg4[%dma_start3A_39, %dma_start3A_40] : memref<10240x128xbf16, #tpu.memory_space<hbm>> -> memref<10240x128xbf16, #tpu.memory_space<hbm>>
      tpu.enqueue_indirect_dma source(%dma_start3A_41 : memref<10240x128xbf16, #tpu.memory_space<hbm>>) target(%arg11 : memref<125x128xbf16, #tpu.memory_space<vmem>>) offsets(%dma_start3A_38 : memref<125xi32, #tpu.memory_space<vmem>>) semaphore(%arg15 : memref<!tpu.dma_semaphore, #tpu.memory_space<semaphore_mem>>)
      %dma_start3A_42 = arith.constant 2 : i32
      %dma_start3A_43 = arith.constant 0 : i32
      %dma_start3A_44 = tpu.memref_slice %arg8[%dma_start3A_42, %dma_start3A_43] : memref<160x125xi32, #tpu.memory_space<vmem>> -> memref<1x125xi32, #tpu.memory_space<vmem>>
      %dma_start3A_45 = tpu.memref_squeeze %dma_start3A_44 : memref<1x125xi32, #tpu.memory_space<vmem>> -> memref<125xi32, #tpu.memory_space<vmem>>
      %dma_start3A_46 = arith.constant 0 : i32
      %dma_start3A_47 = arith.constant 0 : i32
      %dma_start3A_48 = tpu.memref_slice %arg4[%dma_start3A_46, %dma_start3A_47] : memref<10240x128xbf16, #tpu.memory_space<hbm>> -> memref<10240x128xbf16, #tpu.memory_space<hbm>>
      tpu.enqueue_indirect_dma source(%dma_start3A_48 : memref<10240x128xbf16, #tpu.memory_space<hbm>>) target(%arg12 : memref<125x128xbf16, #tpu.memory_space<vmem>>) offsets(%dma_start3A_45 : memref<125xi32, #tpu.memory_space<vmem>>) semaphore(%arg16 : memref<!tpu.dma_semaphore, #tpu.memory_space<semaphore_mem>>)
      %scan3A_49 = arith.constant 0 : i32
      %scan3A_50 = arith.constant 40 : i32
      %scan3A_51 = arith.addi %scan3A_49, %scan3A_50 : i32
      %scan3A_52 = arith.constant 1 : i32
      scf.for %scan3A_60 = %scan3A_49 to %scan3A_51 step %scan3A_52  : i32 {
        %mul3A_61 = arith.constant 1 : i32
        %mul3A_62 = arith.muli %scan3A_60, %mul3A_61 : i32
        %add3A_63 = arith.constant 0 : i32
        %add3A_64 = arith.addi %add3A_63, %mul3A_62 : i32
        %mul3A_65 = arith.constant 4 : i32
        %mul3A_66 = arith.muli %mul3A_65, %add3A_64 : i32
        %dma_wait3A_67 = arith.constant 0 : i32
        %dma_wait3A_68 = arith.constant 0 : i32
        %dma_wait3A_69 = tpu.memref_slice %arg8[%dma_wait3A_67, %dma_wait3A_68] : memref<160x125xi32, #tpu.memory_space<vmem>> -> memref<1x125xi32, #tpu.memory_space<vmem>>
        %dma_wait3A_70 = tpu.memref_squeeze %dma_wait3A_69 : memref<1x125xi32, #tpu.memory_space<vmem>> -> memref<125xi32, #tpu.memory_space<vmem>>
        %dma_wait3A_71 = arith.constant 0 : i32
        %dma_wait3A_72 = arith.constant 0 : i32
        %dma_wait3A_73 = tpu.memref_slice %arg4[%dma_wait3A_71, %dma_wait3A_72] : memref<10240x128xbf16, #tpu.memory_space<hbm>> -> memref<10240x128xbf16, #tpu.memory_space<hbm>>
        tpu.wait_indirect_dma semaphore(%arg14 : memref<!tpu.dma_semaphore, #tpu.memory_space<semaphore_mem>>) src(%dma_wait3A_73 : memref<10240x128xbf16, #tpu.memory_space<hbm>>) dst(%arg10 : memref<125x128xbf16, #tpu.memory_space<vmem>>)
        %dma_start3A_74 = arith.constant 0 : i32
        %dma_start3A_75 = tpu.memref_slice %arg9[%mul3A_66, %dma_start3A_74] : memref<160x125xi32, #tpu.memory_space<vmem>> -> memref<1x125xi32, #tpu.memory_space<vmem>>
        %dma_start3A_76 = tpu.memref_squeeze %dma_start3A_75 : memref<1x125xi32, #tpu.memory_space<vmem>> -> memref<125xi32, #tpu.memory_space<vmem>>
        %dma_start3A_77 = arith.constant 0 : i32
        %dma_start3A_78 = arith.constant 0 : i32
        %dma_start3A_79 = tpu.memref_slice %arg7[%dma_start3A_77, %dma_start3A_78] : memref<10240x128xbf16, #tpu.memory_space<vmem_shared>> -> memref<10240x128xbf16, #tpu.memory_space<vmem_shared>>
        tpu.enqueue_indirect_dma source(%arg10 : memref<125x128xbf16, #tpu.memory_space<vmem>>) target(%dma_start3A_79 : memref<10240x128xbf16, #tpu.memory_space<vmem_shared>>) offsets(%dma_start3A_76 : memref<125xi32, #tpu.memory_space<vmem>>) semaphore(%arg18 : memref<!tpu.dma_semaphore, #tpu.memory_space<semaphore_mem>>) {add = true}
        %gt3A = arith.constant 0 : i32
        %gt3A_80 = arith.cmpi sgt, %add3A_64, %gt3A : i32
        %convert_element_type3A_81 = arith.extui %gt3A_80 : i1 to i32
        %cond3A_82 = arith.constant 0 : i32
        %cond3A_83 = arith.cmpi ne, %convert_element_type3A_81, %cond3A_82 : i32
        scf.if %cond3A_83 {
          %dma_wait3A_172 = arith.constant 0 : i32
          %dma_wait3A_173 = arith.constant 0 : i32
          %dma_wait3A_174 = tpu.memref_slice %arg9[%dma_wait3A_172, %dma_wait3A_173] : memref<160x125xi32, #tpu.memory_space<vmem>> -> memref<1x125xi32, #tpu.memory_space<vmem>>
          %dma_wait3A_175 = tpu.memref_squeeze %dma_wait3A_174 : memref<1x125xi32, #tpu.memory_space<vmem>> -> memref<125xi32, #tpu.memory_space<vmem>>
          %dma_wait3A_176 = arith.constant 0 : i32
          %dma_wait3A_177 = arith.constant 0 : i32
          %dma_wait3A_178 = tpu.memref_slice %arg7[%dma_wait3A_176, %dma_wait3A_177] : memref<10240x128xbf16, #tpu.memory_space<vmem_shared>> -> memref<10240x128xbf16, #tpu.memory_space<vmem_shared>>
          tpu.wait_indirect_dma semaphore(%arg21 : memref<!tpu.dma_semaphore, #tpu.memory_space<semaphore_mem>>) src(%arg13 : memref<125x128xbf16, #tpu.memory_space<vmem>>) dst(%dma_wait3A_178 : memref<10240x128xbf16, #tpu.memory_space<vmem_shared>>)
        } else {
        }
        %add3A_84 = arith.constant 3 : i32
        %add3A_85 = arith.addi %mul3A_66, %add3A_84 : i32
        %dma_start3A_86 = arith.constant 0 : i32
        %dma_start3A_87 = tpu.memref_slice %arg8[%add3A_85, %dma_start3A_86] : memref<160x125xi32, #tpu.memory_space<vmem>> -> memref<1x125xi32, #tpu.memory_space<vmem>>
        %dma_start3A_88 = tpu.memref_squeeze %dma_start3A_87 : memref<1x125xi32, #tpu.memory_space<vmem>> -> memref<125xi32, #tpu.memory_space<vmem>>
        %dma_start3A_89 = arith.constant 0 : i32
        %dma_start3A_90 = arith.constant 0 : i32
        %dma_start3A_91 = tpu.memref_slice %arg4[%dma_start3A_89, %dma_start3A_90] : memref<10240x128xbf16, #tpu.memory_space<hbm>> -> memref<10240x128xbf16, #tpu.memory_space<hbm>>
        tpu.enqueue_indirect_dma source(%dma_start3A_91 : memref<10240x128xbf16, #tpu.memory_space<hbm>>) target(%arg13 : memref<125x128xbf16, #tpu.memory_space<vmem>>) offsets(%dma_start3A_88 : memref<125xi32, #tpu.memory_space<vmem>>) semaphore(%arg17 : memref<!tpu.dma_semaphore, #tpu.memory_space<semaphore_mem>>)
        %dma_wait3A_92 = arith.constant 0 : i32
        %dma_wait3A_93 = arith.constant 0 : i32
        %dma_wait3A_94 = tpu.memref_slice %arg8[%dma_wait3A_92, %dma_wait3A_93] : memref<160x125xi32, #tpu.memory_space<vmem>> -> memref<1x125xi32, #tpu.memory_space<vmem>>
        %dma_wait3A_95 = tpu.memref_squeeze %dma_wait3A_94 : memref<1x125xi32, #tpu.memory_space<vmem>> -> memref<125xi32, #tpu.memory_space<vmem>>
        %dma_wait3A_96 = arith.constant 0 : i32
        %dma_wait3A_97 = arith.constant 0 : i32
        %dma_wait3A_98 = tpu.memref_slice %arg4[%dma_wait3A_96, %dma_wait3A_97] : memref<10240x128xbf16, #tpu.memory_space<hbm>> -> memref<10240x128xbf16, #tpu.memory_space<hbm>>
        tpu.wait_indirect_dma semaphore(%arg15 : memref<!tpu.dma_semaphore, #tpu.memory_space<semaphore_mem>>) src(%dma_wait3A_98 : memref<10240x128xbf16, #tpu.memory_space<hbm>>) dst(%arg11 : memref<125x128xbf16, #tpu.memory_space<vmem>>)
        %add3A_99 = arith.constant 1 : i32
        %add3A_100 = arith.addi %mul3A_66, %add3A_99 : i32
        %dma_start3A_101 = arith.constant 0 : i32
        %dma_start3A_102 = tpu.memref_slice %arg9[%add3A_100, %dma_start3A_101] : memref<160x125xi32, #tpu.memory_space<vmem>> -> memref<1x125xi32, #tpu.memory_space<vmem>>
        %dma_start3A_103 = tpu.memref_squeeze %dma_start3A_102 : memref<1x125xi32, #tpu.memory_space<vmem>> -> memref<125xi32, #tpu.memory_space<vmem>>
        %dma_start3A_104 = arith.constant 0 : i32
        %dma_start3A_105 = arith.constant 0 : i32
        %dma_start3A_106 = tpu.memref_slice %arg7[%dma_start3A_104, %dma_start3A_105] : memref<10240x128xbf16, #tpu.memory_space<vmem_shared>> -> memref<10240x128xbf16, #tpu.memory_space<vmem_shared>>
        tpu.enqueue_indirect_dma source(%arg11 : memref<125x128xbf16, #tpu.memory_space<vmem>>) target(%dma_start3A_106 : memref<10240x128xbf16, #tpu.memory_space<vmem_shared>>) offsets(%dma_start3A_103 : memref<125xi32, #tpu.memory_space<vmem>>) semaphore(%arg19 : memref<!tpu.dma_semaphore, #tpu.memory_space<semaphore_mem>>) {add = true}
        %dma_wait3A_107 = arith.constant 0 : i32
        %dma_wait3A_108 = arith.constant 0 : i32
        %dma_wait3A_109 = tpu.memref_slice %arg9[%dma_wait3A_107, %dma_wait3A_108] : memref<160x125xi32, #tpu.memory_space<vmem>> -> memref<1x125xi32, #tpu.memory_space<vmem>>
        %dma_wait3A_110 = tpu.memref_squeeze %dma_wait3A_109 : memref<1x125xi32, #tpu.memory_space<vmem>> -> memref<125xi32, #tpu.memory_space<vmem>>
        %dma_wait3A_111 = arith.constant 0 : i32
        %dma_wait3A_112 = arith.constant 0 : i32
        %dma_wait3A_113 = tpu.memref_slice %arg7[%dma_wait3A_111, %dma_wait3A_112] : memref<10240x128xbf16, #tpu.memory_space<vmem_shared>> -> memref<10240x128xbf16, #tpu.memory_space<vmem_shared>>
        tpu.wait_indirect_dma semaphore(%arg18 : memref<!tpu.dma_semaphore, #tpu.memory_space<semaphore_mem>>) src(%arg10 : memref<125x128xbf16, #tpu.memory_space<vmem>>) dst(%dma_wait3A_113 : memref<10240x128xbf16, #tpu.memory_space<vmem_shared>>)
        %lt3A = arith.constant 39 : i32
        %lt3A_114 = arith.cmpi slt, %add3A_64, %lt3A : i32
        %convert_element_type3A_115 = arith.extui %lt3A_114 : i1 to i32
        %cond3A_116 = arith.constant 0 : i32
        %cond3A_117 = arith.cmpi ne, %convert_element_type3A_115, %cond3A_116 : i32
        scf.if %cond3A_117 {
          %add3A_172 = arith.constant 4 : i32
          %add3A_173 = arith.addi %mul3A_66, %add3A_172 : i32
          %dma_start3A_174 = arith.constant 0 : i32
          %dma_start3A_175 = tpu.memref_slice %arg8[%add3A_173, %dma_start3A_174] : memref<160x125xi32, #tpu.memory_space<vmem>> -> memref<1x125xi32, #tpu.memory_space<vmem>>
          %dma_start3A_176 = tpu.memref_squeeze %dma_start3A_175 : memref<1x125xi32, #tpu.memory_space<vmem>> -> memref<125xi32, #tpu.memory_space<vmem>>
          %dma_start3A_177 = arith.constant 0 : i32
          %dma_start3A_178 = arith.constant 0 : i32
          %dma_start3A_179 = tpu.memref_slice %arg4[%dma_start3A_177, %dma_start3A_178] : memref<10240x128xbf16, #tpu.memory_space<hbm>> -> memref<10240x128xbf16, #tpu.memory_space<hbm>>
          tpu.enqueue_indirect_dma source(%dma_start3A_179 : memref<10240x128xbf16, #tpu.memory_space<hbm>>) target(%arg10 : memref<125x128xbf16, #tpu.memory_space<vmem>>) offsets(%dma_start3A_176 : memref<125xi32, #tpu.memory_space<vmem>>) semaphore(%arg14 : memref<!tpu.dma_semaphore, #tpu.memory_space<semaphore_mem>>)
        } else {
        }
        %dma_wait3A_118 = arith.constant 0 : i32
        %dma_wait3A_119 = arith.constant 0 : i32
        %dma_wait3A_120 = tpu.memref_slice %arg8[%dma_wait3A_118, %dma_wait3A_119] : memref<160x125xi32, #tpu.memory_space<vmem>> -> memref<1x125xi32, #tpu.memory_space<vmem>>
        %dma_wait3A_121 = tpu.memref_squeeze %dma_wait3A_120 : memref<1x125xi32, #tpu.memory_space<vmem>> -> memref<125xi32, #tpu.memory_space<vmem>>
        %dma_wait3A_122 = arith.constant 0 : i32
        %dma_wait3A_123 = arith.constant 0 : i32
        %dma_wait3A_124 = tpu.memref_slice %arg4[%dma_wait3A_122, %dma_wait3A_123] : memref<10240x128xbf16, #tpu.memory_space<hbm>> -> memref<10240x128xbf16, #tpu.memory_space<hbm>>
        tpu.wait_indirect_dma semaphore(%arg16 : memref<!tpu.dma_semaphore, #tpu.memory_space<semaphore_mem>>) src(%dma_wait3A_124 : memref<10240x128xbf16, #tpu.memory_space<hbm>>) dst(%arg12 : memref<125x128xbf16, #tpu.memory_space<vmem>>)
        %add3A_125 = arith.constant 2 : i32
        %add3A_126 = arith.addi %mul3A_66, %add3A_125 : i32
        %dma_start3A_127 = arith.constant 0 : i32
        %dma_start3A_128 = tpu.memref_slice %arg9[%add3A_126, %dma_start3A_127] : memref<160x125xi32, #tpu.memory_space<vmem>> -> memref<1x125xi32, #tpu.memory_space<vmem>>
        %dma_start3A_129 = tpu.memref_squeeze %dma_start3A_128 : memref<1x125xi32, #tpu.memory_space<vmem>> -> memref<125xi32, #tpu.memory_space<vmem>>
        %dma_start3A_130 = arith.constant 0 : i32
        %dma_start3A_131 = arith.constant 0 : i32
        %dma_start3A_132 = tpu.memref_slice %arg7[%dma_start3A_130, %dma_start3A_131] : memref<10240x128xbf16, #tpu.memory_space<vmem_shared>> -> memref<10240x128xbf16, #tpu.memory_space<vmem_shared>>
        tpu.enqueue_indirect_dma source(%arg12 : memref<125x128xbf16, #tpu.memory_space<vmem>>) target(%dma_start3A_132 : memref<10240x128xbf16, #tpu.memory_space<vmem_shared>>) offsets(%dma_start3A_129 : memref<125xi32, #tpu.memory_space<vmem>>) semaphore(%arg20 : memref<!tpu.dma_semaphore, #tpu.memory_space<semaphore_mem>>) {add = true}
        %dma_wait3A_133 = arith.constant 0 : i32
        %dma_wait3A_134 = arith.constant 0 : i32
        %dma_wait3A_135 = tpu.memref_slice %arg9[%dma_wait3A_133, %dma_wait3A_134] : memref<160x125xi32, #tpu.memory_space<vmem>> -> memref<1x125xi32, #tpu.memory_space<vmem>>
        %dma_wait3A_136 = tpu.memref_squeeze %dma_wait3A_135 : memref<1x125xi32, #tpu.memory_space<vmem>> -> memref<125xi32, #tpu.memory_space<vmem>>
        %dma_wait3A_137 = arith.constant 0 : i32
        %dma_wait3A_138 = arith.constant 0 : i32
        %dma_wait3A_139 = tpu.memref_slice %arg7[%dma_wait3A_137, %dma_wait3A_138] : memref<10240x128xbf16, #tpu.memory_space<vmem_shared>> -> memref<10240x128xbf16, #tpu.memory_space<vmem_shared>>
        tpu.wait_indirect_dma semaphore(%arg19 : memref<!tpu.dma_semaphore, #tpu.memory_space<semaphore_mem>>) src(%arg11 : memref<125x128xbf16, #tpu.memory_space<vmem>>) dst(%dma_wait3A_139 : memref<10240x128xbf16, #tpu.memory_space<vmem_shared>>)
        %lt3A_140 = arith.constant 39 : i32
        %lt3A_141 = arith.cmpi slt, %add3A_64, %lt3A_140 : i32
        %convert_element_type3A_142 = arith.extui %lt3A_141 : i1 to i32
        %cond3A_143 = arith.constant 0 : i32
        %cond3A_144 = arith.cmpi ne, %convert_element_type3A_142, %cond3A_143 : i32
        scf.if %cond3A_144 {
          %add3A_172 = arith.constant 5 : i32
          %add3A_173 = arith.addi %mul3A_66, %add3A_172 : i32
          %dma_start3A_174 = arith.constant 0 : i32
          %dma_start3A_175 = tpu.memref_slice %arg8[%add3A_173, %dma_start3A_174] : memref<160x125xi32, #tpu.memory_space<vmem>> -> memref<1x125xi32, #tpu.memory_space<vmem>>
          %dma_start3A_176 = tpu.memref_squeeze %dma_start3A_175 : memref<1x125xi32, #tpu.memory_space<vmem>> -> memref<125xi32, #tpu.memory_space<vmem>>
          %dma_start3A_177 = arith.constant 0 : i32
          %dma_start3A_178 = arith.constant 0 : i32
          %dma_start3A_179 = tpu.memref_slice %arg4[%dma_start3A_177, %dma_start3A_178] : memref<10240x128xbf16, #tpu.memory_space<hbm>> -> memref<10240x128xbf16, #tpu.memory_space<hbm>>
          tpu.enqueue_indirect_dma source(%dma_start3A_179 : memref<10240x128xbf16, #tpu.memory_space<hbm>>) target(%arg11 : memref<125x128xbf16, #tpu.memory_space<vmem>>) offsets(%dma_start3A_176 : memref<125xi32, #tpu.memory_space<vmem>>) semaphore(%arg15 : memref<!tpu.dma_semaphore, #tpu.memory_space<semaphore_mem>>)
        } else {
        }
        %dma_wait3A_145 = arith.constant 0 : i32
        %dma_wait3A_146 = arith.constant 0 : i32
        %dma_wait3A_147 = tpu.memref_slice %arg8[%dma_wait3A_145, %dma_wait3A_146] : memref<160x125xi32, #tpu.memory_space<vmem>> -> memref<1x125xi32, #tpu.memory_space<vmem>>
        %dma_wait3A_148 = tpu.memref_squeeze %dma_wait3A_147 : memref<1x125xi32, #tpu.memory_space<vmem>> -> memref<125xi32, #tpu.memory_space<vmem>>
        %dma_wait3A_149 = arith.constant 0 : i32
        %dma_wait3A_150 = arith.constant 0 : i32
        %dma_wait3A_151 = tpu.memref_slice %arg4[%dma_wait3A_149, %dma_wait3A_150] : memref<10240x128xbf16, #tpu.memory_space<hbm>> -> memref<10240x128xbf16, #tpu.memory_space<hbm>>
        tpu.wait_indirect_dma semaphore(%arg17 : memref<!tpu.dma_semaphore, #tpu.memory_space<semaphore_mem>>) src(%dma_wait3A_151 : memref<10240x128xbf16, #tpu.memory_space<hbm>>) dst(%arg13 : memref<125x128xbf16, #tpu.memory_space<vmem>>)
        %add3A_152 = arith.constant 3 : i32
        %add3A_153 = arith.addi %mul3A_66, %add3A_152 : i32
        %dma_start3A_154 = arith.constant 0 : i32
        %dma_start3A_155 = tpu.memref_slice %arg9[%add3A_153, %dma_start3A_154] : memref<160x125xi32, #tpu.memory_space<vmem>> -> memref<1x125xi32, #tpu.memory_space<vmem>>
        %dma_start3A_156 = tpu.memref_squeeze %dma_start3A_155 : memref<1x125xi32, #tpu.memory_space<vmem>> -> memref<125xi32, #tpu.memory_space<vmem>>
        %dma_start3A_157 = arith.constant 0 : i32
        %dma_start3A_158 = arith.constant 0 : i32
        %dma_start3A_159 = tpu.memref_slice %arg7[%dma_start3A_157, %dma_start3A_158] : memref<10240x128xbf16, #tpu.memory_space<vmem_shared>> -> memref<10240x128xbf16, #tpu.memory_space<vmem_shared>>
        tpu.enqueue_indirect_dma source(%arg13 : memref<125x128xbf16, #tpu.memory_space<vmem>>) target(%dma_start3A_159 : memref<10240x128xbf16, #tpu.memory_space<vmem_shared>>) offsets(%dma_start3A_156 : memref<125xi32, #tpu.memory_space<vmem>>) semaphore(%arg21 : memref<!tpu.dma_semaphore, #tpu.memory_space<semaphore_mem>>) {add = true}
        %dma_wait3A_160 = arith.constant 0 : i32
        %dma_wait3A_161 = arith.constant 0 : i32
        %dma_wait3A_162 = tpu.memref_slice %arg9[%dma_wait3A_160, %dma_wait3A_161] : memref<160x125xi32, #tpu.memory_space<vmem>> -> memref<1x125xi32, #tpu.memory_space<vmem>>
        %dma_wait3A_163 = tpu.memref_squeeze %dma_wait3A_162 : memref<1x125xi32, #tpu.memory_space<vmem>> -> memref<125xi32, #tpu.memory_space<vmem>>
        %dma_wait3A_164 = arith.constant 0 : i32
        %dma_wait3A_165 = arith.constant 0 : i32
        %dma_wait3A_166 = tpu.memref_slice %arg7[%dma_wait3A_164, %dma_wait3A_165] : memref<10240x128xbf16, #tpu.memory_space<vmem_shared>> -> memref<10240x128xbf16, #tpu.memory_space<vmem_shared>>
        tpu.wait_indirect_dma semaphore(%arg20 : memref<!tpu.dma_semaphore, #tpu.memory_space<semaphore_mem>>) src(%arg12 : memref<125x128xbf16, #tpu.memory_space<vmem>>) dst(%dma_wait3A_166 : memref<10240x128xbf16, #tpu.memory_space<vmem_shared>>)
        %lt3A_167 = arith.constant 39 : i32
        %lt3A_168 = arith.cmpi slt, %add3A_64, %lt3A_167 : i32
        %convert_element_type3A_169 = arith.extui %lt3A_168 : i1 to i32
        %cond3A_170 = arith.constant 0 : i32
        %cond3A_171 = arith.cmpi ne, %convert_element_type3A_169, %cond3A_170 : i32
        scf.if %cond3A_171 {
          %add3A_172 = arith.constant 6 : i32
          %add3A_173 = arith.addi %mul3A_66, %add3A_172 : i32
          %dma_start3A_174 = arith.constant 0 : i32
          %dma_start3A_175 = tpu.memref_slice %arg8[%add3A_173, %dma_start3A_174] : memref<160x125xi32, #tpu.memory_space<vmem>> -> memref<1x125xi32, #tpu.memory_space<vmem>>
          %dma_start3A_176 = tpu.memref_squeeze %dma_start3A_175 : memref<1x125xi32, #tpu.memory_space<vmem>> -> memref<125xi32, #tpu.memory_space<vmem>>
          %dma_start3A_177 = arith.constant 0 : i32
          %dma_start3A_178 = arith.constant 0 : i32
          %dma_start3A_179 = tpu.memref_slice %arg4[%dma_start3A_177, %dma_start3A_178] : memref<10240x128xbf16, #tpu.memory_space<hbm>> -> memref<10240x128xbf16, #tpu.memory_space<hbm>>
          tpu.enqueue_indirect_dma source(%dma_start3A_179 : memref<10240x128xbf16, #tpu.memory_space<hbm>>) target(%arg12 : memref<125x128xbf16, #tpu.memory_space<vmem>>) offsets(%dma_start3A_176 : memref<125xi32, #tpu.memory_space<vmem>>) semaphore(%arg16 : memref<!tpu.dma_semaphore, #tpu.memory_space<semaphore_mem>>)
        } else {
        }
      }
      %scan3A_53 = arith.constant 40 : i32
      %dma_wait3A = arith.constant 0 : i32
      %dma_wait3A_54 = arith.constant 0 : i32
      %dma_wait3A_55 = tpu.memref_slice %arg9[%dma_wait3A, %dma_wait3A_54] : memref<160x125xi32, #tpu.memory_space<vmem>> -> memref<1x125xi32, #tpu.memory_space<vmem>>
      %dma_wait3A_56 = tpu.memref_squeeze %dma_wait3A_55 : memref<1x125xi32, #tpu.memory_space<vmem>> -> memref<125xi32, #tpu.memory_space<vmem>>
      %dma_wait3A_57 = arith.constant 0 : i32
      %dma_wait3A_58 = arith.constant 0 : i32
      %dma_wait3A_59 = tpu.memref_slice %arg7[%dma_wait3A_57, %dma_wait3A_58] : memref<10240x128xbf16, #tpu.memory_space<vmem_shared>> -> memref<10240x128xbf16, #tpu.memory_space<vmem_shared>>
      tpu.wait_indirect_dma semaphore(%arg21 : memref<!tpu.dma_semaphore, #tpu.memory_space<semaphore_mem>>) src(%arg13 : memref<125x128xbf16, #tpu.memory_space<vmem>>) dst(%dma_wait3A_59 : memref<10240x128xbf16, #tpu.memory_space<vmem_shared>>)
    } else {
    }
    %barrier3A_16 = arith.constant 0 : index
    tpu.barrier barrier_id(%barrier3A_16)
    %eq3A_17 = arith.constant 0 : i32
    %eq3A_18 = arith.cmpi eq, %arg0, %eq3A_17 : i32
    %convert_element_type3A_19 = arith.extui %eq3A_18 : i1 to i32
    %cond3A_20 = arith.constant 0 : i32
    %cond3A_21 = arith.cmpi ne, %convert_element_type3A_19, %cond3A_20 : i32
    scf.if %cond3A_21 {
      %mul3A = arith.constant 640 : i32
      %mul3A_27 = arith.muli %arg1, %mul3A : i32
      "tpu.region"() ({
        %run_scoped3A = tpu.sem_alloc : memref<!tpu.dma_semaphore, #tpu.memory_space<semaphore_mem>>
        %dma_start3A = arith.constant 0 : i32
        %dma_start3A_28 = tpu.memref_slice %arg5[%mul3A_27, %dma_start3A] : memref<10240x128xbf16, #tpu.memory_space<hbm>> -> memref<640x128xbf16, #tpu.memory_space<hbm>>
        %dma_start3A_29 = arith.constant 0 : i32
        %dma_start3A_30 = tpu.memref_slice %arg7[%mul3A_27, %dma_start3A_29] : memref<10240x128xbf16, #tpu.memory_space<vmem_shared>> -> memref<640x128xbf16, #tpu.memory_space<vmem_shared>>
        tpu.enqueue_dma source(%dma_start3A_30 : memref<640x128xbf16, #tpu.memory_space<vmem_shared>>) target(%dma_start3A_28 : memref<640x128xbf16, #tpu.memory_space<hbm>>) target_semaphore(%run_scoped3A : memref<!tpu.dma_semaphore, #tpu.memory_space<semaphore_mem>>)
        %dma_wait3A = arith.constant 0 : i32
        %dma_wait3A_31 = tpu.memref_slice %arg5[%mul3A_27, %dma_wait3A] : memref<10240x128xbf16, #tpu.memory_space<hbm>> -> memref<640x128xbf16, #tpu.memory_space<hbm>>
        %dma_wait3A_32 = arith.constant 0 : i32
        %dma_wait3A_33 = tpu.memref_slice %arg7[%mul3A_27, %dma_wait3A_32] : memref<10240x128xbf16, #tpu.memory_space<vmem_shared>> -> memref<640x128xbf16, #tpu.memory_space<vmem_shared>>
        tpu.wait_dma2 semaphore(%run_scoped3A : memref<!tpu.dma_semaphore, #tpu.memory_space<semaphore_mem>>) src(%dma_wait3A_33 : memref<640x128xbf16, #tpu.memory_space<vmem_shared>>) dst(%dma_wait3A_31 : memref<640x128xbf16, #tpu.memory_space<hbm>>)
        tpu.yield
      }) : () -> ()
    } else {
    }
    %eq3A_22 = arith.constant 1 : i32
    %eq3A_23 = arith.cmpi eq, %arg0, %eq3A_22 : i32
    %convert_element_type3A_24 = arith.extui %eq3A_23 : i1 to i32
    %cond3A_25 = arith.constant 0 : i32
    %cond3A_26 = arith.cmpi ne, %convert_element_type3A_24, %cond3A_25 : i32
    scf.if %cond3A_26 {
      %mul3A = arith.constant 640 : i32
      %mul3A_27 = arith.muli %arg1, %mul3A : i32
      "tpu.region"() ({
        %run_scoped3A = tpu.sem_alloc : memref<!tpu.dma_semaphore, #tpu.memory_space<semaphore_mem>>
        %dma_start3A = arith.constant 0 : i32
        %dma_start3A_28 = tpu.memref_slice %arg6[%mul3A_27, %dma_start3A] : memref<10240x128xbf16, #tpu.memory_space<hbm>> -> memref<640x128xbf16, #tpu.memory_space<hbm>>
        %dma_start3A_29 = arith.constant 0 : i32
        %dma_start3A_30 = tpu.memref_slice %arg7[%mul3A_27, %dma_start3A_29] : memref<10240x128xbf16, #tpu.memory_space<vmem_shared>> -> memref<640x128xbf16, #tpu.memory_space<vmem_shared>>
        tpu.enqueue_dma source(%dma_start3A_30 : memref<640x128xbf16, #tpu.memory_space<vmem_shared>>) target(%dma_start3A_28 : memref<640x128xbf16, #tpu.memory_space<hbm>>) target_semaphore(%run_scoped3A : memref<!tpu.dma_semaphore, #tpu.memory_space<semaphore_mem>>)
        %dma_wait3A = arith.constant 0 : i32
        %dma_wait3A_31 = tpu.memref_slice %arg6[%mul3A_27, %dma_wait3A] : memref<10240x128xbf16, #tpu.memory_space<hbm>> -> memref<640x128xbf16, #tpu.memory_space<hbm>>
        %dma_wait3A_32 = arith.constant 0 : i32
        %dma_wait3A_33 = tpu.memref_slice %arg7[%mul3A_27, %dma_wait3A_32] : memref<10240x128xbf16, #tpu.memory_space<vmem_shared>> -> memref<640x128xbf16, #tpu.memory_space<vmem_shared>>
        tpu.wait_dma2 semaphore(%run_scoped3A : memref<!tpu.dma_semaphore, #tpu.memory_space<semaphore_mem>>) src(%dma_wait3A_33 : memref<640x128xbf16, #tpu.memory_space<vmem_shared>>) dst(%dma_wait3A_31 : memref<640x128xbf16, #tpu.memory_space<hbm>>)
        tpu.yield
      }) : () -> ()
    } else {
    }
    return
  }
}

module attributes {stable_mosaic.version = 14 : i64} {
  func.func @_prep_body(%arg0: memref<2x16x10240xf32, #tpu.memory_space<vmem>>, %arg1: memref<10000x128xf32, #tpu.memory_space<vmem>>, %arg2: memref<10000x128xf32, #tpu.memory_space<vmem>>, %arg3: memref<2x10240xf32, #tpu.memory_space<vmem>>, %arg4: memref<10240x128xbf16, #tpu.memory_space<vmem>>, %arg5: memref<10240x128xbf16, #tpu.memory_space<vmem>>) attributes {dimension_semantics = [], scalar_prefetch = 0 : i64, scratch_operands = 0 : i64, tpu.core_type = #tpu.core_type<tc>} {
    %get3A = arith.constant 0 : index
    %get3A_0 = arith.constant 0 : index
    %get3A_1 = arith.constant 0 : index
    %get3A_2 = vector.load %arg0[%get3A, %get3A_0, %get3A_1] : memref<2x16x10240xf32, #tpu.memory_space<vmem>>, vector<2x16x10240xf32>
    %reduce_sum3A = arith.constant dense<0.000000e+00> : vector<2x10240xf32>
    %reduce_sum3A_3 = vector.multi_reduction <add>, %get3A_2, %reduce_sum3A [1] : vector<2x16x10240xf32> to vector<2x10240xf32>
    %add3A = arith.constant 1.000000e+00 : f32
    %add3A_4 = vector.broadcast %add3A : f32 to vector<2x10240xf32>
    %add3A_5 = arith.addf %reduce_sum3A_3, %add3A_4 : vector<2x10240xf32>
    %rsqrt3A = math.rsqrt %add3A_5 : vector<2x10240xf32>
    %swap3A = arith.constant 0 : index
    %swap3A_6 = arith.constant 0 : index
    %swap3A_7 = vector.load %arg3[%swap3A, %swap3A_6] : memref<2x10240xf32, #tpu.memory_space<vmem>>, vector<2x10240xf32>
    tpu.vector_store %arg3[%swap3A, %swap3A_6], %rsqrt3A {strides = array<i32>} : memref<2x10240xf32, #tpu.memory_space<vmem>>, vector<2x10240xf32>,
    %broadcast_in_dim3A = arith.constant 0.000000e+00 : bf16
    %broadcast_in_dim3A_8 = vector.broadcast %broadcast_in_dim3A : bf16 to vector<240x128xbf16>
    %get3A_9 = arith.constant 0 : index
    %get3A_10 = arith.constant 0 : index
    %get3A_11 = vector.load %arg1[%get3A_9, %get3A_10] : memref<10000x128xf32, #tpu.memory_space<vmem>>, vector<10000x128xf32>
    %slice3A = vector.extract_strided_slice %rsqrt3A {offsets = [0, 0], sizes = [1, 10000], strides = [1, 1]} : vector<2x10240xf32> to vector<1x10000xf32>
    %squeeze3A = vector.shape_cast %slice3A : vector<1x10000xf32> to vector<10000xf32>
    %broadcast_in_dim3A_12 = vector.shape_cast %squeeze3A : vector<10000xf32> to vector<10000x1xf32>
    %mul3A = vector.broadcast %broadcast_in_dim3A_12 : vector<10000x1xf32> to vector<10000x128xf32>
    %mul3A_13 = arith.mulf %get3A_11, %mul3A : vector<10000x128xf32>
    %convert_element_type3A = arith.truncf %mul3A_13 : vector<10000x128xf32> to vector<10000x128xbf16>
    %swap3A_14 = arith.constant 0 : index
    %swap3A_15 = arith.constant 0 : index
    %swap3A_16 = vector.load %arg4[%swap3A_14, %swap3A_15] : memref<10240x128xbf16, #tpu.memory_space<vmem>>, vector<10000x128xbf16>
    tpu.vector_store %arg4[%swap3A_14, %swap3A_15], %convert_element_type3A {strides = array<i32>} : memref<10240x128xbf16, #tpu.memory_space<vmem>>, vector<10000x128xbf16>,
    %swap3A_17 = arith.constant 10000 : index
    %swap3A_18 = arith.constant 0 : index
    %swap3A_19 = vector.load %arg4[%swap3A_17, %swap3A_18] : memref<10240x128xbf16, #tpu.memory_space<vmem>>, vector<240x128xbf16>
    tpu.vector_store %arg4[%swap3A_17, %swap3A_18], %broadcast_in_dim3A_8 {strides = array<i32>} : memref<10240x128xbf16, #tpu.memory_space<vmem>>, vector<240x128xbf16>,
    %get3A_20 = arith.constant 0 : index
    %get3A_21 = arith.constant 0 : index
    %get3A_22 = vector.load %arg2[%get3A_20, %get3A_21] : memref<10000x128xf32, #tpu.memory_space<vmem>>, vector<10000x128xf32>
    %slice3A_23 = vector.extract_strided_slice %rsqrt3A {offsets = [1, 0], sizes = [1, 10000], strides = [1, 1]} : vector<2x10240xf32> to vector<1x10000xf32>
    %squeeze3A_24 = vector.shape_cast %slice3A_23 : vector<1x10000xf32> to vector<10000xf32>
    %broadcast_in_dim3A_25 = vector.shape_cast %squeeze3A_24 : vector<10000xf32> to vector<10000x1xf32>
    %mul3A_26 = vector.broadcast %broadcast_in_dim3A_25 : vector<10000x1xf32> to vector<10000x128xf32>
    %mul3A_27 = arith.mulf %get3A_22, %mul3A_26 : vector<10000x128xf32>
    %convert_element_type3A_28 = arith.truncf %mul3A_27 : vector<10000x128xf32> to vector<10000x128xbf16>
    %swap3A_29 = arith.constant 0 : index
    %swap3A_30 = arith.constant 0 : index
    %swap3A_31 = vector.load %arg5[%swap3A_29, %swap3A_30] : memref<10240x128xbf16, #tpu.memory_space<vmem>>, vector<10000x128xbf16>
    tpu.vector_store %arg5[%swap3A_29, %swap3A_30], %convert_element_type3A_28 {strides = array<i32>} : memref<10240x128xbf16, #tpu.memory_space<vmem>>, vector<10000x128xbf16>,
    %swap3A_32 = arith.constant 10000 : index
    %swap3A_33 = arith.constant 0 : index
    %swap3A_34 = vector.load %arg5[%swap3A_32, %swap3A_33] : memref<10240x128xbf16, #tpu.memory_space<vmem>>, vector<240x128xbf16>
    tpu.vector_store %arg5[%swap3A_32, %swap3A_33], %broadcast_in_dim3A_8 {strides = array<i32>} : memref<10240x128xbf16, #tpu.memory_space<vmem>>, vector<240x128xbf16>,
    return
  }
}

module attributes {stable_mosaic.version = 14 : i64} {
  func.func @_mid_body(%arg0: memref<10240x128xbf16, #tpu.memory_space<vmem>>, %arg1: memref<10240x128xbf16, #tpu.memory_space<vmem>>, %arg2: memref<10240x128xbf16, #tpu.memory_space<vmem>>, %arg3: memref<2x10240xf32, #tpu.memory_space<vmem>>, %arg4: memref<128x256xf32, #tpu.memory_space<vmem>>, %arg5: memref<256xf32, #tpu.memory_space<vmem>>, %arg6: memref<256xf32, #tpu.memory_space<vmem>>, %arg7: memref<256xf32, #tpu.memory_space<vmem>>, %arg8: memref<10240x128xbf16, #tpu.memory_space<vmem>>, %arg9: memref<10240x128xbf16, #tpu.memory_space<vmem>>) attributes {dimension_semantics = [], scalar_prefetch = 0 : i64, scratch_operands = 0 : i64, tpu.core_type = #tpu.core_type<tc>} {
    %get3A = arith.constant 0 : index
    %get3A_0 = arith.constant 0 : index
    %get3A_1 = vector.load %arg3[%get3A, %get3A_0] : memref<2x10240xf32, #tpu.memory_space<vmem>>, vector<1x10000xf32>
    %get3A_2 = vector.shape_cast %get3A_1 : vector<1x10000xf32> to vector<10000xf32>
    %reshape3A = vector.shape_cast %get3A_2 : vector<10000xf32> to vector<10000x1xf32>
    %get3A_3 = arith.constant 0 : index
    %get3A_4 = arith.constant 0 : index
    %get3A_5 = vector.load %arg0[%get3A_3, %get3A_4] : memref<10240x128xbf16, #tpu.memory_space<vmem>>, vector<10000x128xbf16>
    %convert_element_type3A = arith.extf %get3A_5 : vector<10000x128xbf16> to vector<10000x128xf32>
    %get3A_6 = arith.constant 0 : index
    %get3A_7 = arith.constant 0 : index
    %get3A_8 = vector.load %arg1[%get3A_6, %get3A_7] : memref<10240x128xbf16, #tpu.memory_space<vmem>>, vector<10000x128xbf16>
    %convert_element_type3A_9 = arith.extf %get3A_8 : vector<10000x128xbf16> to vector<10000x128xf32>
    %add3A = arith.addf %convert_element_type3A, %convert_element_type3A_9 : vector<10000x128xf32>
    %get3A_10 = arith.constant 0 : index
    %get3A_11 = arith.constant 0 : index
    %get3A_12 = vector.load %arg2[%get3A_10, %get3A_11] : memref<10240x128xbf16, #tpu.memory_space<vmem>>, vector<10000x128xbf16>
    %convert_element_type3A_13 = arith.extf %get3A_12 : vector<10000x128xbf16> to vector<10000x128xf32>
    %add3A_14 = arith.addf %add3A, %convert_element_type3A_13 : vector<10000x128xf32>
    %mul3A = vector.broadcast %reshape3A : vector<10000x1xf32> to vector<10000x128xf32>
    %mul3A_15 = arith.mulf %add3A_14, %mul3A : vector<10000x128xf32>
    %get3A_16 = arith.constant 0 : index
    %get3A_17 = arith.constant 0 : index
    %get3A_18 = vector.load %arg4[%get3A_16, %get3A_17] : memref<128x256xf32, #tpu.memory_space<vmem>>, vector<128x256xf32>
    %dot_general3A = arith.constant dense<0.000000e+00> : vector<10000x256xf32>
    %dot_general3A_19 = tpu.matmul %mul3A_15, %get3A_18, %dot_general3A {dimension_numbers = #tpu.dot_dimension_numbers<[1], [0], [0], [1], [0, 0, 1, 1], [], []>, transpose_lhs_hint = false} : vector<10000x128xf32>, vector<128x256xf32>, vector<10000x256xf32> -> vector<10000x256xf32>
    %get3A_20 = arith.constant 0 : index
    %get3A_21 = vector.load %arg5[%get3A_20] : memref<256xf32, #tpu.memory_space<vmem>>, vector<256xf32>
    %reshape3A_22 = vector.shape_cast %get3A_21 : vector<256xf32> to vector<1x256xf32>
    %add3A_23 = vector.broadcast %reshape3A_22 : vector<1x256xf32> to vector<10000x256xf32>
    %add3A_24 = arith.addf %dot_general3A_19, %add3A_23 : vector<10000x256xf32>
    %reduce_sum3A = arith.constant dense<0.000000e+00> : vector<256xf32>
    %reduce_sum3A_25 = vector.multi_reduction <add>, %add3A_24, %reduce_sum3A [0] : vector<10000x256xf32> to vector<256xf32>
    %broadcast_in_dim3A = vector.shape_cast %reduce_sum3A_25 : vector<256xf32> to vector<1x256xf32>
    %div3A = arith.constant 1.000000e+04 : f32
    %div3A_26 = vector.broadcast %div3A : f32 to vector<1x256xf32>
    %div3A_27 = arith.divf %broadcast_in_dim3A, %div3A_26 : vector<1x256xf32>
    %sub3A = vector.broadcast %div3A_27 : vector<1x256xf32> to vector<10000x256xf32>
    %sub3A_28 = arith.subf %add3A_24, %sub3A : vector<10000x256xf32>
    %sub3A_29 = vector.broadcast %div3A_27 : vector<1x256xf32> to vector<10000x256xf32>
    %sub3A_30 = arith.subf %add3A_24, %sub3A_29 : vector<10000x256xf32>
    %mul3A_31 = arith.mulf %sub3A_28, %sub3A_30 : vector<10000x256xf32>
    %reduce_sum3A_32 = arith.constant dense<0.000000e+00> : vector<256xf32>
    %reduce_sum3A_33 = vector.multi_reduction <add>, %mul3A_31, %reduce_sum3A_32 [0] : vector<10000x256xf32> to vector<256xf32>
    %broadcast_in_dim3A_34 = vector.shape_cast %reduce_sum3A_33 : vector<256xf32> to vector<1x256xf32>
    %div3A_35 = arith.constant 1.000000e+04 : f32
    %div3A_36 = vector.broadcast %div3A_35 : f32 to vector<1x256xf32>
    %div3A_37 = arith.divf %broadcast_in_dim3A_34, %div3A_36 : vector<1x256xf32>
    %sub3A_38 = vector.broadcast %div3A_27 : vector<1x256xf32> to vector<10000x256xf32>
    %sub3A_39 = arith.subf %add3A_24, %sub3A_38 : vector<10000x256xf32>
    %add3A_40 = arith.constant 9.99999974E-6 : f32
    %add3A_41 = vector.broadcast %add3A_40 : f32 to vector<1x256xf32>
    %add3A_42 = arith.addf %div3A_37, %add3A_41 : vector<1x256xf32>
    %rsqrt3A = math.rsqrt %add3A_42 : vector<1x256xf32>
    %mul3A_43 = vector.broadcast %rsqrt3A : vector<1x256xf32> to vector<10000x256xf32>
    %mul3A_44 = arith.mulf %sub3A_39, %mul3A_43 : vector<10000x256xf32>
    %get3A_45 = arith.constant 0 : index
    %get3A_46 = vector.load %arg6[%get3A_45] : memref<256xf32, #tpu.memory_space<vmem>>, vector<256xf32>
    %reshape3A_47 = vector.shape_cast %get3A_46 : vector<256xf32> to vector<1x256xf32>
    %mul3A_48 = vector.broadcast %reshape3A_47 : vector<1x256xf32> to vector<10000x256xf32>
    %mul3A_49 = arith.mulf %mul3A_44, %mul3A_48 : vector<10000x256xf32>
    %get3A_50 = arith.constant 0 : index
    %get3A_51 = vector.load %arg7[%get3A_50] : memref<256xf32, #tpu.memory_space<vmem>>, vector<256xf32>
    %reshape3A_52 = vector.shape_cast %get3A_51 : vector<256xf32> to vector<1x256xf32>
    %add3A_53 = vector.broadcast %reshape3A_52 : vector<1x256xf32> to vector<10000x256xf32>
    %add3A_54 = arith.addf %mul3A_49, %add3A_53 : vector<10000x256xf32>
    %max3A = arith.constant 0.000000e+00 : f32
    %max3A_55 = vector.broadcast %max3A : f32 to vector<10000x256xf32>
    %max3A_56 = arith.maximumf %add3A_54, %max3A_55 : vector<10000x256xf32>
    %mul3A_57 = vector.broadcast %reshape3A : vector<10000x1xf32> to vector<10000x256xf32>
    %mul3A_58 = arith.mulf %max3A_56, %mul3A_57 : vector<10000x256xf32>
    %convert_element_type3A_59 = arith.truncf %mul3A_58 : vector<10000x256xf32> to vector<10000x256xbf16>
    %broadcast_in_dim3A_60 = arith.constant 0.000000e+00 : bf16
    %broadcast_in_dim3A_61 = vector.broadcast %broadcast_in_dim3A_60 : bf16 to vector<240x128xbf16>
    %slice3A = vector.extract_strided_slice %convert_element_type3A_59 {offsets = [0, 0], sizes = [10000, 128], strides = [1, 1]} : vector<10000x256xbf16> to vector<10000x128xbf16>
    %swap3A = arith.constant 0 : index
    %swap3A_62 = arith.constant 0 : index
    %swap3A_63 = vector.load %arg8[%swap3A, %swap3A_62] : memref<10240x128xbf16, #tpu.memory_space<vmem>>, vector<10000x128xbf16>
    tpu.vector_store %arg8[%swap3A, %swap3A_62], %slice3A {strides = array<i32>} : memref<10240x128xbf16, #tpu.memory_space<vmem>>, vector<10000x128xbf16>,
    %swap3A_64 = arith.constant 10000 : index
    %swap3A_65 = arith.constant 0 : index
    %swap3A_66 = vector.load %arg8[%swap3A_64, %swap3A_65] : memref<10240x128xbf16, #tpu.memory_space<vmem>>, vector<240x128xbf16>
    tpu.vector_store %arg8[%swap3A_64, %swap3A_65], %broadcast_in_dim3A_61 {strides = array<i32>} : memref<10240x128xbf16, #tpu.memory_space<vmem>>, vector<240x128xbf16>,
    %slice3A_67 = vector.extract_strided_slice %convert_element_type3A_59 {offsets = [0, 128], sizes = [10000, 128], strides = [1, 1]} : vector<10000x256xbf16> to vector<10000x128xbf16>
    %swap3A_68 = arith.constant 0 : index
    %swap3A_69 = arith.constant 0 : index
    %swap3A_70 = vector.load %arg9[%swap3A_68, %swap3A_69] : memref<10240x128xbf16, #tpu.memory_space<vmem>>, vector<10000x128xbf16>
    tpu.vector_store %arg9[%swap3A_68, %swap3A_69], %slice3A_67 {strides = array<i32>} : memref<10240x128xbf16, #tpu.memory_space<vmem>>, vector<10000x128xbf16>,
    %swap3A_71 = arith.constant 10000 : index
    %swap3A_72 = arith.constant 0 : index
    %swap3A_73 = vector.load %arg9[%swap3A_71, %swap3A_72] : memref<10240x128xbf16, #tpu.memory_space<vmem>>, vector<240x128xbf16>
    tpu.vector_store %arg9[%swap3A_71, %swap3A_72], %broadcast_in_dim3A_61 {strides = array<i32>} : memref<10240x128xbf16, #tpu.memory_space<vmem>>, vector<240x128xbf16>,
    return
  }
}

module attributes {stable_mosaic.version = 14 : i64} {
  func.func @_mid_body(%arg0: memref<10240x128xbf16, #tpu.memory_space<vmem>>, %arg1: memref<10240x128xbf16, #tpu.memory_space<vmem>>, %arg2: memref<10240x128xbf16, #tpu.memory_space<vmem>>, %arg3: memref<2x10240xf32, #tpu.memory_space<vmem>>, %arg4: memref<128x256xf32, #tpu.memory_space<vmem>>, %arg5: memref<256xf32, #tpu.memory_space<vmem>>, %arg6: memref<256xf32, #tpu.memory_space<vmem>>, %arg7: memref<256xf32, #tpu.memory_space<vmem>>, %arg8: memref<10240x128xbf16, #tpu.memory_space<vmem>>, %arg9: memref<10240x128xbf16, #tpu.memory_space<vmem>>) attributes {dimension_semantics = [], scalar_prefetch = 0 : i64, scratch_operands = 0 : i64, tpu.core_type = #tpu.core_type<tc>} {
    %get3A = arith.constant 1 : index
    %get3A_0 = arith.constant 0 : index
    %get3A_1 = vector.load %arg3[%get3A, %get3A_0] : memref<2x10240xf32, #tpu.memory_space<vmem>>, vector<1x10000xf32>
    %get3A_2 = vector.shape_cast %get3A_1 : vector<1x10000xf32> to vector<10000xf32>
    %reshape3A = vector.shape_cast %get3A_2 : vector<10000xf32> to vector<10000x1xf32>
    %get3A_3 = arith.constant 0 : index
    %get3A_4 = arith.constant 0 : index
    %get3A_5 = vector.load %arg0[%get3A_3, %get3A_4] : memref<10240x128xbf16, #tpu.memory_space<vmem>>, vector<10000x128xbf16>
    %convert_element_type3A = arith.extf %get3A_5 : vector<10000x128xbf16> to vector<10000x128xf32>
    %get3A_6 = arith.constant 0 : index
    %get3A_7 = arith.constant 0 : index
    %get3A_8 = vector.load %arg1[%get3A_6, %get3A_7] : memref<10240x128xbf16, #tpu.memory_space<vmem>>, vector<10000x128xbf16>
    %convert_element_type3A_9 = arith.extf %get3A_8 : vector<10000x128xbf16> to vector<10000x128xf32>
    %add3A = arith.addf %convert_element_type3A, %convert_element_type3A_9 : vector<10000x128xf32>
    %get3A_10 = arith.constant 0 : index
    %get3A_11 = arith.constant 0 : index
    %get3A_12 = vector.load %arg2[%get3A_10, %get3A_11] : memref<10240x128xbf16, #tpu.memory_space<vmem>>, vector<10000x128xbf16>
    %convert_element_type3A_13 = arith.extf %get3A_12 : vector<10000x128xbf16> to vector<10000x128xf32>
    %add3A_14 = arith.addf %add3A, %convert_element_type3A_13 : vector<10000x128xf32>
    %mul3A = vector.broadcast %reshape3A : vector<10000x1xf32> to vector<10000x128xf32>
    %mul3A_15 = arith.mulf %add3A_14, %mul3A : vector<10000x128xf32>
    %get3A_16 = arith.constant 0 : index
    %get3A_17 = arith.constant 0 : index
    %get3A_18 = vector.load %arg4[%get3A_16, %get3A_17] : memref<128x256xf32, #tpu.memory_space<vmem>>, vector<128x256xf32>
    %dot_general3A = arith.constant dense<0.000000e+00> : vector<10000x256xf32>
    %dot_general3A_19 = tpu.matmul %mul3A_15, %get3A_18, %dot_general3A {dimension_numbers = #tpu.dot_dimension_numbers<[1], [0], [0], [1], [0, 0, 1, 1], [], []>, transpose_lhs_hint = false} : vector<10000x128xf32>, vector<128x256xf32>, vector<10000x256xf32> -> vector<10000x256xf32>
    %get3A_20 = arith.constant 0 : index
    %get3A_21 = vector.load %arg5[%get3A_20] : memref<256xf32, #tpu.memory_space<vmem>>, vector<256xf32>
    %reshape3A_22 = vector.shape_cast %get3A_21 : vector<256xf32> to vector<1x256xf32>
    %add3A_23 = vector.broadcast %reshape3A_22 : vector<1x256xf32> to vector<10000x256xf32>
    %add3A_24 = arith.addf %dot_general3A_19, %add3A_23 : vector<10000x256xf32>
    %reduce_sum3A = arith.constant dense<0.000000e+00> : vector<256xf32>
    %reduce_sum3A_25 = vector.multi_reduction <add>, %add3A_24, %reduce_sum3A [0] : vector<10000x256xf32> to vector<256xf32>
    %broadcast_in_dim3A = vector.shape_cast %reduce_sum3A_25 : vector<256xf32> to vector<1x256xf32>
    %div3A = arith.constant 1.000000e+04 : f32
    %div3A_26 = vector.broadcast %div3A : f32 to vector<1x256xf32>
    %div3A_27 = arith.divf %broadcast_in_dim3A, %div3A_26 : vector<1x256xf32>
    %sub3A = vector.broadcast %div3A_27 : vector<1x256xf32> to vector<10000x256xf32>
    %sub3A_28 = arith.subf %add3A_24, %sub3A : vector<10000x256xf32>
    %sub3A_29 = vector.broadcast %div3A_27 : vector<1x256xf32> to vector<10000x256xf32>
    %sub3A_30 = arith.subf %add3A_24, %sub3A_29 : vector<10000x256xf32>
    %mul3A_31 = arith.mulf %sub3A_28, %sub3A_30 : vector<10000x256xf32>
    %reduce_sum3A_32 = arith.constant dense<0.000000e+00> : vector<256xf32>
    %reduce_sum3A_33 = vector.multi_reduction <add>, %mul3A_31, %reduce_sum3A_32 [0] : vector<10000x256xf32> to vector<256xf32>
    %broadcast_in_dim3A_34 = vector.shape_cast %reduce_sum3A_33 : vector<256xf32> to vector<1x256xf32>
    %div3A_35 = arith.constant 1.000000e+04 : f32
    %div3A_36 = vector.broadcast %div3A_35 : f32 to vector<1x256xf32>
    %div3A_37 = arith.divf %broadcast_in_dim3A_34, %div3A_36 : vector<1x256xf32>
    %sub3A_38 = vector.broadcast %div3A_27 : vector<1x256xf32> to vector<10000x256xf32>
    %sub3A_39 = arith.subf %add3A_24, %sub3A_38 : vector<10000x256xf32>
    %add3A_40 = arith.constant 9.99999974E-6 : f32
    %add3A_41 = vector.broadcast %add3A_40 : f32 to vector<1x256xf32>
    %add3A_42 = arith.addf %div3A_37, %add3A_41 : vector<1x256xf32>
    %rsqrt3A = math.rsqrt %add3A_42 : vector<1x256xf32>
    %mul3A_43 = vector.broadcast %rsqrt3A : vector<1x256xf32> to vector<10000x256xf32>
    %mul3A_44 = arith.mulf %sub3A_39, %mul3A_43 : vector<10000x256xf32>
    %get3A_45 = arith.constant 0 : index
    %get3A_46 = vector.load %arg6[%get3A_45] : memref<256xf32, #tpu.memory_space<vmem>>, vector<256xf32>
    %reshape3A_47 = vector.shape_cast %get3A_46 : vector<256xf32> to vector<1x256xf32>
    %mul3A_48 = vector.broadcast %reshape3A_47 : vector<1x256xf32> to vector<10000x256xf32>
    %mul3A_49 = arith.mulf %mul3A_44, %mul3A_48 : vector<10000x256xf32>
    %get3A_50 = arith.constant 0 : index
    %get3A_51 = vector.load %arg7[%get3A_50] : memref<256xf32, #tpu.memory_space<vmem>>, vector<256xf32>
    %reshape3A_52 = vector.shape_cast %get3A_51 : vector<256xf32> to vector<1x256xf32>
    %add3A_53 = vector.broadcast %reshape3A_52 : vector<1x256xf32> to vector<10000x256xf32>
    %add3A_54 = arith.addf %mul3A_49, %add3A_53 : vector<10000x256xf32>
    %max3A = arith.constant 0.000000e+00 : f32
    %max3A_55 = vector.broadcast %max3A : f32 to vector<10000x256xf32>
    %max3A_56 = arith.maximumf %add3A_54, %max3A_55 : vector<10000x256xf32>
    %mul3A_57 = vector.broadcast %reshape3A : vector<10000x1xf32> to vector<10000x256xf32>
    %mul3A_58 = arith.mulf %max3A_56, %mul3A_57 : vector<10000x256xf32>
    %convert_element_type3A_59 = arith.truncf %mul3A_58 : vector<10000x256xf32> to vector<10000x256xbf16>
    %broadcast_in_dim3A_60 = arith.constant 0.000000e+00 : bf16
    %broadcast_in_dim3A_61 = vector.broadcast %broadcast_in_dim3A_60 : bf16 to vector<240x128xbf16>
    %slice3A = vector.extract_strided_slice %convert_element_type3A_59 {offsets = [0, 0], sizes = [10000, 128], strides = [1, 1]} : vector<10000x256xbf16> to vector<10000x128xbf16>
    %swap3A = arith.constant 0 : index
    %swap3A_62 = arith.constant 0 : index
    %swap3A_63 = vector.load %arg8[%swap3A, %swap3A_62] : memref<10240x128xbf16, #tpu.memory_space<vmem>>, vector<10000x128xbf16>
    tpu.vector_store %arg8[%swap3A, %swap3A_62], %slice3A {strides = array<i32>} : memref<10240x128xbf16, #tpu.memory_space<vmem>>, vector<10000x128xbf16>,
    %swap3A_64 = arith.constant 10000 : index
    %swap3A_65 = arith.constant 0 : index
    %swap3A_66 = vector.load %arg8[%swap3A_64, %swap3A_65] : memref<10240x128xbf16, #tpu.memory_space<vmem>>, vector<240x128xbf16>
    tpu.vector_store %arg8[%swap3A_64, %swap3A_65], %broadcast_in_dim3A_61 {strides = array<i32>} : memref<10240x128xbf16, #tpu.memory_space<vmem>>, vector<240x128xbf16>,
    %slice3A_67 = vector.extract_strided_slice %convert_element_type3A_59 {offsets = [0, 128], sizes = [10000, 128], strides = [1, 1]} : vector<10000x256xbf16> to vector<10000x128xbf16>
    %swap3A_68 = arith.constant 0 : index
    %swap3A_69 = arith.constant 0 : index
    %swap3A_70 = vector.load %arg9[%swap3A_68, %swap3A_69] : memref<10240x128xbf16, #tpu.memory_space<vmem>>, vector<10000x128xbf16>
    tpu.vector_store %arg9[%swap3A_68, %swap3A_69], %slice3A_67 {strides = array<i32>} : memref<10240x128xbf16, #tpu.memory_space<vmem>>, vector<10000x128xbf16>,
    %swap3A_71 = arith.constant 10000 : index
    %swap3A_72 = arith.constant 0 : index
    %swap3A_73 = vector.load %arg9[%swap3A_71, %swap3A_72] : memref<10240x128xbf16, #tpu.memory_space<vmem>>, vector<240x128xbf16>
    tpu.vector_store %arg9[%swap3A_71, %swap3A_72], %broadcast_in_dim3A_61 {strides = array<i32>} : memref<10240x128xbf16, #tpu.memory_space<vmem>>, vector<240x128xbf16>,
    return
  }
}

module attributes {stable_mosaic.version = 14 : i64} {
  func.func @_post_body(%arg0: memref<10240x128xbf16, #tpu.memory_space<vmem>>, %arg1: memref<10240x128xbf16, #tpu.memory_space<vmem>>, %arg2: memref<10240x128xbf16, #tpu.memory_space<vmem>>, %arg3: memref<10240x128xbf16, #tpu.memory_space<vmem>>, %arg4: memref<2x10240xf32, #tpu.memory_space<vmem>>, %arg5: memref<256x256xf32, #tpu.memory_space<vmem>>, %arg6: memref<256xf32, #tpu.memory_space<vmem>>, %arg7: memref<256xf32, #tpu.memory_space<vmem>>, %arg8: memref<256xf32, #tpu.memory_space<vmem>>, %arg9: memref<10000xi32, #tpu.memory_space<vmem>>, %arg10: memref<64x256xf32, #tpu.memory_space<vmem>>) attributes {dimension_semantics = [], scalar_prefetch = 0 : i64, scratch_operands = 0 : i64, tpu.core_type = #tpu.core_type<tc>} {
    %get3A = arith.constant 0 : index
    %get3A_0 = arith.constant 0 : index
    %get3A_1 = vector.load %arg4[%get3A, %get3A_0] : memref<2x10240xf32, #tpu.memory_space<vmem>>, vector<1x10000xf32>
    %get3A_2 = vector.shape_cast %get3A_1 : vector<1x10000xf32> to vector<10000xf32>
    %reshape3A = vector.shape_cast %get3A_2 : vector<10000xf32> to vector<10000x1xf32>
    %get3A_3 = arith.constant 0 : index
    %get3A_4 = arith.constant 0 : index
    %get3A_5 = vector.load %arg0[%get3A_3, %get3A_4] : memref<10240x128xbf16, #tpu.memory_space<vmem>>, vector<10000x128xbf16>
    %convert_element_type3A = arith.extf %get3A_5 : vector<10000x128xbf16> to vector<10000x128xf32>
    %get3A_6 = arith.constant 0 : index
    %get3A_7 = arith.constant 0 : index
    %get3A_8 = vector.load %arg2[%get3A_6, %get3A_7] : memref<10240x128xbf16, #tpu.memory_space<vmem>>, vector<10000x128xbf16>
    %convert_element_type3A_9 = arith.extf %get3A_8 : vector<10000x128xbf16> to vector<10000x128xf32>
    %add3A = arith.addf %convert_element_type3A, %convert_element_type3A_9 : vector<10000x128xf32>
    %mul3A = vector.broadcast %reshape3A : vector<10000x1xf32> to vector<10000x128xf32>
    %mul3A_10 = arith.mulf %add3A, %mul3A : vector<10000x128xf32>
    %get3A_11 = arith.constant 0 : index
    %get3A_12 = arith.constant 0 : index
    %get3A_13 = vector.load %arg1[%get3A_11, %get3A_12] : memref<10240x128xbf16, #tpu.memory_space<vmem>>, vector<10000x128xbf16>
    %convert_element_type3A_14 = arith.extf %get3A_13 : vector<10000x128xbf16> to vector<10000x128xf32>
    %get3A_15 = arith.constant 0 : index
    %get3A_16 = arith.constant 0 : index
    %get3A_17 = vector.load %arg3[%get3A_15, %get3A_16] : memref<10240x128xbf16, #tpu.memory_space<vmem>>, vector<10000x128xbf16>
    %convert_element_type3A_18 = arith.extf %get3A_17 : vector<10000x128xbf16> to vector<10000x128xf32>
    %add3A_19 = arith.addf %convert_element_type3A_14, %convert_element_type3A_18 : vector<10000x128xf32>
    %mul3A_20 = vector.broadcast %reshape3A : vector<10000x1xf32> to vector<10000x128xf32>
    %mul3A_21 = arith.mulf %add3A_19, %mul3A_20 : vector<10000x128xf32>
    %get3A_22 = arith.constant 0 : index
    %get3A_23 = arith.constant 0 : index
    %get3A_24 = vector.load %arg5[%get3A_22, %get3A_23] : memref<256x256xf32, #tpu.memory_space<vmem>>, vector<128x256xf32>
    %dot_general3A = arith.constant dense<0.000000e+00> : vector<10000x256xf32>
    %dot_general3A_25 = tpu.matmul %mul3A_10, %get3A_24, %dot_general3A {dimension_numbers = #tpu.dot_dimension_numbers<[1], [0], [0], [1], [0, 0, 1, 1], [], []>, transpose_lhs_hint = false} : vector<10000x128xf32>, vector<128x256xf32>, vector<10000x256xf32> -> vector<10000x256xf32>
    %get3A_26 = arith.constant 128 : index
    %get3A_27 = arith.constant 0 : index
    %get3A_28 = vector.load %arg5[%get3A_26, %get3A_27] : memref<256x256xf32, #tpu.memory_space<vmem>>, vector<128x256xf32>
    %dot_general3A_29 = arith.constant dense<0.000000e+00> : vector<10000x256xf32>
    %dot_general3A_30 = tpu.matmul %mul3A_21, %get3A_28, %dot_general3A_29 {dimension_numbers = #tpu.dot_dimension_numbers<[1], [0], [0], [1], [0, 0, 1, 1], [], []>, transpose_lhs_hint = false} : vector<10000x128xf32>, vector<128x256xf32>, vector<10000x256xf32> -> vector<10000x256xf32>
    %add3A_31 = arith.addf %dot_general3A_25, %dot_general3A_30 : vector<10000x256xf32>
    %get3A_32 = arith.constant 0 : index
    %get3A_33 = vector.load %arg6[%get3A_32] : memref<256xf32, #tpu.memory_space<vmem>>, vector<256xf32>
    %reshape3A_34 = vector.shape_cast %get3A_33 : vector<256xf32> to vector<1x256xf32>
    %add3A_35 = vector.broadcast %reshape3A_34 : vector<1x256xf32> to vector<10000x256xf32>
    %add3A_36 = arith.addf %add3A_31, %add3A_35 : vector<10000x256xf32>
    %reduce_sum3A = arith.constant dense<0.000000e+00> : vector<256xf32>
    %reduce_sum3A_37 = vector.multi_reduction <add>, %add3A_36, %reduce_sum3A [0] : vector<10000x256xf32> to vector<256xf32>
    %broadcast_in_dim3A = vector.shape_cast %reduce_sum3A_37 : vector<256xf32> to vector<1x256xf32>
    %div3A = arith.constant 1.000000e+04 : f32
    %div3A_38 = vector.broadcast %div3A : f32 to vector<1x256xf32>
    %div3A_39 = arith.divf %broadcast_in_dim3A, %div3A_38 : vector<1x256xf32>
    %sub3A = vector.broadcast %div3A_39 : vector<1x256xf32> to vector<10000x256xf32>
    %sub3A_40 = arith.subf %add3A_36, %sub3A : vector<10000x256xf32>
    %sub3A_41 = vector.broadcast %div3A_39 : vector<1x256xf32> to vector<10000x256xf32>
    %sub3A_42 = arith.subf %add3A_36, %sub3A_41 : vector<10000x256xf32>
    %mul3A_43 = arith.mulf %sub3A_40, %sub3A_42 : vector<10000x256xf32>
    %reduce_sum3A_44 = arith.constant dense<0.000000e+00> : vector<256xf32>
    %reduce_sum3A_45 = vector.multi_reduction <add>, %mul3A_43, %reduce_sum3A_44 [0] : vector<10000x256xf32> to vector<256xf32>
    %broadcast_in_dim3A_46 = vector.shape_cast %reduce_sum3A_45 : vector<256xf32> to vector<1x256xf32>
    %div3A_47 = arith.constant 1.000000e+04 : f32
    %div3A_48 = vector.broadcast %div3A_47 : f32 to vector<1x256xf32>
    %div3A_49 = arith.divf %broadcast_in_dim3A_46, %div3A_48 : vector<1x256xf32>
    %sub3A_50 = vector.broadcast %div3A_39 : vector<1x256xf32> to vector<10000x256xf32>
    %sub3A_51 = arith.subf %add3A_36, %sub3A_50 : vector<10000x256xf32>
    %add3A_52 = arith.constant 9.99999974E-6 : f32
    %add3A_53 = vector.broadcast %add3A_52 : f32 to vector<1x256xf32>
    %add3A_54 = arith.addf %div3A_49, %add3A_53 : vector<1x256xf32>
    %rsqrt3A = math.rsqrt %add3A_54 : vector<1x256xf32>
    %mul3A_55 = vector.broadcast %rsqrt3A : vector<1x256xf32> to vector<10000x256xf32>
    %mul3A_56 = arith.mulf %sub3A_51, %mul3A_55 : vector<10000x256xf32>
    %get3A_57 = arith.constant 0 : index
    %get3A_58 = vector.load %arg7[%get3A_57] : memref<256xf32, #tpu.memory_space<vmem>>, vector<256xf32>
    %reshape3A_59 = vector.shape_cast %get3A_58 : vector<256xf32> to vector<1x256xf32>
    %mul3A_60 = vector.broadcast %reshape3A_59 : vector<1x256xf32> to vector<10000x256xf32>
    %mul3A_61 = arith.mulf %mul3A_56, %mul3A_60 : vector<10000x256xf32>
    %get3A_62 = arith.constant 0 : index
    %get3A_63 = vector.load %arg8[%get3A_62] : memref<256xf32, #tpu.memory_space<vmem>>, vector<256xf32>
    %reshape3A_64 = vector.shape_cast %get3A_63 : vector<256xf32> to vector<1x256xf32>
    %add3A_65 = vector.broadcast %reshape3A_64 : vector<1x256xf32> to vector<10000x256xf32>
    %add3A_66 = arith.addf %mul3A_61, %add3A_65 : vector<10000x256xf32>
    %max3A = arith.constant 0.000000e+00 : f32
    %max3A_67 = vector.broadcast %max3A : f32 to vector<10000x256xf32>
    %max3A_68 = arith.maximumf %add3A_66, %max3A_67 : vector<10000x256xf32>
    %get3A_69 = arith.constant 0 : index
    %get3A_70 = vector.load %arg9[%get3A_69] : memref<10000xi32, #tpu.memory_space<vmem>>, vector<10000xi32>
    %reshape3A_71 = vector.shape_cast %get3A_70 : vector<10000xi32> to vector<1x10000xi32>
    %iota3A = tpu.iota {dimensions = array<i32: 0>} : vector<64x10000xi32>
    %eq3A = vector.broadcast %reshape3A_71 : vector<1x10000xi32> to vector<64x10000xi32>
    %eq3A_72 = arith.cmpi eq, %iota3A, %eq3A : vector<64x10000xi32>
    %convert_element_type3A_73 = arith.extui %eq3A_72 : vector<64x10000xi1> to vector<64x10000xi32>
    %convert_element_type3A_74 = arith.sitofp %convert_element_type3A_73 : vector<64x10000xi32> to vector<64x10000xf32>
    %dot_general3A_75 = arith.constant dense<0.000000e+00> : vector<64x256xf32>
    %dot_general3A_76 = tpu.matmul %convert_element_type3A_74, %max3A_68, %dot_general3A_75 {dimension_numbers = #tpu.dot_dimension_numbers<[1], [0], [0], [1], [0, 0, 1, 1], [], []>, transpose_lhs_hint = false} : vector<64x10000xf32>, vector<10000x256xf32>, vector<64x256xf32> -> vector<64x256xf32>
    %reduce_sum3A_77 = arith.constant dense<0.000000e+00> : vector<64xf32>
    %reduce_sum3A_78 = vector.multi_reduction <add>, %convert_element_type3A_74, %reduce_sum3A_77 [1] : vector<64x10000xf32> to vector<64xf32>
    %broadcast_in_dim3A_79 = vector.shape_cast %reduce_sum3A_78 : vector<64xf32> to vector<64x1xf32>
    %max3A_80 = arith.constant 1.000000e+00 : f32
    %max3A_81 = vector.broadcast %max3A_80 : f32 to vector<64x1xf32>
    %max3A_82 = arith.maximumf %broadcast_in_dim3A_79, %max3A_81 : vector<64x1xf32>
    %div3A_83 = vector.broadcast %max3A_82 : vector<64x1xf32> to vector<64x256xf32>
    %div3A_84 = arith.divf %dot_general3A_76, %div3A_83 : vector<64x256xf32>
    %swap3A = arith.constant 0 : index
    %swap3A_85 = arith.constant 0 : index
    %swap3A_86 = vector.load %arg10[%swap3A, %swap3A_85] : memref<64x256xf32, #tpu.memory_space<vmem>>, vector<64x256xf32>
    tpu.vector_store %arg10[%swap3A, %swap3A_85], %div3A_84 {strides = array<i32>} : memref<64x256xf32, #tpu.memory_space<vmem>>, vector<64x256xf32>,
    return
  }
}

module attributes {stable_mosaic.version = 14 : i64} {
  func.func @_tail_body(%arg0: memref<10240x128xbf16, #tpu.memory_space<vmem>>, %arg1: memref<10240x128xbf16, #tpu.memory_space<vmem>>, %arg2: memref<10240x128xbf16, #tpu.memory_space<vmem>>, %arg3: memref<10240x128xbf16, #tpu.memory_space<vmem>>, %arg4: memref<2x10240xf32, #tpu.memory_space<vmem>>, %arg5: memref<256x256xf32, #tpu.memory_space<vmem>>, %arg6: memref<256xf32, #tpu.memory_space<vmem>>, %arg7: memref<256xf32, #tpu.memory_space<vmem>>, %arg8: memref<256xf32, #tpu.memory_space<vmem>>, %arg9: memref<10000xi32, #tpu.memory_space<vmem>>, %arg10: memref<64x256xf32, #tpu.memory_space<vmem>>, %arg11: memref<512x256xf32, #tpu.memory_space<vmem>>, %arg12: memref<256xf32, #tpu.memory_space<vmem>>, %arg13: memref<256x2xf32, #tpu.memory_space<vmem>>, %arg14: memref<2xf32, #tpu.memory_space<vmem>>, %arg15: memref<64x2xf32, #tpu.memory_space<vmem>>) attributes {dimension_semantics = [], scalar_prefetch = 0 : i64, scratch_operands = 0 : i64, tpu.core_type = #tpu.core_type<tc>} {
    %get3A = arith.constant 1 : index
    %get3A_0 = arith.constant 0 : index
    %get3A_1 = vector.load %arg4[%get3A, %get3A_0] : memref<2x10240xf32, #tpu.memory_space<vmem>>, vector<1x10000xf32>
    %get3A_2 = vector.shape_cast %get3A_1 : vector<1x10000xf32> to vector<10000xf32>
    %reshape3A = vector.shape_cast %get3A_2 : vector<10000xf32> to vector<10000x1xf32>
    %get3A_3 = arith.constant 0 : index
    %get3A_4 = arith.constant 0 : index
    %get3A_5 = vector.load %arg0[%get3A_3, %get3A_4] : memref<10240x128xbf16, #tpu.memory_space<vmem>>, vector<10000x128xbf16>
    %convert_element_type3A = arith.extf %get3A_5 : vector<10000x128xbf16> to vector<10000x128xf32>
    %get3A_6 = arith.constant 0 : index
    %get3A_7 = arith.constant 0 : index
    %get3A_8 = vector.load %arg2[%get3A_6, %get3A_7] : memref<10240x128xbf16, #tpu.memory_space<vmem>>, vector<10000x128xbf16>
    %convert_element_type3A_9 = arith.extf %get3A_8 : vector<10000x128xbf16> to vector<10000x128xf32>
    %add3A = arith.addf %convert_element_type3A, %convert_element_type3A_9 : vector<10000x128xf32>
    %mul3A = vector.broadcast %reshape3A : vector<10000x1xf32> to vector<10000x128xf32>
    %mul3A_10 = arith.mulf %add3A, %mul3A : vector<10000x128xf32>
    %get3A_11 = arith.constant 0 : index
    %get3A_12 = arith.constant 0 : index
    %get3A_13 = vector.load %arg1[%get3A_11, %get3A_12] : memref<10240x128xbf16, #tpu.memory_space<vmem>>, vector<10000x128xbf16>
    %convert_element_type3A_14 = arith.extf %get3A_13 : vector<10000x128xbf16> to vector<10000x128xf32>
    %get3A_15 = arith.constant 0 : index
    %get3A_16 = arith.constant 0 : index
    %get3A_17 = vector.load %arg3[%get3A_15, %get3A_16] : memref<10240x128xbf16, #tpu.memory_space<vmem>>, vector<10000x128xbf16>
    %convert_element_type3A_18 = arith.extf %get3A_17 : vector<10000x128xbf16> to vector<10000x128xf32>
    %add3A_19 = arith.addf %convert_element_type3A_14, %convert_element_type3A_18 : vector<10000x128xf32>
    %mul3A_20 = vector.broadcast %reshape3A : vector<10000x1xf32> to vector<10000x128xf32>
    %mul3A_21 = arith.mulf %add3A_19, %mul3A_20 : vector<10000x128xf32>
    %get3A_22 = arith.constant 0 : index
    %get3A_23 = arith.constant 0 : index
    %get3A_24 = vector.load %arg5[%get3A_22, %get3A_23] : memref<256x256xf32, #tpu.memory_space<vmem>>, vector<128x256xf32>
    %dot_general3A = arith.constant dense<0.000000e+00> : vector<10000x256xf32>
    %dot_general3A_25 = tpu.matmul %mul3A_10, %get3A_24, %dot_general3A {dimension_numbers = #tpu.dot_dimension_numbers<[1], [0], [0], [1], [0, 0, 1, 1], [], []>, transpose_lhs_hint = false} : vector<10000x128xf32>, vector<128x256xf32>, vector<10000x256xf32> -> vector<10000x256xf32>
    %get3A_26 = arith.constant 128 : index
    %get3A_27 = arith.constant 0 : index
    %get3A_28 = vector.load %arg5[%get3A_26, %get3A_27] : memref<256x256xf32, #tpu.memory_space<vmem>>, vector<128x256xf32>
    %dot_general3A_29 = arith.constant dense<0.000000e+00> : vector<10000x256xf32>
    %dot_general3A_30 = tpu.matmul %mul3A_21, %get3A_28, %dot_general3A_29 {dimension_numbers = #tpu.dot_dimension_numbers<[1], [0], [0], [1], [0, 0, 1, 1], [], []>, transpose_lhs_hint = false} : vector<10000x128xf32>, vector<128x256xf32>, vector<10000x256xf32> -> vector<10000x256xf32>
    %add3A_31 = arith.addf %dot_general3A_25, %dot_general3A_30 : vector<10000x256xf32>
    %get3A_32 = arith.constant 0 : index
    %get3A_33 = vector.load %arg6[%get3A_32] : memref<256xf32, #tpu.memory_space<vmem>>, vector<256xf32>
    %reshape3A_34 = vector.shape_cast %get3A_33 : vector<256xf32> to vector<1x256xf32>
    %add3A_35 = vector.broadcast %reshape3A_34 : vector<1x256xf32> to vector<10000x256xf32>
    %add3A_36 = arith.addf %add3A_31, %add3A_35 : vector<10000x256xf32>
    %reduce_sum3A = arith.constant dense<0.000000e+00> : vector<256xf32>
    %reduce_sum3A_37 = vector.multi_reduction <add>, %add3A_36, %reduce_sum3A [0] : vector<10000x256xf32> to vector<256xf32>
    %broadcast_in_dim3A = vector.shape_cast %reduce_sum3A_37 : vector<256xf32> to vector<1x256xf32>
    %div3A = arith.constant 1.000000e+04 : f32
    %div3A_38 = vector.broadcast %div3A : f32 to vector<1x256xf32>
    %div3A_39 = arith.divf %broadcast_in_dim3A, %div3A_38 : vector<1x256xf32>
    %sub3A = vector.broadcast %div3A_39 : vector<1x256xf32> to vector<10000x256xf32>
    %sub3A_40 = arith.subf %add3A_36, %sub3A : vector<10000x256xf32>
    %sub3A_41 = vector.broadcast %div3A_39 : vector<1x256xf32> to vector<10000x256xf32>
    %sub3A_42 = arith.subf %add3A_36, %sub3A_41 : vector<10000x256xf32>
    %mul3A_43 = arith.mulf %sub3A_40, %sub3A_42 : vector<10000x256xf32>
    %reduce_sum3A_44 = arith.constant dense<0.000000e+00> : vector<256xf32>
    %reduce_sum3A_45 = vector.multi_reduction <add>, %mul3A_43, %reduce_sum3A_44 [0] : vector<10000x256xf32> to vector<256xf32>
    %broadcast_in_dim3A_46 = vector.shape_cast %reduce_sum3A_45 : vector<256xf32> to vector<1x256xf32>
    %div3A_47 = arith.constant 1.000000e+04 : f32
    %div3A_48 = vector.broadcast %div3A_47 : f32 to vector<1x256xf32>
    %div3A_49 = arith.divf %broadcast_in_dim3A_46, %div3A_48 : vector<1x256xf32>
    %sub3A_50 = vector.broadcast %div3A_39 : vector<1x256xf32> to vector<10000x256xf32>
    %sub3A_51 = arith.subf %add3A_36, %sub3A_50 : vector<10000x256xf32>
    %add3A_52 = arith.constant 9.99999974E-6 : f32
    %add3A_53 = vector.broadcast %add3A_52 : f32 to vector<1x256xf32>
    %add3A_54 = arith.addf %div3A_49, %add3A_53 : vector<1x256xf32>
    %rsqrt3A = math.rsqrt %add3A_54 : vector<1x256xf32>
    %mul3A_55 = vector.broadcast %rsqrt3A : vector<1x256xf32> to vector<10000x256xf32>
    %mul3A_56 = arith.mulf %sub3A_51, %mul3A_55 : vector<10000x256xf32>
    %get3A_57 = arith.constant 0 : index
    %get3A_58 = vector.load %arg7[%get3A_57] : memref<256xf32, #tpu.memory_space<vmem>>, vector<256xf32>
    %reshape3A_59 = vector.shape_cast %get3A_58 : vector<256xf32> to vector<1x256xf32>
    %mul3A_60 = vector.broadcast %reshape3A_59 : vector<1x256xf32> to vector<10000x256xf32>
    %mul3A_61 = arith.mulf %mul3A_56, %mul3A_60 : vector<10000x256xf32>
    %get3A_62 = arith.constant 0 : index
    %get3A_63 = vector.load %arg8[%get3A_62] : memref<256xf32, #tpu.memory_space<vmem>>, vector<256xf32>
    %reshape3A_64 = vector.shape_cast %get3A_63 : vector<256xf32> to vector<1x256xf32>
    %add3A_65 = vector.broadcast %reshape3A_64 : vector<1x256xf32> to vector<10000x256xf32>
    %add3A_66 = arith.addf %mul3A_61, %add3A_65 : vector<10000x256xf32>
    %max3A = arith.constant 0.000000e+00 : f32
    %max3A_67 = vector.broadcast %max3A : f32 to vector<10000x256xf32>
    %max3A_68 = arith.maximumf %add3A_66, %max3A_67 : vector<10000x256xf32>
    %get3A_69 = arith.constant 0 : index
    %get3A_70 = vector.load %arg9[%get3A_69] : memref<10000xi32, #tpu.memory_space<vmem>>, vector<10000xi32>
    %reshape3A_71 = vector.shape_cast %get3A_70 : vector<10000xi32> to vector<1x10000xi32>
    %iota3A = tpu.iota {dimensions = array<i32: 0>} : vector<64x10000xi32>
    %eq3A = vector.broadcast %reshape3A_71 : vector<1x10000xi32> to vector<64x10000xi32>
    %eq3A_72 = arith.cmpi eq, %iota3A, %eq3A : vector<64x10000xi32>
    %convert_element_type3A_73 = arith.extui %eq3A_72 : vector<64x10000xi1> to vector<64x10000xi32>
    %convert_element_type3A_74 = arith.sitofp %convert_element_type3A_73 : vector<64x10000xi32> to vector<64x10000xf32>
    %dot_general3A_75 = arith.constant dense<0.000000e+00> : vector<64x256xf32>
    %dot_general3A_76 = tpu.matmul %convert_element_type3A_74, %max3A_68, %dot_general3A_75 {dimension_numbers = #tpu.dot_dimension_numbers<[1], [0], [0], [1], [0, 0, 1, 1], [], []>, transpose_lhs_hint = false} : vector<64x10000xf32>, vector<10000x256xf32>, vector<64x256xf32> -> vector<64x256xf32>
    %reduce_sum3A_77 = arith.constant dense<0.000000e+00> : vector<64xf32>
    %reduce_sum3A_78 = vector.multi_reduction <add>, %convert_element_type3A_74, %reduce_sum3A_77 [1] : vector<64x10000xf32> to vector<64xf32>
    %broadcast_in_dim3A_79 = vector.shape_cast %reduce_sum3A_78 : vector<64xf32> to vector<64x1xf32>
    %max3A_80 = arith.constant 1.000000e+00 : f32
    %max3A_81 = vector.broadcast %max3A_80 : f32 to vector<64x1xf32>
    %max3A_82 = arith.maximumf %broadcast_in_dim3A_79, %max3A_81 : vector<64x1xf32>
    %div3A_83 = vector.broadcast %max3A_82 : vector<64x1xf32> to vector<64x256xf32>
    %div3A_84 = arith.divf %dot_general3A_76, %div3A_83 : vector<64x256xf32>
    %get3A_85 = arith.constant 0 : index
    %get3A_86 = arith.constant 0 : index
    %get3A_87 = vector.load %arg10[%get3A_85, %get3A_86] : memref<64x256xf32, #tpu.memory_space<vmem>>, vector<64x256xf32>
    %concatenate3A = tpu.concatenate %get3A_87, %div3A_84 in 1 : vector<64x256xf32>, vector<64x256xf32> -> vector<64x512xf32>
    %get3A_88 = arith.constant 0 : index
    %get3A_89 = arith.constant 0 : index
    %get3A_90 = vector.load %arg11[%get3A_88, %get3A_89] : memref<512x256xf32, #tpu.memory_space<vmem>>, vector<512x256xf32>
    %dot_general3A_91 = arith.constant dense<0.000000e+00> : vector<64x256xf32>
    %dot_general3A_92 = tpu.matmul %concatenate3A, %get3A_90, %dot_general3A_91 {dimension_numbers = #tpu.dot_dimension_numbers<[1], [0], [0], [1], [0, 0, 1, 1], [], []>, transpose_lhs_hint = false} : vector<64x512xf32>, vector<512x256xf32>, vector<64x256xf32> -> vector<64x256xf32>
    %get3A_93 = arith.constant 0 : index
    %get3A_94 = vector.load %arg12[%get3A_93] : memref<256xf32, #tpu.memory_space<vmem>>, vector<256xf32>
    %reshape3A_95 = vector.shape_cast %get3A_94 : vector<256xf32> to vector<1x256xf32>
    %add3A_96 = vector.broadcast %reshape3A_95 : vector<1x256xf32> to vector<64x256xf32>
    %add3A_97 = arith.addf %dot_general3A_92, %add3A_96 : vector<64x256xf32>
    %max3A_98 = arith.constant 0.000000e+00 : f32
    %max3A_99 = vector.broadcast %max3A_98 : f32 to vector<64x256xf32>
    %max3A_100 = arith.maximumf %add3A_97, %max3A_99 : vector<64x256xf32>
    %get3A_101 = arith.constant 0 : index
    %get3A_102 = arith.constant 0 : index
    %get3A_103 = vector.load %arg13[%get3A_101, %get3A_102] : memref<256x2xf32, #tpu.memory_space<vmem>>, vector<256x2xf32>
    %dot_general3A_104 = arith.constant dense<0.000000e+00> : vector<64x2xf32>
    %dot_general3A_105 = tpu.matmul %max3A_100, %get3A_103, %dot_general3A_104 {dimension_numbers = #tpu.dot_dimension_numbers<[1], [0], [0], [1], [0, 0, 1, 1], [], []>, transpose_lhs_hint = false} : vector<64x256xf32>, vector<256x2xf32>, vector<64x2xf32> -> vector<64x2xf32>
    %get3A_106 = arith.constant 0 : index
    %get3A_107 = vector.load %arg14[%get3A_106] : memref<2xf32, #tpu.memory_space<vmem>>, vector<2xf32>
    %reshape3A_108 = vector.shape_cast %get3A_107 : vector<2xf32> to vector<1x2xf32>
    %add3A_109 = vector.broadcast %reshape3A_108 : vector<1x2xf32> to vector<64x2xf32>
    %add3A_110 = arith.addf %dot_general3A_105, %add3A_109 : vector<64x2xf32>
    %swap3A = arith.constant 0 : index
    %swap3A_111 = arith.constant 0 : index
    %swap3A_112 = vector.load %arg15[%swap3A, %swap3A_111] : memref<64x2xf32, #tpu.memory_space<vmem>>, vector<64x2xf32>
    tpu.vector_store %arg15[%swap3A, %swap3A_111], %add3A_110 {strides = array<i32>} : memref<64x2xf32, #tpu.memory_space<vmem>>, vector<64x2xf32>,
    return
  }
}

</mosaic_0001>

<sc_bundles>
// kernel: kernel.12.cloned.1.call-start
scs
__scs_entry_jumppad:
0x0: {  	(pc) =	sbr.rel $0x88, $3  }
0x1: {  	(tag) =	ssettag $0x0;
	lr =	simm.s32 $0x1  }
0x2: {  	[smem:$0x3F87] =	sst lr;
	_ =	strace $0xD0000000  }
0x3: {  	_ = 	snop  }
0x4: {  	_ = 	snop  }
0x5: {  	_ = 	snop  }
0x6: {  	_ = 	snop  }
0x7: {  	_ = 	snop  }
__scs_overlays_trampoline_lowered:
0x8: {  	[smem:$0x3F96] =	sst s0  }
0x9: {  	[smem:$0x3F97] =	sst s1  }
0xa: {  	[smem:$0x3F98] =	sst s2  }
0xb: {  	[smem:$0x3F99] =	sst s3  }
0xc: {  	[smem:$0x3F9A] =	sst s4  }
0xd: {  	[smem:$0x3F9B] =	sst s5  }
0xe: {  	[smem:$0x3F9C] =	sst s6  }
0xf: {  	[smem:$0x3F9D] =	sst s7  }
0x10: {  	[smem:$0x3F9E] =	sst s8  }
0x11: {  	[smem:$0x3F9F] =	sst s9;
	s0 =	simm.s32 @!p0 $0x0  }
0x12: {  	s1 =	sld [smem:$0x3F85];
	s0 =	simm.s32 @p0 $0x1  }
0x13: {  	[smem:$0x3FA0] =	sst s0;
	s0 =	simm.s32 @!p1 $0x0  }
0x14: {  	s2 =	sld [smem:$0x3F84];
	s0 =	simm.s32 @p1 $0x1  }
0x15: {  	[smem:$0x3FA1] =	sst s0;
	s0 =	simm.s32 @!p2 $0x0  }
0x16: {  	s3 =	sld [smem:$0x3FDB];
	s0 =	simm.s32 @p2 $0x1  }
0x17: {  	s4 =	simm.s32 $0x1BF5;
	[smem:$0x3FA3] =	sst s0  }
0x18: {  	s0 =	sld [smem:$0x3F86];
	_ =	swait.ge [sflag:s4], $0x0  }
0x19: {  	s7 =	sld [smem:$0x3F87]  }
0x1a: {  	s8 =	sadd.s32 $0xFFFFE003, lr  }
0x1b: {  	s9 =	sadd.s32 $0xFFFFFEF7, lr;
	s5 =	simm.s32 $0xFFFFFFFF;
	p2 =	slt.u32 s8, $0xFFFFF086  }
0x1c: {  	p1 =	slt.u32 s9, $0xF7A;
	s5 =	simm.s32 @!p2 $0x0  }
0x1d: {  	s5 =	simm.s32 @p1 $0x1;
	p0 =	seq.s32 s7, s2  }
0x1e: {  	s7 =	smul.u32 @!p0 $0xF7A, s2;
	p2 =	seq.s32 @!p0 s5, $0x0  }
0x1f: {  	s9 =	smul.u32 $0xF7A, s1;
	s8 =	simm.s32 @!p0 $0x1BF5;
	p2 =	por !p2, p0  }
0x20: {  	[sflag:s8] =	ssyncset.s32 @!p0 $0xFFFFF086;
	s6 =	sadd.s32 @!p0 s3, s7;
	s7 =	simm.s32 @!p0 $0x108  }
0x21: {  	s3 =	sadd.s32 s3, s9;
	s6 =	sadd.s32 @!p0 $0x88, s6;
	s7 =	simm.s32 @p2 $0x1082  }
0x22: {  	[simem:s7], [sflag:s8] =	dma.local @!p0 [hbm:s6], $0xF7A  }
0x23: {  	s9 =	sor.u32 $0xD0000000, s2;
	s6 =	simm.s32 $0x108;
	_ =	swait.ge @!p0 [sflag:s8], $0x0  }
0x24: {  	s3 =	sadd.s32 $0x88, s3;
	s6 =	simm.s32 @!p1 $0x1082;
	[sflag:s4] =	ssyncset.s32 $0xFFFFF086  }
0x25: {  	[simem:s6], [sflag:s4] =	dma.local [hbm:s3], $0xF7A  }
0x26: {  	[smem:$0x3F87] =	sst s1;
	(tag) =	ssettag s2;
	_ =	strace s9  }
0x27: {  	s1 =	sld [smem:$0x3F97]  }
0x28: {  	s2 =	sld [smem:$0x3F98]  }
0x29: {  	s4 =	sld [smem:$0x3F9A]  }
0x2a: {  	p0 =	seq.s32 s5, $0x0;
	s5 =	sld [smem:$0x3F9B]  }
0x2b: {  	s6 =	sld [smem:$0x3F9C]  }
0x2c: {  	s7 =	sld [smem:$0x3F9D]  }
0x2d: {  	s3 =	simm.s32 $0x108;
	s8 =	sld [smem:$0x3F9E]  }
0x2e: {  	s3 =	simm.s32 @!p0 $0x1082;
	s9 =	sld [smem:$0x3F9F]  }
0x2f: {  	lr =	sadd.s32 s0, s3;
	s0 =	sld [smem:$0x3F96]  }
0x30: {  	s3 =	sld [smem:$0x3F99]  }
0x31: {  	[smem:$0x3FA2] =	sst s10  }
0x32: {  	s10 =	sld [smem:$0x3FA0];
	_ =	sdelay $0x3  }
0x33: {  	p0 =	seq.s32 s10, $0x1;
	s10 =	sld [smem:$0x3FA2];
	_ =	sdelay $0x3  }
0x34: {  	[smem:$0x3FA2] =	sst s10  }
0x35: {  	s10 =	sld [smem:$0x3FA1];
	_ =	sdelay $0x3  }
0x36: {  	p1 =	seq.s32 s10, $0x1;
	s10 =	sld [smem:$0x3FA2];
	_ =	sdelay $0x3  }
0x37: {  	[smem:$0x3FA2] =	sst s10  }
0x38: {  	s10 =	sld [smem:$0x3FA3]  }
0x39: {  	_ = 	snop;
	(pc) =	sbr.ind lr, $3  }
0x3a: {  	_ = 	snop  }
0x3b: {  	_ = 	snop  }
0x3c: {  	p2 =	seq.s32 s10, $0x1;
	s10 =	sld [smem:$0x3FA2]  }
0x3d: {  	_ =	shalt  }
0x3e: {  	_ =	shalt  }
0x3f: {  	_ =	shalt  }
0x40: {  	_ =	shalt  }
0x41: {  	_ =	shalt  }
0x42: {  	_ =	shalt  }
0x43: {  	_ =	shalt  }
0x44: {  	_ =	shalt  }
0x45: {  	_ =	shalt  }
0x46: {  	_ =	shalt  }
0x47: {  	_ =	shalt  }
0x48: {  	_ =	shalt  }
0x49: {  	_ =	shalt  }
0x4a: {  	_ =	shalt  }
0x4b: {  	_ =	shalt  }
0x4c: {  	_ =	shalt  }
0x4d: {  	_ =	shalt  }
0x4e: {  	_ =	shalt  }
0x4f: {  	_ =	shalt  }
0x50: {  	_ =	shalt  }
0x51: {  	_ =	shalt  }
0x52: {  	_ =	shalt  }
0x53: {  	_ =	shalt  }
0x54: {  	_ =	shalt  }
0x55: {  	_ =	shalt  }
0x56: {  	_ =	shalt  }
0x57: {  	_ =	shalt  }
0x58: {  	_ =	shalt  }
0x59: {  	_ =	shalt  }
0x5a: {  	_ =	shalt  }
0x5b: {  	_ =	shalt  }
0x5c: {  	_ =	shalt  }
0x5d: {  	_ =	shalt  }
0x5e: {  	_ =	shalt  }
0x5f: {  	_ =	shalt  }
0x60: {  	_ =	shalt  }
0x61: {  	_ =	shalt  }
0x62: {  	_ =	shalt  }
0x63: {  	_ =	shalt  }
0x64: {  	_ =	shalt  }
0x65: {  	_ =	shalt  }
0x66: {  	_ =	shalt  }
0x67: {  	_ =	shalt  }
0x68: {  	_ =	shalt  }
0x69: {  	_ =	shalt  }
0x6a: {  	_ =	shalt  }
0x6b: {  	_ =	shalt  }
0x6c: {  	_ =	shalt  }
0x6d: {  	_ =	shalt  }
0x6e: {  	_ =	shalt  }
0x6f: {  	_ =	shalt  }
0x70: {  	_ =	shalt  }
0x71: {  	_ =	shalt  }
0x72: {  	_ =	shalt  }
0x73: {  	_ =	shalt  }
0x74: {  	_ =	shalt  }
0x75: {  	_ =	shalt  }
0x76: {  	_ =	shalt  }
0x77: {  	_ =	shalt  }
0x78: {  	_ =	shalt  }
0x79: {  	_ =	shalt  }
0x7a: {  	_ =	shalt  }
0x7b: {  	_ =	shalt  }
0x7c: {  	_ =	shalt  }
0x7d: {  	_ =	shalt  }
0x7e: {  	_ =	shalt  }
0x7f: {  	_ =	shalt  }
0x80: {  	_ =	shalt  }
0x81: {  	_ =	shalt  }
0x82: {  	_ =	shalt  }
0x83: {  	_ =	shalt  }
0x84: {  	_ =	shalt  }
0x85: {  	_ =	shalt  }
0x86: {  	_ =	shalt  }
0x87: {  	_ =	shalt  }
.Lfunc_end0:
.L_simem_size_0:
called_computation_lowered:
.L_overlay_start_0:
0x88: {  	s2 =	sld [smem:$0x3FD9]  }
0x89: {  	s3 =	sld [smem:$0x3FFE];
	_ =	sdelay $0x1  }
0x8a: {  	s1 =	srdreg.scid  }
0x8b: {  	s0 =	sand.u32 $0x1, s1  }
0x8c: {  	s16 =	sshll.u32 s0, $0xA;
	s2 =	sadd.s32 s3, s2  }
0x8d: {  	s2 =	sadd.s32 s2, s16  }
0x8e: {  	[smem:$0x3FAE] =	sst s2  }
0x8f: {  	_ = 	snop  }
0x90: {  	(tm) =	ssettm $0x1  }
0x91: {  	s17 =	sld [smem:$0x3FFB];
	_ =	sdelay $0x3  }
0x92: {  	_ =	strace s17  }
0x93: {  	s2 =	sld [smem:$0x3FFC];
	_ =	sdelay $0x3  }
0x94: {  	_ =	strace s2  }
0x95: {  	s2 =	sld [smem:$0x3FFD];
	_ =	sdelay $0x3  }
0x96: {  	_ =	strace s2  }
0x97: {  	_ =	strace $0x8FFFFFFF  }
0x98: {  	s18 =	sld [smem:$0x3FDB];
	_ =	sdelay $0x1  }
0x99: {  	s19 =	simm.s32 $_scs_section_size  }
0x9a: {  	s4 =	simm.s32 $_size__tile_overlayer_lowered;
	s5 =	simm.s32 $_tile_overlayer_lowered  }
0x9b: {  	s22 =	simm.s32 $0x1BFF;
	s21 =	sshll.u32 s5, $0x1;
	s2 =	sadd.s32 s19, s18  }
0x9c: {  	s6 =	simm.s32 $0x0;
	s20 =	sshll.u32 s4, $0x1;
	s4 =	sadd.s32 s21, s2  }
0x9d: {  	[timem:s6], [sflag:s22] =	dma.local [hbm:s4], s20  }
0x9e: {  	_ =	swait.ge [sflag:s22], s20  }
0x9f: {  	s3 =	ssub.s32 $0x0, s20;
	[sflag:s22] =	ssyncset.done $0x0  }
0xa0: {  	[sflag:s22] =	ssyncadd.s32 s3;
	_ =	sdelay $0x1  }
0xa1: {  	s23 =	simm.s32 $0x1B8B  }
0xa2: {  	_ =	swait.ge [sflag:s23], $0x1  }
0xa3: {  	[sflag:s23] =	ssyncset.done $0x0  }
0xa4: {  	s25 =	simm.s32 $0x1B8E;
	s24 =	sld [smem:$0x3FFE];
	[sflag:s23] =	ssyncadd.s32 $0xFFFFFFFF  }
0xa5: {  	s26 =	simm.s32 $execute0_lowered;
	[smem:$0x3FD2] =	sst s25  }
0xa6: {  	s4 =	sshll.u32 s26, $0x1;
	_ =	strace $0x80000046;
	[dreg:$0x1] =	wrdreg $0xFFFFFFFF  }
0xa7: {  	s28 =	simm.s32 $_size_execute0_lowered;
	s2 =	sadd.s32 s2, s4;
	[dreg:$0x0] =	wrdreg $0x0  }
0xa8: {  	s4 =	sshll.u32 s28, $0x1;
	[dreg:$0x2] =	wrdreg s2  }
0xa9: {  	[dreg:$0x3] =	wrdreg s4  }
0xaa: {  	[dreg:$0x4] =	wrdreg $0xC0  }
0xab: {  	_ =	task [dreg:s6], $0x5FFFF  }
0xac: {  	[dreg:$0x1] =	wrdreg $0xFFFFFFFF  }
0xad: {  	[dreg:$0x0] =	wrdreg $0x60  }
0xae: {  	[dreg:$0x2] =	wrdreg s24  }
0xaf: {  	[dreg:$0x3] =	wrdreg $0x9  }
0xb0: {  	_ =	task.clear_ibuf [dreg:s6], $0x4FFFF;
	_ =	strace $0x90000046  }
0xb1: {  	s29 =	simm.s32 $0x9;
	_ =	strace $0x80000048  }
0xb2: {  	_ =	swait.ge [sflag:s29], $0x1  }
0xb3: {  	[sflag:s29] =	ssyncadd.s32 $0xFFFFFFFF  }
0xb4: {  	_ =	strace $0x90000048  }
0xb5: {  	_ =	sfence  }
0xb6: {  	s30 =	sld [smem:$0x0];
	_ =	sdelay $0x2  }
0xb7: {  	s31 =	sshll.u32 s1, $0xD;
	s1 =	sshrl.u32 s1, $0x2  }
0xb8: {  	s3 =	sand.u32 $0x4000, s31;
	s1 =	sadd.s32 s1, s30  }
0xb9: {  	s0 =	sor.u32 s3, s0;
	s1 =	sshll.u32 s1, $0x11  }
0xba: {  	s0 =	sor.u32 s1, s0  }
0xbb: {  	s0 =	sadd.s32 $0x8F2B, s0  }
0xbc: {  	[sflag:s0] =	ssyncadd.remote.s32 $0x1  }
0xbd: {  	_ =	sfence.sel $0xFFFF  }
0xbe: {  	[dreg:$0x0] =	wrdreg $0xFFFFFFFF;
	(pc) =	sbr.abs _section_cstart, $3  }
0xbf: {  	[dreg:$0x1] =	wrdreg $0xFFFFFFFF  }
0xc0: {  	_ =	task.clear_ibuf [dreg:s6], $0x2FFFF;
	_ =	strace $0x9FFFFFFF  }
0xc1: {  	(tm) =	ssettm $0x7FFFFFFF  }
tec
execute0_lowered:
.L_overlay_start_1:
0x0: {  	(tag) =	ssettag $0x1  }
0x1: {  	s5 =	rddreg [dreg:$0x0];
	s1 =	srdreg.scid  }
0x2: {  	s0 =	rddreg [dreg:$0x1];
	s6 =	sand.u32 $0x1, s1  }
0x3: {  	s2 =	simm.s32 $0x0;
	s1 =	stileid.u32;
	s7 =	smul.u32 $0x28000, s6  }
0x4: {  	[smem:$0x7FF] =	sst s2;
	s8 =	smul.u32 $0x2800, s1  }
0x5: {  	s3 =	sadd.s32 $0x7000, s5;
	s4 =	sadd.s32 $0x1B000, s5;
	s10 =	smul.u32 $0x5000, s1  }
.Ltmp0:
0x6: {  	_ =	strace $0x80000047;
	s31 =	ssub.s32 $0x2, s6;
	(pc) =	sbr.rel .LBB2_1-.Ltmp0, $4  }
0x7: {  	p0 =	seq.s32 s6, $0x1;
	s9 =	sshrl.u32 s31, $0x1;
	s7 =	sadd.s32 s8, s7  }
0x8: {  	s8 =	ssub.s32 s31, s9;
	s9 =	simm.s32 $0x1;
	s7 =	sshrl.u32 s7, $0x3  }
0x9: {  	s7 =	sadd.s32 s7, s5;
	s5 =	sadd.s32 $0x50000, s10;
	s10 =	simm.s32 $0x0  }
0xa: {  	v0 =	vimm.f32 $0.0e+00;
	v1 =	vimm.f32 $1.000000000e+00;
	vm0 =	vcmask $0x3F0C;
	s6 =	sadd.s32 $0x2F000, s7;
	s7 =	smax.u32 s8, $0x1;
	s8 =	simm.s32 $0x2800  }
.LBB2_10:
0xb: {  	s10 =	sadd.s32 $0x1, s10  }
0xc: {  	p1 =	sne.s32 s10, s7  }
.Ltmp1:
0xd: {  	_ = 	snop;
	(pc) =	sbr.rel @!p1 .LBB2_11-.Ltmp1, $4  }
0xe: {  	[hbm4b:s6+s2] =	stream.linear.scatter [tilespmem:s2], [sflag:$0x1], $0x2800, $0x38;
	[tilespmem:$0x3000] =	vst v63  }
0xf: {  	_ =	swait.ge [sflag:s9], $0x2800  }
0x10: {  	[sflag:s9] =	ssyncset.done $0x0  }
0x11: {  	[sflag:s9] =	ssyncadd.s32 $0xFFFFD800  }
.LBB2_1:
0x12: {  	s11 =	simm.s32 $0x40;
	s12 =	simm.s32 $0x0  }
.LBB2_2:
0x13: {  	p1 =	sne.s32 s11, $0x9FC0;
	[tilespmem:s12+$0x0] =	vst v0;
	s12 =	smov.u32 s11;
	s11 =	sadd.s32 $0x40, s11  }
.Ltmp2:
0x14: {  	(pc) =	sbr.rel @p1 .LBB2_2-.Ltmp2, $2  }
0x15: {  	_ =	sdelay $0x2  }
0x16: {  	s12 =	sshra.s32 s12, $0x2  }
.Ltmp3:
0x17: {  	(pc) =	sbr.rel @!p0 .LBB2_4-.Ltmp3, $2  }
0x18: {  	_ =	sdelay $0x2  }
0x19: {  	[tilespmem:s12+$0x0] =	vst v0;
	s11 =	simm.s32 $0x0;
	s12 =	simm.s32 $0x0;
	s13 =	simm.s32 $0x0  }
.LBB2_7:
0x1a: {  	s12 =	sshll.u32 s13, $0xB  }
0x1b: {  	s12 =	sadd.s32 s12, s5  }
0x1c: {  	s12 =	sshrl.u32 s12, $0x3  }
0x1d: {  	s12 =	sadd.s32 s4, s12  }
0x1e: {  	[tilespmem:s8], [sflag:$0x1] =	stream.linear.gather [hbm4b:s12+s11], $0x800, $0x38;
	[tilespmem:$0x3000] =	vst v63  }
0x1f: {  	_ =	swait.ge [sflag:s9], $0x800  }
0x20: {  	[sflag:s9] =	ssyncset.done $0x0  }
0x21: {  	s12 =	simm.s32 $0x0;
	[sflag:s9] =	ssyncadd.s32 $0xFFFFF800  }
.LBB2_8:
0x22: {  	s14 =	sshra.s32 s12, $0x2  }
0x23: {  	v2 =	vld [tilespmem:s14+$0x2800];
	_ =	sdelay $0x7  }
0x24: {  	[tilespmem:v2+s2+$0x0] =	vst.idx.add.f32.msk $0xffff, v1  }
0x25: {  	v2 =	vld [tilespmem:s14+$0x2810];
	_ =	sdelay $0x7  }
0x26: {  	[tilespmem:v2+s2+$0x0] =	vst.idx.add.f32.msk $0xffff, v1  }
0x27: {  	v2 =	vld [tilespmem:s14+$0x2820];
	_ =	sdelay $0x7  }
0x28: {  	[tilespmem:v2+s2+$0x0] =	vst.idx.add.f32.msk $0xffff, v1  }
0x29: {  	v2 =	vld [tilespmem:s14+$0x2830];
	_ =	sdelay $0x7  }
0x2a: {  	[tilespmem:v2+s2+$0x0] =	vst.idx.add.f32.msk $0xffff, v1  }
0x2b: {  	v2 =	vld [tilespmem:s14+$0x2840];
	_ =	sdelay $0x7  }
0x2c: {  	[tilespmem:v2+s2+$0x0] =	vst.idx.add.f32.msk $0xffff, v1  }
0x2d: {  	v2 =	vld [tilespmem:s14+$0x2850];
	_ =	sdelay $0x7  }
0x2e: {  	[tilespmem:v2+s2+$0x0] =	vst.idx.add.f32.msk $0xffff, v1  }
0x2f: {  	v2 =	vld [tilespmem:s14+$0x2860];
	_ =	sdelay $0x7  }
0x30: {  	[tilespmem:v2+s2+$0x0] =	vst.idx.add.f32.msk $0xffff, v1  }
0x31: {  	v2 =	vld [tilespmem:s14+$0x286D];
	_ =	sdelay $0x2  }
0x32: {  	p1 =	sne.s32 s12, $0x1E00  }
.Ltmp4:
0x33: {  	_ = 	snop;
	(pc) =	sbr.rel @p1 .LBB2_8-.Ltmp4, $2  }
0x34: {  	_ =	sdelay $0x2  }
0x35: {  	s12 =	sadd.s32 $0x200, s12;
	[tilespmem:v2+s2+$0x0] =	vst.idx.add.f32.msk vm0, v1  }
0x36: {  	s13 =	sadd.s32 $0x1, s13  }
0x37: {  	p1 =	sne.s32 s13, $0xA  }
.Ltmp5:
0x38: {  	_ = 	snop;
	(pc) =	sbr.rel @p1 .LBB2_7-.Ltmp5, $4  }
.Ltmp6:
0x39: {  	_ = 	snop;
	(pc) =	sbr.rel @!p1 .LBB2_10-.Ltmp6, $4  }
0x3a: {  	_ = 	snop  }
0x3b: {  	_ = 	snop  }
0x3c: {  	_ = 	snop  }
0x3d: {  	_ = 	snop  }
.LBB2_4:
0x3e: {  	s13 =	sshll.u32 s12, $0xB  }
0x3f: {  	s13 =	sadd.s32 s13, s5  }
0x40: {  	s13 =	sshrl.u32 s13, $0x3  }
0x41: {  	s13 =	sadd.s32 s3, s13  }
0x42: {  	[tilespmem:s8], [sflag:$0x1] =	stream.linear.gather [hbm4b:s13+s11], $0x800, $0x38;
	[tilespmem:$0x3000] =	vst v63  }
0x43: {  	_ =	swait.ge [sflag:s9], $0x800  }
0x44: {  	[sflag:s9] =	ssyncset.done $0x0  }
0x45: {  	s13 =	simm.s32 $0x0;
	[sflag:s9] =	ssyncadd.s32 $0xFFFFF800  }
.LBB2_5:
0x46: {  	s14 =	sshra.s32 s13, $0x2  }
0x47: {  	v2 =	vld [tilespmem:s14+$0x2800];
	_ =	sdelay $0x7  }
0x48: {  	[tilespmem:v2+s2+$0x0] =	vst.idx.add.f32.msk $0xffff, v1  }
0x49: {  	v2 =	vld [tilespmem:s14+$0x2810];
	_ =	sdelay $0x7  }
0x4a: {  	[tilespmem:v2+s2+$0x0] =	vst.idx.add.f32.msk $0xffff, v1  }
0x4b: {  	v2 =	vld [tilespmem:s14+$0x2820];
	_ =	sdelay $0x7  }
0x4c: {  	[tilespmem:v2+s2+$0x0] =	vst.idx.add.f32.msk $0xffff, v1  }
0x4d: {  	v2 =	vld [tilespmem:s14+$0x2830];
	_ =	sdelay $0x7  }
0x4e: {  	[tilespmem:v2+s2+$0x0] =	vst.idx.add.f32.msk $0xffff, v1  }
0x4f: {  	v2 =	vld [tilespmem:s14+$0x2840];
	_ =	sdelay $0x7  }
0x50: {  	[tilespmem:v2+s2+$0x0] =	vst.idx.add.f32.msk $0xffff, v1  }
0x51: {  	v2 =	vld [tilespmem:s14+$0x2850];
	_ =	sdelay $0x7  }
0x52: {  	[tilespmem:v2+s2+$0x0] =	vst.idx.add.f32.msk $0xffff, v1  }
0x53: {  	v2 =	vld [tilespmem:s14+$0x2860];
	_ =	sdelay $0x7  }
0x54: {  	[tilespmem:v2+s2+$0x0] =	vst.idx.add.f32.msk $0xffff, v1  }
0x55: {  	v2 =	vld [tilespmem:s14+$0x286D];
	_ =	sdelay $0x2  }
0x56: {  	p1 =	sne.s32 s13, $0x1E00  }
.Ltmp7:
0x57: {  	_ = 	snop;
	(pc) =	sbr.rel @p1 .LBB2_5-.Ltmp7, $2  }
0x58: {  	_ =	sdelay $0x2  }
0x59: {  	s13 =	sadd.s32 $0x200, s13;
	[tilespmem:v2+s2+$0x0] =	vst.idx.add.f32.msk vm0, v1  }
0x5a: {  	s12 =	sadd.s32 $0x1, s12  }
0x5b: {  	p1 =	seq.s32 s12, $0xA  }
.Ltmp8:
0x5c: {  	_ = 	snop;
	(pc) =	sbr.rel @!p1 .LBB2_4-.Ltmp8, $4  }
.Ltmp9:
0x5d: {  	_ = 	snop;
	(pc) =	sbr.rel @p1 .LBB2_10-.Ltmp9, $4  }
0x5e: {  	_ = 	snop  }
0x5f: {  	_ = 	snop  }
0x60: {  	_ = 	snop  }
0x61: {  	_ = 	snop  }
.LBB2_11:
0x62: {  	_ =	sfence.sel $0x180000  }
0x63: {  	[bflag:$0x0] =	sbarrier.arrive $0xFFFF  }
0x64: {  	p0 =	sne.s32 s1, $0x0;
	_ =	strace $0x90000047  }
0x65: {  	s0 =	sadd.s32 @!p0 $0x100000, s0;
	[bflag:$0x2] =	sbarrier.arrive $0xFFFF  }
0x66: {  	[sflag:s0] =	ssyncadd.tile.s32 @!p0 $0x1;
	_ =	shalt  }
.Lfunc_end2:
_tile_overlayer_lowered:
.L_overlay_start_2:
0x67: {  	(tag) =	ssettag $0x2  }
0x68: {  	s0 =	rddreg [dreg:$0x0];
	s2 =	stileid.u32  }
0x69: {  	s1 =	rddreg [dreg:$0x1];
	p0 =	sne.s32 s2, $0x0  }
0x6a: {  	s3 =	rddreg [dreg:$0x2];
	[bflag:$0x3] =	sbarrier.arrive $0xFFFF;
	s2 =	simm.s32 @!p0 $0x1C01  }
0x6b: {  	[timem:s3], [sflag:s2] =	dma.local @!p0 [hbm:s0], s1  }
0x6c: {  	s0 =	simm.s32 @!p0 $0x1  }
0x6d: {  	_ =	swait.ge @!p0 [sflag:s0], s1  }
0x6e: {  	s1 =	ssub.s32 @!p0 $0x0, s1;
	[sflag:s0] =	ssyncset.done @!p0 $0x0  }
0x6f: {  	[sflag:s0] =	ssyncadd.s32 @!p0 s1  }
0x70: {  	[bflag:$0x3] =	sbarrier.arrive $0xFFFF  }
0x71: {  	_ =	shalt  }

// kernel: kernel.15.cloned.1.call-start
scs
__scs_entry_jumppad:
0x0: {  	(pc) =	sbr.rel $0x88, $3  }
0x1: {  	(tag) =	ssettag $0x0;
	lr =	simm.s32 $0x1  }
0x2: {  	[smem:$0x3F87] =	sst lr;
	_ =	strace $0xD0000000  }
0x3: {  	_ = 	snop  }
0x4: {  	_ = 	snop  }
0x5: {  	_ = 	snop  }
0x6: {  	_ = 	snop  }
0x7: {  	_ = 	snop  }
__scs_overlays_trampoline_lowered:
0x8: {  	[smem:$0x3F96] =	sst s0  }
0x9: {  	[smem:$0x3F97] =	sst s1  }
0xa: {  	[smem:$0x3F98] =	sst s2  }
0xb: {  	[smem:$0x3F99] =	sst s3  }
0xc: {  	[smem:$0x3F9A] =	sst s4  }
0xd: {  	[smem:$0x3F9B] =	sst s5  }
0xe: {  	[smem:$0x3F9C] =	sst s6  }
0xf: {  	[smem:$0x3F9D] =	sst s7  }
0x10: {  	[smem:$0x3F9E] =	sst s8  }
0x11: {  	[smem:$0x3F9F] =	sst s9;
	s0 =	simm.s32 @!p0 $0x0  }
0x12: {  	s1 =	sld [smem:$0x3F85];
	s0 =	simm.s32 @p0 $0x1  }
0x13: {  	[smem:$0x3FA0] =	sst s0;
	s0 =	simm.s32 @!p1 $0x0  }
0x14: {  	s2 =	sld [smem:$0x3F84];
	s0 =	simm.s32 @p1 $0x1  }
0x15: {  	[smem:$0x3FA1] =	sst s0;
	s0 =	simm.s32 @!p2 $0x0  }
0x16: {  	s3 =	sld [smem:$0x3FDB];
	s0 =	simm.s32 @p2 $0x1  }
0x17: {  	s4 =	simm.s32 $0x1BF5;
	[smem:$0x3FA3] =	sst s0  }
0x18: {  	s0 =	sld [smem:$0x3F86];
	_ =	swait.ge [sflag:s4], $0x0  }
0x19: {  	s7 =	sld [smem:$0x3F87]  }
0x1a: {  	s8 =	sadd.s32 $0xFFFFE003, lr  }
0x1b: {  	s9 =	sadd.s32 $0xFFFFFEF7, lr;
	s5 =	simm.s32 $0xFFFFFFFF;
	p2 =	slt.u32 s8, $0xFFFFF086  }
0x1c: {  	p1 =	slt.u32 s9, $0xF7A;
	s5 =	simm.s32 @!p2 $0x0  }
0x1d: {  	s5 =	simm.s32 @p1 $0x1;
	p0 =	seq.s32 s7, s2  }
0x1e: {  	s7 =	smul.u32 @!p0 $0xF7A, s2;
	p2 =	seq.s32 @!p0 s5, $0x0  }
0x1f: {  	s9 =	smul.u32 $0xF7A, s1;
	s8 =	simm.s32 @!p0 $0x1BF5;
	p2 =	por !p2, p0  }
0x20: {  	[sflag:s8] =	ssyncset.s32 @!p0 $0xFFFFF086;
	s6 =	sadd.s32 @!p0 s3, s7;
	s7 =	simm.s32 @!p0 $0x108  }
0x21: {  	s3 =	sadd.s32 s3, s9;
	s6 =	sadd.s32 @!p0 $0x88, s6;
	s7 =	simm.s32 @p2 $0x1082  }
0x22: {  	[simem:s7], [sflag:s8] =	dma.local @!p0 [hbm:s6], $0xF7A  }
0x23: {  	s9 =	sor.u32 $0xD0000000, s2;
	s6 =	simm.s32 $0x108;
	_ =	swait.ge @!p0 [sflag:s8], $0x0  }
0x24: {  	s3 =	sadd.s32 $0x88, s3;
	s6 =	simm.s32 @!p1 $0x1082;
	[sflag:s4] =	ssyncset.s32 $0xFFFFF086  }
0x25: {  	[simem:s6], [sflag:s4] =	dma.local [hbm:s3], $0xF7A  }
0x26: {  	[smem:$0x3F87] =	sst s1;
	(tag) =	ssettag s2;
	_ =	strace s9  }
0x27: {  	s1 =	sld [smem:$0x3F97]  }
0x28: {  	s2 =	sld [smem:$0x3F98]  }
0x29: {  	s4 =	sld [smem:$0x3F9A]  }
0x2a: {  	p0 =	seq.s32 s5, $0x0;
	s5 =	sld [smem:$0x3F9B]  }
0x2b: {  	s6 =	sld [smem:$0x3F9C]  }
0x2c: {  	s7 =	sld [smem:$0x3F9D]  }
0x2d: {  	s3 =	simm.s32 $0x108;
	s8 =	sld [smem:$0x3F9E]  }
0x2e: {  	s3 =	simm.s32 @!p0 $0x1082;
	s9 =	sld [smem:$0x3F9F]  }
0x2f: {  	lr =	sadd.s32 s0, s3;
	s0 =	sld [smem:$0x3F96]  }
0x30: {  	s3 =	sld [smem:$0x3F99]  }
0x31: {  	[smem:$0x3FA2] =	sst s10  }
0x32: {  	s10 =	sld [smem:$0x3FA0];
	_ =	sdelay $0x3  }
0x33: {  	p0 =	seq.s32 s10, $0x1;
	s10 =	sld [smem:$0x3FA2];
	_ =	sdelay $0x3  }
0x34: {  	[smem:$0x3FA2] =	sst s10  }
0x35: {  	s10 =	sld [smem:$0x3FA1];
	_ =	sdelay $0x3  }
0x36: {  	p1 =	seq.s32 s10, $0x1;
	s10 =	sld [smem:$0x3FA2];
	_ =	sdelay $0x3  }
0x37: {  	[smem:$0x3FA2] =	sst s10  }
0x38: {  	s10 =	sld [smem:$0x3FA3]  }
0x39: {  	_ = 	snop;
	(pc) =	sbr.ind lr, $3  }
0x3a: {  	_ = 	snop  }
0x3b: {  	_ = 	snop  }
0x3c: {  	p2 =	seq.s32 s10, $0x1;
	s10 =	sld [smem:$0x3FA2]  }
0x3d: {  	_ =	shalt  }
0x3e: {  	_ =	shalt  }
0x3f: {  	_ =	shalt  }
0x40: {  	_ =	shalt  }
0x41: {  	_ =	shalt  }
0x42: {  	_ =	shalt  }
0x43: {  	_ =	shalt  }
0x44: {  	_ =	shalt  }
0x45: {  	_ =	shalt  }
0x46: {  	_ =	shalt  }
0x47: {  	_ =	shalt  }
0x48: {  	_ =	shalt  }
0x49: {  	_ =	shalt  }
0x4a: {  	_ =	shalt  }
0x4b: {  	_ =	shalt  }
0x4c: {  	_ =	shalt  }
0x4d: {  	_ =	shalt  }
0x4e: {  	_ =	shalt  }
0x4f: {  	_ =	shalt  }
0x50: {  	_ =	shalt  }
0x51: {  	_ =	shalt  }
0x52: {  	_ =	shalt  }
0x53: {  	_ =	shalt  }
0x54: {  	_ =	shalt  }
0x55: {  	_ =	shalt  }
0x56: {  	_ =	shalt  }
0x57: {  	_ =	shalt  }
0x58: {  	_ =	shalt  }
0x59: {  	_ =	shalt  }
0x5a: {  	_ =	shalt  }
0x5b: {  	_ =	shalt  }
0x5c: {  	_ =	shalt  }
0x5d: {  	_ =	shalt  }
0x5e: {  	_ =	shalt  }
0x5f: {  	_ =	shalt  }
0x60: {  	_ =	shalt  }
0x61: {  	_ =	shalt  }
0x62: {  	_ =	shalt  }
0x63: {  	_ =	shalt  }
0x64: {  	_ =	shalt  }
0x65: {  	_ =	shalt  }
0x66: {  	_ =	shalt  }
0x67: {  	_ =	shalt  }
0x68: {  	_ =	shalt  }
0x69: {  	_ =	shalt  }
0x6a: {  	_ =	shalt  }
0x6b: {  	_ =	shalt  }
0x6c: {  	_ =	shalt  }
0x6d: {  	_ =	shalt  }
0x6e: {  	_ =	shalt  }
0x6f: {  	_ =	shalt  }
0x70: {  	_ =	shalt  }
0x71: {  	_ =	shalt  }
0x72: {  	_ =	shalt  }
0x73: {  	_ =	shalt  }
0x74: {  	_ =	shalt  }
0x75: {  	_ =	shalt  }
0x76: {  	_ =	shalt  }
0x77: {  	_ =	shalt  }
0x78: {  	_ =	shalt  }
0x79: {  	_ =	shalt  }
0x7a: {  	_ =	shalt  }
0x7b: {  	_ =	shalt  }
0x7c: {  	_ =	shalt  }
0x7d: {  	_ =	shalt  }
0x7e: {  	_ =	shalt  }
0x7f: {  	_ =	shalt  }
0x80: {  	_ =	shalt  }
0x81: {  	_ =	shalt  }
0x82: {  	_ =	shalt  }
0x83: {  	_ =	shalt  }
0x84: {  	_ =	shalt  }
0x85: {  	_ =	shalt  }
0x86: {  	_ =	shalt  }
0x87: {  	_ =	shalt  }
.Lfunc_end0:
.L_simem_size_0:
called_computation.1_lowered:
.L_overlay_start_0:
0x88: {  	s2 =	sld [smem:$0x3FD9]  }
0x89: {  	s3 =	sld [smem:$0x3FFE];
	_ =	sdelay $0x1  }
0x8a: {  	s1 =	srdreg.scid  }
0x8b: {  	s0 =	sand.u32 $0x1, s1  }
0x8c: {  	s16 =	sshll.u32 s0, $0xA;
	s2 =	sadd.s32 s3, s2  }
0x8d: {  	s2 =	sadd.s32 s2, s16  }
0x8e: {  	[smem:$0x3FAE] =	sst s2  }
0x8f: {  	_ = 	snop  }
0x90: {  	(tm) =	ssettm $0x1  }
0x91: {  	s17 =	sld [smem:$0x3FFB];
	_ =	sdelay $0x3  }
0x92: {  	_ =	strace s17  }
0x93: {  	s2 =	sld [smem:$0x3FFC];
	_ =	sdelay $0x3  }
0x94: {  	_ =	strace s2  }
0x95: {  	s2 =	sld [smem:$0x3FFD];
	_ =	sdelay $0x3  }
0x96: {  	_ =	strace s2  }
0x97: {  	_ =	strace $0x8FFFFFFF  }
0x98: {  	s18 =	sld [smem:$0x3FDB];
	_ =	sdelay $0x1  }
0x99: {  	s19 =	simm.s32 $_scs_section_size  }
0x9a: {  	s4 =	simm.s32 $_size__tile_overlayer_lowered;
	s5 =	simm.s32 $_tile_overlayer_lowered  }
0x9b: {  	s22 =	simm.s32 $0x1BFF;
	s21 =	sshll.u32 s5, $0x1;
	s2 =	sadd.s32 s19, s18  }
0x9c: {  	s6 =	simm.s32 $0x0;
	s20 =	sshll.u32 s4, $0x1;
	s4 =	sadd.s32 s21, s2  }
0x9d: {  	[timem:s6], [sflag:s22] =	dma.local [hbm:s4], s20  }
0x9e: {  	_ =	swait.ge [sflag:s22], s20  }
0x9f: {  	s3 =	ssub.s32 $0x0, s20;
	[sflag:s22] =	ssyncset.done $0x0  }
0xa0: {  	[sflag:s22] =	ssyncadd.s32 s3;
	_ =	sdelay $0x1  }
0xa1: {  	s23 =	simm.s32 $0x1B8B  }
0xa2: {  	_ =	swait.ge [sflag:s23], $0x1  }
0xa3: {  	[sflag:s23] =	ssyncset.done $0x0  }
0xa4: {  	s25 =	simm.s32 $0x1B8E;
	s24 =	sld [smem:$0x3FFE];
	[sflag:s23] =	ssyncadd.s32 $0xFFFFFFFF  }
0xa5: {  	s26 =	simm.s32 $execute0_lowered;
	[smem:$0x3FD2] =	sst s25  }
0xa6: {  	s4 =	sshll.u32 s26, $0x1;
	_ =	strace $0x80000049;
	[dreg:$0x1] =	wrdreg $0xFFFFFFFF  }
0xa7: {  	s28 =	simm.s32 $_size_execute0_lowered;
	s2 =	sadd.s32 s2, s4;
	[dreg:$0x0] =	wrdreg $0x0  }
0xa8: {  	s4 =	sshll.u32 s28, $0x1;
	[dreg:$0x2] =	wrdreg s2  }
0xa9: {  	[dreg:$0x3] =	wrdreg s4  }
0xaa: {  	[dreg:$0x4] =	wrdreg $0xC0  }
0xab: {  	_ =	task [dreg:s6], $0x5FFFF  }
0xac: {  	[dreg:$0x1] =	wrdreg $0xFFFFFFFF  }
0xad: {  	[dreg:$0x0] =	wrdreg $0x60  }
0xae: {  	[dreg:$0x2] =	wrdreg s24  }
0xaf: {  	[dreg:$0x3] =	wrdreg $0x0  }
0xb0: {  	[dreg:$0x4] =	wrdreg $0xA  }
0xb1: {  	_ =	task.clear_ibuf [dreg:s6], $0x5FFFF;
	_ =	strace $0x90000049  }
0xb2: {  	s29 =	simm.s32 $0xA;
	_ =	strace $0x8000004B  }
0xb3: {  	_ =	swait.ge [sflag:s29], $0x1  }
0xb4: {  	[sflag:s29] =	ssyncadd.s32 $0xFFFFFFFF  }
0xb5: {  	_ =	strace $0x9000004B  }
0xb6: {  	_ =	sfence  }
0xb7: {  	s30 =	sld [smem:$0x0];
	_ =	sdelay $0x2  }
0xb8: {  	s31 =	sshll.u32 s1, $0xD;
	s1 =	sshrl.u32 s1, $0x2  }
0xb9: {  	s3 =	sand.u32 $0x4000, s31;
	s1 =	sadd.s32 s1, s30  }
0xba: {  	s0 =	sor.u32 s3, s0;
	s1 =	sshll.u32 s1, $0x11  }
0xbb: {  	s0 =	sor.u32 s1, s0  }
0xbc: {  	s0 =	sadd.s32 $0x8F2B, s0  }
0xbd: {  	[sflag:s0] =	ssyncadd.remote.s32 $0x1  }
0xbe: {  	_ =	sfence.sel $0xFFFF  }
0xbf: {  	[dreg:$0x0] =	wrdreg $0xFFFFFFFF;
	(pc) =	sbr.abs _section_cstart, $3  }
0xc0: {  	[dreg:$0x1] =	wrdreg $0xFFFFFFFF  }
0xc1: {  	_ =	task.clear_ibuf [dreg:s6], $0x2FFFF;
	_ =	strace $0x9FFFFFFF  }
0xc2: {  	(tm) =	ssettm $0x7FFFFFFF  }
0xc3: {  	_ =	shalt  }
tec
execute0_lowered:
.L_overlay_start_1:
0x0: {  	(tag) =	ssettag $0x1  }
0x1: {  	s0 =	srdreg.scid;
	s5 =	rddreg [dreg:$0x0]  }
0x2: {  	s9 =	stileid.u32;
	s2 =	rddreg [dreg:$0x1]  }
0x3: {  	s3 =	simm.s32 $0x0;
	s28 =	simm.s32 $0x1;
	s4 =	smul.u32 $0x50, s9  }
0x4: {  	s30 =	simm.s32 $0x19DC0;
	s31 =	simm.s32 $0x2;
	s8 =	smul.u32 $0x28000, s9  }
0x5: {  	s0 =	sand.u32 $0x1, s0;
	[smem:$0x7FF] =	sst s3;
	s18 =	smul.u32 $0x14000, s9  }
0x6: {  	s29 =	simm.s32 $0x4;
	s1 =	smul.u32 $0x500, s0;
	_ =	strace $0x8000004A  }
0x7: {  	s6 =	ssub.s32 $0x2, s0;
	p0 =	seq.s32 s0, $0x1;
	s0 =	simm.s32 $0x5  }
0x8: {  	s7 =	sshrl.u32 s6, $0x1;
	s19 =	sshrl.u32 s8, $0x2;
	s20 =	sshrl.u32 s18, $0x4  }
0x9: {  	s21 =	sshrl.u32 s18, $0x1;
	s18 =	simm.s32 $0x9;
	s1 =	sadd.s32 s4, s1  }
0xa: {  	s4 =	sadd.s32 $0x2F000, s5;
	s6 =	ssub.s32 s6, s7;
	s7 =	sadd.s32 s19, s2  }
0xb: {  	s22 =	sadd.s32 s21, s2;
	s19 =	simm.s32 $0xA000;
	s21 =	simm.s32 $0x7D  }
0xc: {  	s1 =	sshll.u32 s1, $0x4;
	s6 =	smax.u32 s6, $0x1;
	s23 =	sadd.s32 $0x1400, s7  }
0xd: {  	s24 =	sadd.s32 $0x2800, s7;
	s25 =	sadd.s32 $0x3C00, s7;
	[dreg:$0x5] =	wrdreg s6  }
0xe: {  	s26 =	sadd.s32 $0x5000, s7;
	s13 =	sadd.s32 $0x6400, s7;
	[dreg:$0x6] =	wrdreg s23  }
0xf: {  	s14 =	sadd.s32 $0x7800, s7;
	s15 =	sadd.s32 $0x8C00, s7;
	[dreg:$0x7] =	wrdreg s24  }
0x10: {  	s1 =	sadd.s32 s1, s5;
	[dreg:$0x8] =	wrdreg s25;
	s6 =	simm.s32 $0x43000  }
0x11: {  	[dreg:$0x9] =	wrdreg s26;
	s23 =	simm.s32 $0x15F40;
	s25 =	sshrl.u32 s22, $0x3  }
.Ltmp0:
0x12: {  	s26 =	simm.s32 $0x17E80;
	s17 =	sadd.s32 $0x7000, s1;
	(pc) =	sbr.rel .LBB2_1-.Ltmp0, $4  }
0x13: {  	s24 =	simm.s32 $0x3;
	s1 =	sadd.s32 $0x11000, s1;
	[dreg:$0x3] =	wrdreg s17  }
0x14: {  	s22 =	simm.s32 $0x7;
	s6 =	simm.s32 @!p0 $0x57000;
	[dreg:$0x4] =	wrdreg s1  }
0x15: {  	s5 =	sadd.s32 s6, s5;
	s17 =	simm.s32 $0x14000;
	s1 =	simm.s32 $0x6  }
0x16: {  	v0 =	vimm.bf16 $0.0e+00;
	s16 =	sadd.s32 s5, s20;
	s20 =	simm.s32 $0xF000;
	s5 =	simm.s32 $0x8  }
.LBB2_6:
0x17: {  	_ =	swait.ge [sflag:s5], $0x1F40  }
0x18: {  	s6 =	stileid.u32;
	[sflag:s5] =	ssyncset.done $0x0  }
0x19: {  	s6 =	sshll.u32 s6, $0x6;
	[sflag:s5] =	ssyncadd.s32 $0xFFFFE0C0  }
0x1a: {  	s6 =	sor.u32 $0x1C09, s6;
	[bflag:$0x0] =	sbarrier.arrive $0xFFFF  }
0x1b: {  	[hbm:s16], [sflag:s6] =	dma.local [spmem:s25], $0x1400  }
0x1c: {  	_ =	swait.ge [sflag:s18], $0x1400  }
0x1d: {  	s3 =	sadd.s32 $0x1, s3;
	s12 =	rddreg [dreg:$0x5]  }
0x1e: {  	p0 =	sne.s32 s3, s12  }
.Ltmp1:
0x1f: {  	_ = 	snop;
	(pc) =	sbr.rel @!p0 .LBB2_7-.Ltmp1, $3  }
0x20: {  	_ =	sdelay $0x1  }
0x21: {  	[sflag:s18] =	ssyncset.done $0x0  }
0x22: {  	[sflag:s18] =	ssyncadd.s32 $0xFFFFEC00  }
.LBB2_1:
0x23: {  	s8 =	simm.s32 $0x100;
	s6 =	simm.s32 $0x0  }
.LBB2_2:
0x24: {  	p0 =	sne.s32 s8, $0x7C00;
	[tilespmem:s6+$0x14030] =	vst v0;
	s9 =	smov.u32 s8;
	s8 =	sadd.s32 $0x100, s8  }
.Ltmp2:
0x25: {  	[tilespmem:s6+$0x14020] =	vst v0;
	(pc) =	sbr.rel @p0 .LBB2_2-.Ltmp2, $3  }
0x26: {  	[tilespmem:s6+$0x14000] =	vst v0  }
0x27: {  	[tilespmem:s6+$0x14010] =	vst v0;
	_ =	sdelay $0x1  }
0x28: {  	s6 =	sshra.s32 s9, $0x2  }
0x29: {  	[tilespmem:s6+$0x14030] =	vst v0  }
0x2a: {  	[tilespmem:s6+$0x14020] =	vst v0  }
0x2b: {  	[tilespmem:s6+$0x14000] =	vst v0  }
0x2c: {  	[tilespmem:s6+$0x14010] =	vst v0  }
0x2d: {  	[spmem:s7] =	stream.linear.scatter [tilespmem:s17], [sflag:$0x9], $0x1400, $0x38;
	[tilespmem:$0x1BD00] =	vst v63  }
0x2e: {  	_ =	swait.ge [sflag:s18], $0x1400  }
0x2f: {  	[sflag:s18] =	ssyncset.done $0x0  }
0x30: {  	s12 =	rddreg [dreg:$0x6];
	[sflag:s18] =	ssyncadd.s32 $0xFFFFEC00  }
0x31: {  	[spmem:s12] =	stream.linear.scatter [tilespmem:s17], [sflag:$0x9], $0x1400, $0x38;
	[tilespmem:$0x1BD00] =	vst v63  }
0x32: {  	_ =	swait.ge [sflag:s18], $0x1400  }
0x33: {  	[sflag:s18] =	ssyncset.done $0x0  }
0x34: {  	s8 =	rddreg [dreg:$0x7];
	[sflag:s18] =	ssyncadd.s32 $0xFFFFEC00  }
0x35: {  	[spmem:s8] =	stream.linear.scatter [tilespmem:s17], [sflag:$0x9], $0x1400, $0x38;
	[tilespmem:$0x1BD00] =	vst v63  }
0x36: {  	_ =	swait.ge [sflag:s18], $0x1400  }
0x37: {  	[sflag:s18] =	ssyncset.done $0x0  }
0x38: {  	s9 =	rddreg [dreg:$0x8];
	[sflag:s18] =	ssyncadd.s32 $0xFFFFEC00  }
0x39: {  	[spmem:s9] =	stream.linear.scatter [tilespmem:s17], [sflag:$0x9], $0x1400, $0x38;
	[tilespmem:$0x1BD00] =	vst v63  }
0x3a: {  	_ =	swait.ge [sflag:s18], $0x1400  }
0x3b: {  	[sflag:s18] =	ssyncset.done $0x0  }
0x3c: {  	s10 =	rddreg [dreg:$0x9];
	[sflag:s18] =	ssyncadd.s32 $0xFFFFEC00  }
0x3d: {  	[spmem:s10] =	stream.linear.scatter [tilespmem:s17], [sflag:$0x9], $0x1400, $0x38;
	[tilespmem:$0x1BD00] =	vst v63  }
0x3e: {  	_ =	swait.ge [sflag:s18], $0x1400  }
0x3f: {  	[sflag:s18] =	ssyncset.done $0x0  }
0x40: {  	[sflag:s18] =	ssyncadd.s32 $0xFFFFEC00  }
0x41: {  	[spmem:s13] =	stream.linear.scatter [tilespmem:s17], [sflag:$0x9], $0x1400, $0x38;
	[tilespmem:$0x1BD00] =	vst v63  }
0x42: {  	_ =	swait.ge [sflag:s18], $0x1400  }
0x43: {  	[sflag:s18] =	ssyncset.done $0x0  }
0x44: {  	[sflag:s18] =	ssyncadd.s32 $0xFFFFEC00  }
0x45: {  	[spmem:s14] =	stream.linear.scatter [tilespmem:s17], [sflag:$0x9], $0x1400, $0x38;
	[tilespmem:$0x1BD00] =	vst v63  }
0x46: {  	_ =	swait.ge [sflag:s18], $0x1400  }
0x47: {  	[sflag:s18] =	ssyncset.done $0x0  }
0x48: {  	[sflag:s18] =	ssyncadd.s32 $0xFFFFEC00  }
0x49: {  	[spmem:s15] =	stream.linear.scatter [tilespmem:s17], [sflag:$0x9], $0x1400, $0x38;
	[tilespmem:$0x1BD00] =	vst v63  }
0x4a: {  	_ =	swait.ge [sflag:s18], $0x1400  }
0x4b: {  	[sflag:s18] =	ssyncset.done $0x0  }
0x4c: {  	[sflag:s18] =	ssyncadd.s32 $0xFFFFEC00  }
0x4d: {  	[bflag:$0x0] =	sbarrier.arrive $0xFFFF  }
0x4e: {  	s6 =	simm.s32 $0x0;
	s8 =	rddreg [dreg:$0x3]  }
0x4f: {  	[tilespmem:s19], [sflag:$0x9] =	stream.linear.gather [hbm4b:s8+s6], $0x2800, $0x38;
	[tilespmem:$0x1BD00] =	vst v63  }
0x50: {  	_ =	swait.ge [sflag:s18], $0x2800  }
0x51: {  	[sflag:s18] =	ssyncset.done $0x0  }
0x52: {  	s11 =	rddreg [dreg:$0x4];
	[sflag:s18] =	ssyncadd.s32 $0xFFFFD800  }
0x53: {  	[tilespmem:s20], [sflag:$0x9] =	stream.linear.gather [hbm4b:s11+s6], $0x2800, $0x38;
	[tilespmem:$0x1BD00] =	vst v63  }
0x54: {  	_ =	swait.ge [sflag:s18], $0x2800  }
0x55: {  	[sflag:s18] =	ssyncset.done $0x0  }
0x56: {  	[sflag:s18] =	ssyncadd.s32 $0xFFFFD800  }
0x57: {  	[tilespmem:s17], [sflag:$0x1] =	stream.indirect.gather [hbm4b:s4+s21], $0x40, s19, s21, $0xb8;
	[tilespmem:$0x1BD00] =	vst v63  }
0x58: {  	s12 =	simm.s32 $0xA080  }
0x59: {  	[tilespmem:s23], [sflag:$0x2] =	stream.indirect.gather [hbm4b:s4+s21], $0x40, s12, s21, $0xb8;
	[tilespmem:$0x1BD00] =	vst v63  }
0x5a: {  	s9 =	simm.s32 $0xA100  }
0x5b: {  	[tilespmem:s26], [sflag:$0x3] =	stream.indirect.gather [hbm4b:s4+s21], $0x40, s9, s21, $0xb8;
	[tilespmem:$0x1BD00] =	vst v63  }
0x5c: {  	_ =	swait.ge [sflag:s28], $0x1F40  }
0x5d: {  	[sflag:s28] =	ssyncset.done $0x0  }
0x5e: {  	[sflag:s28] =	ssyncadd.s32 $0xFFFFE0C0  }
0x5f: {  	[spmem:s2] =	stream.indirect.scatter.add.bf16 [tilespmem:s17], [sflag:$0x5], $0x40, s20, s21, $0xb8;
	[tilespmem:$0x1BD00] =	vst v63  }
0x60: {  	s10 =	simm.s32 $0xA180  }
0x61: {  	[tilespmem:s30], [sflag:$0x4] =	stream.indirect.gather [hbm4b:s4+s21], $0x40, s10, s21, $0xb8;
	[tilespmem:$0x1BD00] =	vst v63  }
0x62: {  	_ =	swait.ge [sflag:s31], $0x1F40  }
0x63: {  	[sflag:s31] =	ssyncset.done $0x0  }
0x64: {  	s11 =	simm.s32 $0xF080;
	[sflag:s31] =	ssyncadd.s32 $0xFFFFE0C0  }
0x65: {  	[spmem:s2] =	stream.indirect.scatter.add.bf16 [tilespmem:s23], [sflag:$0x6], $0x40, s11, s21, $0xb8;
	[tilespmem:$0x1BD00] =	vst v63  }
0x66: {  	_ =	swait.ge [sflag:s0], $0x1F40  }
0x67: {  	[sflag:s0] =	ssyncset.done $0x0  }
0x68: {  	s12 =	simm.s32 $0xA200;
	[sflag:s0] =	ssyncadd.s32 $0xFFFFE0C0  }
0x69: {  	[tilespmem:s17], [sflag:$0x1] =	stream.indirect.gather [hbm4b:s4+s21], $0x40, s12, s21, $0xb8;
	[tilespmem:$0x1BD00] =	vst v63  }
0x6a: {  	_ =	swait.ge [sflag:s24], $0x1F40  }
0x6b: {  	[sflag:s24] =	ssyncset.done $0x0  }
0x6c: {  	s9 =	simm.s32 $0xF100;
	[sflag:s24] =	ssyncadd.s32 $0xFFFFE0C0  }
0x6d: {  	[spmem:s2] =	stream.indirect.scatter.add.bf16 [tilespmem:s26], [sflag:$0x7], $0x40, s9, s21, $0xb8;
	[tilespmem:$0x1BD00] =	vst v63  }
0x6e: {  	_ =	swait.ge [sflag:s1], $0x1F40  }
0x6f: {  	[sflag:s1] =	ssyncset.done $0x0  }
0x70: {  	s10 =	simm.s32 $0xA280;
	[sflag:s1] =	ssyncadd.s32 $0xFFFFE0C0  }
0x71: {  	[tilespmem:s23], [sflag:$0x2] =	stream.indirect.gather [hbm4b:s4+s21], $0x40, s10, s21, $0xb8;
	[tilespmem:$0x1BD00] =	vst v63  }
0x72: {  	_ =	swait.ge [sflag:s29], $0x1F40  }
0x73: {  	[sflag:s29] =	ssyncset.done $0x0  }
0x74: {  	s11 =	simm.s32 $0xF180;
	[sflag:s29] =	ssyncadd.s32 $0xFFFFE0C0  }
0x75: {  	[spmem:s2] =	stream.indirect.scatter.add.bf16 [tilespmem:s30], [sflag:$0x8], $0x40, s11, s21, $0xb8;
	[tilespmem:$0x1BD00] =	vst v63  }
0x76: {  	_ =	swait.ge [sflag:s22], $0x1F40  }
0x77: {  	[sflag:s22] =	ssyncset.done $0x0  }
0x78: {  	s12 =	simm.s32 $0xA300;
	[sflag:s22] =	ssyncadd.s32 $0xFFFFE0C0  }
0x79: {  	[tilespmem:s26], [sflag:$0x3] =	stream.indirect.gather [hbm4b:s4+s21], $0x40, s12, s21, $0xb8;
	[tilespmem:$0x1BD00] =	vst v63  }
.LBB2_4:
0x7a: {  	_ =	swait.ge [sflag:s28], $0x1F40  }
0x7b: {  	s8 =	sshra.s32 s6, $0x2;
	[sflag:s28] =	ssyncset.done $0x0  }
0x7c: {  	s9 =	sadd.s32 $0xF200, s8;
	[sflag:s28] =	ssyncadd.s32 $0xFFFFE0C0  }
0x7d: {  	[spmem:s2] =	stream.indirect.scatter.add.bf16 [tilespmem:s17], [sflag:$0x5], $0x40, s9, s21, $0xb8;
	[tilespmem:$0x1BD00] =	vst v63  }
0x7e: {  	_ =	swait.ge [sflag:s5], $0x1F40  }
0x7f: {  	[sflag:s5] =	ssyncset.done $0x0  }
0x80: {  	s10 =	sadd.s32 $0xA380, s8;
	[sflag:s5] =	ssyncadd.s32 $0xFFFFE0C0  }
0x81: {  	[tilespmem:s30], [sflag:$0x4] =	stream.indirect.gather [hbm4b:s4+s21], $0x40, s10, s21, $0xb8;
	[tilespmem:$0x1BD00] =	vst v63  }
0x82: {  	_ =	swait.ge [sflag:s31], $0x1F40  }
0x83: {  	[sflag:s31] =	ssyncset.done $0x0  }
0x84: {  	s11 =	sadd.s32 $0xF280, s8;
	[sflag:s31] =	ssyncadd.s32 $0xFFFFE0C0  }
0x85: {  	[spmem:s2] =	stream.indirect.scatter.add.bf16 [tilespmem:s23], [sflag:$0x6], $0x40, s11, s21, $0xb8;
	[tilespmem:$0x1BD00] =	vst v63  }
0x86: {  	_ =	swait.ge [sflag:s0], $0x1F40  }
0x87: {  	p0 =	seq.s32 s6, $0x9000;
	[sflag:s0] =	ssyncset.done $0x0  }
0x88: {  	s9 =	simm.s32 @p0 $0x3;
	[sflag:s0] =	ssyncadd.s32 $0xFFFFE0C0  }
0x89: {  	_ =	swait.ge @p0 [sflag:s9], $0x1F40  }
0x8a: {  	[sflag:s9] =	ssyncset.done @p0 $0x0  }
0x8b: {  	[sflag:s9] =	ssyncadd.s32 @p0 $0xFFFFE0C0;
	s9 =	sshra.s32 @p0 s6, $0x2  }
0x8c: {  	s10 =	simm.s32 @p0 $0x7D;
	s11 =	simm.s32 @p0 $0x17E80;
	s9 =	sadd.s32 @p0 $0xF300, s9  }
0x8d: {  	[spmem:s2] =	stream.indirect.scatter.add.bf16 @p0 [tilespmem:s11], [sflag:$0x7], $0x40, s9, s10, $0xb8;
	[tilespmem:$0x1BD00] =	vst v63  }
0x8e: {  	s9 =	simm.s32 @p0 $0x6  }
0x8f: {  	_ =	swait.ge @p0 [sflag:s9], $0x1F40  }
0x90: {  	[sflag:s9] =	ssyncset.done @p0 $0x0  }
0x91: {  	[sflag:s9] =	ssyncadd.s32 @p0 $0xFFFFE0C0;
	s9 =	sshra.s32 @!p0 s6, $0x2  }
0x92: {  	s12 =	simm.s32 @!p0 $0x14000;
	s11 =	simm.s32 @!p0 $0x7D;
	s10 =	sadd.s32 @!p0 $0xA400, s9  }
0x93: {  	[tilespmem:s12], [sflag:$0x1] =	stream.indirect.gather @!p0 [hbm4b:s4+s11], $0x40, s10, s11, $0xb8;
	[tilespmem:$0x1BD00] =	vst v63  }
0x94: {  	s10 =	simm.s32 @!p0 $0x3  }
0x95: {  	_ =	swait.ge @!p0 [sflag:s10], $0x1F40  }
0x96: {  	[sflag:s10] =	ssyncset.done @!p0 $0x0  }
0x97: {  	s12 =	simm.s32 @!p0 $0x17E80;
	[sflag:s10] =	ssyncadd.s32 @!p0 $0xFFFFE0C0;
	s10 =	sadd.s32 @!p0 $0xF300, s9  }
0x98: {  	[spmem:s2] =	stream.indirect.scatter.add.bf16 @!p0 [tilespmem:s12], [sflag:$0x7], $0x40, s10, s11, $0xb8;
	[tilespmem:$0x1BD00] =	vst v63  }
0x99: {  	s10 =	simm.s32 @!p0 $0x6  }
0x9a: {  	_ =	swait.ge @!p0 [sflag:s10], $0x1F40  }
0x9b: {  	[sflag:s10] =	ssyncset.done @!p0 $0x0  }
0x9c: {  	s9 =	sadd.s32 @!p0 $0xA480, s9;
	[sflag:s10] =	ssyncadd.s32 @!p0 $0xFFFFE0C0;
	s10 =	simm.s32 @!p0 $0x15F40  }
0x9d: {  	[tilespmem:s10], [sflag:$0x2] =	stream.indirect.gather @!p0 [hbm4b:s4+s11], $0x40, s9, s11, $0xb8;
	[tilespmem:$0x1BD00] =	vst v63  }
0x9e: {  	_ =	swait.ge [sflag:s29], $0x1F40  }
0x9f: {  	[sflag:s29] =	ssyncset.done $0x0  }
.Ltmp3:
0xa0: {  	s12 =	sadd.s32 $0xF380, s8;
	[sflag:s29] =	ssyncadd.s32 $0xFFFFE0C0;
	(pc) =	sbr.rel @p0 .LBB2_6-.Ltmp3, $4  }
0xa1: {  	[spmem:s2] =	stream.indirect.scatter.add.bf16 [tilespmem:s30], [sflag:$0x8], $0x40, s12, s21, $0xb8;
	[tilespmem:$0x1BD00] =	vst v63  }
0xa2: {  	_ =	swait.ge [sflag:s22], $0x1F40  }
0xa3: {  	[sflag:s22] =	ssyncset.done $0x0  }
0xa4: {  	[sflag:s22] =	ssyncadd.s32 $0xFFFFE0C0  }
.Ltmp4:
0xa5: {  	(pc) =	sbr.rel .LBB2_4-.Ltmp4, $3  }
0xa6: {  	_ =	sdelay $0x1  }
0xa7: {  	s8 =	sadd.s32 $0xA500, s8;
	s6 =	sadd.s32 $0x800, s6  }
0xa8: {  	[tilespmem:s26], [sflag:$0x3] =	stream.indirect.gather [hbm4b:s4+s21], $0x40, s8, s21, $0xb8;
	[tilespmem:$0x1BD00] =	vst v63  }
.LBB2_7:
0xa9: {  	_ =	sfence.sel $0x180000  }
0xaa: {  	[bflag:$0x0] =	sbarrier.arrive $0xFFFF  }
0xab: {  	_ =	strace $0x9000004A  }
0xac: {  	s0 =	stileid.u32;
	[bflag:$0x2] =	sbarrier.arrive $0xFFFF  }
0xad: {  	p0 =	sne.s32 s0, $0x0;
	s0 =	rddreg [dreg:$0x2]  }
0xae: {  	s0 =	sadd.s32 @!p0 $0x100000, s0  }
0xaf: {  	[sflag:s0] =	ssyncadd.tile.s32 @!p0 $0x1;
	_ =	shalt  }
.Lfunc_end2:
_tile_overlayer_lowered:
.L_overlay_start_2:
0xb0: {  	(tag) =	ssettag $0x2  }
0xb1: {  	s0 =	rddreg [dreg:$0x0];
	s2 =	stileid.u32  }
0xb2: {  	s1 =	rddreg [dreg:$0x1];
	p0 =	sne.s32 s2, $0x0  }
0xb3: {  	s3 =	rddreg [dreg:$0x2];
	[bflag:$0x3] =	sbarrier.arrive $0xFFFF;
	s2 =	simm.s32 @!p0 $0x1C09  }
0xb4: {  	[timem:s3], [sflag:s2] =	dma.local @!p0 [hbm:s0], s1  }
0xb5: {  	s0 =	simm.s32 @!p0 $0x9  }
0xb6: {  	_ =	swait.ge @!p0 [sflag:s0], s1  }
0xb7: {  	s1 =	ssub.s32 @!p0 $0x0, s1;
	[sflag:s0] =	ssyncset.done @!p0 $0x0  }
0xb8: {  	[sflag:s0] =	ssyncadd.s32 @!p0 s1  }
0xb9: {  	[bflag:$0x3] =	sbarrier.arrive $0xFFFF  }
0xba: {  	_ =	shalt  }

// kernel: kernel.18.cloned.1.call-start
scs
__scs_entry_jumppad:
0x0: {  	(pc) =	sbr.rel $0x88, $3  }
0x1: {  	(tag) =	ssettag $0x0;
	lr =	simm.s32 $0x1  }
0x2: {  	[smem:$0x3F87] =	sst lr;
	_ =	strace $0xD0000000  }
0x3: {  	_ = 	snop  }
0x4: {  	_ = 	snop  }
0x5: {  	_ = 	snop  }
0x6: {  	_ = 	snop  }
0x7: {  	_ = 	snop  }
__scs_overlays_trampoline_lowered:
0x8: {  	[smem:$0x3F96] =	sst s0  }
0x9: {  	[smem:$0x3F97] =	sst s1  }
0xa: {  	[smem:$0x3F98] =	sst s2  }
0xb: {  	[smem:$0x3F99] =	sst s3  }
0xc: {  	[smem:$0x3F9A] =	sst s4  }
0xd: {  	[smem:$0x3F9B] =	sst s5  }
0xe: {  	[smem:$0x3F9C] =	sst s6  }
0xf: {  	[smem:$0x3F9D] =	sst s7  }
0x10: {  	[smem:$0x3F9E] =	sst s8  }
0x11: {  	[smem:$0x3F9F] =	sst s9;
	s0 =	simm.s32 @!p0 $0x0  }
0x12: {  	s1 =	sld [smem:$0x3F85];
	s0 =	simm.s32 @p0 $0x1  }
0x13: {  	[smem:$0x3FA0] =	sst s0;
	s0 =	simm.s32 @!p1 $0x0  }
0x14: {  	s2 =	sld [smem:$0x3F84];
	s0 =	simm.s32 @p1 $0x1  }
0x15: {  	[smem:$0x3FA1] =	sst s0;
	s0 =	simm.s32 @!p2 $0x0  }
0x16: {  	s3 =	sld [smem:$0x3FDB];
	s0 =	simm.s32 @p2 $0x1  }
0x17: {  	s4 =	simm.s32 $0x1BF5;
	[smem:$0x3FA3] =	sst s0  }
0x18: {  	s0 =	sld [smem:$0x3F86];
	_ =	swait.ge [sflag:s4], $0x0  }
0x19: {  	s7 =	sld [smem:$0x3F87]  }
0x1a: {  	s8 =	sadd.s32 $0xFFFFE003, lr  }
0x1b: {  	s9 =	sadd.s32 $0xFFFFFEF7, lr;
	s5 =	simm.s32 $0xFFFFFFFF;
	p2 =	slt.u32 s8, $0xFFFFF086  }
0x1c: {  	p1 =	slt.u32 s9, $0xF7A;
	s5 =	simm.s32 @!p2 $0x0  }
0x1d: {  	s5 =	simm.s32 @p1 $0x1;
	p0 =	seq.s32 s7, s2  }
0x1e: {  	s7 =	smul.u32 @!p0 $0xF7A, s2;
	p2 =	seq.s32 @!p0 s5, $0x0  }
0x1f: {  	s9 =	smul.u32 $0xF7A, s1;
	s8 =	simm.s32 @!p0 $0x1BF5;
	p2 =	por !p2, p0  }
0x20: {  	[sflag:s8] =	ssyncset.s32 @!p0 $0xFFFFF086;
	s6 =	sadd.s32 @!p0 s3, s7;
	s7 =	simm.s32 @!p0 $0x108  }
0x21: {  	s3 =	sadd.s32 s3, s9;
	s6 =	sadd.s32 @!p0 $0x88, s6;
	s7 =	simm.s32 @p2 $0x1082  }
0x22: {  	[simem:s7], [sflag:s8] =	dma.local @!p0 [hbm:s6], $0xF7A  }
0x23: {  	s9 =	sor.u32 $0xD0000000, s2;
	s6 =	simm.s32 $0x108;
	_ =	swait.ge @!p0 [sflag:s8], $0x0  }
0x24: {  	s3 =	sadd.s32 $0x88, s3;
	s6 =	simm.s32 @!p1 $0x1082;
	[sflag:s4] =	ssyncset.s32 $0xFFFFF086  }
0x25: {  	[simem:s6], [sflag:s4] =	dma.local [hbm:s3], $0xF7A  }
0x26: {  	[smem:$0x3F87] =	sst s1;
	(tag) =	ssettag s2;
	_ =	strace s9  }
0x27: {  	s1 =	sld [smem:$0x3F97]  }
0x28: {  	s2 =	sld [smem:$0x3F98]  }
0x29: {  	s4 =	sld [smem:$0x3F9A]  }
0x2a: {  	p0 =	seq.s32 s5, $0x0;
	s5 =	sld [smem:$0x3F9B]  }
0x2b: {  	s6 =	sld [smem:$0x3F9C]  }
0x2c: {  	s7 =	sld [smem:$0x3F9D]  }
0x2d: {  	s3 =	simm.s32 $0x108;
	s8 =	sld [smem:$0x3F9E]  }
0x2e: {  	s3 =	simm.s32 @!p0 $0x1082;
	s9 =	sld [smem:$0x3F9F]  }
0x2f: {  	lr =	sadd.s32 s0, s3;
	s0 =	sld [smem:$0x3F96]  }
0x30: {  	s3 =	sld [smem:$0x3F99]  }
0x31: {  	[smem:$0x3FA2] =	sst s10  }
0x32: {  	s10 =	sld [smem:$0x3FA0];
	_ =	sdelay $0x3  }
0x33: {  	p0 =	seq.s32 s10, $0x1;
	s10 =	sld [smem:$0x3FA2];
	_ =	sdelay $0x3  }
0x34: {  	[smem:$0x3FA2] =	sst s10  }
0x35: {  	s10 =	sld [smem:$0x3FA1];
	_ =	sdelay $0x3  }
0x36: {  	p1 =	seq.s32 s10, $0x1;
	s10 =	sld [smem:$0x3FA2];
	_ =	sdelay $0x3  }
0x37: {  	[smem:$0x3FA2] =	sst s10  }
0x38: {  	s10 =	sld [smem:$0x3FA3]  }
0x39: {  	_ = 	snop;
	(pc) =	sbr.ind lr, $3  }
0x3a: {  	_ = 	snop  }
0x3b: {  	_ = 	snop  }
0x3c: {  	p2 =	seq.s32 s10, $0x1;
	s10 =	sld [smem:$0x3FA2]  }
0x3d: {  	_ =	shalt  }
0x3e: {  	_ =	shalt  }
0x3f: {  	_ =	shalt  }
0x40: {  	_ =	shalt  }
0x41: {  	_ =	shalt  }
0x42: {  	_ =	shalt  }
0x43: {  	_ =	shalt  }
0x44: {  	_ =	shalt  }
0x45: {  	_ =	shalt  }
0x46: {  	_ =	shalt  }
0x47: {  	_ =	shalt  }
0x48: {  	_ =	shalt  }
0x49: {  	_ =	shalt  }
0x4a: {  	_ =	shalt  }
0x4b: {  	_ =	shalt  }
0x4c: {  	_ =	shalt  }
0x4d: {  	_ =	shalt  }
0x4e: {  	_ =	shalt  }
0x4f: {  	_ =	shalt  }
0x50: {  	_ =	shalt  }
0x51: {  	_ =	shalt  }
0x52: {  	_ =	shalt  }
0x53: {  	_ =	shalt  }
0x54: {  	_ =	shalt  }
0x55: {  	_ =	shalt  }
0x56: {  	_ =	shalt  }
0x57: {  	_ =	shalt  }
0x58: {  	_ =	shalt  }
0x59: {  	_ =	shalt  }
0x5a: {  	_ =	shalt  }
0x5b: {  	_ =	shalt  }
0x5c: {  	_ =	shalt  }
0x5d: {  	_ =	shalt  }
0x5e: {  	_ =	shalt  }
0x5f: {  	_ =	shalt  }
0x60: {  	_ =	shalt  }
0x61: {  	_ =	shalt  }
0x62: {  	_ =	shalt  }
0x63: {  	_ =	shalt  }
0x64: {  	_ =	shalt  }
0x65: {  	_ =	shalt  }
0x66: {  	_ =	shalt  }
0x67: {  	_ =	shalt  }
0x68: {  	_ =	shalt  }
0x69: {  	_ =	shalt  }
0x6a: {  	_ =	shalt  }
0x6b: {  	_ =	shalt  }
0x6c: {  	_ =	shalt  }
0x6d: {  	_ =	shalt  }
0x6e: {  	_ =	shalt  }
0x6f: {  	_ =	shalt  }
0x70: {  	_ =	shalt  }
0x71: {  	_ =	shalt  }
0x72: {  	_ =	shalt  }
0x73: {  	_ =	shalt  }
0x74: {  	_ =	shalt  }
0x75: {  	_ =	shalt  }
0x76: {  	_ =	shalt  }
0x77: {  	_ =	shalt  }
0x78: {  	_ =	shalt  }
0x79: {  	_ =	shalt  }
0x7a: {  	_ =	shalt  }
0x7b: {  	_ =	shalt  }
0x7c: {  	_ =	shalt  }
0x7d: {  	_ =	shalt  }
0x7e: {  	_ =	shalt  }
0x7f: {  	_ =	shalt  }
0x80: {  	_ =	shalt  }
0x81: {  	_ =	shalt  }
0x82: {  	_ =	shalt  }
0x83: {  	_ =	shalt  }
0x84: {  	_ =	shalt  }
0x85: {  	_ =	shalt  }
0x86: {  	_ =	shalt  }
0x87: {  	_ =	shalt  }
.Lfunc_end0:
.L_simem_size_0:
called_computation.2_lowered:
.L_overlay_start_0:
0x88: {  	s2 =	sld [smem:$0x3FD9]  }
0x89: {  	s3 =	sld [smem:$0x3FFE];
	_ =	sdelay $0x1  }
0x8a: {  	s1 =	srdreg.scid  }
0x8b: {  	s0 =	sand.u32 $0x1, s1  }
0x8c: {  	s17 =	sshll.u32 s0, $0xA;
	s2 =	sadd.s32 s3, s2  }
0x8d: {  	s2 =	sadd.s32 s2, s17  }
0x8e: {  	[smem:$0x3FAE] =	sst s2  }
0x8f: {  	_ = 	snop  }
0x90: {  	(tm) =	ssettm $0x1  }
0x91: {  	s18 =	sld [smem:$0x3FFB];
	_ =	sdelay $0x3  }
0x92: {  	_ =	strace s18  }
0x93: {  	s2 =	sld [smem:$0x3FFC];
	_ =	sdelay $0x3  }
0x94: {  	_ =	strace s2  }
0x95: {  	s2 =	sld [smem:$0x3FFD];
	_ =	sdelay $0x3  }
0x96: {  	_ =	strace s2  }
0x97: {  	_ =	strace $0x8FFFFFFF  }
0x98: {  	s19 =	sld [smem:$0x3FDB];
	_ =	sdelay $0x1  }
0x99: {  	s20 =	simm.s32 $_scs_section_size  }
0x9a: {  	s4 =	simm.s32 $_size__tile_overlayer_lowered;
	s5 =	simm.s32 $_tile_overlayer_lowered  }
0x9b: {  	s6 =	simm.s32 $0x1BFF;
	s21 =	sshll.u32 s5, $0x1;
	s3 =	sadd.s32 s20, s19  }
0x9c: {  	s22 =	simm.s32 $0x0;
	s4 =	sshll.u32 s4, $0x1;
	s5 =	sadd.s32 s21, s3  }
0x9d: {  	[timem:s22], [sflag:s6] =	dma.local [hbm:s5], s4  }
0x9e: {  	_ =	swait.ge [sflag:s6], s4  }
0x9f: {  	s4 =	ssub.s32 $0x0, s4;
	[sflag:s6] =	ssyncset.done $0x0  }
0xa0: {  	[sflag:s6] =	ssyncadd.s32 s4;
	_ =	sdelay $0x1  }
0xa1: {  	s23 =	simm.s32 $0x1B8B  }
0xa2: {  	_ =	swait.ge [sflag:s23], $0x1  }
0xa3: {  	[sflag:s23] =	ssyncset.done $0x0  }
0xa4: {  	[sflag:s23] =	ssyncadd.s32 $0xFFFFFFFF  }
0xa5: {  	s4 =	sld [smem:$0x0]  }
0xa6: {  	s5 =	sand.u32 $0xFFFFFFFE, s1  }
0xa7: {  	p0 =	sne.s32 s1, s5  }
0xa8: {  	s5 =	sshll.u32 @p0 s5, $0xE  }
0xa9: {  	s5 =	sadd.s32 @p0 $0x11B8D, s5;
	s6 =	sshll.u32 @p0 s4, $0x11  }
0xaa: {  	s5 =	sor.u32 @p0 s6, s5  }
0xab: {  	[sflag:s5] =	ssyncadd.remote.s32 @p0 $0x1;
	_ =	sdelay $0x1  }
0xac: {  	s5 =	simm.s32 @p0 $0x1B8D  }
0xad: {  	_ =	swait.eq @p0 [sflag:s5], $0x1  }
0xae: {  	[sflag:s5] =	ssyncadd.s32 @p0 $0xFFFFFFFF  }
0xaf: {  	s6 =	sshll.u32 @!p0 s1, $0xE  }
0xb0: {  	s6 =	sor.u32 @!p0 $0x4000, s6;
	s5 =	simm.s32 @!p0 $0x1B8D  }
0xb1: {  	s4 =	sshll.u32 @!p0 s4, $0x11;
	s6 =	sadd.s32 @!p0 $0x11B8D, s6;
	_ =	swait.eq @!p0 [sflag:s5], $0x1  }
0xb2: {  	s4 =	sor.u32 @!p0 s4, s6;
	[sflag:s5] =	ssyncadd.s32 @!p0 $0xFFFFFFFF  }
0xb3: {  	s25 =	simm.s32 $0x1B8E;
	s24 =	sld [smem:$0x3FFE];
	[sflag:s4] =	ssyncadd.remote.s32 @!p0 $0x1  }
0xb4: {  	s26 =	simm.s32 $execute0_lowered;
	[smem:$0x3FD2] =	sst s25  }
0xb5: {  	s5 =	sshll.u32 s26, $0x1;
	_ =	strace $0x8000004C;
	[dreg:$0x1] =	wrdreg $0xFFFFFFFF  }
0xb6: {  	s28 =	simm.s32 $_size_execute0_lowered;
	s3 =	sadd.s32 s3, s5;
	[dreg:$0x0] =	wrdreg $0x0  }
0xb7: {  	s5 =	sshll.u32 s28, $0x1;
	[dreg:$0x2] =	wrdreg s3  }
0xb8: {  	[dreg:$0x3] =	wrdreg s5  }
0xb9: {  	[dreg:$0x4] =	wrdreg $0xC0  }
0xba: {  	_ =	task [dreg:s22], $0x5FFFF  }
0xbb: {  	[dreg:$0x1] =	wrdreg $0xFFFFFFFF  }
0xbc: {  	[dreg:$0x0] =	wrdreg $0x60  }
0xbd: {  	[dreg:$0x2] =	wrdreg s24  }
0xbe: {  	[dreg:$0x3] =	wrdreg $0x0  }
0xbf: {  	[dreg:$0x4] =	wrdreg $0x9  }
0xc0: {  	_ =	task.clear_ibuf [dreg:s22], $0x5FFFF;
	_ =	strace $0x9000004C  }
0xc1: {  	s29 =	simm.s32 $0x9;
	_ =	strace $0x8000004E  }
0xc2: {  	_ =	swait.ge [sflag:s29], $0x1  }
0xc3: {  	[sflag:s29] =	ssyncadd.s32 $0xFFFFFFFF  }
0xc4: {  	_ =	strace $0x9000004E  }
0xc5: {  	_ =	sfence  }
0xc6: {  	s30 =	sld [smem:$0x0];
	_ =	sdelay $0x2  }
0xc7: {  	s31 =	sshll.u32 s1, $0xD;
	s1 =	sshrl.u32 s1, $0x2  }
0xc8: {  	s4 =	sand.u32 $0x4000, s31;
	s1 =	sadd.s32 s1, s30  }
0xc9: {  	s0 =	sor.u32 s4, s0;
	s1 =	sshll.u32 s1, $0x11  }
0xca: {  	s0 =	sor.u32 s1, s0  }
0xcb: {  	s0 =	sadd.s32 $0x8F2B, s0  }
0xcc: {  	[sflag:s0] =	ssyncadd.remote.s32 $0x1  }
0xcd: {  	_ =	sfence.sel $0xFFFF  }
0xce: {  	[dreg:$0x0] =	wrdreg $0xFFFFFFFF;
	(pc) =	sbr.abs _section_cstart, $3  }
0xcf: {  	[dreg:$0x1] =	wrdreg $0xFFFFFFFF  }
0xd0: {  	_ =	task.clear_ibuf [dreg:s22], $0x2FFFF;
	_ =	strace $0x9FFFFFFF  }
0xd1: {  	(tm) =	ssettm $0x7FFFFFFF  }
tec
execute0_lowered:
.L_overlay_start_1:
0x0: {  	(tag) =	ssettag $0x1  }
0x1: {  	s0 =	srdreg.scid;
	s5 =	rddreg [dreg:$0x0]  }
0x2: {  	s9 =	stileid.u32;
	s2 =	rddreg [dreg:$0x1]  }
0x3: {  	s3 =	simm.s32 $0x0;
	s28 =	simm.s32 $0x1;
	s4 =	smul.u32 $0x50, s9  }
0x4: {  	s30 =	simm.s32 $0x19DC0;
	s31 =	simm.s32 $0x2;
	s8 =	smul.u32 $0x28000, s9  }
0x5: {  	s0 =	sand.u32 $0x1, s0;
	[smem:$0x7FF] =	sst s3;
	s18 =	smul.u32 $0x14000, s9  }
0x6: {  	s29 =	simm.s32 $0x4;
	s1 =	smul.u32 $0x500, s0;
	_ =	strace $0x8000004D  }
0x7: {  	s6 =	ssub.s32 $0x2, s0;
	p0 =	seq.s32 s0, $0x1;
	s0 =	simm.s32 $0x5  }
0x8: {  	s7 =	sshrl.u32 s6, $0x1;
	s19 =	sshrl.u32 s8, $0x2;
	s20 =	sshrl.u32 s18, $0x4  }
0x9: {  	s21 =	sshrl.u32 s18, $0x1;
	s18 =	simm.s32 $0x9;
	s1 =	sadd.s32 s4, s1  }
0xa: {  	s4 =	sadd.s32 $0x6B000, s5;
	s6 =	ssub.s32 s6, s7;
	s7 =	sadd.s32 s19, s2  }
0xb: {  	s22 =	sadd.s32 s21, s2;
	s19 =	simm.s32 $0xA000;
	s21 =	simm.s32 $0x7D  }
0xc: {  	s1 =	sshll.u32 s1, $0x4;
	s6 =	smax.u32 s6, $0x1;
	s23 =	sadd.s32 $0x1400, s7  }
0xd: {  	s24 =	sadd.s32 $0x2800, s7;
	s25 =	sadd.s32 $0x3C00, s7;
	[dreg:$0x5] =	wrdreg s6  }
0xe: {  	s26 =	sadd.s32 $0x5000, s7;
	s13 =	sadd.s32 $0x6400, s7;
	[dreg:$0x6] =	wrdreg s23  }
0xf: {  	s14 =	sadd.s32 $0x7800, s7;
	s15 =	sadd.s32 $0x8C00, s7;
	[dreg:$0x7] =	wrdreg s24  }
0x10: {  	s1 =	sadd.s32 s1, s5;
	[dreg:$0x8] =	wrdreg s25;
	s6 =	simm.s32 $0x7F000  }
0x11: {  	[dreg:$0x9] =	wrdreg s26;
	s23 =	simm.s32 $0x15F40;
	s25 =	sshrl.u32 s22, $0x3  }
.Ltmp0:
0x12: {  	s26 =	simm.s32 $0x17E80;
	s17 =	sadd.s32 $0x1B000, s1;
	(pc) =	sbr.rel .LBB2_1-.Ltmp0, $4  }
0x13: {  	s24 =	simm.s32 $0x3;
	s1 =	sadd.s32 $0x25000, s1;
	[dreg:$0x3] =	wrdreg s17  }
0x14: {  	s22 =	simm.s32 $0x7;
	s6 =	simm.s32 @!p0 $0x93000;
	[dreg:$0x4] =	wrdreg s1  }
0x15: {  	s5 =	sadd.s32 s6, s5;
	s17 =	simm.s32 $0x14000;
	s1 =	simm.s32 $0x6  }
0x16: {  	v0 =	vimm.bf16 $0.0e+00;
	s16 =	sadd.s32 s5, s20;
	s20 =	simm.s32 $0xF000;
	s5 =	simm.s32 $0x8  }
.LBB2_6:
0x17: {  	_ =	swait.ge [sflag:s5], $0x1F40  }
0x18: {  	s6 =	stileid.u32;
	[sflag:s5] =	ssyncset.done $0x0  }
0x19: {  	s6 =	sshll.u32 s6, $0x6;
	[sflag:s5] =	ssyncadd.s32 $0xFFFFE0C0  }
0x1a: {  	s6 =	sor.u32 $0x1C09, s6;
	[bflag:$0x0] =	sbarrier.arrive $0xFFFF  }
0x1b: {  	[hbm:s16], [sflag:s6] =	dma.local [spmem:s25], $0x1400  }
0x1c: {  	_ =	swait.ge [sflag:s18], $0x1400  }
0x1d: {  	s3 =	sadd.s32 $0x1, s3;
	s12 =	rddreg [dreg:$0x5]  }
0x1e: {  	p0 =	sne.s32 s3, s12  }
.Ltmp1:
0x1f: {  	_ = 	snop;
	(pc) =	sbr.rel @!p0 .LBB2_7-.Ltmp1, $3  }
0x20: {  	_ =	sdelay $0x1  }
0x21: {  	[sflag:s18] =	ssyncset.done $0x0  }
0x22: {  	[sflag:s18] =	ssyncadd.s32 $0xFFFFEC00  }
.LBB2_1:
0x23: {  	s8 =	simm.s32 $0x100;
	s6 =	simm.s32 $0x0  }
.LBB2_2:
0x24: {  	p0 =	sne.s32 s8, $0x7C00;
	[tilespmem:s6+$0x14030] =	vst v0;
	s9 =	smov.u32 s8;
	s8 =	sadd.s32 $0x100, s8  }
.Ltmp2:
0x25: {  	[tilespmem:s6+$0x14020] =	vst v0;
	(pc) =	sbr.rel @p0 .LBB2_2-.Ltmp2, $3  }
0x26: {  	[tilespmem:s6+$0x14000] =	vst v0  }
0x27: {  	[tilespmem:s6+$0x14010] =	vst v0;
	_ =	sdelay $0x1  }
0x28: {  	s6 =	sshra.s32 s9, $0x2  }
0x29: {  	[tilespmem:s6+$0x14030] =	vst v0  }
0x2a: {  	[tilespmem:s6+$0x14020] =	vst v0  }
0x2b: {  	[tilespmem:s6+$0x14000] =	vst v0  }
0x2c: {  	[tilespmem:s6+$0x14010] =	vst v0  }
0x2d: {  	[spmem:s7] =	stream.linear.scatter [tilespmem:s17], [sflag:$0x9], $0x1400, $0x38;
	[tilespmem:$0x1BD00] =	vst v63  }
0x2e: {  	_ =	swait.ge [sflag:s18], $0x1400  }
0x2f: {  	[sflag:s18] =	ssyncset.done $0x0  }
0x30: {  	s12 =	rddreg [dreg:$0x6];
	[sflag:s18] =	ssyncadd.s32 $0xFFFFEC00  }
0x31: {  	[spmem:s12] =	stream.linear.scatter [tilespmem:s17], [sflag:$0x9], $0x1400, $0x38;
	[tilespmem:$0x1BD00] =	vst v63  }
0x32: {  	_ =	swait.ge [sflag:s18], $0x1400  }
0x33: {  	[sflag:s18] =	ssyncset.done $0x0  }
0x34: {  	s8 =	rddreg [dreg:$0x7];
	[sflag:s18] =	ssyncadd.s32 $0xFFFFEC00  }
0x35: {  	[spmem:s8] =	stream.linear.scatter [tilespmem:s17], [sflag:$0x9], $0x1400, $0x38;
	[tilespmem:$0x1BD00] =	vst v63  }
0x36: {  	_ =	swait.ge [sflag:s18], $0x1400  }
0x37: {  	[sflag:s18] =	ssyncset.done $0x0  }
0x38: {  	s9 =	rddreg [dreg:$0x8];
	[sflag:s18] =	ssyncadd.s32 $0xFFFFEC00  }
0x39: {  	[spmem:s9] =	stream.linear.scatter [tilespmem:s17], [sflag:$0x9], $0x1400, $0x38;
	[tilespmem:$0x1BD00] =	vst v63  }
0x3a: {  	_ =	swait.ge [sflag:s18], $0x1400  }
0x3b: {  	[sflag:s18] =	ssyncset.done $0x0  }
0x3c: {  	s10 =	rddreg [dreg:$0x9];
	[sflag:s18] =	ssyncadd.s32 $0xFFFFEC00  }
0x3d: {  	[spmem:s10] =	stream.linear.scatter [tilespmem:s17], [sflag:$0x9], $0x1400, $0x38;
	[tilespmem:$0x1BD00] =	vst v63  }
0x3e: {  	_ =	swait.ge [sflag:s18], $0x1400  }
0x3f: {  	[sflag:s18] =	ssyncset.done $0x0  }
0x40: {  	[sflag:s18] =	ssyncadd.s32 $0xFFFFEC00  }
0x41: {  	[spmem:s13] =	stream.linear.scatter [tilespmem:s17], [sflag:$0x9], $0x1400, $0x38;
	[tilespmem:$0x1BD00] =	vst v63  }
0x42: {  	_ =	swait.ge [sflag:s18], $0x1400  }
0x43: {  	[sflag:s18] =	ssyncset.done $0x0  }
0x44: {  	[sflag:s18] =	ssyncadd.s32 $0xFFFFEC00  }
0x45: {  	[spmem:s14] =	stream.linear.scatter [tilespmem:s17], [sflag:$0x9], $0x1400, $0x38;
	[tilespmem:$0x1BD00] =	vst v63  }
0x46: {  	_ =	swait.ge [sflag:s18], $0x1400  }
0x47: {  	[sflag:s18] =	ssyncset.done $0x0  }
0x48: {  	[sflag:s18] =	ssyncadd.s32 $0xFFFFEC00  }
0x49: {  	[spmem:s15] =	stream.linear.scatter [tilespmem:s17], [sflag:$0x9], $0x1400, $0x38;
	[tilespmem:$0x1BD00] =	vst v63  }
0x4a: {  	_ =	swait.ge [sflag:s18], $0x1400  }
0x4b: {  	[sflag:s18] =	ssyncset.done $0x0  }
0x4c: {  	[sflag:s18] =	ssyncadd.s32 $0xFFFFEC00  }
0x4d: {  	[bflag:$0x0] =	sbarrier.arrive $0xFFFF  }
0x4e: {  	s6 =	simm.s32 $0x0;
	s8 =	rddreg [dreg:$0x3]  }
0x4f: {  	[tilespmem:s19], [sflag:$0x9] =	stream.linear.gather [hbm4b:s8+s6], $0x2800, $0x38;
	[tilespmem:$0x1BD00] =	vst v63  }
0x50: {  	_ =	swait.ge [sflag:s18], $0x2800  }
0x51: {  	[sflag:s18] =	ssyncset.done $0x0  }
0x52: {  	s11 =	rddreg [dreg:$0x4];
	[sflag:s18] =	ssyncadd.s32 $0xFFFFD800  }
0x53: {  	[tilespmem:s20], [sflag:$0x9] =	stream.linear.gather [hbm4b:s11+s6], $0x2800, $0x38;
	[tilespmem:$0x1BD00] =	vst v63  }
0x54: {  	_ =	swait.ge [sflag:s18], $0x2800  }
0x55: {  	[sflag:s18] =	ssyncset.done $0x0  }
0x56: {  	[sflag:s18] =	ssyncadd.s32 $0xFFFFD800  }
0x57: {  	[tilespmem:s17], [sflag:$0x1] =	stream.indirect.gather [hbm4b:s4+s21], $0x40, s19, s21, $0xb8;
	[tilespmem:$0x1BD00] =	vst v63  }
0x58: {  	s12 =	simm.s32 $0xA080  }
0x59: {  	[tilespmem:s23], [sflag:$0x2] =	stream.indirect.gather [hbm4b:s4+s21], $0x40, s12, s21, $0xb8;
	[tilespmem:$0x1BD00] =	vst v63  }
0x5a: {  	s9 =	simm.s32 $0xA100  }
0x5b: {  	[tilespmem:s26], [sflag:$0x3] =	stream.indirect.gather [hbm4b:s4+s21], $0x40, s9, s21, $0xb8;
	[tilespmem:$0x1BD00] =	vst v63  }
0x5c: {  	_ =	swait.ge [sflag:s28], $0x1F40  }
0x5d: {  	[sflag:s28] =	ssyncset.done $0x0  }
0x5e: {  	[sflag:s28] =	ssyncadd.s32 $0xFFFFE0C0  }
0x5f: {  	[spmem:s2] =	stream.indirect.scatter.add.bf16 [tilespmem:s17], [sflag:$0x5], $0x40, s20, s21, $0xb8;
	[tilespmem:$0x1BD00] =	vst v63  }
0x60: {  	s10 =	simm.s32 $0xA180  }
0x61: {  	[tilespmem:s30], [sflag:$0x4] =	stream.indirect.gather [hbm4b:s4+s21], $0x40, s10, s21, $0xb8;
	[tilespmem:$0x1BD00] =	vst v63  }
0x62: {  	_ =	swait.ge [sflag:s31], $0x1F40  }
0x63: {  	[sflag:s31] =	ssyncset.done $0x0  }
0x64: {  	s11 =	simm.s32 $0xF080;
	[sflag:s31] =	ssyncadd.s32 $0xFFFFE0C0  }
0x65: {  	[spmem:s2] =	stream.indirect.scatter.add.bf16 [tilespmem:s23], [sflag:$0x6], $0x40, s11, s21, $0xb8;
	[tilespmem:$0x1BD00] =	vst v63  }
0x66: {  	_ =	swait.ge [sflag:s0], $0x1F40  }
0x67: {  	[sflag:s0] =	ssyncset.done $0x0  }
0x68: {  	s12 =	simm.s32 $0xA200;
	[sflag:s0] =	ssyncadd.s32 $0xFFFFE0C0  }
0x69: {  	[tilespmem:s17], [sflag:$0x1] =	stream.indirect.gather [hbm4b:s4+s21], $0x40, s12, s21, $0xb8;
	[tilespmem:$0x1BD00] =	vst v63  }
0x6a: {  	_ =	swait.ge [sflag:s24], $0x1F40  }
0x6b: {  	[sflag:s24] =	ssyncset.done $0x0  }
0x6c: {  	s9 =	simm.s32 $0xF100;
	[sflag:s24] =	ssyncadd.s32 $0xFFFFE0C0  }
0x6d: {  	[spmem:s2] =	stream.indirect.scatter.add.bf16 [tilespmem:s26], [sflag:$0x7], $0x40, s9, s21, $0xb8;
	[tilespmem:$0x1BD00] =	vst v63  }
0x6e: {  	_ =	swait.ge [sflag:s1], $0x1F40  }
0x6f: {  	[sflag:s1] =	ssyncset.done $0x0  }
0x70: {  	s10 =	simm.s32 $0xA280;
	[sflag:s1] =	ssyncadd.s32 $0xFFFFE0C0  }
0x71: {  	[tilespmem:s23], [sflag:$0x2] =	stream.indirect.gather [hbm4b:s4+s21], $0x40, s10, s21, $0xb8;
	[tilespmem:$0x1BD00] =	vst v63  }
0x72: {  	_ =	swait.ge [sflag:s29], $0x1F40  }
0x73: {  	[sflag:s29] =	ssyncset.done $0x0  }
0x74: {  	s11 =	simm.s32 $0xF180;
	[sflag:s29] =	ssyncadd.s32 $0xFFFFE0C0  }
0x75: {  	[spmem:s2] =	stream.indirect.scatter.add.bf16 [tilespmem:s30], [sflag:$0x8], $0x40, s11, s21, $0xb8;
	[tilespmem:$0x1BD00] =	vst v63  }
0x76: {  	_ =	swait.ge [sflag:s22], $0x1F40  }
0x77: {  	[sflag:s22] =	ssyncset.done $0x0  }
0x78: {  	s12 =	simm.s32 $0xA300;
	[sflag:s22] =	ssyncadd.s32 $0xFFFFE0C0  }
0x79: {  	[tilespmem:s26], [sflag:$0x3] =	stream.indirect.gather [hbm4b:s4+s21], $0x40, s12, s21, $0xb8;
	[tilespmem:$0x1BD00] =	vst v63  }
.LBB2_4:
0x7a: {  	_ =	swait.ge [sflag:s28], $0x1F40  }
0x7b: {  	s8 =	sshra.s32 s6, $0x2;
	[sflag:s28] =	ssyncset.done $0x0  }
0x7c: {  	s9 =	sadd.s32 $0xF200, s8;
	[sflag:s28] =	ssyncadd.s32 $0xFFFFE0C0  }
0x7d: {  	[spmem:s2] =	stream.indirect.scatter.add.bf16 [tilespmem:s17], [sflag:$0x5], $0x40, s9, s21, $0xb8;
	[tilespmem:$0x1BD00] =	vst v63  }
0x7e: {  	_ =	swait.ge [sflag:s5], $0x1F40  }
0x7f: {  	[sflag:s5] =	ssyncset.done $0x0  }
0x80: {  	s10 =	sadd.s32 $0xA380, s8;
	[sflag:s5] =	ssyncadd.s32 $0xFFFFE0C0  }
0x81: {  	[tilespmem:s30], [sflag:$0x4] =	stream.indirect.gather [hbm4b:s4+s21], $0x40, s10, s21, $0xb8;
	[tilespmem:$0x1BD00] =	vst v63  }
0x82: {  	_ =	swait.ge [sflag:s31], $0x1F40  }
0x83: {  	[sflag:s31] =	ssyncset.done $0x0  }
0x84: {  	s11 =	sadd.s32 $0xF280, s8;
	[sflag:s31] =	ssyncadd.s32 $0xFFFFE0C0  }
0x85: {  	[spmem:s2] =	stream.indirect.scatter.add.bf16 [tilespmem:s23], [sflag:$0x6], $0x40, s11, s21, $0xb8;
	[tilespmem:$0x1BD00] =	vst v63  }
0x86: {  	_ =	swait.ge [sflag:s0], $0x1F40  }
0x87: {  	p0 =	seq.s32 s6, $0x9000;
	[sflag:s0] =	ssyncset.done $0x0  }
0x88: {  	s9 =	simm.s32 @p0 $0x3;
	[sflag:s0] =	ssyncadd.s32 $0xFFFFE0C0  }
0x89: {  	_ =	swait.ge @p0 [sflag:s9], $0x1F40  }
0x8a: {  	[sflag:s9] =	ssyncset.done @p0 $0x0  }
0x8b: {  	[sflag:s9] =	ssyncadd.s32 @p0 $0xFFFFE0C0;
	s9 =	sshra.s32 @p0 s6, $0x2  }
0x8c: {  	s10 =	simm.s32 @p0 $0x7D;
	s11 =	simm.s32 @p0 $0x17E80;
	s9 =	sadd.s32 @p0 $0xF300, s9  }
0x8d: {  	[spmem:s2] =	stream.indirect.scatter.add.bf16 @p0 [tilespmem:s11], [sflag:$0x7], $0x40, s9, s10, $0xb8;
	[tilespmem:$0x1BD00] =	vst v63  }
0x8e: {  	s9 =	simm.s32 @p0 $0x6  }
0x8f: {  	_ =	swait.ge @p0 [sflag:s9], $0x1F40  }
0x90: {  	[sflag:s9] =	ssyncset.done @p0 $0x0  }
0x91: {  	[sflag:s9] =	ssyncadd.s32 @p0 $0xFFFFE0C0;
	s9 =	sshra.s32 @!p0 s6, $0x2  }
0x92: {  	s12 =	simm.s32 @!p0 $0x14000;
	s11 =	simm.s32 @!p0 $0x7D;
	s10 =	sadd.s32 @!p0 $0xA400, s9  }
0x93: {  	[tilespmem:s12], [sflag:$0x1] =	stream.indirect.gather @!p0 [hbm4b:s4+s11], $0x40, s10, s11, $0xb8;
	[tilespmem:$0x1BD00] =	vst v63  }
0x94: {  	s10 =	simm.s32 @!p0 $0x3  }
0x95: {  	_ =	swait.ge @!p0 [sflag:s10], $0x1F40  }
0x96: {  	[sflag:s10] =	ssyncset.done @!p0 $0x0  }
0x97: {  	s12 =	simm.s32 @!p0 $0x17E80;
	[sflag:s10] =	ssyncadd.s32 @!p0 $0xFFFFE0C0;
	s10 =	sadd.s32 @!p0 $0xF300, s9  }
0x98: {  	[spmem:s2] =	stream.indirect.scatter.add.bf16 @!p0 [tilespmem:s12], [sflag:$0x7], $0x40, s10, s11, $0xb8;
	[tilespmem:$0x1BD00] =	vst v63  }
0x99: {  	s10 =	simm.s32 @!p0 $0x6  }
0x9a: {  	_ =	swait.ge @!p0 [sflag:s10], $0x1F40  }
0x9b: {  	[sflag:s10] =	ssyncset.done @!p0 $0x0  }
0x9c: {  	s9 =	sadd.s32 @!p0 $0xA480, s9;
	[sflag:s10] =	ssyncadd.s32 @!p0 $0xFFFFE0C0;
	s10 =	simm.s32 @!p0 $0x15F40  }
0x9d: {  	[tilespmem:s10], [sflag:$0x2] =	stream.indirect.gather @!p0 [hbm4b:s4+s11], $0x40, s9, s11, $0xb8;
	[tilespmem:$0x1BD00] =	vst v63  }
0x9e: {  	_ =	swait.ge [sflag:s29], $0x1F40  }
0x9f: {  	[sflag:s29] =	ssyncset.done $0x0  }
.Ltmp3:
0xa0: {  	s12 =	sadd.s32 $0xF380, s8;
	[sflag:s29] =	ssyncadd.s32 $0xFFFFE0C0;
	(pc) =	sbr.rel @p0 .LBB2_6-.Ltmp3, $4  }
0xa1: {  	[spmem:s2] =	stream.indirect.scatter.add.bf16 [tilespmem:s30], [sflag:$0x8], $0x40, s12, s21, $0xb8;
	[tilespmem:$0x1BD00] =	vst v63  }
0xa2: {  	_ =	swait.ge [sflag:s22], $0x1F40  }
0xa3: {  	[sflag:s22] =	ssyncset.done $0x0  }
0xa4: {  	[sflag:s22] =	ssyncadd.s32 $0xFFFFE0C0  }
.Ltmp4:
0xa5: {  	(pc) =	sbr.rel .LBB2_4-.Ltmp4, $3  }
0xa6: {  	_ =	sdelay $0x1  }
0xa7: {  	s8 =	sadd.s32 $0xA500, s8;
	s6 =	sadd.s32 $0x800, s6  }
0xa8: {  	[tilespmem:s26], [sflag:$0x3] =	stream.indirect.gather [hbm4b:s4+s21], $0x40, s8, s21, $0xb8;
	[tilespmem:$0x1BD00] =	vst v63  }
.LBB2_7:
0xa9: {  	_ =	sfence.sel $0x180000  }
0xaa: {  	[bflag:$0x0] =	sbarrier.arrive $0xFFFF  }
0xab: {  	_ =	strace $0x9000004D  }
0xac: {  	s0 =	stileid.u32;
	[bflag:$0x2] =	sbarrier.arrive $0xFFFF  }
0xad: {  	p0 =	sne.s32 s0, $0x0;
	s0 =	rddreg [dreg:$0x2]  }
0xae: {  	s0 =	sadd.s32 @!p0 $0x100000, s0  }
0xaf: {  	[sflag:s0] =	ssyncadd.tile.s32 @!p0 $0x1;
	_ =	shalt  }
.Lfunc_end2:
_tile_overlayer_lowered:
.L_overlay_start_2:
0xb0: {  	(tag) =	ssettag $0x2  }
0xb1: {  	s0 =	rddreg [dreg:$0x0];
	s2 =	stileid.u32  }
0xb2: {  	s1 =	rddreg [dreg:$0x1];
	p0 =	sne.s32 s2, $0x0  }
0xb3: {  	s3 =	rddreg [dreg:$0x2];
	[bflag:$0x3] =	sbarrier.arrive $0xFFFF;
	s2 =	simm.s32 @!p0 $0x1C09  }
0xb4: {  	[timem:s3], [sflag:s2] =	dma.local @!p0 [hbm:s0], s1  }
0xb5: {  	s0 =	simm.s32 @!p0 $0x9  }
0xb6: {  	_ =	swait.ge @!p0 [sflag:s0], s1  }
0xb7: {  	s1 =	ssub.s32 @!p0 $0x0, s1;
	[sflag:s0] =	ssyncset.done @!p0 $0x0  }
0xb8: {  	[sflag:s0] =	ssyncadd.s32 @!p0 s1  }
0xb9: {  	[bflag:$0x3] =	sbarrier.arrive $0xFFFF  }
0xba: {  	_ =	shalt  }

// kernel: kernel.21.cloned.1.call-start
scs
__scs_entry_jumppad:
0x0: {  	(pc) =	sbr.rel $0x88, $3  }
0x1: {  	(tag) =	ssettag $0x0;
	lr =	simm.s32 $0x1  }
0x2: {  	[smem:$0x3F87] =	sst lr;
	_ =	strace $0xD0000000  }
0x3: {  	_ = 	snop  }
0x4: {  	_ = 	snop  }
0x5: {  	_ = 	snop  }
0x6: {  	_ = 	snop  }
0x7: {  	_ = 	snop  }
__scs_overlays_trampoline_lowered:
0x8: {  	[smem:$0x3F96] =	sst s0  }
0x9: {  	[smem:$0x3F97] =	sst s1  }
0xa: {  	[smem:$0x3F98] =	sst s2  }
0xb: {  	[smem:$0x3F99] =	sst s3  }
0xc: {  	[smem:$0x3F9A] =	sst s4  }
0xd: {  	[smem:$0x3F9B] =	sst s5  }
0xe: {  	[smem:$0x3F9C] =	sst s6  }
0xf: {  	[smem:$0x3F9D] =	sst s7  }
0x10: {  	[smem:$0x3F9E] =	sst s8  }
0x11: {  	[smem:$0x3F9F] =	sst s9;
	s0 =	simm.s32 @!p0 $0x0  }
0x12: {  	s1 =	sld [smem:$0x3F85];
	s0 =	simm.s32 @p0 $0x1  }
0x13: {  	[smem:$0x3FA0] =	sst s0;
	s0 =	simm.s32 @!p1 $0x0  }
0x14: {  	s2 =	sld [smem:$0x3F84];
	s0 =	simm.s32 @p1 $0x1  }
0x15: {  	[smem:$0x3FA1] =	sst s0;
	s0 =	simm.s32 @!p2 $0x0  }
0x16: {  	s3 =	sld [smem:$0x3FDB];
	s0 =	simm.s32 @p2 $0x1  }
0x17: {  	s4 =	simm.s32 $0x1BF5;
	[smem:$0x3FA3] =	sst s0  }
0x18: {  	s0 =	sld [smem:$0x3F86];
	_ =	swait.ge [sflag:s4], $0x0  }
0x19: {  	s7 =	sld [smem:$0x3F87]  }
0x1a: {  	s8 =	sadd.s32 $0xFFFFE003, lr  }
0x1b: {  	s9 =	sadd.s32 $0xFFFFFEF7, lr;
	s5 =	simm.s32 $0xFFFFFFFF;
	p2 =	slt.u32 s8, $0xFFFFF086  }
0x1c: {  	p1 =	slt.u32 s9, $0xF7A;
	s5 =	simm.s32 @!p2 $0x0  }
0x1d: {  	s5 =	simm.s32 @p1 $0x1;
	p0 =	seq.s32 s7, s2  }
0x1e: {  	s7 =	smul.u32 @!p0 $0xF7A, s2;
	p2 =	seq.s32 @!p0 s5, $0x0  }
0x1f: {  	s9 =	smul.u32 $0xF7A, s1;
	s8 =	simm.s32 @!p0 $0x1BF5;
	p2 =	por !p2, p0  }
0x20: {  	[sflag:s8] =	ssyncset.s32 @!p0 $0xFFFFF086;
	s6 =	sadd.s32 @!p0 s3, s7;
	s7 =	simm.s32 @!p0 $0x108  }
0x21: {  	s3 =	sadd.s32 s3, s9;
	s6 =	sadd.s32 @!p0 $0x88, s6;
	s7 =	simm.s32 @p2 $0x1082  }
0x22: {  	[simem:s7], [sflag:s8] =	dma.local @!p0 [hbm:s6], $0xF7A  }
0x23: {  	s9 =	sor.u32 $0xD0000000, s2;
	s6 =	simm.s32 $0x108;
	_ =	swait.ge @!p0 [sflag:s8], $0x0  }
0x24: {  	s3 =	sadd.s32 $0x88, s3;
	s6 =	simm.s32 @!p1 $0x1082;
	[sflag:s4] =	ssyncset.s32 $0xFFFFF086  }
0x25: {  	[simem:s6], [sflag:s4] =	dma.local [hbm:s3], $0xF7A  }
0x26: {  	[smem:$0x3F87] =	sst s1;
	(tag) =	ssettag s2;
	_ =	strace s9  }
0x27: {  	s1 =	sld [smem:$0x3F97]  }
0x28: {  	s2 =	sld [smem:$0x3F98]  }
0x29: {  	s4 =	sld [smem:$0x3F9A]  }
0x2a: {  	p0 =	seq.s32 s5, $0x0;
	s5 =	sld [smem:$0x3F9B]  }
0x2b: {  	s6 =	sld [smem:$0x3F9C]  }
0x2c: {  	s7 =	sld [smem:$0x3F9D]  }
0x2d: {  	s3 =	simm.s32 $0x108;
	s8 =	sld [smem:$0x3F9E]  }
0x2e: {  	s3 =	simm.s32 @!p0 $0x1082;
	s9 =	sld [smem:$0x3F9F]  }
0x2f: {  	lr =	sadd.s32 s0, s3;
	s0 =	sld [smem:$0x3F96]  }
0x30: {  	s3 =	sld [smem:$0x3F99]  }
0x31: {  	[smem:$0x3FA2] =	sst s10  }
0x32: {  	s10 =	sld [smem:$0x3FA0];
	_ =	sdelay $0x3  }
0x33: {  	p0 =	seq.s32 s10, $0x1;
	s10 =	sld [smem:$0x3FA2];
	_ =	sdelay $0x3  }
0x34: {  	[smem:$0x3FA2] =	sst s10  }
0x35: {  	s10 =	sld [smem:$0x3FA1];
	_ =	sdelay $0x3  }
0x36: {  	p1 =	seq.s32 s10, $0x1;
	s10 =	sld [smem:$0x3FA2];
	_ =	sdelay $0x3  }
0x37: {  	[smem:$0x3FA2] =	sst s10  }
0x38: {  	s10 =	sld [smem:$0x3FA3]  }
0x39: {  	_ = 	snop;
	(pc) =	sbr.ind lr, $3  }
0x3a: {  	_ = 	snop  }
0x3b: {  	_ = 	snop  }
0x3c: {  	p2 =	seq.s32 s10, $0x1;
	s10 =	sld [smem:$0x3FA2]  }
0x3d: {  	_ =	shalt  }
0x3e: {  	_ =	shalt  }
0x3f: {  	_ =	shalt  }
0x40: {  	_ =	shalt  }
0x41: {  	_ =	shalt  }
0x42: {  	_ =	shalt  }
0x43: {  	_ =	shalt  }
0x44: {  	_ =	shalt  }
0x45: {  	_ =	shalt  }
0x46: {  	_ =	shalt  }
0x47: {  	_ =	shalt  }
0x48: {  	_ =	shalt  }
0x49: {  	_ =	shalt  }
0x4a: {  	_ =	shalt  }
0x4b: {  	_ =	shalt  }
0x4c: {  	_ =	shalt  }
0x4d: {  	_ =	shalt  }
0x4e: {  	_ =	shalt  }
0x4f: {  	_ =	shalt  }
0x50: {  	_ =	shalt  }
0x51: {  	_ =	shalt  }
0x52: {  	_ =	shalt  }
0x53: {  	_ =	shalt  }
0x54: {  	_ =	shalt  }
0x55: {  	_ =	shalt  }
0x56: {  	_ =	shalt  }
0x57: {  	_ =	shalt  }
0x58: {  	_ =	shalt  }
0x59: {  	_ =	shalt  }
0x5a: {  	_ =	shalt  }
0x5b: {  	_ =	shalt  }
0x5c: {  	_ =	shalt  }
0x5d: {  	_ =	shalt  }
0x5e: {  	_ =	shalt  }
0x5f: {  	_ =	shalt  }
0x60: {  	_ =	shalt  }
0x61: {  	_ =	shalt  }
0x62: {  	_ =	shalt  }
0x63: {  	_ =	shalt  }
0x64: {  	_ =	shalt  }
0x65: {  	_ =	shalt  }
0x66: {  	_ =	shalt  }
0x67: {  	_ =	shalt  }
0x68: {  	_ =	shalt  }
0x69: {  	_ =	shalt  }
0x6a: {  	_ =	shalt  }
0x6b: {  	_ =	shalt  }
0x6c: {  	_ =	shalt  }
0x6d: {  	_ =	shalt  }
0x6e: {  	_ =	shalt  }
0x6f: {  	_ =	shalt  }
0x70: {  	_ =	shalt  }
0x71: {  	_ =	shalt  }
0x72: {  	_ =	shalt  }
0x73: {  	_ =	shalt  }
0x74: {  	_ =	shalt  }
0x75: {  	_ =	shalt  }
0x76: {  	_ =	shalt  }
0x77: {  	_ =	shalt  }
0x78: {  	_ =	shalt  }
0x79: {  	_ =	shalt  }
0x7a: {  	_ =	shalt  }
0x7b: {  	_ =	shalt  }
0x7c: {  	_ =	shalt  }
0x7d: {  	_ =	shalt  }
0x7e: {  	_ =	shalt  }
0x7f: {  	_ =	shalt  }
0x80: {  	_ =	shalt  }
0x81: {  	_ =	shalt  }
0x82: {  	_ =	shalt  }
0x83: {  	_ =	shalt  }
0x84: {  	_ =	shalt  }
0x85: {  	_ =	shalt  }
0x86: {  	_ =	shalt  }
0x87: {  	_ =	shalt  }
.Lfunc_end0:
.L_simem_size_0:
called_computation.3_lowered:
.L_overlay_start_0:
0x88: {  	s2 =	sld [smem:$0x3FD9]  }
0x89: {  	s3 =	sld [smem:$0x3FFE];
	_ =	sdelay $0x1  }
0x8a: {  	s1 =	srdreg.scid  }
0x8b: {  	s0 =	sand.u32 $0x1, s1  }
0x8c: {  	s17 =	sshll.u32 s0, $0xA;
	s2 =	sadd.s32 s3, s2  }
0x8d: {  	s2 =	sadd.s32 s2, s17  }
0x8e: {  	[smem:$0x3FAE] =	sst s2  }
0x8f: {  	_ = 	snop  }
0x90: {  	(tm) =	ssettm $0x1  }
0x91: {  	s18 =	sld [smem:$0x3FFB];
	_ =	sdelay $0x3  }
0x92: {  	_ =	strace s18  }
0x93: {  	s2 =	sld [smem:$0x3FFC];
	_ =	sdelay $0x3  }
0x94: {  	_ =	strace s2  }
0x95: {  	s2 =	sld [smem:$0x3FFD];
	_ =	sdelay $0x3  }
0x96: {  	_ =	strace s2  }
0x97: {  	_ =	strace $0x8FFFFFFF  }
0x98: {  	s19 =	sld [smem:$0x3FDB];
	_ =	sdelay $0x1  }
0x99: {  	s20 =	simm.s32 $_scs_section_size  }
0x9a: {  	s4 =	simm.s32 $_size__tile_overlayer_lowered;
	s5 =	simm.s32 $_tile_overlayer_lowered  }
0x9b: {  	s6 =	simm.s32 $0x1BFF;
	s21 =	sshll.u32 s5, $0x1;
	s3 =	sadd.s32 s20, s19  }
0x9c: {  	s22 =	simm.s32 $0x0;
	s4 =	sshll.u32 s4, $0x1;
	s5 =	sadd.s32 s21, s3  }
0x9d: {  	[timem:s22], [sflag:s6] =	dma.local [hbm:s5], s4  }
0x9e: {  	_ =	swait.ge [sflag:s6], s4  }
0x9f: {  	s4 =	ssub.s32 $0x0, s4;
	[sflag:s6] =	ssyncset.done $0x0  }
0xa0: {  	[sflag:s6] =	ssyncadd.s32 s4;
	_ =	sdelay $0x1  }
0xa1: {  	s23 =	simm.s32 $0x1B8B  }
0xa2: {  	_ =	swait.ge [sflag:s23], $0x1  }
0xa3: {  	[sflag:s23] =	ssyncset.done $0x0  }
0xa4: {  	[sflag:s23] =	ssyncadd.s32 $0xFFFFFFFF  }
0xa5: {  	s4 =	sld [smem:$0x0]  }
0xa6: {  	s5 =	sand.u32 $0xFFFFFFFE, s1  }
0xa7: {  	p0 =	sne.s32 s1, s5  }
0xa8: {  	s5 =	sshll.u32 @p0 s5, $0xE  }
0xa9: {  	s5 =	sadd.s32 @p0 $0x11B8D, s5;
	s6 =	sshll.u32 @p0 s4, $0x11  }
0xaa: {  	s5 =	sor.u32 @p0 s6, s5  }
0xab: {  	[sflag:s5] =	ssyncadd.remote.s32 @p0 $0x1;
	_ =	sdelay $0x1  }
0xac: {  	s5 =	simm.s32 @p0 $0x1B8D  }
0xad: {  	_ =	swait.eq @p0 [sflag:s5], $0x1  }
0xae: {  	[sflag:s5] =	ssyncadd.s32 @p0 $0xFFFFFFFF  }
0xaf: {  	s6 =	sshll.u32 @!p0 s1, $0xE  }
0xb0: {  	s6 =	sor.u32 @!p0 $0x4000, s6;
	s5 =	simm.s32 @!p0 $0x1B8D  }
0xb1: {  	s4 =	sshll.u32 @!p0 s4, $0x11;
	s6 =	sadd.s32 @!p0 $0x11B8D, s6;
	_ =	swait.eq @!p0 [sflag:s5], $0x1  }
0xb2: {  	s4 =	sor.u32 @!p0 s4, s6;
	[sflag:s5] =	ssyncadd.s32 @!p0 $0xFFFFFFFF  }
0xb3: {  	s25 =	simm.s32 $0x1B8E;
	s24 =	sld [smem:$0x3FFE];
	[sflag:s4] =	ssyncadd.remote.s32 @!p0 $0x1  }
0xb4: {  	s26 =	simm.s32 $execute0_lowered;
	[smem:$0x3FD2] =	sst s25  }
0xb5: {  	s5 =	sshll.u32 s26, $0x1;
	_ =	strace $0x8000004F;
	[dreg:$0x1] =	wrdreg $0xFFFFFFFF  }
0xb6: {  	s28 =	simm.s32 $_size_execute0_lowered;
	s3 =	sadd.s32 s3, s5;
	[dreg:$0x0] =	wrdreg $0x0  }
0xb7: {  	s5 =	sshll.u32 s28, $0x1;
	[dreg:$0x2] =	wrdreg s3  }
0xb8: {  	[dreg:$0x3] =	wrdreg s5  }
0xb9: {  	[dreg:$0x4] =	wrdreg $0xC0  }
0xba: {  	_ =	task [dreg:s22], $0x5FFFF  }
0xbb: {  	[dreg:$0x1] =	wrdreg $0xFFFFFFFF  }
0xbc: {  	[dreg:$0x0] =	wrdreg $0x60  }
0xbd: {  	[dreg:$0x2] =	wrdreg s24  }
0xbe: {  	[dreg:$0x3] =	wrdreg $0x0  }
0xbf: {  	[dreg:$0x4] =	wrdreg $0xA  }
0xc0: {  	_ =	task.clear_ibuf [dreg:s22], $0x5FFFF;
	_ =	strace $0x9000004F  }
0xc1: {  	s29 =	simm.s32 $0xA;
	_ =	strace $0x80000051  }
0xc2: {  	_ =	swait.ge [sflag:s29], $0x1  }
0xc3: {  	[sflag:s29] =	ssyncadd.s32 $0xFFFFFFFF  }
0xc4: {  	_ =	strace $0x90000051  }
0xc5: {  	_ =	sfence  }
0xc6: {  	s30 =	sld [smem:$0x0];
	_ =	sdelay $0x2  }
0xc7: {  	s31 =	sshll.u32 s1, $0xD;
	s1 =	sshrl.u32 s1, $0x2  }
0xc8: {  	s4 =	sand.u32 $0x4000, s31;
	s1 =	sadd.s32 s1, s30  }
0xc9: {  	s0 =	sor.u32 s4, s0;
	s1 =	sshll.u32 s1, $0x11  }
0xca: {  	s0 =	sor.u32 s1, s0  }
0xcb: {  	s0 =	sadd.s32 $0x8F2B, s0  }
0xcc: {  	[sflag:s0] =	ssyncadd.remote.s32 $0x1  }
0xcd: {  	_ =	sfence.sel $0xFFFF  }
0xce: {  	[dreg:$0x0] =	wrdreg $0xFFFFFFFF;
	(pc) =	sbr.abs _section_cstart, $3  }
0xcf: {  	[dreg:$0x1] =	wrdreg $0xFFFFFFFF  }
0xd0: {  	_ =	task.clear_ibuf [dreg:s22], $0x2FFFF;
	_ =	strace $0x9FFFFFFF  }
0xd1: {  	(tm) =	ssettm $0x7FFFFFFF  }
tec
execute0_lowered:
.L_overlay_start_1:
0x0: {  	(tag) =	ssettag $0x1  }
0x1: {  	s0 =	rddreg [dreg:$0x0]  }
0x2: {  	s1 =	rddreg [dreg:$0x1];
	s2 =	simm.s32 $0x0;
	s10 =	stileid.u32  }
0x3: {  	s3 =	srdreg.scid;
	s28 =	simm.s32 $0x15F40;
	s30 =	simm.s32 $0x17E80  }
0x4: {  	s31 =	simm.s32 $0x1;
	s29 =	simm.s32 $0x5;
	[smem:$0x7FF] =	sst s2  }
0x5: {  	s17 =	sadd.s32 $0x7000, s0;
	s4 =	sadd.s32 $0x43000, s0;
	s6 =	smul.u32 $0xA00, s10  }
0x6: {  	s5 =	sadd.s32 $0x2F000, s0;
	s7 =	sadd.s32 $0xA7000, s0;
	s18 =	smul.u32 $0x5000, s10  }
0x7: {  	s3 =	sand.u32 $0x1, s3;
	s0 =	sadd.s32 $0x57000, s0;
	s8 =	smul.u32 $0x14000, s10  }
0x8: {  	s10 =	smul.u32 $0x28000, s10;
	_ =	strace $0x80000050;
	[dreg:$0x3] =	wrdreg s7  }
0x9: {  	[dreg:$0x4] =	wrdreg s0;
	s19 =	ssub.s32 $0x2, s3;
	p0 =	sne.s32 s3, $0x0  }
0xa: {  	s3 =	simm.s32 $0x4;
	s9 =	sshrl.u32 s19, $0x1;
	s7 =	sshrl.u32 s18, $0x3  }
0xb: {  	s6 =	sadd.s32 s17, s6;
	s20 =	sshrl.u32 s8, $0x1;
	s21 =	sshrl.u32 s10, $0x2  }
0xc: {  	s22 =	sshrl.u32 s8, $0x4;
	s8 =	simm.s32 $0x8;
	[dreg:$0x5] =	wrdreg s6  }
0xd: {  	s0 =	ssub.s32 s19, s9;
	s2 =	sadd.s32 s17, s7;
	[dreg:$0x7] =	wrdreg s22  }
0xe: {  	s11 =	sadd.s32 s21, s1;
	s21 =	simm.s32 $0x9;
	s22 =	simm.s32 $0xA000  }
0xf: {  	s6 =	simm.s32 $0x19DC0;
	s7 =	simm.s32 $0x2;
	s2 =	sadd.s32 $0xA000, s2  }
0x10: {  	s9 =	simm.s32 $0x0;
	s0 =	smax.u32 s0, $0x1;
	[dreg:$0x6] =	wrdreg s2  }
0x11: {  	s23 =	sadd.s32 $0x1400, s11;
	s24 =	sadd.s32 $0x2800, s11;
	[dreg:$0x8] =	wrdreg s0  }
0x12: {  	s25 =	sadd.s32 $0x3C00, s11;
	s26 =	sadd.s32 $0x5000, s11;
	[dreg:$0x9] =	wrdreg s23  }
.Ltmp0:
0x13: {  	s17 =	sadd.s32 $0x6400, s11;
	[dreg:$0xa] =	wrdreg s24;
	(pc) =	sbr.rel .LBB2_1-.Ltmp0, $4  }
0x14: {  	s18 =	sadd.s32 $0x7800, s11;
	s19 =	sadd.s32 $0x8C00, s11;
	[dreg:$0xb] =	wrdreg s25  }
0x15: {  	s2 =	sadd.s32 s20, s1;
	[dreg:$0xc] =	wrdreg s26;
	s20 =	simm.s32 $0x14000  }
0x16: {  	s23 =	simm.s32 $0xF000;
	s24 =	simm.s32 $0x7D;
	s26 =	simm.s32 $0x3  }
0x17: {  	v0 =	vimm.bf16 $0.0e+00;
	s0 =	simm.s32 $0x6;
	s25 =	sshrl.u32 s2, $0x3;
	s2 =	simm.s32 $0x7  }
.LBB2_10:
0x18: {  	s10 =	rddreg [dreg:$0x4]  }
.LBB2_11:
0x19: {  	_ =	swait.ge [sflag:s8], $0x1F40  }
0x1a: {  	s12 =	stileid.u32;
	[sflag:s8] =	ssyncset.done $0x0  }
0x1b: {  	s12 =	sshll.u32 s12, $0x6;
	s13 =	rddreg [dreg:$0x7];
	[sflag:s8] =	ssyncadd.s32 $0xFFFFE0C0  }
0x1c: {  	s10 =	sadd.s32 s10, s13;
	s12 =	sor.u32 $0x1C09, s12;
	[bflag:$0x0] =	sbarrier.arrive $0xFFFF  }
0x1d: {  	[hbm:s10], [sflag:s12] =	dma.local [spmem:s25], $0x1400  }
0x1e: {  	_ =	swait.ge [sflag:s21], $0x1400  }
0x1f: {  	s9 =	sadd.s32 $0x1, s9;
	s16 =	rddreg [dreg:$0x8]  }
0x20: {  	p1 =	sne.s32 s9, s16  }
.Ltmp1:
0x21: {  	_ = 	snop;
	(pc) =	sbr.rel @!p1 .LBB2_12-.Ltmp1, $3  }
0x22: {  	_ =	sdelay $0x1  }
0x23: {  	[sflag:s21] =	ssyncset.done $0x0  }
0x24: {  	[sflag:s21] =	ssyncadd.s32 $0xFFFFEC00  }
.LBB2_1:
0x25: {  	s12 =	simm.s32 $0x100;
	s10 =	simm.s32 $0x0  }
.LBB2_2:
0x26: {  	p1 =	sne.s32 s12, $0x7C00;
	[tilespmem:s10+$0x14030] =	vst v0;
	s13 =	smov.u32 s12;
	s12 =	sadd.s32 $0x100, s12  }
.Ltmp2:
0x27: {  	[tilespmem:s10+$0x14020] =	vst v0;
	(pc) =	sbr.rel @p1 .LBB2_2-.Ltmp2, $3  }
0x28: {  	[tilespmem:s10+$0x14000] =	vst v0  }
0x29: {  	[tilespmem:s10+$0x14010] =	vst v0;
	_ =	sdelay $0x1  }
0x2a: {  	s10 =	sshra.s32 s13, $0x2  }
0x2b: {  	[tilespmem:s10+$0x14030] =	vst v0  }
0x2c: {  	[tilespmem:s10+$0x14020] =	vst v0  }
0x2d: {  	[tilespmem:s10+$0x14000] =	vst v0  }
0x2e: {  	[tilespmem:s10+$0x14010] =	vst v0  }
0x2f: {  	[spmem:s11] =	stream.linear.scatter [tilespmem:s20], [sflag:$0x9], $0x1400, $0x38;
	[tilespmem:$0x1BD00] =	vst v63  }
0x30: {  	_ =	swait.ge [sflag:s21], $0x1400  }
0x31: {  	[sflag:s21] =	ssyncset.done $0x0  }
0x32: {  	s16 =	rddreg [dreg:$0x9];
	[sflag:s21] =	ssyncadd.s32 $0xFFFFEC00  }
0x33: {  	[spmem:s16] =	stream.linear.scatter [tilespmem:s20], [sflag:$0x9], $0x1400, $0x38;
	[tilespmem:$0x1BD00] =	vst v63  }
0x34: {  	_ =	swait.ge [sflag:s21], $0x1400  }
0x35: {  	[sflag:s21] =	ssyncset.done $0x0  }
0x36: {  	s12 =	rddreg [dreg:$0xa];
	[sflag:s21] =	ssyncadd.s32 $0xFFFFEC00  }
0x37: {  	[spmem:s12] =	stream.linear.scatter [tilespmem:s20], [sflag:$0x9], $0x1400, $0x38;
	[tilespmem:$0x1BD00] =	vst v63  }
0x38: {  	_ =	swait.ge [sflag:s21], $0x1400  }
0x39: {  	[sflag:s21] =	ssyncset.done $0x0  }
0x3a: {  	s13 =	rddreg [dreg:$0xb];
	[sflag:s21] =	ssyncadd.s32 $0xFFFFEC00  }
0x3b: {  	[spmem:s13] =	stream.linear.scatter [tilespmem:s20], [sflag:$0x9], $0x1400, $0x38;
	[tilespmem:$0x1BD00] =	vst v63  }
0x3c: {  	_ =	swait.ge [sflag:s21], $0x1400  }
0x3d: {  	[sflag:s21] =	ssyncset.done $0x0  }
0x3e: {  	s14 =	rddreg [dreg:$0xc];
	[sflag:s21] =	ssyncadd.s32 $0xFFFFEC00  }
0x3f: {  	[spmem:s14] =	stream.linear.scatter [tilespmem:s20], [sflag:$0x9], $0x1400, $0x38;
	[tilespmem:$0x1BD00] =	vst v63  }
0x40: {  	_ =	swait.ge [sflag:s21], $0x1400  }
0x41: {  	[sflag:s21] =	ssyncset.done $0x0  }
0x42: {  	[sflag:s21] =	ssyncadd.s32 $0xFFFFEC00  }
0x43: {  	[spmem:s17] =	stream.linear.scatter [tilespmem:s20], [sflag:$0x9], $0x1400, $0x38;
	[tilespmem:$0x1BD00] =	vst v63  }
0x44: {  	_ =	swait.ge [sflag:s21], $0x1400  }
0x45: {  	[sflag:s21] =	ssyncset.done $0x0  }
0x46: {  	[sflag:s21] =	ssyncadd.s32 $0xFFFFEC00  }
0x47: {  	[spmem:s18] =	stream.linear.scatter [tilespmem:s20], [sflag:$0x9], $0x1400, $0x38;
	[tilespmem:$0x1BD00] =	vst v63  }
0x48: {  	_ =	swait.ge [sflag:s21], $0x1400  }
0x49: {  	[sflag:s21] =	ssyncset.done $0x0  }
0x4a: {  	[sflag:s21] =	ssyncadd.s32 $0xFFFFEC00  }
0x4b: {  	[spmem:s19] =	stream.linear.scatter [tilespmem:s20], [sflag:$0x9], $0x1400, $0x38;
	[tilespmem:$0x1BD00] =	vst v63  }
0x4c: {  	_ =	swait.ge [sflag:s21], $0x1400  }
0x4d: {  	[sflag:s21] =	ssyncset.done $0x0  }
0x4e: {  	[sflag:s21] =	ssyncadd.s32 $0xFFFFEC00  }
0x4f: {  	[bflag:$0x0] =	sbarrier.arrive $0xFFFF  }
0x50: {  	s15 =	simm.s32 $0x0;
	s12 =	rddreg [dreg:$0x5]  }
0x51: {  	[tilespmem:s22], [sflag:$0x9] =	stream.linear.gather [hbm4b:s12+s15], $0x5000, $0x38;
	[tilespmem:$0x1BD00] =	vst v63  }
0x52: {  	_ =	swait.ge [sflag:s21], $0x5000  }
0x53: {  	[sflag:s21] =	ssyncset.done $0x0  }
.Ltmp3:
0x54: {  	s16 =	rddreg [dreg:$0x6];
	[sflag:s21] =	ssyncadd.s32 $0xFFFFB000;
	(pc) =	sbr.rel @p0 .LBB2_8-.Ltmp3, $4  }
0x55: {  	[tilespmem:s23], [sflag:$0x9] =	stream.linear.gather [hbm4b:s16+s15], $0x5000, $0x38;
	[tilespmem:$0x1BD00] =	vst v63  }
0x56: {  	_ =	swait.ge [sflag:s21], $0x5000  }
0x57: {  	[sflag:s21] =	ssyncset.done $0x0  }
0x58: {  	[sflag:s21] =	ssyncadd.s32 $0xFFFFB000  }
0x59: {  	[tilespmem:s20], [sflag:$0x1] =	stream.indirect.gather [hbm4b:s4+s24], $0x40, s22, s24, $0xb8;
	[tilespmem:$0x1BD00] =	vst v63  }
0x5a: {  	s10 =	simm.s32 $0xA080  }
0x5b: {  	[tilespmem:s28], [sflag:$0x2] =	stream.indirect.gather [hbm4b:s4+s24], $0x40, s10, s24, $0xb8;
	[tilespmem:$0x1BD00] =	vst v63  }
0x5c: {  	s14 =	simm.s32 $0xA100  }
0x5d: {  	[tilespmem:s30], [sflag:$0x3] =	stream.indirect.gather [hbm4b:s4+s24], $0x40, s14, s24, $0xb8;
	[tilespmem:$0x1BD00] =	vst v63  }
0x5e: {  	_ =	swait.ge [sflag:s31], $0x1F40  }
0x5f: {  	[sflag:s31] =	ssyncset.done $0x0  }
0x60: {  	[sflag:s31] =	ssyncadd.s32 $0xFFFFE0C0  }
0x61: {  	[spmem:s1] =	stream.indirect.scatter.add.bf16 [tilespmem:s20], [sflag:$0x5], $0x40, s23, s24, $0xb8;
	[tilespmem:$0x1BD00] =	vst v63  }
0x62: {  	s15 =	simm.s32 $0xA180  }
0x63: {  	[tilespmem:s6], [sflag:$0x4] =	stream.indirect.gather [hbm4b:s4+s24], $0x40, s15, s24, $0xb8;
	[tilespmem:$0x1BD00] =	vst v63  }
0x64: {  	_ =	swait.ge [sflag:s7], $0x1F40  }
0x65: {  	[sflag:s7] =	ssyncset.done $0x0  }
0x66: {  	s16 =	simm.s32 $0xF080;
	[sflag:s7] =	ssyncadd.s32 $0xFFFFE0C0  }
0x67: {  	[spmem:s1] =	stream.indirect.scatter.add.bf16 [tilespmem:s28], [sflag:$0x6], $0x40, s16, s24, $0xb8;
	[tilespmem:$0x1BD00] =	vst v63  }
0x68: {  	_ =	swait.ge [sflag:s29], $0x1F40  }
0x69: {  	[sflag:s29] =	ssyncset.done $0x0  }
0x6a: {  	s12 =	simm.s32 $0xA200;
	[sflag:s29] =	ssyncadd.s32 $0xFFFFE0C0  }
0x6b: {  	[tilespmem:s20], [sflag:$0x1] =	stream.indirect.gather [hbm4b:s4+s24], $0x40, s12, s24, $0xb8;
	[tilespmem:$0x1BD00] =	vst v63  }
0x6c: {  	_ =	swait.ge [sflag:s26], $0x1F40  }
0x6d: {  	[sflag:s26] =	ssyncset.done $0x0  }
0x6e: {  	s13 =	simm.s32 $0xF100;
	[sflag:s26] =	ssyncadd.s32 $0xFFFFE0C0  }
0x6f: {  	[spmem:s1] =	stream.indirect.scatter.add.bf16 [tilespmem:s30], [sflag:$0x7], $0x40, s13, s24, $0xb8;
	[tilespmem:$0x1BD00] =	vst v63  }
0x70: {  	_ =	swait.ge [sflag:s0], $0x1F40  }
0x71: {  	[sflag:s0] =	ssyncset.done $0x0  }
0x72: {  	s14 =	simm.s32 $0xA280;
	[sflag:s0] =	ssyncadd.s32 $0xFFFFE0C0  }
0x73: {  	[tilespmem:s28], [sflag:$0x2] =	stream.indirect.gather [hbm4b:s4+s24], $0x40, s14, s24, $0xb8;
	[tilespmem:$0x1BD00] =	vst v63  }
0x74: {  	_ =	swait.ge [sflag:s3], $0x1F40  }
0x75: {  	[sflag:s3] =	ssyncset.done $0x0  }
0x76: {  	s15 =	simm.s32 $0xF180;
	[sflag:s3] =	ssyncadd.s32 $0xFFFFE0C0  }
0x77: {  	[spmem:s1] =	stream.indirect.scatter.add.bf16 [tilespmem:s6], [sflag:$0x8], $0x40, s15, s24, $0xb8;
	[tilespmem:$0x1BD00] =	vst v63  }
0x78: {  	_ =	swait.ge [sflag:s2], $0x1F40  }
0x79: {  	[sflag:s2] =	ssyncset.done $0x0  }
0x7a: {  	s10 =	simm.s32 $0x0;
	s16 =	simm.s32 $0xA300;
	[sflag:s2] =	ssyncadd.s32 $0xFFFFE0C0  }
0x7b: {  	[tilespmem:s30], [sflag:$0x3] =	stream.indirect.gather [hbm4b:s4+s24], $0x40, s16, s24, $0xb8;
	[tilespmem:$0x1BD00] =	vst v63  }
.LBB2_5:
0x7c: {  	_ =	swait.ge [sflag:s31], $0x1F40  }
0x7d: {  	s12 =	sshra.s32 s10, $0x2;
	[sflag:s31] =	ssyncset.done $0x0  }
0x7e: {  	s13 =	sadd.s32 $0xF200, s12;
	[sflag:s31] =	ssyncadd.s32 $0xFFFFE0C0  }
0x7f: {  	[spmem:s1] =	stream.indirect.scatter.add.bf16 [tilespmem:s20], [sflag:$0x5], $0x40, s13, s24, $0xb8;
	[tilespmem:$0x1BD00] =	vst v63  }
0x80: {  	_ =	swait.ge [sflag:s8], $0x1F40  }
0x81: {  	[sflag:s8] =	ssyncset.done $0x0  }
0x82: {  	s14 =	sadd.s32 $0xA380, s12;
	[sflag:s8] =	ssyncadd.s32 $0xFFFFE0C0  }
0x83: {  	[tilespmem:s6], [sflag:$0x4] =	stream.indirect.gather [hbm4b:s4+s24], $0x40, s14, s24, $0xb8;
	[tilespmem:$0x1BD00] =	vst v63  }
0x84: {  	_ =	swait.ge [sflag:s7], $0x1F40  }
0x85: {  	[sflag:s7] =	ssyncset.done $0x0  }
0x86: {  	s15 =	sadd.s32 $0xF280, s12;
	[sflag:s7] =	ssyncadd.s32 $0xFFFFE0C0  }
0x87: {  	[spmem:s1] =	stream.indirect.scatter.add.bf16 [tilespmem:s28], [sflag:$0x6], $0x40, s15, s24, $0xb8;
	[tilespmem:$0x1BD00] =	vst v63  }
0x88: {  	_ =	swait.ge [sflag:s29], $0x1F40  }
0x89: {  	p1 =	seq.s32 s10, $0x13000;
	[sflag:s29] =	ssyncset.done $0x0  }
0x8a: {  	s13 =	simm.s32 @p1 $0x3;
	[sflag:s29] =	ssyncadd.s32 $0xFFFFE0C0  }
0x8b: {  	_ =	swait.ge @p1 [sflag:s13], $0x1F40  }
0x8c: {  	[sflag:s13] =	ssyncset.done @p1 $0x0  }
0x8d: {  	[sflag:s13] =	ssyncadd.s32 @p1 $0xFFFFE0C0;
	s13 =	sshra.s32 @p1 s10, $0x2  }
0x8e: {  	s14 =	simm.s32 @p1 $0x7D;
	s15 =	simm.s32 @p1 $0x17E80;
	s13 =	sadd.s32 @p1 $0xF300, s13  }
0x8f: {  	[spmem:s1] =	stream.indirect.scatter.add.bf16 @p1 [tilespmem:s15], [sflag:$0x7], $0x40, s13, s14, $0xb8;
	[tilespmem:$0x1BD00] =	vst v63  }
0x90: {  	s13 =	simm.s32 @p1 $0x6  }
0x91: {  	_ =	swait.ge @p1 [sflag:s13], $0x1F40  }
0x92: {  	[sflag:s13] =	ssyncset.done @p1 $0x0  }
0x93: {  	[sflag:s13] =	ssyncadd.s32 @p1 $0xFFFFE0C0;
	s13 =	sshra.s32 @!p1 s10, $0x2  }
0x94: {  	s16 =	simm.s32 @!p1 $0x14000;
	s15 =	simm.s32 @!p1 $0x7D;
	s14 =	sadd.s32 @!p1 $0xA400, s13  }
0x95: {  	[tilespmem:s16], [sflag:$0x1] =	stream.indirect.gather @!p1 [hbm4b:s4+s15], $0x40, s14, s15, $0xb8;
	[tilespmem:$0x1BD00] =	vst v63  }
0x96: {  	s14 =	simm.s32 @!p1 $0x3  }
0x97: {  	_ =	swait.ge @!p1 [sflag:s14], $0x1F40  }
0x98: {  	[sflag:s14] =	ssyncset.done @!p1 $0x0  }
0x99: {  	s16 =	simm.s32 @!p1 $0x17E80;
	[sflag:s14] =	ssyncadd.s32 @!p1 $0xFFFFE0C0;
	s14 =	sadd.s32 @!p1 $0xF300, s13  }
0x9a: {  	[spmem:s1] =	stream.indirect.scatter.add.bf16 @!p1 [tilespmem:s16], [sflag:$0x7], $0x40, s14, s15, $0xb8;
	[tilespmem:$0x1BD00] =	vst v63  }
0x9b: {  	s14 =	simm.s32 @!p1 $0x6  }
0x9c: {  	_ =	swait.ge @!p1 [sflag:s14], $0x1F40  }
0x9d: {  	[sflag:s14] =	ssyncset.done @!p1 $0x0  }
0x9e: {  	s13 =	sadd.s32 @!p1 $0xA480, s13;
	[sflag:s14] =	ssyncadd.s32 @!p1 $0xFFFFE0C0;
	s14 =	simm.s32 @!p1 $0x15F40  }
0x9f: {  	[tilespmem:s14], [sflag:$0x2] =	stream.indirect.gather @!p1 [hbm4b:s4+s15], $0x40, s13, s15, $0xb8;
	[tilespmem:$0x1BD00] =	vst v63  }
0xa0: {  	_ =	swait.ge [sflag:s3], $0x1F40  }
0xa1: {  	[sflag:s3] =	ssyncset.done $0x0  }
.Ltmp4:
0xa2: {  	s16 =	sadd.s32 $0xF380, s12;
	[sflag:s3] =	ssyncadd.s32 $0xFFFFE0C0;
	(pc) =	sbr.rel @p1 .LBB2_6-.Ltmp4, $4  }
0xa3: {  	[spmem:s1] =	stream.indirect.scatter.add.bf16 [tilespmem:s6], [sflag:$0x8], $0x40, s16, s24, $0xb8;
	[tilespmem:$0x1BD00] =	vst v63  }
0xa4: {  	_ =	swait.ge [sflag:s2], $0x1F40  }
0xa5: {  	[sflag:s2] =	ssyncset.done $0x0  }
0xa6: {  	[sflag:s2] =	ssyncadd.s32 $0xFFFFE0C0  }
.Ltmp5:
0xa7: {  	(pc) =	sbr.rel .LBB2_5-.Ltmp5, $3  }
0xa8: {  	_ =	sdelay $0x1  }
0xa9: {  	s12 =	sadd.s32 $0xA500, s12;
	s10 =	sadd.s32 $0x800, s10  }
0xaa: {  	[tilespmem:s30], [sflag:$0x3] =	stream.indirect.gather [hbm4b:s4+s24], $0x40, s12, s24, $0xb8;
	[tilespmem:$0x1BD00] =	vst v63  }
.LBB2_8:
0xab: {  	[tilespmem:s20], [sflag:$0x1] =	stream.indirect.gather [hbm4b:s5+s24], $0x40, s22, s24, $0xb8;
	[tilespmem:$0x1BD00] =	vst v63  }
0xac: {  	s10 =	simm.s32 $0xA080  }
0xad: {  	[tilespmem:s28], [sflag:$0x2] =	stream.indirect.gather [hbm4b:s5+s24], $0x40, s10, s24, $0xb8;
	[tilespmem:$0x1BD00] =	vst v63  }
0xae: {  	s14 =	simm.s32 $0xA100  }
0xaf: {  	[tilespmem:s30], [sflag:$0x3] =	stream.indirect.gather [hbm4b:s5+s24], $0x40, s14, s24, $0xb8;
	[tilespmem:$0x1BD00] =	vst v63  }
0xb0: {  	_ =	swait.ge [sflag:s31], $0x1F40  }
0xb1: {  	[sflag:s31] =	ssyncset.done $0x0  }
0xb2: {  	[sflag:s31] =	ssyncadd.s32 $0xFFFFE0C0  }
0xb3: {  	[spmem:s1] =	stream.indirect.scatter.add.bf16 [tilespmem:s20], [sflag:$0x5], $0x40, s23, s24, $0xb8;
	[tilespmem:$0x1BD00] =	vst v63  }
0xb4: {  	s15 =	simm.s32 $0xA180  }
0xb5: {  	[tilespmem:s6], [sflag:$0x4] =	stream.indirect.gather [hbm4b:s5+s24], $0x40, s15, s24, $0xb8;
	[tilespmem:$0x1BD00] =	vst v63  }
0xb6: {  	_ =	swait.ge [sflag:s7], $0x1F40  }
0xb7: {  	[sflag:s7] =	ssyncset.done $0x0  }
0xb8: {  	s16 =	simm.s32 $0xF080;
	[sflag:s7] =	ssyncadd.s32 $0xFFFFE0C0  }
0xb9: {  	[spmem:s1] =	stream.indirect.scatter.add.bf16 [tilespmem:s28], [sflag:$0x6], $0x40, s16, s24, $0xb8;
	[tilespmem:$0x1BD00] =	vst v63  }
0xba: {  	_ =	swait.ge [sflag:s29], $0x1F40  }
0xbb: {  	[sflag:s29] =	ssyncset.done $0x0  }
0xbc: {  	s12 =	simm.s32 $0xA200;
	[sflag:s29] =	ssyncadd.s32 $0xFFFFE0C0  }
0xbd: {  	[tilespmem:s20], [sflag:$0x1] =	stream.indirect.gather [hbm4b:s5+s24], $0x40, s12, s24, $0xb8;
	[tilespmem:$0x1BD00] =	vst v63  }
0xbe: {  	_ =	swait.ge [sflag:s26], $0x1F40  }
0xbf: {  	[sflag:s26] =	ssyncset.done $0x0  }
0xc0: {  	s13 =	simm.s32 $0xF100;
	[sflag:s26] =	ssyncadd.s32 $0xFFFFE0C0  }
0xc1: {  	[spmem:s1] =	stream.indirect.scatter.add.bf16 [tilespmem:s30], [sflag:$0x7], $0x40, s13, s24, $0xb8;
	[tilespmem:$0x1BD00] =	vst v63  }
0xc2: {  	_ =	swait.ge [sflag:s0], $0x1F40  }
0xc3: {  	[sflag:s0] =	ssyncset.done $0x0  }
0xc4: {  	s14 =	simm.s32 $0xA280;
	[sflag:s0] =	ssyncadd.s32 $0xFFFFE0C0  }
0xc5: {  	[tilespmem:s28], [sflag:$0x2] =	stream.indirect.gather [hbm4b:s5+s24], $0x40, s14, s24, $0xb8;
	[tilespmem:$0x1BD00] =	vst v63  }
0xc6: {  	_ =	swait.ge [sflag:s3], $0x1F40  }
0xc7: {  	[sflag:s3] =	ssyncset.done $0x0  }
0xc8: {  	s15 =	simm.s32 $0xF180;
	[sflag:s3] =	ssyncadd.s32 $0xFFFFE0C0  }
0xc9: {  	[spmem:s1] =	stream.indirect.scatter.add.bf16 [tilespmem:s6], [sflag:$0x8], $0x40, s15, s24, $0xb8;
	[tilespmem:$0x1BD00] =	vst v63  }
0xca: {  	_ =	swait.ge [sflag:s2], $0x1F40  }
0xcb: {  	[sflag:s2] =	ssyncset.done $0x0  }
0xcc: {  	s10 =	simm.s32 $0x0;
	s16 =	simm.s32 $0xA300;
	[sflag:s2] =	ssyncadd.s32 $0xFFFFE0C0  }
0xcd: {  	[tilespmem:s30], [sflag:$0x3] =	stream.indirect.gather [hbm4b:s5+s24], $0x40, s16, s24, $0xb8;
	[tilespmem:$0x1BD00] =	vst v63  }
.LBB2_9:
0xce: {  	_ =	swait.ge [sflag:s31], $0x1F40  }
0xcf: {  	s12 =	sshra.s32 s10, $0x2;
	[sflag:s31] =	ssyncset.done $0x0  }
0xd0: {  	s13 =	sadd.s32 $0xF200, s12;
	[sflag:s31] =	ssyncadd.s32 $0xFFFFE0C0  }
0xd1: {  	[spmem:s1] =	stream.indirect.scatter.add.bf16 [tilespmem:s20], [sflag:$0x5], $0x40, s13, s24, $0xb8;
	[tilespmem:$0x1BD00] =	vst v63  }
0xd2: {  	_ =	swait.ge [sflag:s8], $0x1F40  }
0xd3: {  	[sflag:s8] =	ssyncset.done $0x0  }
0xd4: {  	s14 =	sadd.s32 $0xA380, s12;
	[sflag:s8] =	ssyncadd.s32 $0xFFFFE0C0  }
0xd5: {  	[tilespmem:s6], [sflag:$0x4] =	stream.indirect.gather [hbm4b:s5+s24], $0x40, s14, s24, $0xb8;
	[tilespmem:$0x1BD00] =	vst v63  }
0xd6: {  	_ =	swait.ge [sflag:s7], $0x1F40  }
0xd7: {  	[sflag:s7] =	ssyncset.done $0x0  }
0xd8: {  	s15 =	sadd.s32 $0xF280, s12;
	[sflag:s7] =	ssyncadd.s32 $0xFFFFE0C0  }
0xd9: {  	[spmem:s1] =	stream.indirect.scatter.add.bf16 [tilespmem:s28], [sflag:$0x6], $0x40, s15, s24, $0xb8;
	[tilespmem:$0x1BD00] =	vst v63  }
0xda: {  	_ =	swait.ge [sflag:s29], $0x1F40  }
0xdb: {  	p1 =	seq.s32 s10, $0x13000;
	[sflag:s29] =	ssyncset.done $0x0  }
0xdc: {  	s13 =	simm.s32 @p1 $0x3;
	[sflag:s29] =	ssyncadd.s32 $0xFFFFE0C0  }
0xdd: {  	_ =	swait.ge @p1 [sflag:s13], $0x1F40  }
0xde: {  	[sflag:s13] =	ssyncset.done @p1 $0x0  }
0xdf: {  	[sflag:s13] =	ssyncadd.s32 @p1 $0xFFFFE0C0;
	s13 =	sshra.s32 @p1 s10, $0x2  }
0xe0: {  	s14 =	simm.s32 @p1 $0x7D;
	s15 =	simm.s32 @p1 $0x17E80;
	s13 =	sadd.s32 @p1 $0xF300, s13  }
0xe1: {  	[spmem:s1] =	stream.indirect.scatter.add.bf16 @p1 [tilespmem:s15], [sflag:$0x7], $0x40, s13, s14, $0xb8;
	[tilespmem:$0x1BD00] =	vst v63  }
0xe2: {  	s13 =	simm.s32 @p1 $0x6  }
0xe3: {  	_ =	swait.ge @p1 [sflag:s13], $0x1F40  }
0xe4: {  	[sflag:s13] =	ssyncset.done @p1 $0x0  }
0xe5: {  	[sflag:s13] =	ssyncadd.s32 @p1 $0xFFFFE0C0;
	s13 =	sshra.s32 @!p1 s10, $0x2  }
0xe6: {  	s16 =	simm.s32 @!p1 $0x14000;
	s15 =	simm.s32 @!p1 $0x7D;
	s14 =	sadd.s32 @!p1 $0xA400, s13  }
0xe7: {  	[tilespmem:s16], [sflag:$0x1] =	stream.indirect.gather @!p1 [hbm4b:s5+s15], $0x40, s14, s15, $0xb8;
	[tilespmem:$0x1BD00] =	vst v63  }
0xe8: {  	s14 =	simm.s32 @!p1 $0x3  }
0xe9: {  	_ =	swait.ge @!p1 [sflag:s14], $0x1F40  }
0xea: {  	[sflag:s14] =	ssyncset.done @!p1 $0x0  }
0xeb: {  	s16 =	simm.s32 @!p1 $0x17E80;
	[sflag:s14] =	ssyncadd.s32 @!p1 $0xFFFFE0C0;
	s14 =	sadd.s32 @!p1 $0xF300, s13  }
0xec: {  	[spmem:s1] =	stream.indirect.scatter.add.bf16 @!p1 [tilespmem:s16], [sflag:$0x7], $0x40, s14, s15, $0xb8;
	[tilespmem:$0x1BD00] =	vst v63  }
0xed: {  	s14 =	simm.s32 @!p1 $0x6  }
0xee: {  	_ =	swait.ge @!p1 [sflag:s14], $0x1F40  }
0xef: {  	[sflag:s14] =	ssyncset.done @!p1 $0x0  }
0xf0: {  	s13 =	sadd.s32 @!p1 $0xA480, s13;
	[sflag:s14] =	ssyncadd.s32 @!p1 $0xFFFFE0C0;
	s14 =	simm.s32 @!p1 $0x15F40  }
0xf1: {  	[tilespmem:s14], [sflag:$0x2] =	stream.indirect.gather @!p1 [hbm4b:s5+s15], $0x40, s13, s15, $0xb8;
	[tilespmem:$0x1BD00] =	vst v63  }
0xf2: {  	_ =	swait.ge [sflag:s3], $0x1F40  }
0xf3: {  	[sflag:s3] =	ssyncset.done $0x0  }
.Ltmp6:
0xf4: {  	s16 =	sadd.s32 $0xF380, s12;
	[sflag:s3] =	ssyncadd.s32 $0xFFFFE0C0;
	(pc) =	sbr.rel @p1 .LBB2_10-.Ltmp6, $4  }
0xf5: {  	[spmem:s1] =	stream.indirect.scatter.add.bf16 [tilespmem:s6], [sflag:$0x8], $0x40, s16, s24, $0xb8;
	[tilespmem:$0x1BD00] =	vst v63  }
0xf6: {  	_ =	swait.ge [sflag:s2], $0x1F40  }
0xf7: {  	[sflag:s2] =	ssyncset.done $0x0  }
0xf8: {  	[sflag:s2] =	ssyncadd.s32 $0xFFFFE0C0  }
.Ltmp7:
0xf9: {  	(pc) =	sbr.rel .LBB2_9-.Ltmp7, $3  }
0xfa: {  	_ =	sdelay $0x1  }
0xfb: {  	s12 =	sadd.s32 $0xA500, s12;
	s10 =	sadd.s32 $0x800, s10  }
0xfc: {  	[tilespmem:s30], [sflag:$0x3] =	stream.indirect.gather [hbm4b:s5+s24], $0x40, s12, s24, $0xb8;
	[tilespmem:$0x1BD00] =	vst v63  }
.LBB2_6:
.Ltmp8:
0xfd: {  	(pc) =	sbr.rel .LBB2_11-.Ltmp8, $2  }
0xfe: {  	_ =	sdelay $0x2  }
0xff: {  	s10 =	rddreg [dreg:$0x3]  }
.LBB2_12:
0x100: {  	_ =	sfence.sel $0x180000  }
0x101: {  	[bflag:$0x0] =	sbarrier.arrive $0xFFFF  }
0x102: {  	_ =	strace $0x90000050  }
0x103: {  	s0 =	stileid.u32;
	[bflag:$0x2] =	sbarrier.arrive $0xFFFF  }
0x104: {  	p0 =	sne.s32 s0, $0x0;
	s0 =	rddreg [dreg:$0x2]  }
0x105: {  	s0 =	sadd.s32 @!p0 $0x100000, s0  }
0x106: {  	[sflag:s0] =	ssyncadd.tile.s32 @!p0 $0x1;
	_ =	shalt  }
.Lfunc_end2:
_tile_overlayer_lowered:
.L_overlay_start_2:
0x107: {  	(tag) =	ssettag $0x2  }
0x108: {  	s0 =	rddreg [dreg:$0x0];
	s2 =	stileid.u32  }
0x109: {  	s1 =	rddreg [dreg:$0x1];
	p0 =	sne.s32 s2, $0x0  }
0x10a: {  	s3 =	rddreg [dreg:$0x2];
	[bflag:$0x3] =	sbarrier.arrive $0xFFFF;
	s2 =	simm.s32 @!p0 $0x1C09  }
0x10b: {  	[timem:s3], [sflag:s2] =	dma.local @!p0 [hbm:s0], s1  }
0x10c: {  	s0 =	simm.s32 @!p0 $0x9  }
0x10d: {  	_ =	swait.ge @!p0 [sflag:s0], s1  }
0x10e: {  	s1 =	ssub.s32 @!p0 $0x0, s1;
	[sflag:s0] =	ssyncset.done @!p0 $0x0  }
0x10f: {  	[sflag:s0] =	ssyncadd.s32 @!p0 s1  }
0x110: {  	[bflag:$0x3] =	sbarrier.arrive $0xFFFF  }
0x111: {  	_ =	shalt  }

// kernel: kernel.24.cloned.1.call-start
scs
__scs_entry_jumppad:
0x0: {  	(pc) =	sbr.rel $0x88, $3  }
0x1: {  	(tag) =	ssettag $0x0;
	lr =	simm.s32 $0x1  }
0x2: {  	[smem:$0x3F87] =	sst lr;
	_ =	strace $0xD0000000  }
0x3: {  	_ = 	snop  }
0x4: {  	_ = 	snop  }
0x5: {  	_ = 	snop  }
0x6: {  	_ = 	snop  }
0x7: {  	_ = 	snop  }
__scs_overlays_trampoline_lowered:
0x8: {  	[smem:$0x3F96] =	sst s0  }
0x9: {  	[smem:$0x3F97] =	sst s1  }
0xa: {  	[smem:$0x3F98] =	sst s2  }
0xb: {  	[smem:$0x3F99] =	sst s3  }
0xc: {  	[smem:$0x3F9A] =	sst s4  }
0xd: {  	[smem:$0x3F9B] =	sst s5  }
0xe: {  	[smem:$0x3F9C] =	sst s6  }
0xf: {  	[smem:$0x3F9D] =	sst s7  }
0x10: {  	[smem:$0x3F9E] =	sst s8  }
0x11: {  	[smem:$0x3F9F] =	sst s9;
	s0 =	simm.s32 @!p0 $0x0  }
0x12: {  	s1 =	sld [smem:$0x3F85];
	s0 =	simm.s32 @p0 $0x1  }
0x13: {  	[smem:$0x3FA0] =	sst s0;
	s0 =	simm.s32 @!p1 $0x0  }
0x14: {  	s2 =	sld [smem:$0x3F84];
	s0 =	simm.s32 @p1 $0x1  }
0x15: {  	[smem:$0x3FA1] =	sst s0;
	s0 =	simm.s32 @!p2 $0x0  }
0x16: {  	s3 =	sld [smem:$0x3FDB];
	s0 =	simm.s32 @p2 $0x1  }
0x17: {  	s4 =	simm.s32 $0x1BF5;
	[smem:$0x3FA3] =	sst s0  }
0x18: {  	s0 =	sld [smem:$0x3F86];
	_ =	swait.ge [sflag:s4], $0x0  }
0x19: {  	s7 =	sld [smem:$0x3F87]  }
0x1a: {  	s8 =	sadd.s32 $0xFFFFE003, lr  }
0x1b: {  	s9 =	sadd.s32 $0xFFFFFEF7, lr;
	s5 =	simm.s32 $0xFFFFFFFF;
	p2 =	slt.u32 s8, $0xFFFFF086  }
0x1c: {  	p1 =	slt.u32 s9, $0xF7A;
	s5 =	simm.s32 @!p2 $0x0  }
0x1d: {  	s5 =	simm.s32 @p1 $0x1;
	p0 =	seq.s32 s7, s2  }
0x1e: {  	s7 =	smul.u32 @!p0 $0xF7A, s2;
	p2 =	seq.s32 @!p0 s5, $0x0  }
0x1f: {  	s9 =	smul.u32 $0xF7A, s1;
	s8 =	simm.s32 @!p0 $0x1BF5;
	p2 =	por !p2, p0  }
0x20: {  	[sflag:s8] =	ssyncset.s32 @!p0 $0xFFFFF086;
	s6 =	sadd.s32 @!p0 s3, s7;
	s7 =	simm.s32 @!p0 $0x108  }
0x21: {  	s3 =	sadd.s32 s3, s9;
	s6 =	sadd.s32 @!p0 $0x88, s6;
	s7 =	simm.s32 @p2 $0x1082  }
0x22: {  	[simem:s7], [sflag:s8] =	dma.local @!p0 [hbm:s6], $0xF7A  }
0x23: {  	s9 =	sor.u32 $0xD0000000, s2;
	s6 =	simm.s32 $0x108;
	_ =	swait.ge @!p0 [sflag:s8], $0x0  }
0x24: {  	s3 =	sadd.s32 $0x88, s3;
	s6 =	simm.s32 @!p1 $0x1082;
	[sflag:s4] =	ssyncset.s32 $0xFFFFF086  }
0x25: {  	[simem:s6], [sflag:s4] =	dma.local [hbm:s3], $0xF7A  }
0x26: {  	[smem:$0x3F87] =	sst s1;
	(tag) =	ssettag s2;
	_ =	strace s9  }
0x27: {  	s1 =	sld [smem:$0x3F97]  }
0x28: {  	s2 =	sld [smem:$0x3F98]  }
0x29: {  	s4 =	sld [smem:$0x3F9A]  }
0x2a: {  	p0 =	seq.s32 s5, $0x0;
	s5 =	sld [smem:$0x3F9B]  }
0x2b: {  	s6 =	sld [smem:$0x3F9C]  }
0x2c: {  	s7 =	sld [smem:$0x3F9D]  }
0x2d: {  	s3 =	simm.s32 $0x108;
	s8 =	sld [smem:$0x3F9E]  }
0x2e: {  	s3 =	simm.s32 @!p0 $0x1082;
	s9 =	sld [smem:$0x3F9F]  }
0x2f: {  	lr =	sadd.s32 s0, s3;
	s0 =	sld [smem:$0x3F96]  }
0x30: {  	s3 =	sld [smem:$0x3F99]  }
0x31: {  	[smem:$0x3FA2] =	sst s10  }
0x32: {  	s10 =	sld [smem:$0x3FA0];
	_ =	sdelay $0x3  }
0x33: {  	p0 =	seq.s32 s10, $0x1;
	s10 =	sld [smem:$0x3FA2];
	_ =	sdelay $0x3  }
0x34: {  	[smem:$0x3FA2] =	sst s10  }
0x35: {  	s10 =	sld [smem:$0x3FA1];
	_ =	sdelay $0x3  }
0x36: {  	p1 =	seq.s32 s10, $0x1;
	s10 =	sld [smem:$0x3FA2];
	_ =	sdelay $0x3  }
0x37: {  	[smem:$0x3FA2] =	sst s10  }
0x38: {  	s10 =	sld [smem:$0x3FA3]  }
0x39: {  	_ = 	snop;
	(pc) =	sbr.ind lr, $3  }
0x3a: {  	_ = 	snop  }
0x3b: {  	_ = 	snop  }
0x3c: {  	p2 =	seq.s32 s10, $0x1;
	s10 =	sld [smem:$0x3FA2]  }
0x3d: {  	_ =	shalt  }
0x3e: {  	_ =	shalt  }
0x3f: {  	_ =	shalt  }
0x40: {  	_ =	shalt  }
0x41: {  	_ =	shalt  }
0x42: {  	_ =	shalt  }
0x43: {  	_ =	shalt  }
0x44: {  	_ =	shalt  }
0x45: {  	_ =	shalt  }
0x46: {  	_ =	shalt  }
0x47: {  	_ =	shalt  }
0x48: {  	_ =	shalt  }
0x49: {  	_ =	shalt  }
0x4a: {  	_ =	shalt  }
0x4b: {  	_ =	shalt  }
0x4c: {  	_ =	shalt  }
0x4d: {  	_ =	shalt  }
0x4e: {  	_ =	shalt  }
0x4f: {  	_ =	shalt  }
0x50: {  	_ =	shalt  }
0x51: {  	_ =	shalt  }
0x52: {  	_ =	shalt  }
0x53: {  	_ =	shalt  }
0x54: {  	_ =	shalt  }
0x55: {  	_ =	shalt  }
0x56: {  	_ =	shalt  }
0x57: {  	_ =	shalt  }
0x58: {  	_ =	shalt  }
0x59: {  	_ =	shalt  }
0x5a: {  	_ =	shalt  }
0x5b: {  	_ =	shalt  }
0x5c: {  	_ =	shalt  }
0x5d: {  	_ =	shalt  }
0x5e: {  	_ =	shalt  }
0x5f: {  	_ =	shalt  }
0x60: {  	_ =	shalt  }
0x61: {  	_ =	shalt  }
0x62: {  	_ =	shalt  }
0x63: {  	_ =	shalt  }
0x64: {  	_ =	shalt  }
0x65: {  	_ =	shalt  }
0x66: {  	_ =	shalt  }
0x67: {  	_ =	shalt  }
0x68: {  	_ =	shalt  }
0x69: {  	_ =	shalt  }
0x6a: {  	_ =	shalt  }
0x6b: {  	_ =	shalt  }
0x6c: {  	_ =	shalt  }
0x6d: {  	_ =	shalt  }
0x6e: {  	_ =	shalt  }
0x6f: {  	_ =	shalt  }
0x70: {  	_ =	shalt  }
0x71: {  	_ =	shalt  }
0x72: {  	_ =	shalt  }
0x73: {  	_ =	shalt  }
0x74: {  	_ =	shalt  }
0x75: {  	_ =	shalt  }
0x76: {  	_ =	shalt  }
0x77: {  	_ =	shalt  }
0x78: {  	_ =	shalt  }
0x79: {  	_ =	shalt  }
0x7a: {  	_ =	shalt  }
0x7b: {  	_ =	shalt  }
0x7c: {  	_ =	shalt  }
0x7d: {  	_ =	shalt  }
0x7e: {  	_ =	shalt  }
0x7f: {  	_ =	shalt  }
0x80: {  	_ =	shalt  }
0x81: {  	_ =	shalt  }
0x82: {  	_ =	shalt  }
0x83: {  	_ =	shalt  }
0x84: {  	_ =	shalt  }
0x85: {  	_ =	shalt  }
0x86: {  	_ =	shalt  }
0x87: {  	_ =	shalt  }
.Lfunc_end0:
.L_simem_size_0:
called_computation.4_lowered:
.L_overlay_start_0:
0x88: {  	s2 =	sld [smem:$0x3FD9]  }
0x89: {  	s3 =	sld [smem:$0x3FFE];
	_ =	sdelay $0x1  }
0x8a: {  	s1 =	srdreg.scid  }
0x8b: {  	s0 =	sand.u32 $0x1, s1  }
0x8c: {  	s17 =	sshll.u32 s0, $0xA;
	s2 =	sadd.s32 s3, s2  }
0x8d: {  	s2 =	sadd.s32 s2, s17  }
0x8e: {  	[smem:$0x3FAE] =	sst s2  }
0x8f: {  	_ = 	snop  }
0x90: {  	(tm) =	ssettm $0x1  }
0x91: {  	s18 =	sld [smem:$0x3FFB];
	_ =	sdelay $0x3  }
0x92: {  	_ =	strace s18  }
0x93: {  	s2 =	sld [smem:$0x3FFC];
	_ =	sdelay $0x3  }
0x94: {  	_ =	strace s2  }
0x95: {  	s2 =	sld [smem:$0x3FFD];
	_ =	sdelay $0x3  }
0x96: {  	_ =	strace s2  }
0x97: {  	_ =	strace $0x8FFFFFFF  }
0x98: {  	s19 =	sld [smem:$0x3FDB];
	_ =	sdelay $0x1  }
0x99: {  	s20 =	simm.s32 $_scs_section_size  }
0x9a: {  	s4 =	simm.s32 $_size__tile_overlayer_lowered;
	s5 =	simm.s32 $_tile_overlayer_lowered  }
0x9b: {  	s6 =	simm.s32 $0x1BFF;
	s21 =	sshll.u32 s5, $0x1;
	s3 =	sadd.s32 s20, s19  }
0x9c: {  	s22 =	simm.s32 $0x0;
	s4 =	sshll.u32 s4, $0x1;
	s5 =	sadd.s32 s21, s3  }
0x9d: {  	[timem:s22], [sflag:s6] =	dma.local [hbm:s5], s4  }
0x9e: {  	_ =	swait.ge [sflag:s6], s4  }
0x9f: {  	s4 =	ssub.s32 $0x0, s4;
	[sflag:s6] =	ssyncset.done $0x0  }
0xa0: {  	[sflag:s6] =	ssyncadd.s32 s4;
	_ =	sdelay $0x1  }
0xa1: {  	s23 =	simm.s32 $0x1B8B  }
0xa2: {  	_ =	swait.ge [sflag:s23], $0x1  }
0xa3: {  	[sflag:s23] =	ssyncset.done $0x0  }
0xa4: {  	[sflag:s23] =	ssyncadd.s32 $0xFFFFFFFF  }
0xa5: {  	s4 =	sld [smem:$0x0]  }
0xa6: {  	s5 =	sand.u32 $0xFFFFFFFE, s1  }
0xa7: {  	p0 =	sne.s32 s1, s5  }
0xa8: {  	s5 =	sshll.u32 @p0 s5, $0xE  }
0xa9: {  	s5 =	sadd.s32 @p0 $0x11B8D, s5;
	s6 =	sshll.u32 @p0 s4, $0x11  }
0xaa: {  	s5 =	sor.u32 @p0 s6, s5  }
0xab: {  	[sflag:s5] =	ssyncadd.remote.s32 @p0 $0x1;
	_ =	sdelay $0x1  }
0xac: {  	s5 =	simm.s32 @p0 $0x1B8D  }
0xad: {  	_ =	swait.eq @p0 [sflag:s5], $0x1  }
0xae: {  	[sflag:s5] =	ssyncadd.s32 @p0 $0xFFFFFFFF  }
0xaf: {  	s6 =	sshll.u32 @!p0 s1, $0xE  }
0xb0: {  	s6 =	sor.u32 @!p0 $0x4000, s6;
	s5 =	simm.s32 @!p0 $0x1B8D  }
0xb1: {  	s4 =	sshll.u32 @!p0 s4, $0x11;
	s6 =	sadd.s32 @!p0 $0x11B8D, s6;
	_ =	swait.eq @!p0 [sflag:s5], $0x1  }
0xb2: {  	s4 =	sor.u32 @!p0 s4, s6;
	[sflag:s5] =	ssyncadd.s32 @!p0 $0xFFFFFFFF  }
0xb3: {  	s25 =	simm.s32 $0x1B8E;
	s24 =	sld [smem:$0x3FFE];
	[sflag:s4] =	ssyncadd.remote.s32 @!p0 $0x1  }
0xb4: {  	s26 =	simm.s32 $execute0_lowered;
	[smem:$0x3FD2] =	sst s25  }
0xb5: {  	s5 =	sshll.u32 s26, $0x1;
	_ =	strace $0x80000052;
	[dreg:$0x1] =	wrdreg $0xFFFFFFFF  }
0xb6: {  	s28 =	simm.s32 $_size_execute0_lowered;
	s3 =	sadd.s32 s3, s5;
	[dreg:$0x0] =	wrdreg $0x0  }
0xb7: {  	s5 =	sshll.u32 s28, $0x1;
	[dreg:$0x2] =	wrdreg s3  }
0xb8: {  	[dreg:$0x3] =	wrdreg s5  }
0xb9: {  	[dreg:$0x4] =	wrdreg $0xC0  }
0xba: {  	_ =	task [dreg:s22], $0x5FFFF  }
0xbb: {  	[dreg:$0x1] =	wrdreg $0xFFFFFFFF  }
0xbc: {  	[dreg:$0x0] =	wrdreg $0x60  }
0xbd: {  	[dreg:$0x2] =	wrdreg s24  }
0xbe: {  	[dreg:$0x3] =	wrdreg $0x0  }
0xbf: {  	[dreg:$0x4] =	wrdreg $0x9  }
0xc0: {  	_ =	task.clear_ibuf [dreg:s22], $0x5FFFF;
	_ =	strace $0x90000052  }
0xc1: {  	s29 =	simm.s32 $0x9;
	_ =	strace $0x80000054  }
0xc2: {  	_ =	swait.ge [sflag:s29], $0x1  }
0xc3: {  	[sflag:s29] =	ssyncadd.s32 $0xFFFFFFFF  }
0xc4: {  	_ =	strace $0x90000054  }
0xc5: {  	_ =	sfence  }
0xc6: {  	s30 =	sld [smem:$0x0];
	_ =	sdelay $0x2  }
0xc7: {  	s31 =	sshll.u32 s1, $0xD;
	s1 =	sshrl.u32 s1, $0x2  }
0xc8: {  	s4 =	sand.u32 $0x4000, s31;
	s1 =	sadd.s32 s1, s30  }
0xc9: {  	s0 =	sor.u32 s4, s0;
	s1 =	sshll.u32 s1, $0x11  }
0xca: {  	s0 =	sor.u32 s1, s0  }
0xcb: {  	s0 =	sadd.s32 $0x8F2B, s0  }
0xcc: {  	[sflag:s0] =	ssyncadd.remote.s32 $0x1  }
0xcd: {  	_ =	sfence.sel $0xFFFF  }
0xce: {  	[dreg:$0x0] =	wrdreg $0xFFFFFFFF;
	(pc) =	sbr.abs _section_cstart, $3  }
0xcf: {  	[dreg:$0x1] =	wrdreg $0xFFFFFFFF  }
0xd0: {  	_ =	task.clear_ibuf [dreg:s22], $0x2FFFF;
	_ =	strace $0x9FFFFFFF  }
0xd1: {  	(tm) =	ssettm $0x7FFFFFFF  }
tec
execute0_lowered:
.L_overlay_start_1:
0x0: {  	(tag) =	ssettag $0x1  }
0x1: {  	s0 =	rddreg [dreg:$0x0]  }
0x2: {  	s1 =	rddreg [dreg:$0x1];
	s2 =	simm.s32 $0x0;
	s10 =	stileid.u32  }
0x3: {  	s3 =	srdreg.scid;
	s28 =	simm.s32 $0x15F40;
	s30 =	simm.s32 $0x17E80  }
0x4: {  	s31 =	simm.s32 $0x1;
	s29 =	simm.s32 $0x5;
	[smem:$0x7FF] =	sst s2  }
0x5: {  	s17 =	sadd.s32 $0x1B000, s0;
	s4 =	sadd.s32 $0x7F000, s0;
	s6 =	smul.u32 $0xA00, s10  }
0x6: {  	s5 =	sadd.s32 $0x6B000, s0;
	s7 =	sadd.s32 $0xBB000, s0;
	s18 =	smul.u32 $0x5000, s10  }
0x7: {  	s3 =	sand.u32 $0x1, s3;
	s0 =	sadd.s32 $0x93000, s0;
	s8 =	smul.u32 $0x14000, s10  }
0x8: {  	s10 =	smul.u32 $0x28000, s10;
	_ =	strace $0x80000053;
	[dreg:$0x3] =	wrdreg s7  }
0x9: {  	[dreg:$0x4] =	wrdreg s0;
	s19 =	ssub.s32 $0x2, s3;
	p0 =	sne.s32 s3, $0x0  }
0xa: {  	s3 =	simm.s32 $0x4;
	s9 =	sshrl.u32 s19, $0x1;
	s7 =	sshrl.u32 s18, $0x3  }
0xb: {  	s6 =	sadd.s32 s17, s6;
	s20 =	sshrl.u32 s8, $0x1;
	s21 =	sshrl.u32 s10, $0x2  }
0xc: {  	s22 =	sshrl.u32 s8, $0x4;
	s8 =	simm.s32 $0x8;
	[dreg:$0x5] =	wrdreg s6  }
0xd: {  	s0 =	ssub.s32 s19, s9;
	s2 =	sadd.s32 s17, s7;
	[dreg:$0x7] =	wrdreg s22  }
0xe: {  	s11 =	sadd.s32 s21, s1;
	s21 =	simm.s32 $0x9;
	s22 =	simm.s32 $0xA000  }
0xf: {  	s6 =	simm.s32 $0x19DC0;
	s7 =	simm.s32 $0x2;
	s2 =	sadd.s32 $0xA000, s2  }
0x10: {  	s9 =	simm.s32 $0x0;
	s0 =	smax.u32 s0, $0x1;
	[dreg:$0x6] =	wrdreg s2  }
0x11: {  	s23 =	sadd.s32 $0x1400, s11;
	s24 =	sadd.s32 $0x2800, s11;
	[dreg:$0x8] =	wrdreg s0  }
0x12: {  	s25 =	sadd.s32 $0x3C00, s11;
	s26 =	sadd.s32 $0x5000, s11;
	[dreg:$0x9] =	wrdreg s23  }
.Ltmp0:
0x13: {  	s17 =	sadd.s32 $0x6400, s11;
	[dreg:$0xa] =	wrdreg s24;
	(pc) =	sbr.rel .LBB2_1-.Ltmp0, $4  }
0x14: {  	s18 =	sadd.s32 $0x7800, s11;
	s19 =	sadd.s32 $0x8C00, s11;
	[dreg:$0xb] =	wrdreg s25  }
0x15: {  	s2 =	sadd.s32 s20, s1;
	[dreg:$0xc] =	wrdreg s26;
	s20 =	simm.s32 $0x14000  }
0x16: {  	s23 =	simm.s32 $0xF000;
	s24 =	simm.s32 $0x7D;
	s26 =	simm.s32 $0x3  }
0x17: {  	v0 =	vimm.bf16 $0.0e+00;
	s0 =	simm.s32 $0x6;
	s25 =	sshrl.u32 s2, $0x3;
	s2 =	simm.s32 $0x7  }
.LBB2_10:
0x18: {  	s10 =	rddreg [dreg:$0x4]  }
.LBB2_11:
0x19: {  	_ =	swait.ge [sflag:s8], $0x1F40  }
0x1a: {  	s12 =	stileid.u32;
	[sflag:s8] =	ssyncset.done $0x0  }
0x1b: {  	s12 =	sshll.u32 s12, $0x6;
	s13 =	rddreg [dreg:$0x7];
	[sflag:s8] =	ssyncadd.s32 $0xFFFFE0C0  }
0x1c: {  	s10 =	sadd.s32 s10, s13;
	s12 =	sor.u32 $0x1C09, s12;
	[bflag:$0x0] =	sbarrier.arrive $0xFFFF  }
0x1d: {  	[hbm:s10], [sflag:s12] =	dma.local [spmem:s25], $0x1400  }
0x1e: {  	_ =	swait.ge [sflag:s21], $0x1400  }
0x1f: {  	s9 =	sadd.s32 $0x1, s9;
	s16 =	rddreg [dreg:$0x8]  }
0x20: {  	p1 =	sne.s32 s9, s16  }
.Ltmp1:
0x21: {  	_ = 	snop;
	(pc) =	sbr.rel @!p1 .LBB2_12-.Ltmp1, $3  }
0x22: {  	_ =	sdelay $0x1  }
0x23: {  	[sflag:s21] =	ssyncset.done $0x0  }
0x24: {  	[sflag:s21] =	ssyncadd.s32 $0xFFFFEC00  }
.LBB2_1:
0x25: {  	s12 =	simm.s32 $0x100;
	s10 =	simm.s32 $0x0  }
.LBB2_2:
0x26: {  	p1 =	sne.s32 s12, $0x7C00;
	[tilespmem:s10+$0x14030] =	vst v0;
	s13 =	smov.u32 s12;
	s12 =	sadd.s32 $0x100, s12  }
.Ltmp2:
0x27: {  	[tilespmem:s10+$0x14020] =	vst v0;
	(pc) =	sbr.rel @p1 .LBB2_2-.Ltmp2, $3  }
0x28: {  	[tilespmem:s10+$0x14000] =	vst v0  }
0x29: {  	[tilespmem:s10+$0x14010] =	vst v0;
	_ =	sdelay $0x1  }
0x2a: {  	s10 =	sshra.s32 s13, $0x2  }
0x2b: {  	[tilespmem:s10+$0x14030] =	vst v0  }
0x2c: {  	[tilespmem:s10+$0x14020] =	vst v0  }
0x2d: {  	[tilespmem:s10+$0x14000] =	vst v0  }
0x2e: {  	[tilespmem:s10+$0x14010] =	vst v0  }
0x2f: {  	[spmem:s11] =	stream.linear.scatter [tilespmem:s20], [sflag:$0x9], $0x1400, $0x38;
	[tilespmem:$0x1BD00] =	vst v63  }
0x30: {  	_ =	swait.ge [sflag:s21], $0x1400  }
0x31: {  	[sflag:s21] =	ssyncset.done $0x0  }
0x32: {  	s16 =	rddreg [dreg:$0x9];
	[sflag:s21] =	ssyncadd.s32 $0xFFFFEC00  }
0x33: {  	[spmem:s16] =	stream.linear.scatter [tilespmem:s20], [sflag:$0x9], $0x1400, $0x38;
	[tilespmem:$0x1BD00] =	vst v63  }
0x34: {  	_ =	swait.ge [sflag:s21], $0x1400  }
0x35: {  	[sflag:s21] =	ssyncset.done $0x0  }
0x36: {  	s12 =	rddreg [dreg:$0xa];
	[sflag:s21] =	ssyncadd.s32 $0xFFFFEC00  }
0x37: {  	[spmem:s12] =	stream.linear.scatter [tilespmem:s20], [sflag:$0x9], $0x1400, $0x38;
	[tilespmem:$0x1BD00] =	vst v63  }
0x38: {  	_ =	swait.ge [sflag:s21], $0x1400  }
0x39: {  	[sflag:s21] =	ssyncset.done $0x0  }
0x3a: {  	s13 =	rddreg [dreg:$0xb];
	[sflag:s21] =	ssyncadd.s32 $0xFFFFEC00  }
0x3b: {  	[spmem:s13] =	stream.linear.scatter [tilespmem:s20], [sflag:$0x9], $0x1400, $0x38;
	[tilespmem:$0x1BD00] =	vst v63  }
0x3c: {  	_ =	swait.ge [sflag:s21], $0x1400  }
0x3d: {  	[sflag:s21] =	ssyncset.done $0x0  }
0x3e: {  	s14 =	rddreg [dreg:$0xc];
	[sflag:s21] =	ssyncadd.s32 $0xFFFFEC00  }
0x3f: {  	[spmem:s14] =	stream.linear.scatter [tilespmem:s20], [sflag:$0x9], $0x1400, $0x38;
	[tilespmem:$0x1BD00] =	vst v63  }
0x40: {  	_ =	swait.ge [sflag:s21], $0x1400  }
0x41: {  	[sflag:s21] =	ssyncset.done $0x0  }
0x42: {  	[sflag:s21] =	ssyncadd.s32 $0xFFFFEC00  }
0x43: {  	[spmem:s17] =	stream.linear.scatter [tilespmem:s20], [sflag:$0x9], $0x1400, $0x38;
	[tilespmem:$0x1BD00] =	vst v63  }
0x44: {  	_ =	swait.ge [sflag:s21], $0x1400  }
0x45: {  	[sflag:s21] =	ssyncset.done $0x0  }
0x46: {  	[sflag:s21] =	ssyncadd.s32 $0xFFFFEC00  }
0x47: {  	[spmem:s18] =	stream.linear.scatter [tilespmem:s20], [sflag:$0x9], $0x1400, $0x38;
	[tilespmem:$0x1BD00] =	vst v63  }
0x48: {  	_ =	swait.ge [sflag:s21], $0x1400  }
0x49: {  	[sflag:s21] =	ssyncset.done $0x0  }
0x4a: {  	[sflag:s21] =	ssyncadd.s32 $0xFFFFEC00  }
0x4b: {  	[spmem:s19] =	stream.linear.scatter [tilespmem:s20], [sflag:$0x9], $0x1400, $0x38;
	[tilespmem:$0x1BD00] =	vst v63  }
0x4c: {  	_ =	swait.ge [sflag:s21], $0x1400  }
0x4d: {  	[sflag:s21] =	ssyncset.done $0x0  }
0x4e: {  	[sflag:s21] =	ssyncadd.s32 $0xFFFFEC00  }
0x4f: {  	[bflag:$0x0] =	sbarrier.arrive $0xFFFF  }
0x50: {  	s15 =	simm.s32 $0x0;
	s12 =	rddreg [dreg:$0x5]  }
0x51: {  	[tilespmem:s22], [sflag:$0x9] =	stream.linear.gather [hbm4b:s12+s15], $0x5000, $0x38;
	[tilespmem:$0x1BD00] =	vst v63  }
0x52: {  	_ =	swait.ge [sflag:s21], $0x5000  }
0x53: {  	[sflag:s21] =	ssyncset.done $0x0  }
.Ltmp3:
0x54: {  	s16 =	rddreg [dreg:$0x6];
	[sflag:s21] =	ssyncadd.s32 $0xFFFFB000;
	(pc) =	sbr.rel @p0 .LBB2_8-.Ltmp3, $4  }
0x55: {  	[tilespmem:s23], [sflag:$0x9] =	stream.linear.gather [hbm4b:s16+s15], $0x5000, $0x38;
	[tilespmem:$0x1BD00] =	vst v63  }
0x56: {  	_ =	swait.ge [sflag:s21], $0x5000  }
0x57: {  	[sflag:s21] =	ssyncset.done $0x0  }
0x58: {  	[sflag:s21] =	ssyncadd.s32 $0xFFFFB000  }
0x59: {  	[tilespmem:s20], [sflag:$0x1] =	stream.indirect.gather [hbm4b:s4+s24], $0x40, s22, s24, $0xb8;
	[tilespmem:$0x1BD00] =	vst v63  }
0x5a: {  	s10 =	simm.s32 $0xA080  }
0x5b: {  	[tilespmem:s28], [sflag:$0x2] =	stream.indirect.gather [hbm4b:s4+s24], $0x40, s10, s24, $0xb8;
	[tilespmem:$0x1BD00] =	vst v63  }
0x5c: {  	s14 =	simm.s32 $0xA100  }
0x5d: {  	[tilespmem:s30], [sflag:$0x3] =	stream.indirect.gather [hbm4b:s4+s24], $0x40, s14, s24, $0xb8;
	[tilespmem:$0x1BD00] =	vst v63  }
0x5e: {  	_ =	swait.ge [sflag:s31], $0x1F40  }
0x5f: {  	[sflag:s31] =	ssyncset.done $0x0  }
0x60: {  	[sflag:s31] =	ssyncadd.s32 $0xFFFFE0C0  }
0x61: {  	[spmem:s1] =	stream.indirect.scatter.add.bf16 [tilespmem:s20], [sflag:$0x5], $0x40, s23, s24, $0xb8;
	[tilespmem:$0x1BD00] =	vst v63  }
0x62: {  	s15 =	simm.s32 $0xA180  }
0x63: {  	[tilespmem:s6], [sflag:$0x4] =	stream.indirect.gather [hbm4b:s4+s24], $0x40, s15, s24, $0xb8;
	[tilespmem:$0x1BD00] =	vst v63  }
0x64: {  	_ =	swait.ge [sflag:s7], $0x1F40  }
0x65: {  	[sflag:s7] =	ssyncset.done $0x0  }
0x66: {  	s16 =	simm.s32 $0xF080;
	[sflag:s7] =	ssyncadd.s32 $0xFFFFE0C0  }
0x67: {  	[spmem:s1] =	stream.indirect.scatter.add.bf16 [tilespmem:s28], [sflag:$0x6], $0x40, s16, s24, $0xb8;
	[tilespmem:$0x1BD00] =	vst v63  }
0x68: {  	_ =	swait.ge [sflag:s29], $0x1F40  }
0x69: {  	[sflag:s29] =	ssyncset.done $0x0  }
0x6a: {  	s12 =	simm.s32 $0xA200;
	[sflag:s29] =	ssyncadd.s32 $0xFFFFE0C0  }
0x6b: {  	[tilespmem:s20], [sflag:$0x1] =	stream.indirect.gather [hbm4b:s4+s24], $0x40, s12, s24, $0xb8;
	[tilespmem:$0x1BD00] =	vst v63  }
0x6c: {  	_ =	swait.ge [sflag:s26], $0x1F40  }
0x6d: {  	[sflag:s26] =	ssyncset.done $0x0  }
0x6e: {  	s13 =	simm.s32 $0xF100;
	[sflag:s26] =	ssyncadd.s32 $0xFFFFE0C0  }
0x6f: {  	[spmem:s1] =	stream.indirect.scatter.add.bf16 [tilespmem:s30], [sflag:$0x7], $0x40, s13, s24, $0xb8;
	[tilespmem:$0x1BD00] =	vst v63  }
0x70: {  	_ =	swait.ge [sflag:s0], $0x1F40  }
0x71: {  	[sflag:s0] =	ssyncset.done $0x0  }
0x72: {  	s14 =	simm.s32 $0xA280;
	[sflag:s0] =	ssyncadd.s32 $0xFFFFE0C0  }
0x73: {  	[tilespmem:s28], [sflag:$0x2] =	stream.indirect.gather [hbm4b:s4+s24], $0x40, s14, s24, $0xb8;
	[tilespmem:$0x1BD00] =	vst v63  }
0x74: {  	_ =	swait.ge [sflag:s3], $0x1F40  }
0x75: {  	[sflag:s3] =	ssyncset.done $0x0  }
0x76: {  	s15 =	simm.s32 $0xF180;
	[sflag:s3] =	ssyncadd.s32 $0xFFFFE0C0  }
0x77: {  	[spmem:s1] =	stream.indirect.scatter.add.bf16 [tilespmem:s6], [sflag:$0x8], $0x40, s15, s24, $0xb8;
	[tilespmem:$0x1BD00] =	vst v63  }
0x78: {  	_ =	swait.ge [sflag:s2], $0x1F40  }
0x79: {  	[sflag:s2] =	ssyncset.done $0x0  }
0x7a: {  	s10 =	simm.s32 $0x0;
	s16 =	simm.s32 $0xA300;
	[sflag:s2] =	ssyncadd.s32 $0xFFFFE0C0  }
0x7b: {  	[tilespmem:s30], [sflag:$0x3] =	stream.indirect.gather [hbm4b:s4+s24], $0x40, s16, s24, $0xb8;
	[tilespmem:$0x1BD00] =	vst v63  }
.LBB2_5:
0x7c: {  	_ =	swait.ge [sflag:s31], $0x1F40  }
0x7d: {  	s12 =	sshra.s32 s10, $0x2;
	[sflag:s31] =	ssyncset.done $0x0  }
0x7e: {  	s13 =	sadd.s32 $0xF200, s12;
	[sflag:s31] =	ssyncadd.s32 $0xFFFFE0C0  }
0x7f: {  	[spmem:s1] =	stream.indirect.scatter.add.bf16 [tilespmem:s20], [sflag:$0x5], $0x40, s13, s24, $0xb8;
	[tilespmem:$0x1BD00] =	vst v63  }
0x80: {  	_ =	swait.ge [sflag:s8], $0x1F40  }
0x81: {  	[sflag:s8] =	ssyncset.done $0x0  }
0x82: {  	s14 =	sadd.s32 $0xA380, s12;
	[sflag:s8] =	ssyncadd.s32 $0xFFFFE0C0  }
0x83: {  	[tilespmem:s6], [sflag:$0x4] =	stream.indirect.gather [hbm4b:s4+s24], $0x40, s14, s24, $0xb8;
	[tilespmem:$0x1BD00] =	vst v63  }
0x84: {  	_ =	swait.ge [sflag:s7], $0x1F40  }
0x85: {  	[sflag:s7] =	ssyncset.done $0x0  }
0x86: {  	s15 =	sadd.s32 $0xF280, s12;
	[sflag:s7] =	ssyncadd.s32 $0xFFFFE0C0  }
0x87: {  	[spmem:s1] =	stream.indirect.scatter.add.bf16 [tilespmem:s28], [sflag:$0x6], $0x40, s15, s24, $0xb8;
	[tilespmem:$0x1BD00] =	vst v63  }
0x88: {  	_ =	swait.ge [sflag:s29], $0x1F40  }
0x89: {  	p1 =	seq.s32 s10, $0x13000;
	[sflag:s29] =	ssyncset.done $0x0  }
0x8a: {  	s13 =	simm.s32 @p1 $0x3;
	[sflag:s29] =	ssyncadd.s32 $0xFFFFE0C0  }
0x8b: {  	_ =	swait.ge @p1 [sflag:s13], $0x1F40  }
0x8c: {  	[sflag:s13] =	ssyncset.done @p1 $0x0  }
0x8d: {  	[sflag:s13] =	ssyncadd.s32 @p1 $0xFFFFE0C0;
	s13 =	sshra.s32 @p1 s10, $0x2  }
0x8e: {  	s14 =	simm.s32 @p1 $0x7D;
	s15 =	simm.s32 @p1 $0x17E80;
	s13 =	sadd.s32 @p1 $0xF300, s13  }
0x8f: {  	[spmem:s1] =	stream.indirect.scatter.add.bf16 @p1 [tilespmem:s15], [sflag:$0x7], $0x40, s13, s14, $0xb8;
	[tilespmem:$0x1BD00] =	vst v63  }
0x90: {  	s13 =	simm.s32 @p1 $0x6  }
0x91: {  	_ =	swait.ge @p1 [sflag:s13], $0x1F40  }
0x92: {  	[sflag:s13] =	ssyncset.done @p1 $0x0  }
0x93: {  	[sflag:s13] =	ssyncadd.s32 @p1 $0xFFFFE0C0;
	s13 =	sshra.s32 @!p1 s10, $0x2  }
0x94: {  	s16 =	simm.s32 @!p1 $0x14000;
	s15 =	simm.s32 @!p1 $0x7D;
	s14 =	sadd.s32 @!p1 $0xA400, s13  }
0x95: {  	[tilespmem:s16], [sflag:$0x1] =	stream.indirect.gather @!p1 [hbm4b:s4+s15], $0x40, s14, s15, $0xb8;
	[tilespmem:$0x1BD00] =	vst v63  }
0x96: {  	s14 =	simm.s32 @!p1 $0x3  }
0x97: {  	_ =	swait.ge @!p1 [sflag:s14], $0x1F40  }
0x98: {  	[sflag:s14] =	ssyncset.done @!p1 $0x0  }
0x99: {  	s16 =	simm.s32 @!p1 $0x17E80;
	[sflag:s14] =	ssyncadd.s32 @!p1 $0xFFFFE0C0;
	s14 =	sadd.s32 @!p1 $0xF300, s13  }
0x9a: {  	[spmem:s1] =	stream.indirect.scatter.add.bf16 @!p1 [tilespmem:s16], [sflag:$0x7], $0x40, s14, s15, $0xb8;
	[tilespmem:$0x1BD00] =	vst v63  }
0x9b: {  	s14 =	simm.s32 @!p1 $0x6  }
0x9c: {  	_ =	swait.ge @!p1 [sflag:s14], $0x1F40  }
0x9d: {  	[sflag:s14] =	ssyncset.done @!p1 $0x0  }
0x9e: {  	s13 =	sadd.s32 @!p1 $0xA480, s13;
	[sflag:s14] =	ssyncadd.s32 @!p1 $0xFFFFE0C0;
	s14 =	simm.s32 @!p1 $0x15F40  }
0x9f: {  	[tilespmem:s14], [sflag:$0x2] =	stream.indirect.gather @!p1 [hbm4b:s4+s15], $0x40, s13, s15, $0xb8;
	[tilespmem:$0x1BD00] =	vst v63  }
0xa0: {  	_ =	swait.ge [sflag:s3], $0x1F40  }
0xa1: {  	[sflag:s3] =	ssyncset.done $0x0  }
.Ltmp4:
0xa2: {  	s16 =	sadd.s32 $0xF380, s12;
	[sflag:s3] =	ssyncadd.s32 $0xFFFFE0C0;
	(pc) =	sbr.rel @p1 .LBB2_6-.Ltmp4, $4  }
0xa3: {  	[spmem:s1] =	stream.indirect.scatter.add.bf16 [tilespmem:s6], [sflag:$0x8], $0x40, s16, s24, $0xb8;
	[tilespmem:$0x1BD00] =	vst v63  }
0xa4: {  	_ =	swait.ge [sflag:s2], $0x1F40  }
0xa5: {  	[sflag:s2] =	ssyncset.done $0x0  }
0xa6: {  	[sflag:s2] =	ssyncadd.s32 $0xFFFFE0C0  }
.Ltmp5:
0xa7: {  	(pc) =	sbr.rel .LBB2_5-.Ltmp5, $3  }
0xa8: {  	_ =	sdelay $0x1  }
0xa9: {  	s12 =	sadd.s32 $0xA500, s12;
	s10 =	sadd.s32 $0x800, s10  }
0xaa: {  	[tilespmem:s30], [sflag:$0x3] =	stream.indirect.gather [hbm4b:s4+s24], $0x40, s12, s24, $0xb8;
	[tilespmem:$0x1BD00] =	vst v63  }
.LBB2_8:
0xab: {  	[tilespmem:s20], [sflag:$0x1] =	stream.indirect.gather [hbm4b:s5+s24], $0x40, s22, s24, $0xb8;
	[tilespmem:$0x1BD00] =	vst v63  }
0xac: {  	s10 =	simm.s32 $0xA080  }
0xad: {  	[tilespmem:s28], [sflag:$0x2] =	stream.indirect.gather [hbm4b:s5+s24], $0x40, s10, s24, $0xb8;
	[tilespmem:$0x1BD00] =	vst v63  }
0xae: {  	s14 =	simm.s32 $0xA100  }
0xaf: {  	[tilespmem:s30], [sflag:$0x3] =	stream.indirect.gather [hbm4b:s5+s24], $0x40, s14, s24, $0xb8;
	[tilespmem:$0x1BD00] =	vst v63  }
0xb0: {  	_ =	swait.ge [sflag:s31], $0x1F40  }
0xb1: {  	[sflag:s31] =	ssyncset.done $0x0  }
0xb2: {  	[sflag:s31] =	ssyncadd.s32 $0xFFFFE0C0  }
0xb3: {  	[spmem:s1] =	stream.indirect.scatter.add.bf16 [tilespmem:s20], [sflag:$0x5], $0x40, s23, s24, $0xb8;
	[tilespmem:$0x1BD00] =	vst v63  }
0xb4: {  	s15 =	simm.s32 $0xA180  }
0xb5: {  	[tilespmem:s6], [sflag:$0x4] =	stream.indirect.gather [hbm4b:s5+s24], $0x40, s15, s24, $0xb8;
	[tilespmem:$0x1BD00] =	vst v63  }
0xb6: {  	_ =	swait.ge [sflag:s7], $0x1F40  }
0xb7: {  	[sflag:s7] =	ssyncset.done $0x0  }
0xb8: {  	s16 =	simm.s32 $0xF080;
	[sflag:s7] =	ssyncadd.s32 $0xFFFFE0C0  }
0xb9: {  	[spmem:s1] =	stream.indirect.scatter.add.bf16 [tilespmem:s28], [sflag:$0x6], $0x40, s16, s24, $0xb8;
	[tilespmem:$0x1BD00] =	vst v63  }
0xba: {  	_ =	swait.ge [sflag:s29], $0x1F40  }
0xbb: {  	[sflag:s29] =	ssyncset.done $0x0  }
0xbc: {  	s12 =	simm.s32 $0xA200;
	[sflag:s29] =	ssyncadd.s32 $0xFFFFE0C0  }
0xbd: {  	[tilespmem:s20], [sflag:$0x1] =	stream.indirect.gather [hbm4b:s5+s24], $0x40, s12, s24, $0xb8;
	[tilespmem:$0x1BD00] =	vst v63  }
0xbe: {  	_ =	swait.ge [sflag:s26], $0x1F40  }
0xbf: {  	[sflag:s26] =	ssyncset.done $0x0  }
0xc0: {  	s13 =	simm.s32 $0xF100;
	[sflag:s26] =	ssyncadd.s32 $0xFFFFE0C0  }
0xc1: {  	[spmem:s1] =	stream.indirect.scatter.add.bf16 [tilespmem:s30], [sflag:$0x7], $0x40, s13, s24, $0xb8;
	[tilespmem:$0x1BD00] =	vst v63  }
0xc2: {  	_ =	swait.ge [sflag:s0], $0x1F40  }
0xc3: {  	[sflag:s0] =	ssyncset.done $0x0  }
0xc4: {  	s14 =	simm.s32 $0xA280;
	[sflag:s0] =	ssyncadd.s32 $0xFFFFE0C0  }
0xc5: {  	[tilespmem:s28], [sflag:$0x2] =	stream.indirect.gather [hbm4b:s5+s24], $0x40, s14, s24, $0xb8;
	[tilespmem:$0x1BD00] =	vst v63  }
0xc6: {  	_ =	swait.ge [sflag:s3], $0x1F40  }
0xc7: {  	[sflag:s3] =	ssyncset.done $0x0  }
0xc8: {  	s15 =	simm.s32 $0xF180;
	[sflag:s3] =	ssyncadd.s32 $0xFFFFE0C0  }
0xc9: {  	[spmem:s1] =	stream.indirect.scatter.add.bf16 [tilespmem:s6], [sflag:$0x8], $0x40, s15, s24, $0xb8;
	[tilespmem:$0x1BD00] =	vst v63  }
0xca: {  	_ =	swait.ge [sflag:s2], $0x1F40  }
0xcb: {  	[sflag:s2] =	ssyncset.done $0x0  }
0xcc: {  	s10 =	simm.s32 $0x0;
	s16 =	simm.s32 $0xA300;
	[sflag:s2] =	ssyncadd.s32 $0xFFFFE0C0  }
0xcd: {  	[tilespmem:s30], [sflag:$0x3] =	stream.indirect.gather [hbm4b:s5+s24], $0x40, s16, s24, $0xb8;
	[tilespmem:$0x1BD00] =	vst v63  }
.LBB2_9:
0xce: {  	_ =	swait.ge [sflag:s31], $0x1F40  }
0xcf: {  	s12 =	sshra.s32 s10, $0x2;
	[sflag:s31] =	ssyncset.done $0x0  }
0xd0: {  	s13 =	sadd.s32 $0xF200, s12;
	[sflag:s31] =	ssyncadd.s32 $0xFFFFE0C0  }
0xd1: {  	[spmem:s1] =	stream.indirect.scatter.add.bf16 [tilespmem:s20], [sflag:$0x5], $0x40, s13, s24, $0xb8;
	[tilespmem:$0x1BD00] =	vst v63  }
0xd2: {  	_ =	swait.ge [sflag:s8], $0x1F40  }
0xd3: {  	[sflag:s8] =	ssyncset.done $0x0  }
0xd4: {  	s14 =	sadd.s32 $0xA380, s12;
	[sflag:s8] =	ssyncadd.s32 $0xFFFFE0C0  }
0xd5: {  	[tilespmem:s6], [sflag:$0x4] =	stream.indirect.gather [hbm4b:s5+s24], $0x40, s14, s24, $0xb8;
	[tilespmem:$0x1BD00] =	vst v63  }
0xd6: {  	_ =	swait.ge [sflag:s7], $0x1F40  }
0xd7: {  	[sflag:s7] =	ssyncset.done $0x0  }
0xd8: {  	s15 =	sadd.s32 $0xF280, s12;
	[sflag:s7] =	ssyncadd.s32 $0xFFFFE0C0  }
0xd9: {  	[spmem:s1] =	stream.indirect.scatter.add.bf16 [tilespmem:s28], [sflag:$0x6], $0x40, s15, s24, $0xb8;
	[tilespmem:$0x1BD00] =	vst v63  }
0xda: {  	_ =	swait.ge [sflag:s29], $0x1F40  }
0xdb: {  	p1 =	seq.s32 s10, $0x13000;
	[sflag:s29] =	ssyncset.done $0x0  }
0xdc: {  	s13 =	simm.s32 @p1 $0x3;
	[sflag:s29] =	ssyncadd.s32 $0xFFFFE0C0  }
0xdd: {  	_ =	swait.ge @p1 [sflag:s13], $0x1F40  }
0xde: {  	[sflag:s13] =	ssyncset.done @p1 $0x0  }
0xdf: {  	[sflag:s13] =	ssyncadd.s32 @p1 $0xFFFFE0C0;
	s13 =	sshra.s32 @p1 s10, $0x2  }
0xe0: {  	s14 =	simm.s32 @p1 $0x7D;
	s15 =	simm.s32 @p1 $0x17E80;
	s13 =	sadd.s32 @p1 $0xF300, s13  }
0xe1: {  	[spmem:s1] =	stream.indirect.scatter.add.bf16 @p1 [tilespmem:s15], [sflag:$0x7], $0x40, s13, s14, $0xb8;
	[tilespmem:$0x1BD00] =	vst v63  }
0xe2: {  	s13 =	simm.s32 @p1 $0x6  }
0xe3: {  	_ =	swait.ge @p1 [sflag:s13], $0x1F40  }
0xe4: {  	[sflag:s13] =	ssyncset.done @p1 $0x0  }
0xe5: {  	[sflag:s13] =	ssyncadd.s32 @p1 $0xFFFFE0C0;
	s13 =	sshra.s32 @!p1 s10, $0x2  }
0xe6: {  	s16 =	simm.s32 @!p1 $0x14000;
	s15 =	simm.s32 @!p1 $0x7D;
	s14 =	sadd.s32 @!p1 $0xA400, s13  }
0xe7: {  	[tilespmem:s16], [sflag:$0x1] =	stream.indirect.gather @!p1 [hbm4b:s5+s15], $0x40, s14, s15, $0xb8;
	[tilespmem:$0x1BD00] =	vst v63  }
0xe8: {  	s14 =	simm.s32 @!p1 $0x3  }
0xe9: {  	_ =	swait.ge @!p1 [sflag:s14], $0x1F40  }
0xea: {  	[sflag:s14] =	ssyncset.done @!p1 $0x0  }
0xeb: {  	s16 =	simm.s32 @!p1 $0x17E80;
	[sflag:s14] =	ssyncadd.s32 @!p1 $0xFFFFE0C0;
	s14 =	sadd.s32 @!p1 $0xF300, s13  }
0xec: {  	[spmem:s1] =	stream.indirect.scatter.add.bf16 @!p1 [tilespmem:s16], [sflag:$0x7], $0x40, s14, s15, $0xb8;
	[tilespmem:$0x1BD00] =	vst v63  }
0xed: {  	s14 =	simm.s32 @!p1 $0x6  }
0xee: {  	_ =	swait.ge @!p1 [sflag:s14], $0x1F40  }
0xef: {  	[sflag:s14] =	ssyncset.done @!p1 $0x0  }
0xf0: {  	s13 =	sadd.s32 @!p1 $0xA480, s13;
	[sflag:s14] =	ssyncadd.s32 @!p1 $0xFFFFE0C0;
	s14 =	simm.s32 @!p1 $0x15F40  }
0xf1: {  	[tilespmem:s14], [sflag:$0x2] =	stream.indirect.gather @!p1 [hbm4b:s5+s15], $0x40, s13, s15, $0xb8;
	[tilespmem:$0x1BD00] =	vst v63  }
0xf2: {  	_ =	swait.ge [sflag:s3], $0x1F40  }
0xf3: {  	[sflag:s3] =	ssyncset.done $0x0  }
.Ltmp6:
0xf4: {  	s16 =	sadd.s32 $0xF380, s12;
	[sflag:s3] =	ssyncadd.s32 $0xFFFFE0C0;
	(pc) =	sbr.rel @p1 .LBB2_10-.Ltmp6, $4  }
0xf5: {  	[spmem:s1] =	stream.indirect.scatter.add.bf16 [tilespmem:s6], [sflag:$0x8], $0x40, s16, s24, $0xb8;
	[tilespmem:$0x1BD00] =	vst v63  }
0xf6: {  	_ =	swait.ge [sflag:s2], $0x1F40  }
0xf7: {  	[sflag:s2] =	ssyncset.done $0x0  }
0xf8: {  	[sflag:s2] =	ssyncadd.s32 $0xFFFFE0C0  }
.Ltmp7:
0xf9: {  	(pc) =	sbr.rel .LBB2_9-.Ltmp7, $3  }
0xfa: {  	_ =	sdelay $0x1  }
0xfb: {  	s12 =	sadd.s32 $0xA500, s12;
	s10 =	sadd.s32 $0x800, s10  }
0xfc: {  	[tilespmem:s30], [sflag:$0x3] =	stream.indirect.gather [hbm4b:s5+s24], $0x40, s12, s24, $0xb8;
	[tilespmem:$0x1BD00] =	vst v63  }
.LBB2_6:
.Ltmp8:
0xfd: {  	(pc) =	sbr.rel .LBB2_11-.Ltmp8, $2  }
0xfe: {  	_ =	sdelay $0x2  }
0xff: {  	s10 =	rddreg [dreg:$0x3]  }
.LBB2_12:
0x100: {  	_ =	sfence.sel $0x180000  }
0x101: {  	[bflag:$0x0] =	sbarrier.arrive $0xFFFF  }
0x102: {  	_ =	strace $0x90000053  }
0x103: {  	s0 =	stileid.u32;
	[bflag:$0x2] =	sbarrier.arrive $0xFFFF  }
0x104: {  	p0 =	sne.s32 s0, $0x0;
	s0 =	rddreg [dreg:$0x2]  }
0x105: {  	s0 =	sadd.s32 @!p0 $0x100000, s0  }
0x106: {  	[sflag:s0] =	ssyncadd.tile.s32 @!p0 $0x1;
	_ =	shalt  }
.Lfunc_end2:
_tile_overlayer_lowered:
.L_overlay_start_2:
0x107: {  	(tag) =	ssettag $0x2  }
0x108: {  	s0 =	rddreg [dreg:$0x0];
	s2 =	stileid.u32  }
0x109: {  	s1 =	rddreg [dreg:$0x1];
	p0 =	sne.s32 s2, $0x0  }
0x10a: {  	s3 =	rddreg [dreg:$0x2];
	[bflag:$0x3] =	sbarrier.arrive $0xFFFF;
	s2 =	simm.s32 @!p0 $0x1C09  }
0x10b: {  	[timem:s3], [sflag:s2] =	dma.local @!p0 [hbm:s0], s1  }
0x10c: {  	s0 =	simm.s32 @!p0 $0x9  }
0x10d: {  	_ =	swait.ge @!p0 [sflag:s0], s1  }
0x10e: {  	s1 =	ssub.s32 @!p0 $0x0, s1;
	[sflag:s0] =	ssyncset.done @!p0 $0x0  }
0x10f: {  	[sflag:s0] =	ssyncadd.s32 @!p0 s1  }
0x110: {  	[bflag:$0x3] =	sbarrier.arrive $0xFFFF  }
0x111: {  	_ =	shalt  }

</sc_bundles>
